<compile_context>
chip_gen: v7x
topology: tpu7x:2x2x1
jax: 0.10.2.dev20260603
libtpu: 0.0.44.dev20260713+nightly
codegen_flags: <defaults>
</compile_context>

<pallas_src>
import functools

import jax
import jax.numpy as jnp
from jax import lax
from jax.experimental import pallas as pl
from jax.experimental.pallas import tpu as pltpu
from jax.experimental.pallas import tpu_sc as plsc

B, QH, QW = 2, 100, 100
D, H, K, SCALES = 256, 8, 8, 1
DK = D // H
DFF = 1024
P = QH * QW
Q = B * P
NITEMS = Q * H
NE = NITEMS * 32

_QB_A = 1000


NB = Q // 8


def _to_phys(x):
    r = x.shape[0]
    return x.reshape(r // 8, 8, 2, 128).transpose(0, 2, 1, 3)


def _from_phys(x):
    r = x.shape[0] * 8
    return x.transpose(0, 2, 1, 3).reshape(r, 256)


_RPB = _QB_A // QW


def _prep_body(srcq_ref, src_ref, Wb_ref, bb_ref, Wcat_ref, bcat_ref,
               Wk_ref, bk_ref, off_ref, alog_ref, tbl_ref, tbl_s):
    for j in range(_RPB):
        sq = jnp.dot(srcq_ref[0, j], Wb_ref[...], preferred_element_type=jnp.float32) + bb_ref[...]
        offa = jnp.dot(sq, Wcat_ref[...], preferred_element_type=jnp.float32) + bcat_ref[...]
        off_ref[pl.ds(j * QW, QW), :] = offa[:, :2 * H * K]
        alog_ref[pl.ds(j * QW, QW), :] = offa[:, 2 * H * K:]
        tbl_s[pl.ds(j * QW, QW), :] = (
            jnp.dot(src_ref[0, j], Wk_ref[...], preferred_element_type=jnp.float32) + bk_ref[...])
    tbl_ref[...] = _to_phys(tbl_s[...])


def _run_prep(srcq3, src3, Wb, bb, Wcat, bcat, Wk, bk):
    n = 2 * H * K + H * K
    return pl.pallas_call(
        _prep_body,
        grid=(Q // _QB_A,),
        in_specs=[
            pl.BlockSpec((1, _RPB, QW, D), lambda i: (i // (QH // _RPB), i % (QH // _RPB), 0, 0)),
            pl.BlockSpec((1, _RPB, QW, D), lambda i: (i // (QH // _RPB), i % (QH // _RPB), 0, 0)),
            pl.BlockSpec((D, D), lambda i: (0, 0)),
            pl.BlockSpec((1, D), lambda i: (0, 0)),
            pl.BlockSpec((D, n), lambda i: (0, 0)),
            pl.BlockSpec((1, n), lambda i: (0, 0)),
            pl.BlockSpec((D, D), lambda i: (0, 0)),
            pl.BlockSpec((1, D), lambda i: (0, 0)),
        ],
        out_specs=[
            pl.BlockSpec((_QB_A, 2 * H * K), lambda i: (i, 0)),
            pl.BlockSpec((_QB_A, H * K), lambda i: (i, 0)),
            pl.BlockSpec((_QB_A // 8, 2, 8, 128), lambda i: (i, 0, 0, 0)),
        ],
        out_shape=[
            jax.ShapeDtypeStruct((Q, 2 * H * K), jnp.float32),
            jax.ShapeDtypeStruct((Q, H * K), jnp.float32),
            jax.ShapeDtypeStruct((NB, 2, 8, 128), jnp.float32),
        ],
        scratch_shapes=[pltpu.VMEM((_QB_A, D), jnp.float32)],
    )(srcq3, src3, Wb, bb, Wcat, bcat, Wk, bk)


_QB_B = 2000

import numpy as _np

_LANE = _np.arange(256)
_LH = _LANE // 32
_LC = (_LANE % 32) // 8
_I64 = _np.arange(64)
_REP = (_I64[:, None] == (_LH * 8 + _LANE % 8)[None, :]).astype(_np.float32)
_RSUM = ((_I64 // 8)[:, None] == _LH[None, :]).astype(_np.float32)
_RX = _np.concatenate([_REP * (_LC % 2 == 0)[None, :], _REP * (_LC % 2 == 1)[None, :]], axis=0)
_RY = _np.concatenate([_REP * (_LC // 2 == 0)[None, :], _REP * (_LC // 2 == 1)[None, :]], axis=0)
_T2 = (_np.arange(2)[:, None] == ((_I64 // 8) % 2)[None, :]).astype(_np.float32)
_ROWC = ((_LH // 4) * 32 + _LH % 4).astype(_np.float32)


def _addr_body(off_ref, alog_ref, rp0_ref, rp1_ref, rep_ref, rsum_ref,
               rx_ref, ry_ref, t2_ref, idx_ref, w_ref):
    b = pl.program_id(0)
    off = off_ref[...]
    alog = alog_ref[...]
    rp0 = rp0_ref[0]
    rp1 = rp1_ref[0]
    offx = off[:, :64]
    offy = off[:, 64:]
    rpx2 = jnp.concatenate([rp0[:, 0:1], rp1[:, 0:1]], axis=1) * float(QW - 1)
    rpy2 = jnp.concatenate([rp0[:, 1:2], rp1[:, 1:2]], axis=1) * float(QH - 1)
    t2 = t2_ref[...]
    rrpx = jnp.dot(rpx2, t2, preferred_element_type=jnp.float32, precision=lax.Precision.HIGHEST)
    rrpy = jnp.dot(rpy2, t2, preferred_element_type=jnp.float32, precision=lax.Precision.HIGHEST)
    ptx = rrpx + offx
    pty = rrpy + offy
    vx = 2.0 * ptx / float(QW - 1) - 1.0
    vy = 2.0 * pty / float(QH - 1) - 1.0
    sx = ((vx + 1.0) * float(QW) - 1.0) / 2.0
    sy = ((vy + 1.0) * float(QH) - 1.0) / 2.0
    x0 = jnp.floor(sx)
    y0 = jnp.floor(sy)
    x1 = x0 + 1.0
    y1 = y0 + 1.0
    wx1 = sx - x0
    wx0 = 1.0 - wx1
    wy1 = sy - y0
    wy0 = 1.0 - wy1

    def fvalid(cf, lim):
        return ((cf >= 0.0) & (cf <= lim)).astype(jnp.float32)

    wvx = jnp.concatenate([wx0 * fvalid(x0, float(QW - 1)),
                           wx1 * fvalid(x1, float(QW - 1))], axis=1)
    wvy = jnp.concatenate([wy0 * fvalid(y0, float(QH - 1)),
                           wy1 * fvalid(y1, float(QH - 1))], axis=1)
    xi = jnp.concatenate([jnp.clip(x0, 0.0, float(QW - 1)),
                          jnp.clip(x1, 0.0, float(QW - 1))], axis=1)
    yi = jnp.concatenate([jnp.clip(y0, 0.0, float(QH - 1)),
                          jnp.clip(y1, 0.0, float(QH - 1))], axis=1)
    rx = rx_ref[...]
    ry = ry_ref[...]
    wvx256 = jnp.dot(wvx, rx, preferred_element_type=jnp.float32, precision=lax.Precision.HIGHEST)
    wvy256 = jnp.dot(wvy, ry, preferred_element_type=jnp.float32, precision=lax.Precision.HIGHEST)
    xi256 = jnp.dot(xi, rx, preferred_element_type=jnp.float32, precision=lax.Precision.HIGHEST)
    yi256 = jnp.dot(yi, ry, preferred_element_type=jnp.float32, precision=lax.Precision.HIGHEST)
    ea = jnp.exp(alog)
    a256 = jnp.dot(ea, rep_ref[...], preferred_element_type=jnp.float32, precision=lax.Precision.HIGHEST)
    s256 = jnp.dot(ea, rsum_ref[...], preferred_element_type=jnp.float32, precision=lax.Precision.HIGHEST)
    w256 = a256 / s256 * wvx256 * wvy256
    qs = (b * P).astype(jnp.float32) + yi256 * float(QW) + xi256
    qs8 = jnp.floor(qs * 0.125)
    hh = lax.broadcasted_iota(jnp.int32, (1, 256), 1) // 32
    rowc = ((hh // 4) * 32 + hh % 4).astype(jnp.float32)
    row = qs8 * 64.0 + (qs - qs8 * 8.0) * 4.0 + rowc
    idx_ref[...] = _to_phys(row.astype(jnp.int32))
    w_ref[...] = _to_phys(w256)


def _run_addr(off, alog, rp3):
    qbb = _QB_B
    return pl.pallas_call(
        _addr_body,
        grid=(B, P // qbb),
        in_specs=[
            pl.BlockSpec((qbb, 2 * H * K), lambda b, p: (b * (P // qbb) + p, 0)),
            pl.BlockSpec((qbb, H * K), lambda b, p: (b * (P // qbb) + p, 0)),
            pl.BlockSpec((1, qbb, 2), lambda b, p: (0, p, 0)),
            pl.BlockSpec((1, qbb, 2), lambda b, p: (1, p, 0)),
            pl.BlockSpec((64, 256), lambda b, p: (0, 0)),
            pl.BlockSpec((64, 256), lambda b, p: (0, 0)),
            pl.BlockSpec((128, 256), lambda b, p: (0, 0)),
            pl.BlockSpec((128, 256), lambda b, p: (0, 0)),
            pl.BlockSpec((2, 64), lambda b, p: (0, 0)),
        ],
        out_specs=[
            pl.BlockSpec((qbb // 8, 2, 8, 128), lambda b, p: (b * (P // qbb) + p, 0, 0, 0)),
            pl.BlockSpec((qbb // 8, 2, 8, 128), lambda b, p: (b * (P // qbb) + p, 0, 0, 0)),
        ],
        out_shape=[
            jax.ShapeDtypeStruct((NB, 2, 8, 128), jnp.int32),
            jax.ShapeDtypeStruct((NB, 2, 8, 128), jnp.float32),
        ],
    )(off, alog, rp3, rp3, _REP, _RSUM, _RX, _RY, _T2)


_NW = 32
_IPW = NITEMS // _NW
_CHUNK = 40
_NCHUNK = _IPW // _CHUNK
_CE = _CHUNK * 32
_GPC = _CE // 128


def _sc_body(idx_hbm, w_hbm, tbl_hbm, out_hbm, idx_v, w_v, rows_v, out_v,
             isem0, isem1, gsem0, gsem1, osem0, osem1):
    wid = lax.axis_index("s") * 2 + lax.axis_index("c")
    base_item = wid * _IPW
    isem = (isem0, isem1)
    gsem = (gsem0, gsem1)
    osem = (osem0, osem1)

    def e_of(c):
        return (base_item + c * _CHUNK) * 32

    def issue_idxw(c, q):
        e0 = e_of(c)
        pltpu.async_copy(idx_hbm.at[pl.ds(e0, _CE)], idx_v.at[q], isem[q])
        pltpu.async_copy(w_hbm.at[pl.ds(e0, _CE)], w_v.at[q], isem[q])

    def wait_idxw(q):
        pltpu.make_async_copy(idx_hbm.at[pl.ds(0, _CE)], idx_v.at[q], isem[q]).wait()
        pltpu.make_async_copy(w_hbm.at[pl.ds(0, _CE)], w_v.at[q], isem[q]).wait()

    def issue_gathers(q):
        for g in range(_GPC):
            pltpu.async_copy(tbl_hbm.at[idx_v.at[q, pl.ds(g * 128, 128)]],
                             rows_v.at[q, pl.ds(g * 128, 128)], gsem[q])

    def drain_gathers(q):
        pltpu.make_async_copy(tbl_hbm.at[pl.ds(0, _CE)], rows_v.at[q], gsem[q]).wait()

    def wait_out(q):
        pltpu.make_async_copy(out_v.at[q], out_hbm.at[pl.ds(0, _CE)], osem[q]).wait()

    def compute(c, q):
        def item_body(i, carry2):
            rbase = i * 32
            wvA = w_v[q, pl.ds(rbase, 16)]
            wvB = w_v[q, pl.ds(rbase + 16, 16)]
            a0 = jnp.zeros((16,), jnp.float32)
            a1 = jnp.zeros((16,), jnp.float32)
            a2 = jnp.zeros((16,), jnp.float32)
            a3 = jnp.zeros((16,), jnp.float32)
            for r in range(16):
                wgA = wvA[r]
                wgB = wvB[r]
                a0 = a0 + wgA * rows_v[q, rbase + r, pl.ds(0, 16)]
                a1 = a1 + wgA * rows_v[q, rbase + r, pl.ds(16, 16)]
                a2 = a2 + wgB * rows_v[q, rbase + 16 + r, pl.ds(0, 16)]
                a3 = a3 + wgB * rows_v[q, rbase + 16 + r, pl.ds(16, 16)]
            out_v[q, pl.ds(rbase, 16)] = a0 + a2
            out_v[q, pl.ds(rbase + 16, 16)] = a1 + a3
            return carry2

        lax.fori_loop(0, _CHUNK, item_body, 0)
        pltpu.async_copy(out_v.at[q], out_hbm.at[pl.ds(e_of(c), _CE)], osem[q])

    def step(c, q):
        @pl.when(c < _NCHUNK - 1)
        def _():
            wait_idxw(1 - q)
            issue_gathers(1 - q)
        drain_gathers(q)

        @pl.when(c >= 2)
        def _():
            wait_out(q)
        compute(c, q)

        @pl.when(c + 2 <= _NCHUNK - 1)
        def _():
            issue_idxw(c + 2, q)

    pltpu.sync_copy(idx_hbm.at[pl.ds(e_of(0), _CE)], idx_v.at[0])
    pltpu.sync_copy(w_hbm.at[pl.ds(e_of(0), _CE)], w_v.at[0])
    issue_gathers(0)
    issue_idxw(1, 1)

    def pair_body(j, carry):
        step(2 * j, 0)
        step(2 * j + 1, 1)
        return carry

    lax.fori_loop(0, _NCHUNK // 2, pair_body, 0)
    if _NCHUNK % 2:
        step(_NCHUNK - 1, 0)
    wait_out(0)
    wait_out(1)


def _run_sc(idx2, wflat, tbl):
    mesh = plsc.VectorSubcoreMesh(core_axis_name="c", subcore_axis_name="s")
    f = pl.kernel(
        _sc_body,
        out_type=jax.ShapeDtypeStruct((NE,), jnp.float32),
        mesh=mesh,
        compiler_params=pltpu.CompilerParams(use_tc_tiling_on_sc=False),
        scratch_types=[
            pltpu.VMEM((2, _CE), jnp.int32),
            pltpu.VMEM((2, _CE), jnp.float32),
            pltpu.VMEM((2, _CE, 32), jnp.float32),
            pltpu.VMEM((2, _CE), jnp.float32),
            pltpu.SemaphoreType.DMA,
            pltpu.SemaphoreType.DMA,
            pltpu.SemaphoreType.DMA,
            pltpu.SemaphoreType.DMA,
            pltpu.SemaphoreType.DMA,
            pltpu.SemaphoreType.DMA,
        ],
    )
    return f(idx2, wflat, tbl)


_QB_D = 1000


def _post_body(feat_ref, Wm_ref, bm_ref, W1_ref, b1_ref, W2_ref, b2_ref,
               g_ref, be_ref, out_ref):
    feat = _from_phys(feat_ref[...])
    x = jnp.dot(feat, Wm_ref[...], preferred_element_type=jnp.float32) + bm_ref[...]
    hh = jnp.maximum(jnp.dot(x, W1_ref[...], preferred_element_type=jnp.float32) + b1_ref[...], 0.0)
    y = jnp.dot(hh, W2_ref[...], preferred_element_type=jnp.float32) + b2_ref[...] + x
    mu = jnp.mean(y, axis=-1, keepdims=True)
    var = jnp.mean((y - mu) ** 2, axis=-1, keepdims=True)
    o = (y - mu) / jnp.sqrt(var + 1e-5) * g_ref[...] + be_ref[...]
    for j in range(_QB_D // QW):
        out_ref[0, j] = o[j * QW:(j + 1) * QW, :]


def _run_post(feat2, Wm, bm, W1, b1, W2, b2, gamma, beta):
    return pl.pallas_call(
        _post_body,
        grid=(Q // _QB_D,),
        in_specs=[
            pl.BlockSpec((_QB_D // 8, 2, 8, 128), lambda i: (i, 0, 0, 0)),
            pl.BlockSpec((D, D), lambda i: (0, 0)),
            pl.BlockSpec((1, D), lambda i: (0, 0)),
            pl.BlockSpec((D, DFF), lambda i: (0, 0)),
            pl.BlockSpec((1, DFF), lambda i: (0, 0)),
            pl.BlockSpec((DFF, D), lambda i: (0, 0)),
            pl.BlockSpec((1, D), lambda i: (0, 0)),
            pl.BlockSpec((1, D), lambda i: (0, 0)),
            pl.BlockSpec((1, D), lambda i: (0, 0)),
        ],
        out_specs=[pl.BlockSpec((1, _QB_D // QW, QW, D),
                                lambda i: (i // (QH // (_QB_D // QW)), i % (QH // (_QB_D // QW)), 0, 0))],
        out_shape=[jax.ShapeDtypeStruct((B, QH, QW, D), jnp.float32)],
    )(feat2, Wm, bm, W1, b1, W2, b2, gamma, beta)[0]


def kernel(src, ref_point, src_query, Wq, bq, Wb, bb, Wk, bk, Woff, boff,
           Wa, ba, Wm, bm, W1, b1, W2, b2, gamma, beta):
    del Wq, bq
    rp3 = ref_point.reshape(B, P, 2)
    Woff2 = Woff.reshape(D, H, K, 2).transpose(0, 3, 1, 2).reshape(D, 2 * H * K)
    boff2 = boff.reshape(H, K, 2).transpose(2, 0, 1).reshape(2 * H * K)
    Wcat = jnp.concatenate([Woff2, Wa], axis=1)
    bcat = jnp.concatenate([boff2, ba]).reshape(1, -1)

    off, alog, tbl_t = _run_prep(src_query, src, Wb, bb.reshape(1, D), Wcat, bcat,
                                 Wk, bk.reshape(1, D))
    idx_t, w_t = _run_addr(off, alog, rp3)

    featflat = _run_sc(idx_t.reshape(NE), w_t.reshape(NE),
                       tbl_t.reshape(NITEMS, DK))

    featp = featflat.reshape(NB, 2, 8, 128)
    return _run_post(featp, Wm, bm.reshape(1, D), W1, b1.reshape(1, DFF),
                     W2, b2.reshape(1, D), gamma.reshape(1, D), beta.reshape(1, D))

# --- scband reference (transcript-rebuilt; emitter-appended) ---
"""Pipeline reference for scband-layer-incor-offset-61211873903020 (READ-ONLY COPY).

The authoritative reference and input builder live on the scoring server;
editing this copy changes nothing except your own understanding.
"""

import jax, jax.numpy as jnp
import numpy as np

B, QH, QW = 2, 100, 100
D, H, K, SCALES = 256, 8, 8, 1
DK = D // H
DFF = 1024


def setup_inputs(seed: int = 0):
    key = jax.random.key(seed)
    ks = jax.random.split(key, 16)
    def rn(k, shape, s=1.0):
        return jax.random.normal(k, shape, dtype=jnp.float32) * s
    s = 1.0 / float(np.sqrt(D))
    inp = {}
    inp['src'] = rn(ks[0], (B, QH, QW, D))
    inp['ref_point'] = jax.random.uniform(ks[1], (B, QH, QW, 2), dtype=jnp.float32)
    inp['src_query'] = rn(ks[2], (B, QH, QW, D))
    inp['Wq'] = rn(ks[3], (D, D), s); inp['bq'] = jnp.zeros((D,), jnp.float32)
    inp['Wb'] = rn(ks[4], (D, D), s); inp['bb'] = jnp.zeros((D,), jnp.float32)
    inp['Wk'] = rn(ks[5], (D, D), s); inp['bk'] = jnp.zeros((D,), jnp.float32)
    inp['Woff'] = rn(ks[6], (D, 2 * H * K * SCALES), 0.01)
    xy = np.array([[-K, -K], [-K, 0], [-K, K], [0, -K], [0, K], [K, -K], [K, 0], [K, K]], dtype=np.float32)
    boff = np.broadcast_to(xy[:, None, None, :], (H, SCALES, K, 2)).reshape(-1).copy()
    inp['boff'] = jnp.asarray(boff)
    inp['Wa'] = rn(ks[7], (D, H * K * SCALES), 0.01)
    inp['ba'] = jnp.full((H * K * SCALES,), 1.0 / (SCALES * K), jnp.float32)
    inp['Wm'] = rn(ks[8], (D, D), s); inp['bm'] = jnp.zeros((D,), jnp.float32)
    inp['W1'] = rn(ks[9], (D, DFF), s); inp['b1'] = jnp.zeros((DFF,), jnp.float32)
    inp['W2'] = rn(ks[10], (DFF, D), 1.0 / float(np.sqrt(DFF))); inp['b2'] = jnp.zeros((D,), jnp.float32)
    inp['gamma'] = jnp.ones((D,), jnp.float32); inp['beta'] = jnp.zeros((D,), jnp.float32)
    return inp


def _grid_sample(feat, grid):
    # torch F.grid_sample, bilinear, padding_mode='zeros', align_corners=False
    N, C, Hf, Wf = feat.shape
    Hg, Wg = grid.shape[1], grid.shape[2]
    x = ((grid[..., 0] + 1.0) * Wf - 1.0) / 2.0
    y = ((grid[..., 1] + 1.0) * Hf - 1.0) / 2.0
    x = x.reshape(N, -1); y = y.reshape(N, -1)
    x0 = jnp.floor(x); y0 = jnp.floor(y)
    flat = feat.reshape(N, C, Hf * Wf)
    def g(xi, yi):
        valid = (xi >= 0) & (xi <= Wf - 1) & (yi >= 0) & (yi <= Hf - 1)
        idx = (jnp.clip(yi, 0, Hf - 1) * Wf + jnp.clip(xi, 0, Wf - 1)).astype(jnp.int32)
        v = jnp.take_along_axis(flat, idx[:, None, :], axis=2)
        return v * valid[:, None, :].astype(feat.dtype)
    g00 = g(x0, y0); g01 = g(x0 + 1, y0); g10 = g(x0, y0 + 1); g11 = g(x0 + 1, y0 + 1)
    wx1 = (x - x0)[:, None, :]; wx0 = 1.0 - wx1
    wy1 = (y - y0)[:, None, :]; wy0 = 1.0 - wy1
    out = g00 * wx0 * wy0 + g01 * wx1 * wy0 + g10 * wx0 * wy1 + g11 * wx1 * wy1
    return out.reshape(N, C, Hg, Wg)


def _forward(src, ref_point, src_query, Wq, bq, Wb, bb, Wk, bk, Woff, boff, Wa, ba, Wm, bm, W1, b1, W2, b2, gamma, beta):
    # poses=None, masks=None, scales=1, keys=[src]
    q = src @ Wq + bq  # computed but unused, as in the original module
    sq = src_query @ Wb + bb
    off = (sq @ Woff + boff).reshape(B, QH, QW, H, SCALES, K, 2)
    off = jnp.transpose(off, (0, 3, 4, 5, 1, 2, 6)).reshape(B * H, SCALES, K, QH, QW, 2)
    A = (sq @ Wa + ba).reshape(B, QH, QW, H, SCALES * K)
    A = jax.nn.softmax(A, axis=-1)
    A = jnp.transpose(A, (0, 3, 1, 2, 4)).reshape(B * H, QH * QW, SCALES * K)
    hl, wl = QH, QW
    rp = jax.lax.stop_gradient(ref_point)  # restore_scale uses clone().detach()
    rrp = jnp.stack([rp[..., 0] * (wl - 1), rp[..., 1] * (hl - 1)], axis=-1)
    # torch .repeat(h,1,1,1) tiles head-major while offset reshape is batch-major:
    # the 'incorrect offset' pairing is replicated faithfully via tile
    rrp = jnp.tile(rrp, (H, 1, 1, 1))
    sf = (src @ Wk + bk).reshape(B, hl, wl, H, DK)
    sf = jnp.transpose(sf, (0, 3, 4, 1, 2)).reshape(B * H, DK, hl, wl)
    kf = []
    for kk in range(K):
        pts = rrp + off[:, 0, kk]
        vx = 2.0 * pts[..., 0] / max(wl - 1, 1) - 1.0
        vy = 2.0 * pts[..., 1] / max(hl - 1, 1) - 1.0
        kf.append(_grid_sample(sf, jnp.stack([vx, vy], axis=3)))
    kf = jnp.stack(kf, axis=1)[:, None]  # [B*H, scales, K, DK, QH, QW]
    sfeat = jnp.transpose(kf, (0, 4, 5, 3, 1, 2)).reshape(B * H, QH * QW, DK, SCALES * K)
    feat = jnp.einsum('nlds,nls->nld', sfeat, A)
    feat = feat.reshape(B, H, QH, QW, DK)
    feat = jnp.transpose(feat, (0, 2, 3, 1, 4)).reshape(B, QH, QW, H * DK)
    feat = feat @ Wm + bm
    # PositionWiseFeedForward, identity_map_reordering=False, eval-mode dropout
    ff = jnp.maximum(feat @ W1 + b1, 0.0) @ W2 + b2
    out = feat + ff
    mu = jnp.mean(out, axis=-1, keepdims=True)
    var = jnp.mean((out - mu) ** 2, axis=-1, keepdims=True)
    out = (out - mu) / jnp.sqrt(var + 1e-5) * gamma + beta
    return out


def reference(src, ref_point, src_query, Wq, bq, Wb, bb, Wk, bk, Woff, boff, Wa, ba, Wm, bm, W1, b1, W2, b2, gamma, beta):
    return _forward(src, ref_point, src_query, Wq, bq, Wb, bb, Wk, bk, Woff, boff, Wa, ba, Wm, bm, W1, b1, W2, b2, gamma, beta)

if __name__ == "__main__":
    import jax
    _d = setup_inputs()
    print(jax.jit(kernel)(*tuple(_d.values())))

</pallas_src>

<mosaic_0001>
#map = affine_map<(d0, d1) -> (0)>
#map1 = affine_map<(d0, d1) -> (0, 0)>
module attributes {stable_mosaic.version = 14 : i64} {
  func.func @_sc_body(%arg0: i32, %arg1: i32, %arg2: memref<5120000xi32, #tpu.memory_space<hbm>>, %arg3: memref<5120000xf32, #tpu.memory_space<hbm>>, %arg4: memref<160000x32xf32, #tpu.memory_space<hbm>>, %arg5: memref<5120000xf32, #tpu.memory_space<hbm>>, %arg6: memref<2x1280xi32, #tpu.memory_space<vmem>>, %arg7: memref<2x1280xf32, #tpu.memory_space<vmem>>, %arg8: memref<2x1280x32xf32, #tpu.memory_space<vmem>>, %arg9: memref<2x1280xf32, #tpu.memory_space<vmem>>, %arg10: memref<!tpu.dma_semaphore, #tpu.memory_space<semaphore_mem>>, %arg11: memref<!tpu.dma_semaphore, #tpu.memory_space<semaphore_mem>>, %arg12: memref<!tpu.dma_semaphore, #tpu.memory_space<semaphore_mem>>, %arg13: memref<!tpu.dma_semaphore, #tpu.memory_space<semaphore_mem>>, %arg14: memref<!tpu.dma_semaphore, #tpu.memory_space<semaphore_mem>>, %arg15: memref<!tpu.dma_semaphore, #tpu.memory_space<semaphore_mem>>) attributes {dimension_semantics = [#tpu.dimension_semantics<core_parallel>, #tpu.dimension_semantics<subcore_parallel>], iteration_bounds = array<i64: 2, 16>, scalar_prefetch = 0 : i64, scratch_operands = 10 : i64, tpu.core_type = #tpu.core_type<sc_vector_subcore>, window_params = [{transform_indices = #map}, {transform_indices = #map}, {transform_indices = #map1}, {transform_indices = #map}]} {
    %mul3A = arith.constant 2 : i32
    %mul3A_0 = arith.muli %arg1, %mul3A : i32
    %add3A = arith.addi %mul3A_0, %arg0 : i32
    %mul3A_1 = arith.constant 5000 : i32
    %mul3A_2 = arith.muli %add3A, %mul3A_1 : i32
    %add3A_3 = arith.constant 0 : i32
    %add3A_4 = arith.addi %mul3A_2, %add3A_3 : i32
    %mul3A_5 = arith.constant 32 : i32
    %mul3A_6 = arith.muli %add3A_4, %mul3A_5 : i32
    %run_scoped3A = arith.constant 0 : i32
    "tpu.region"() ({
      %run_scoped3A_224 = tpu.sem_alloc : memref<!tpu.dma_semaphore, #tpu.memory_space<semaphore_mem>>
      %dma_start3A_225 = arith.constant 0 : i32
      %dma_start3A_226 = tpu.memref_slice %arg6[%run_scoped3A, %dma_start3A_225] : memref<2x1280xi32, #tpu.memory_space<vmem>> -> memref<1x1280xi32, #tpu.memory_space<vmem>>
      %dma_start3A_227 = tpu.memref_squeeze %dma_start3A_226 : memref<1x1280xi32, #tpu.memory_space<vmem>> -> memref<1280xi32, #tpu.memory_space<vmem>>
      %dma_start3A_228 = tpu.memref_slice %arg2[%mul3A_6] : memref<5120000xi32, #tpu.memory_space<hbm>> -> memref<1280xi32, #tpu.memory_space<hbm>>
      %dma_start3A_229 = arith.constant 0 : i32
      %dma_start3A_230 = tpu.memref_slice %arg6[%run_scoped3A, %dma_start3A_229] : memref<2x1280xi32, #tpu.memory_space<vmem>> -> memref<1x1280xi32, #tpu.memory_space<vmem>>
      %dma_start3A_231 = tpu.memref_squeeze %dma_start3A_230 : memref<1x1280xi32, #tpu.memory_space<vmem>> -> memref<1280xi32, #tpu.memory_space<vmem>>
      %dma_start3A_232 = tpu.memref_slice %arg2[%mul3A_6] : memref<5120000xi32, #tpu.memory_space<hbm>> -> memref<1280xi32, #tpu.memory_space<hbm>>
      tpu.enqueue_dma source(%dma_start3A_232 : memref<1280xi32, #tpu.memory_space<hbm>>) target(%dma_start3A_231 : memref<1280xi32, #tpu.memory_space<vmem>>) target_semaphore(%run_scoped3A_224 : memref<!tpu.dma_semaphore, #tpu.memory_space<semaphore_mem>>)
      %dma_wait3A_233 = arith.constant 0 : i32
      %dma_wait3A_234 = tpu.memref_slice %arg6[%run_scoped3A, %dma_wait3A_233] : memref<2x1280xi32, #tpu.memory_space<vmem>> -> memref<1x1280xi32, #tpu.memory_space<vmem>>
      %dma_wait3A_235 = tpu.memref_squeeze %dma_wait3A_234 : memref<1x1280xi32, #tpu.memory_space<vmem>> -> memref<1280xi32, #tpu.memory_space<vmem>>
      %dma_wait3A_236 = tpu.memref_slice %arg2[%mul3A_6] : memref<5120000xi32, #tpu.memory_space<hbm>> -> memref<1280xi32, #tpu.memory_space<hbm>>
      %dma_wait3A_237 = arith.constant 0 : i32
      %dma_wait3A_238 = tpu.memref_slice %arg6[%run_scoped3A, %dma_wait3A_237] : memref<2x1280xi32, #tpu.memory_space<vmem>> -> memref<1x1280xi32, #tpu.memory_space<vmem>>
      %dma_wait3A_239 = tpu.memref_squeeze %dma_wait3A_238 : memref<1x1280xi32, #tpu.memory_space<vmem>> -> memref<1280xi32, #tpu.memory_space<vmem>>
      %dma_wait3A_240 = tpu.memref_slice %arg2[%mul3A_6] : memref<5120000xi32, #tpu.memory_space<hbm>> -> memref<1280xi32, #tpu.memory_space<hbm>>
      tpu.wait_dma2 semaphore(%run_scoped3A_224 : memref<!tpu.dma_semaphore, #tpu.memory_space<semaphore_mem>>) src(%dma_wait3A_240 : memref<1280xi32, #tpu.memory_space<hbm>>) dst(%dma_wait3A_239 : memref<1280xi32, #tpu.memory_space<vmem>>)
      tpu.yield
    }) : () -> ()
    %add3A_7 = arith.constant 0 : i32
    %add3A_8 = arith.addi %mul3A_2, %add3A_7 : i32
    %mul3A_9 = arith.constant 32 : i32
    %mul3A_10 = arith.muli %add3A_8, %mul3A_9 : i32
    %run_scoped3A_11 = arith.constant 0 : i32
    "tpu.region"() ({
      %run_scoped3A_224 = tpu.sem_alloc : memref<!tpu.dma_semaphore, #tpu.memory_space<semaphore_mem>>
      %dma_start3A_225 = arith.constant 0 : i32
      %dma_start3A_226 = tpu.memref_slice %arg7[%run_scoped3A_11, %dma_start3A_225] : memref<2x1280xf32, #tpu.memory_space<vmem>> -> memref<1x1280xf32, #tpu.memory_space<vmem>>
      %dma_start3A_227 = tpu.memref_squeeze %dma_start3A_226 : memref<1x1280xf32, #tpu.memory_space<vmem>> -> memref<1280xf32, #tpu.memory_space<vmem>>
      %dma_start3A_228 = tpu.memref_slice %arg3[%mul3A_10] : memref<5120000xf32, #tpu.memory_space<hbm>> -> memref<1280xf32, #tpu.memory_space<hbm>>
      %dma_start3A_229 = arith.constant 0 : i32
      %dma_start3A_230 = tpu.memref_slice %arg7[%run_scoped3A_11, %dma_start3A_229] : memref<2x1280xf32, #tpu.memory_space<vmem>> -> memref<1x1280xf32, #tpu.memory_space<vmem>>
      %dma_start3A_231 = tpu.memref_squeeze %dma_start3A_230 : memref<1x1280xf32, #tpu.memory_space<vmem>> -> memref<1280xf32, #tpu.memory_space<vmem>>
      %dma_start3A_232 = tpu.memref_slice %arg3[%mul3A_10] : memref<5120000xf32, #tpu.memory_space<hbm>> -> memref<1280xf32, #tpu.memory_space<hbm>>
      tpu.enqueue_dma source(%dma_start3A_232 : memref<1280xf32, #tpu.memory_space<hbm>>) target(%dma_start3A_231 : memref<1280xf32, #tpu.memory_space<vmem>>) target_semaphore(%run_scoped3A_224 : memref<!tpu.dma_semaphore, #tpu.memory_space<semaphore_mem>>)
      %dma_wait3A_233 = arith.constant 0 : i32
      %dma_wait3A_234 = tpu.memref_slice %arg7[%run_scoped3A_11, %dma_wait3A_233] : memref<2x1280xf32, #tpu.memory_space<vmem>> -> memref<1x1280xf32, #tpu.memory_space<vmem>>
      %dma_wait3A_235 = tpu.memref_squeeze %dma_wait3A_234 : memref<1x1280xf32, #tpu.memory_space<vmem>> -> memref<1280xf32, #tpu.memory_space<vmem>>
      %dma_wait3A_236 = tpu.memref_slice %arg3[%mul3A_10] : memref<5120000xf32, #tpu.memory_space<hbm>> -> memref<1280xf32, #tpu.memory_space<hbm>>
      %dma_wait3A_237 = arith.constant 0 : i32
      %dma_wait3A_238 = tpu.memref_slice %arg7[%run_scoped3A_11, %dma_wait3A_237] : memref<2x1280xf32, #tpu.memory_space<vmem>> -> memref<1x1280xf32, #tpu.memory_space<vmem>>
      %dma_wait3A_239 = tpu.memref_squeeze %dma_wait3A_238 : memref<1x1280xf32, #tpu.memory_space<vmem>> -> memref<1280xf32, #tpu.memory_space<vmem>>
      %dma_wait3A_240 = tpu.memref_slice %arg3[%mul3A_10] : memref<5120000xf32, #tpu.memory_space<hbm>> -> memref<1280xf32, #tpu.memory_space<hbm>>
      tpu.wait_dma2 semaphore(%run_scoped3A_224 : memref<!tpu.dma_semaphore, #tpu.memory_space<semaphore_mem>>) src(%dma_wait3A_240 : memref<1280xf32, #tpu.memory_space<hbm>>) dst(%dma_wait3A_239 : memref<1280xf32, #tpu.memory_space<vmem>>)
      tpu.yield
    }) : () -> ()
    %dma_start3A = arith.constant 0 : i32
    %dma_start3A_12 = arith.constant 0 : i32
    %dma_start3A_13 = arith.constant 0 : i32
    %dma_start3A_14 = arith.constant 0 : i32
    %dma_start3A_15 = tpu.memref_slice %arg8[%dma_start3A_12, %dma_start3A_13, %dma_start3A_14] : memref<2x1280x32xf32, #tpu.memory_space<vmem>> -> memref<1x128x32xf32, #tpu.memory_space<vmem>>
    %dma_start3A_16 = tpu.memref_squeeze %dma_start3A_15 : memref<1x128x32xf32, #tpu.memory_space<vmem>> -> memref<128x32xf32, #tpu.memory_space<vmem>>
    %dma_start3A_17 = arith.constant 0 : i32
    %dma_start3A_18 = tpu.memref_slice %arg6[%dma_start3A, %dma_start3A_17] : memref<2x1280xi32, #tpu.memory_space<vmem>> -> memref<1x128xi32, #tpu.memory_space<vmem>>
    %dma_start3A_19 = tpu.memref_squeeze %dma_start3A_18 : memref<1x128xi32, #tpu.memory_space<vmem>> -> memref<128xi32, #tpu.memory_space<vmem>>
    %dma_start3A_20 = arith.constant 0 : i32
    %dma_start3A_21 = arith.constant 0 : i32
    %dma_start3A_22 = tpu.memref_slice %arg4[%dma_start3A_20, %dma_start3A_21] : memref<160000x32xf32, #tpu.memory_space<hbm>> -> memref<160000x32xf32, #tpu.memory_space<hbm>>
    tpu.enqueue_indirect_dma source(%dma_start3A_22 : memref<160000x32xf32, #tpu.memory_space<hbm>>) target(%dma_start3A_16 : memref<128x32xf32, #tpu.memory_space<vmem>>) offsets(%dma_start3A_19 : memref<128xi32, #tpu.memory_space<vmem>>) semaphore(%arg12 : memref<!tpu.dma_semaphore, #tpu.memory_space<semaphore_mem>>)
    %dma_start3A_23 = arith.constant 0 : i32
    %dma_start3A_24 = arith.constant 0 : i32
    %dma_start3A_25 = arith.constant 128 : i32
    %dma_start3A_26 = arith.constant 0 : i32
    %dma_start3A_27 = tpu.memref_slice %arg8[%dma_start3A_24, %dma_start3A_25, %dma_start3A_26] : memref<2x1280x32xf32, #tpu.memory_space<vmem>> -> memref<1x128x32xf32, #tpu.memory_space<vmem>>
    %dma_start3A_28 = tpu.memref_squeeze %dma_start3A_27 : memref<1x128x32xf32, #tpu.memory_space<vmem>> -> memref<128x32xf32, #tpu.memory_space<vmem>>
    %dma_start3A_29 = arith.constant 128 : i32
    %dma_start3A_30 = tpu.memref_slice %arg6[%dma_start3A_23, %dma_start3A_29] : memref<2x1280xi32, #tpu.memory_space<vmem>> -> memref<1x128xi32, #tpu.memory_space<vmem>>
    %dma_start3A_31 = tpu.memref_squeeze %dma_start3A_30 : memref<1x128xi32, #tpu.memory_space<vmem>> -> memref<128xi32, #tpu.memory_space<vmem>>
    %dma_start3A_32 = arith.constant 0 : i32
    %dma_start3A_33 = arith.constant 0 : i32
    %dma_start3A_34 = tpu.memref_slice %arg4[%dma_start3A_32, %dma_start3A_33] : memref<160000x32xf32, #tpu.memory_space<hbm>> -> memref<160000x32xf32, #tpu.memory_space<hbm>>
    tpu.enqueue_indirect_dma source(%dma_start3A_34 : memref<160000x32xf32, #tpu.memory_space<hbm>>) target(%dma_start3A_28 : memref<128x32xf32, #tpu.memory_space<vmem>>) offsets(%dma_start3A_31 : memref<128xi32, #tpu.memory_space<vmem>>) semaphore(%arg12 : memref<!tpu.dma_semaphore, #tpu.memory_space<semaphore_mem>>)
    %dma_start3A_35 = arith.constant 0 : i32
    %dma_start3A_36 = arith.constant 0 : i32
    %dma_start3A_37 = arith.constant 256 : i32
    %dma_start3A_38 = arith.constant 0 : i32
    %dma_start3A_39 = tpu.memref_slice %arg8[%dma_start3A_36, %dma_start3A_37, %dma_start3A_38] : memref<2x1280x32xf32, #tpu.memory_space<vmem>> -> memref<1x128x32xf32, #tpu.memory_space<vmem>>
    %dma_start3A_40 = tpu.memref_squeeze %dma_start3A_39 : memref<1x128x32xf32, #tpu.memory_space<vmem>> -> memref<128x32xf32, #tpu.memory_space<vmem>>
    %dma_start3A_41 = arith.constant 256 : i32
    %dma_start3A_42 = tpu.memref_slice %arg6[%dma_start3A_35, %dma_start3A_41] : memref<2x1280xi32, #tpu.memory_space<vmem>> -> memref<1x128xi32, #tpu.memory_space<vmem>>
    %dma_start3A_43 = tpu.memref_squeeze %dma_start3A_42 : memref<1x128xi32, #tpu.memory_space<vmem>> -> memref<128xi32, #tpu.memory_space<vmem>>
    %dma_start3A_44 = arith.constant 0 : i32
    %dma_start3A_45 = arith.constant 0 : i32
    %dma_start3A_46 = tpu.memref_slice %arg4[%dma_start3A_44, %dma_start3A_45] : memref<160000x32xf32, #tpu.memory_space<hbm>> -> memref<160000x32xf32, #tpu.memory_space<hbm>>
    tpu.enqueue_indirect_dma source(%dma_start3A_46 : memref<160000x32xf32, #tpu.memory_space<hbm>>) target(%dma_start3A_40 : memref<128x32xf32, #tpu.memory_space<vmem>>) offsets(%dma_start3A_43 : memref<128xi32, #tpu.memory_space<vmem>>) semaphore(%arg12 : memref<!tpu.dma_semaphore, #tpu.memory_space<semaphore_mem>>)
    %dma_start3A_47 = arith.constant 0 : i32
    %dma_start3A_48 = arith.constant 0 : i32
    %dma_start3A_49 = arith.constant 384 : i32
    %dma_start3A_50 = arith.constant 0 : i32
    %dma_start3A_51 = tpu.memref_slice %arg8[%dma_start3A_48, %dma_start3A_49, %dma_start3A_50] : memref<2x1280x32xf32, #tpu.memory_space<vmem>> -> memref<1x128x32xf32, #tpu.memory_space<vmem>>
    %dma_start3A_52 = tpu.memref_squeeze %dma_start3A_51 : memref<1x128x32xf32, #tpu.memory_space<vmem>> -> memref<128x32xf32, #tpu.memory_space<vmem>>
    %dma_start3A_53 = arith.constant 384 : i32
    %dma_start3A_54 = tpu.memref_slice %arg6[%dma_start3A_47, %dma_start3A_53] : memref<2x1280xi32, #tpu.memory_space<vmem>> -> memref<1x128xi32, #tpu.memory_space<vmem>>
    %dma_start3A_55 = tpu.memref_squeeze %dma_start3A_54 : memref<1x128xi32, #tpu.memory_space<vmem>> -> memref<128xi32, #tpu.memory_space<vmem>>
    %dma_start3A_56 = arith.constant 0 : i32
    %dma_start3A_57 = arith.constant 0 : i32
    %dma_start3A_58 = tpu.memref_slice %arg4[%dma_start3A_56, %dma_start3A_57] : memref<160000x32xf32, #tpu.memory_space<hbm>> -> memref<160000x32xf32, #tpu.memory_space<hbm>>
    tpu.enqueue_indirect_dma source(%dma_start3A_58 : memref<160000x32xf32, #tpu.memory_space<hbm>>) target(%dma_start3A_52 : memref<128x32xf32, #tpu.memory_space<vmem>>) offsets(%dma_start3A_55 : memref<128xi32, #tpu.memory_space<vmem>>) semaphore(%arg12 : memref<!tpu.dma_semaphore, #tpu.memory_space<semaphore_mem>>)
    %dma_start3A_59 = arith.constant 0 : i32
    %dma_start3A_60 = arith.constant 0 : i32
    %dma_start3A_61 = arith.constant 512 : i32
    %dma_start3A_62 = arith.constant 0 : i32
    %dma_start3A_63 = tpu.memref_slice %arg8[%dma_start3A_60, %dma_start3A_61, %dma_start3A_62] : memref<2x1280x32xf32, #tpu.memory_space<vmem>> -> memref<1x128x32xf32, #tpu.memory_space<vmem>>
    %dma_start3A_64 = tpu.memref_squeeze %dma_start3A_63 : memref<1x128x32xf32, #tpu.memory_space<vmem>> -> memref<128x32xf32, #tpu.memory_space<vmem>>
    %dma_start3A_65 = arith.constant 512 : i32
    %dma_start3A_66 = tpu.memref_slice %arg6[%dma_start3A_59, %dma_start3A_65] : memref<2x1280xi32, #tpu.memory_space<vmem>> -> memref<1x128xi32, #tpu.memory_space<vmem>>
    %dma_start3A_67 = tpu.memref_squeeze %dma_start3A_66 : memref<1x128xi32, #tpu.memory_space<vmem>> -> memref<128xi32, #tpu.memory_space<vmem>>
    %dma_start3A_68 = arith.constant 0 : i32
    %dma_start3A_69 = arith.constant 0 : i32
    %dma_start3A_70 = tpu.memref_slice %arg4[%dma_start3A_68, %dma_start3A_69] : memref<160000x32xf32, #tpu.memory_space<hbm>> -> memref<160000x32xf32, #tpu.memory_space<hbm>>
    tpu.enqueue_indirect_dma source(%dma_start3A_70 : memref<160000x32xf32, #tpu.memory_space<hbm>>) target(%dma_start3A_64 : memref<128x32xf32, #tpu.memory_space<vmem>>) offsets(%dma_start3A_67 : memref<128xi32, #tpu.memory_space<vmem>>) semaphore(%arg12 : memref<!tpu.dma_semaphore, #tpu.memory_space<semaphore_mem>>)
    %dma_start3A_71 = arith.constant 0 : i32
    %dma_start3A_72 = arith.constant 0 : i32
    %dma_start3A_73 = arith.constant 640 : i32
    %dma_start3A_74 = arith.constant 0 : i32
    %dma_start3A_75 = tpu.memref_slice %arg8[%dma_start3A_72, %dma_start3A_73, %dma_start3A_74] : memref<2x1280x32xf32, #tpu.memory_space<vmem>> -> memref<1x128x32xf32, #tpu.memory_space<vmem>>
    %dma_start3A_76 = tpu.memref_squeeze %dma_start3A_75 : memref<1x128x32xf32, #tpu.memory_space<vmem>> -> memref<128x32xf32, #tpu.memory_space<vmem>>
    %dma_start3A_77 = arith.constant 640 : i32
    %dma_start3A_78 = tpu.memref_slice %arg6[%dma_start3A_71, %dma_start3A_77] : memref<2x1280xi32, #tpu.memory_space<vmem>> -> memref<1x128xi32, #tpu.memory_space<vmem>>
    %dma_start3A_79 = tpu.memref_squeeze %dma_start3A_78 : memref<1x128xi32, #tpu.memory_space<vmem>> -> memref<128xi32, #tpu.memory_space<vmem>>
    %dma_start3A_80 = arith.constant 0 : i32
    %dma_start3A_81 = arith.constant 0 : i32
    %dma_start3A_82 = tpu.memref_slice %arg4[%dma_start3A_80, %dma_start3A_81] : memref<160000x32xf32, #tpu.memory_space<hbm>> -> memref<160000x32xf32, #tpu.memory_space<hbm>>
    tpu.enqueue_indirect_dma source(%dma_start3A_82 : memref<160000x32xf32, #tpu.memory_space<hbm>>) target(%dma_start3A_76 : memref<128x32xf32, #tpu.memory_space<vmem>>) offsets(%dma_start3A_79 : memref<128xi32, #tpu.memory_space<vmem>>) semaphore(%arg12 : memref<!tpu.dma_semaphore, #tpu.memory_space<semaphore_mem>>)
    %dma_start3A_83 = arith.constant 0 : i32
    %dma_start3A_84 = arith.constant 0 : i32
    %dma_start3A_85 = arith.constant 768 : i32
    %dma_start3A_86 = arith.constant 0 : i32
    %dma_start3A_87 = tpu.memref_slice %arg8[%dma_start3A_84, %dma_start3A_85, %dma_start3A_86] : memref<2x1280x32xf32, #tpu.memory_space<vmem>> -> memref<1x128x32xf32, #tpu.memory_space<vmem>>
    %dma_start3A_88 = tpu.memref_squeeze %dma_start3A_87 : memref<1x128x32xf32, #tpu.memory_space<vmem>> -> memref<128x32xf32, #tpu.memory_space<vmem>>
    %dma_start3A_89 = arith.constant 768 : i32
    %dma_start3A_90 = tpu.memref_slice %arg6[%dma_start3A_83, %dma_start3A_89] : memref<2x1280xi32, #tpu.memory_space<vmem>> -> memref<1x128xi32, #tpu.memory_space<vmem>>
    %dma_start3A_91 = tpu.memref_squeeze %dma_start3A_90 : memref<1x128xi32, #tpu.memory_space<vmem>> -> memref<128xi32, #tpu.memory_space<vmem>>
    %dma_start3A_92 = arith.constant 0 : i32
    %dma_start3A_93 = arith.constant 0 : i32
    %dma_start3A_94 = tpu.memref_slice %arg4[%dma_start3A_92, %dma_start3A_93] : memref<160000x32xf32, #tpu.memory_space<hbm>> -> memref<160000x32xf32, #tpu.memory_space<hbm>>
    tpu.enqueue_indirect_dma source(%dma_start3A_94 : memref<160000x32xf32, #tpu.memory_space<hbm>>) target(%dma_start3A_88 : memref<128x32xf32, #tpu.memory_space<vmem>>) offsets(%dma_start3A_91 : memref<128xi32, #tpu.memory_space<vmem>>) semaphore(%arg12 : memref<!tpu.dma_semaphore, #tpu.memory_space<semaphore_mem>>)
    %dma_start3A_95 = arith.constant 0 : i32
    %dma_start3A_96 = arith.constant 0 : i32
    %dma_start3A_97 = arith.constant 896 : i32
    %dma_start3A_98 = arith.constant 0 : i32
    %dma_start3A_99 = tpu.memref_slice %arg8[%dma_start3A_96, %dma_start3A_97, %dma_start3A_98] : memref<2x1280x32xf32, #tpu.memory_space<vmem>> -> memref<1x128x32xf32, #tpu.memory_space<vmem>>
    %dma_start3A_100 = tpu.memref_squeeze %dma_start3A_99 : memref<1x128x32xf32, #tpu.memory_space<vmem>> -> memref<128x32xf32, #tpu.memory_space<vmem>>
    %dma_start3A_101 = arith.constant 896 : i32
    %dma_start3A_102 = tpu.memref_slice %arg6[%dma_start3A_95, %dma_start3A_101] : memref<2x1280xi32, #tpu.memory_space<vmem>> -> memref<1x128xi32, #tpu.memory_space<vmem>>
    %dma_start3A_103 = tpu.memref_squeeze %dma_start3A_102 : memref<1x128xi32, #tpu.memory_space<vmem>> -> memref<128xi32, #tpu.memory_space<vmem>>
    %dma_start3A_104 = arith.constant 0 : i32
    %dma_start3A_105 = arith.constant 0 : i32
    %dma_start3A_106 = tpu.memref_slice %arg4[%dma_start3A_104, %dma_start3A_105] : memref<160000x32xf32, #tpu.memory_space<hbm>> -> memref<160000x32xf32, #tpu.memory_space<hbm>>
    tpu.enqueue_indirect_dma source(%dma_start3A_106 : memref<160000x32xf32, #tpu.memory_space<hbm>>) target(%dma_start3A_100 : memref<128x32xf32, #tpu.memory_space<vmem>>) offsets(%dma_start3A_103 : memref<128xi32, #tpu.memory_space<vmem>>) semaphore(%arg12 : memref<!tpu.dma_semaphore, #tpu.memory_space<semaphore_mem>>)
    %dma_start3A_107 = arith.constant 0 : i32
    %dma_start3A_108 = arith.constant 0 : i32
    %dma_start3A_109 = arith.constant 1024 : i32
    %dma_start3A_110 = arith.constant 0 : i32
    %dma_start3A_111 = tpu.memref_slice %arg8[%dma_start3A_108, %dma_start3A_109, %dma_start3A_110] : memref<2x1280x32xf32, #tpu.memory_space<vmem>> -> memref<1x128x32xf32, #tpu.memory_space<vmem>>
    %dma_start3A_112 = tpu.memref_squeeze %dma_start3A_111 : memref<1x128x32xf32, #tpu.memory_space<vmem>> -> memref<128x32xf32, #tpu.memory_space<vmem>>
    %dma_start3A_113 = arith.constant 1024 : i32
    %dma_start3A_114 = tpu.memref_slice %arg6[%dma_start3A_107, %dma_start3A_113] : memref<2x1280xi32, #tpu.memory_space<vmem>> -> memref<1x128xi32, #tpu.memory_space<vmem>>
    %dma_start3A_115 = tpu.memref_squeeze %dma_start3A_114 : memref<1x128xi32, #tpu.memory_space<vmem>> -> memref<128xi32, #tpu.memory_space<vmem>>
    %dma_start3A_116 = arith.constant 0 : i32
    %dma_start3A_117 = arith.constant 0 : i32
    %dma_start3A_118 = tpu.memref_slice %arg4[%dma_start3A_116, %dma_start3A_117] : memref<160000x32xf32, #tpu.memory_space<hbm>> -> memref<160000x32xf32, #tpu.memory_space<hbm>>
    tpu.enqueue_indirect_dma source(%dma_start3A_118 : memref<160000x32xf32, #tpu.memory_space<hbm>>) target(%dma_start3A_112 : memref<128x32xf32, #tpu.memory_space<vmem>>) offsets(%dma_start3A_115 : memref<128xi32, #tpu.memory_space<vmem>>) semaphore(%arg12 : memref<!tpu.dma_semaphore, #tpu.memory_space<semaphore_mem>>)
    %dma_start3A_119 = arith.constant 0 : i32
    %dma_start3A_120 = arith.constant 0 : i32
    %dma_start3A_121 = arith.constant 1152 : i32
    %dma_start3A_122 = arith.constant 0 : i32
    %dma_start3A_123 = tpu.memref_slice %arg8[%dma_start3A_120, %dma_start3A_121, %dma_start3A_122] : memref<2x1280x32xf32, #tpu.memory_space<vmem>> -> memref<1x128x32xf32, #tpu.memory_space<vmem>>
    %dma_start3A_124 = tpu.memref_squeeze %dma_start3A_123 : memref<1x128x32xf32, #tpu.memory_space<vmem>> -> memref<128x32xf32, #tpu.memory_space<vmem>>
    %dma_start3A_125 = arith.constant 1152 : i32
    %dma_start3A_126 = tpu.memref_slice %arg6[%dma_start3A_119, %dma_start3A_125] : memref<2x1280xi32, #tpu.memory_space<vmem>> -> memref<1x128xi32, #tpu.memory_space<vmem>>
    %dma_start3A_127 = tpu.memref_squeeze %dma_start3A_126 : memref<1x128xi32, #tpu.memory_space<vmem>> -> memref<128xi32, #tpu.memory_space<vmem>>
    %dma_start3A_128 = arith.constant 0 : i32
    %dma_start3A_129 = arith.constant 0 : i32
    %dma_start3A_130 = tpu.memref_slice %arg4[%dma_start3A_128, %dma_start3A_129] : memref<160000x32xf32, #tpu.memory_space<hbm>> -> memref<160000x32xf32, #tpu.memory_space<hbm>>
    tpu.enqueue_indirect_dma source(%dma_start3A_130 : memref<160000x32xf32, #tpu.memory_space<hbm>>) target(%dma_start3A_124 : memref<128x32xf32, #tpu.memory_space<vmem>>) offsets(%dma_start3A_127 : memref<128xi32, #tpu.memory_space<vmem>>) semaphore(%arg12 : memref<!tpu.dma_semaphore, #tpu.memory_space<semaphore_mem>>)
    %add3A_131 = arith.constant 40 : i32
    %add3A_132 = arith.addi %mul3A_2, %add3A_131 : i32
    %mul3A_133 = arith.constant 32 : i32
    %mul3A_134 = arith.muli %add3A_132, %mul3A_133 : i32
    %dma_start3A_135 = arith.constant 1 : i32
    %dma_start3A_136 = arith.constant 0 : i32
    %dma_start3A_137 = tpu.memref_slice %arg6[%dma_start3A_135, %dma_start3A_136] : memref<2x1280xi32, #tpu.memory_space<vmem>> -> memref<1x1280xi32, #tpu.memory_space<vmem>>
    %dma_start3A_138 = tpu.memref_squeeze %dma_start3A_137 : memref<1x1280xi32, #tpu.memory_space<vmem>> -> memref<1280xi32, #tpu.memory_space<vmem>>
    %dma_start3A_139 = tpu.memref_slice %arg2[%mul3A_134] : memref<5120000xi32, #tpu.memory_space<hbm>> -> memref<1280xi32, #tpu.memory_space<hbm>>
    %dma_start3A_140 = arith.constant 0 : i32
    %dma_start3A_141 = tpu.memref_slice %arg6[%dma_start3A_135, %dma_start3A_140] : memref<2x1280xi32, #tpu.memory_space<vmem>> -> memref<1x1280xi32, #tpu.memory_space<vmem>>
    %dma_start3A_142 = tpu.memref_squeeze %dma_start3A_141 : memref<1x1280xi32, #tpu.memory_space<vmem>> -> memref<1280xi32, #tpu.memory_space<vmem>>
    %dma_start3A_143 = tpu.memref_slice %arg2[%mul3A_134] : memref<5120000xi32, #tpu.memory_space<hbm>> -> memref<1280xi32, #tpu.memory_space<hbm>>
    tpu.enqueue_dma source(%dma_start3A_143 : memref<1280xi32, #tpu.memory_space<hbm>>) target(%dma_start3A_142 : memref<1280xi32, #tpu.memory_space<vmem>>) target_semaphore(%arg11 : memref<!tpu.dma_semaphore, #tpu.memory_space<semaphore_mem>>)
    %dma_start3A_144 = arith.constant 1 : i32
    %dma_start3A_145 = arith.constant 0 : i32
    %dma_start3A_146 = tpu.memref_slice %arg7[%dma_start3A_144, %dma_start3A_145] : memref<2x1280xf32, #tpu.memory_space<vmem>> -> memref<1x1280xf32, #tpu.memory_space<vmem>>
    %dma_start3A_147 = tpu.memref_squeeze %dma_start3A_146 : memref<1x1280xf32, #tpu.memory_space<vmem>> -> memref<1280xf32, #tpu.memory_space<vmem>>
    %dma_start3A_148 = tpu.memref_slice %arg3[%mul3A_134] : memref<5120000xf32, #tpu.memory_space<hbm>> -> memref<1280xf32, #tpu.memory_space<hbm>>
    %dma_start3A_149 = arith.constant 0 : i32
    %dma_start3A_150 = tpu.memref_slice %arg7[%dma_start3A_144, %dma_start3A_149] : memref<2x1280xf32, #tpu.memory_space<vmem>> -> memref<1x1280xf32, #tpu.memory_space<vmem>>
    %dma_start3A_151 = tpu.memref_squeeze %dma_start3A_150 : memref<1x1280xf32, #tpu.memory_space<vmem>> -> memref<1280xf32, #tpu.memory_space<vmem>>
    %dma_start3A_152 = tpu.memref_slice %arg3[%mul3A_134] : memref<5120000xf32, #tpu.memory_space<hbm>> -> memref<1280xf32, #tpu.memory_space<hbm>>
    tpu.enqueue_dma source(%dma_start3A_152 : memref<1280xf32, #tpu.memory_space<hbm>>) target(%dma_start3A_151 : memref<1280xf32, #tpu.memory_space<vmem>>) target_semaphore(%arg11 : memref<!tpu.dma_semaphore, #tpu.memory_space<semaphore_mem>>)
    %scan3A = arith.constant 0 : i32
    %scan3A_153 = arith.constant 0 : i32
    %scan3A_154 = arith.constant 62 : i32
    %scan3A_155 = arith.addi %scan3A_153, %scan3A_154 : i32
    %scan3A_156 = arith.constant 1 : i32
    scf.for %scan3A_224 = %scan3A_153 to %scan3A_155 step %scan3A_156  : i32 {
      %mul3A_225 = arith.constant 2 : i32
      %mul3A_226 = arith.muli %mul3A_225, %scan3A_224 : i32
      %lt3A = arith.constant 124 : i32
      %lt3A_227 = arith.cmpi slt, %mul3A_226, %lt3A : i32
      %convert_element_type3A = arith.extui %lt3A_227 : i1 to i32
      %cond3A = arith.constant 0 : i32
      %cond3A_228 = arith.cmpi ne, %convert_element_type3A, %cond3A : i32
      scf.if %cond3A_228 {
        %dma_wait3A_330 = arith.constant 1 : i32
        %dma_wait3A_331 = arith.constant 0 : i32
        %dma_wait3A_332 = tpu.memref_slice %arg6[%dma_wait3A_330, %dma_wait3A_331] : memref<2x1280xi32, #tpu.memory_space<vmem>> -> memref<1x1280xi32, #tpu.memory_space<vmem>>
        %dma_wait3A_333 = tpu.memref_squeeze %dma_wait3A_332 : memref<1x1280xi32, #tpu.memory_space<vmem>> -> memref<1280xi32, #tpu.memory_space<vmem>>
        %dma_wait3A_334 = arith.constant 0 : i32
        %dma_wait3A_335 = tpu.memref_slice %arg2[%dma_wait3A_334] : memref<5120000xi32, #tpu.memory_space<hbm>> -> memref<1280xi32, #tpu.memory_space<hbm>>
        %dma_wait3A_336 = arith.constant 0 : i32
        %dma_wait3A_337 = tpu.memref_slice %arg6[%dma_wait3A_330, %dma_wait3A_336] : memref<2x1280xi32, #tpu.memory_space<vmem>> -> memref<1x1280xi32, #tpu.memory_space<vmem>>
        %dma_wait3A_338 = tpu.memref_squeeze %dma_wait3A_337 : memref<1x1280xi32, #tpu.memory_space<vmem>> -> memref<1280xi32, #tpu.memory_space<vmem>>
        %dma_wait3A_339 = arith.constant 0 : i32
        %dma_wait3A_340 = tpu.memref_slice %arg2[%dma_wait3A_339] : memref<5120000xi32, #tpu.memory_space<hbm>> -> memref<1280xi32, #tpu.memory_space<hbm>>
        tpu.wait_dma2 semaphore(%arg11 : memref<!tpu.dma_semaphore, #tpu.memory_space<semaphore_mem>>) src(%dma_wait3A_340 : memref<1280xi32, #tpu.memory_space<hbm>>) dst(%dma_wait3A_338 : memref<1280xi32, #tpu.memory_space<vmem>>)
        %dma_wait3A_341 = arith.constant 1 : i32
        %dma_wait3A_342 = arith.constant 0 : i32
        %dma_wait3A_343 = tpu.memref_slice %arg7[%dma_wait3A_341, %dma_wait3A_342] : memref<2x1280xf32, #tpu.memory_space<vmem>> -> memref<1x1280xf32, #tpu.memory_space<vmem>>
        %dma_wait3A_344 = tpu.memref_squeeze %dma_wait3A_343 : memref<1x1280xf32, #tpu.memory_space<vmem>> -> memref<1280xf32, #tpu.memory_space<vmem>>
        %dma_wait3A_345 = arith.constant 0 : i32
        %dma_wait3A_346 = tpu.memref_slice %arg3[%dma_wait3A_345] : memref<5120000xf32, #tpu.memory_space<hbm>> -> memref<1280xf32, #tpu.memory_space<hbm>>
        %dma_wait3A_347 = arith.constant 0 : i32
        %dma_wait3A_348 = tpu.memref_slice %arg7[%dma_wait3A_341, %dma_wait3A_347] : memref<2x1280xf32, #tpu.memory_space<vmem>> -> memref<1x1280xf32, #tpu.memory_space<vmem>>
        %dma_wait3A_349 = tpu.memref_squeeze %dma_wait3A_348 : memref<1x1280xf32, #tpu.memory_space<vmem>> -> memref<1280xf32, #tpu.memory_space<vmem>>
        %dma_wait3A_350 = arith.constant 0 : i32
        %dma_wait3A_351 = tpu.memref_slice %arg3[%dma_wait3A_350] : memref<5120000xf32, #tpu.memory_space<hbm>> -> memref<1280xf32, #tpu.memory_space<hbm>>
        tpu.wait_dma2 semaphore(%arg11 : memref<!tpu.dma_semaphore, #tpu.memory_space<semaphore_mem>>) src(%dma_wait3A_351 : memref<1280xf32, #tpu.memory_space<hbm>>) dst(%dma_wait3A_349 : memref<1280xf32, #tpu.memory_space<vmem>>)
        %dma_start3A_352 = arith.constant 1 : i32
        %dma_start3A_353 = arith.constant 1 : i32
        %dma_start3A_354 = arith.constant 0 : i32
        %dma_start3A_355 = arith.constant 0 : i32
        %dma_start3A_356 = tpu.memref_slice %arg8[%dma_start3A_353, %dma_start3A_354, %dma_start3A_355] : memref<2x1280x32xf32, #tpu.memory_space<vmem>> -> memref<1x128x32xf32, #tpu.memory_space<vmem>>
        %dma_start3A_357 = tpu.memref_squeeze %dma_start3A_356 : memref<1x128x32xf32, #tpu.memory_space<vmem>> -> memref<128x32xf32, #tpu.memory_space<vmem>>
        %dma_start3A_358 = arith.constant 0 : i32
        %dma_start3A_359 = tpu.memref_slice %arg6[%dma_start3A_352, %dma_start3A_358] : memref<2x1280xi32, #tpu.memory_space<vmem>> -> memref<1x128xi32, #tpu.memory_space<vmem>>
        %dma_start3A_360 = tpu.memref_squeeze %dma_start3A_359 : memref<1x128xi32, #tpu.memory_space<vmem>> -> memref<128xi32, #tpu.memory_space<vmem>>
        %dma_start3A_361 = arith.constant 0 : i32
        %dma_start3A_362 = arith.constant 0 : i32
        %dma_start3A_363 = tpu.memref_slice %arg4[%dma_start3A_361, %dma_start3A_362] : memref<160000x32xf32, #tpu.memory_space<hbm>> -> memref<160000x32xf32, #tpu.memory_space<hbm>>
        tpu.enqueue_indirect_dma source(%dma_start3A_363 : memref<160000x32xf32, #tpu.memory_space<hbm>>) target(%dma_start3A_357 : memref<128x32xf32, #tpu.memory_space<vmem>>) offsets(%dma_start3A_360 : memref<128xi32, #tpu.memory_space<vmem>>) semaphore(%arg13 : memref<!tpu.dma_semaphore, #tpu.memory_space<semaphore_mem>>)
        %dma_start3A_364 = arith.constant 1 : i32
        %dma_start3A_365 = arith.constant 1 : i32
        %dma_start3A_366 = arith.constant 128 : i32
        %dma_start3A_367 = arith.constant 0 : i32
        %dma_start3A_368 = tpu.memref_slice %arg8[%dma_start3A_365, %dma_start3A_366, %dma_start3A_367] : memref<2x1280x32xf32, #tpu.memory_space<vmem>> -> memref<1x128x32xf32, #tpu.memory_space<vmem>>
        %dma_start3A_369 = tpu.memref_squeeze %dma_start3A_368 : memref<1x128x32xf32, #tpu.memory_space<vmem>> -> memref<128x32xf32, #tpu.memory_space<vmem>>
        %dma_start3A_370 = arith.constant 128 : i32
        %dma_start3A_371 = tpu.memref_slice %arg6[%dma_start3A_364, %dma_start3A_370] : memref<2x1280xi32, #tpu.memory_space<vmem>> -> memref<1x128xi32, #tpu.memory_space<vmem>>
        %dma_start3A_372 = tpu.memref_squeeze %dma_start3A_371 : memref<1x128xi32, #tpu.memory_space<vmem>> -> memref<128xi32, #tpu.memory_space<vmem>>
        %dma_start3A_373 = arith.constant 0 : i32
        %dma_start3A_374 = arith.constant 0 : i32
        %dma_start3A_375 = tpu.memref_slice %arg4[%dma_start3A_373, %dma_start3A_374] : memref<160000x32xf32, #tpu.memory_space<hbm>> -> memref<160000x32xf32, #tpu.memory_space<hbm>>
        tpu.enqueue_indirect_dma source(%dma_start3A_375 : memref<160000x32xf32, #tpu.memory_space<hbm>>) target(%dma_start3A_369 : memref<128x32xf32, #tpu.memory_space<vmem>>) offsets(%dma_start3A_372 : memref<128xi32, #tpu.memory_space<vmem>>) semaphore(%arg13 : memref<!tpu.dma_semaphore, #tpu.memory_space<semaphore_mem>>)
        %dma_start3A_376 = arith.constant 1 : i32
        %dma_start3A_377 = arith.constant 1 : i32
        %dma_start3A_378 = arith.constant 256 : i32
        %dma_start3A_379 = arith.constant 0 : i32
        %dma_start3A_380 = tpu.memref_slice %arg8[%dma_start3A_377, %dma_start3A_378, %dma_start3A_379] : memref<2x1280x32xf32, #tpu.memory_space<vmem>> -> memref<1x128x32xf32, #tpu.memory_space<vmem>>
        %dma_start3A_381 = tpu.memref_squeeze %dma_start3A_380 : memref<1x128x32xf32, #tpu.memory_space<vmem>> -> memref<128x32xf32, #tpu.memory_space<vmem>>
        %dma_start3A_382 = arith.constant 256 : i32
        %dma_start3A_383 = tpu.memref_slice %arg6[%dma_start3A_376, %dma_start3A_382] : memref<2x1280xi32, #tpu.memory_space<vmem>> -> memref<1x128xi32, #tpu.memory_space<vmem>>
        %dma_start3A_384 = tpu.memref_squeeze %dma_start3A_383 : memref<1x128xi32, #tpu.memory_space<vmem>> -> memref<128xi32, #tpu.memory_space<vmem>>
        %dma_start3A_385 = arith.constant 0 : i32
        %dma_start3A_386 = arith.constant 0 : i32
        %dma_start3A_387 = tpu.memref_slice %arg4[%dma_start3A_385, %dma_start3A_386] : memref<160000x32xf32, #tpu.memory_space<hbm>> -> memref<160000x32xf32, #tpu.memory_space<hbm>>
        tpu.enqueue_indirect_dma source(%dma_start3A_387 : memref<160000x32xf32, #tpu.memory_space<hbm>>) target(%dma_start3A_381 : memref<128x32xf32, #tpu.memory_space<vmem>>) offsets(%dma_start3A_384 : memref<128xi32, #tpu.memory_space<vmem>>) semaphore(%arg13 : memref<!tpu.dma_semaphore, #tpu.memory_space<semaphore_mem>>)
        %dma_start3A_388 = arith.constant 1 : i32
        %dma_start3A_389 = arith.constant 1 : i32
        %dma_start3A_390 = arith.constant 384 : i32
        %dma_start3A_391 = arith.constant 0 : i32
        %dma_start3A_392 = tpu.memref_slice %arg8[%dma_start3A_389, %dma_start3A_390, %dma_start3A_391] : memref<2x1280x32xf32, #tpu.memory_space<vmem>> -> memref<1x128x32xf32, #tpu.memory_space<vmem>>
        %dma_start3A_393 = tpu.memref_squeeze %dma_start3A_392 : memref<1x128x32xf32, #tpu.memory_space<vmem>> -> memref<128x32xf32, #tpu.memory_space<vmem>>
        %dma_start3A_394 = arith.constant 384 : i32
        %dma_start3A_395 = tpu.memref_slice %arg6[%dma_start3A_388, %dma_start3A_394] : memref<2x1280xi32, #tpu.memory_space<vmem>> -> memref<1x128xi32, #tpu.memory_space<vmem>>
        %dma_start3A_396 = tpu.memref_squeeze %dma_start3A_395 : memref<1x128xi32, #tpu.memory_space<vmem>> -> memref<128xi32, #tpu.memory_space<vmem>>
        %dma_start3A_397 = arith.constant 0 : i32
        %dma_start3A_398 = arith.constant 0 : i32
        %dma_start3A_399 = tpu.memref_slice %arg4[%dma_start3A_397, %dma_start3A_398] : memref<160000x32xf32, #tpu.memory_space<hbm>> -> memref<160000x32xf32, #tpu.memory_space<hbm>>
        tpu.enqueue_indirect_dma source(%dma_start3A_399 : memref<160000x32xf32, #tpu.memory_space<hbm>>) target(%dma_start3A_393 : memref<128x32xf32, #tpu.memory_space<vmem>>) offsets(%dma_start3A_396 : memref<128xi32, #tpu.memory_space<vmem>>) semaphore(%arg13 : memref<!tpu.dma_semaphore, #tpu.memory_space<semaphore_mem>>)
        %dma_start3A_400 = arith.constant 1 : i32
        %dma_start3A_401 = arith.constant 1 : i32
        %dma_start3A_402 = arith.constant 512 : i32
        %dma_start3A_403 = arith.constant 0 : i32
        %dma_start3A_404 = tpu.memref_slice %arg8[%dma_start3A_401, %dma_start3A_402, %dma_start3A_403] : memref<2x1280x32xf32, #tpu.memory_space<vmem>> -> memref<1x128x32xf32, #tpu.memory_space<vmem>>
        %dma_start3A_405 = tpu.memref_squeeze %dma_start3A_404 : memref<1x128x32xf32, #tpu.memory_space<vmem>> -> memref<128x32xf32, #tpu.memory_space<vmem>>
        %dma_start3A_406 = arith.constant 512 : i32
        %dma_start3A_407 = tpu.memref_slice %arg6[%dma_start3A_400, %dma_start3A_406] : memref<2x1280xi32, #tpu.memory_space<vmem>> -> memref<1x128xi32, #tpu.memory_space<vmem>>
        %dma_start3A_408 = tpu.memref_squeeze %dma_start3A_407 : memref<1x128xi32, #tpu.memory_space<vmem>> -> memref<128xi32, #tpu.memory_space<vmem>>
        %dma_start3A_409 = arith.constant 0 : i32
        %dma_start3A_410 = arith.constant 0 : i32
        %dma_start3A_411 = tpu.memref_slice %arg4[%dma_start3A_409, %dma_start3A_410] : memref<160000x32xf32, #tpu.memory_space<hbm>> -> memref<160000x32xf32, #tpu.memory_space<hbm>>
        tpu.enqueue_indirect_dma source(%dma_start3A_411 : memref<160000x32xf32, #tpu.memory_space<hbm>>) target(%dma_start3A_405 : memref<128x32xf32, #tpu.memory_space<vmem>>) offsets(%dma_start3A_408 : memref<128xi32, #tpu.memory_space<vmem>>) semaphore(%arg13 : memref<!tpu.dma_semaphore, #tpu.memory_space<semaphore_mem>>)
        %dma_start3A_412 = arith.constant 1 : i32
        %dma_start3A_413 = arith.constant 1 : i32
        %dma_start3A_414 = arith.constant 640 : i32
        %dma_start3A_415 = arith.constant 0 : i32
        %dma_start3A_416 = tpu.memref_slice %arg8[%dma_start3A_413, %dma_start3A_414, %dma_start3A_415] : memref<2x1280x32xf32, #tpu.memory_space<vmem>> -> memref<1x128x32xf32, #tpu.memory_space<vmem>>
        %dma_start3A_417 = tpu.memref_squeeze %dma_start3A_416 : memref<1x128x32xf32, #tpu.memory_space<vmem>> -> memref<128x32xf32, #tpu.memory_space<vmem>>
        %dma_start3A_418 = arith.constant 640 : i32
        %dma_start3A_419 = tpu.memref_slice %arg6[%dma_start3A_412, %dma_start3A_418] : memref<2x1280xi32, #tpu.memory_space<vmem>> -> memref<1x128xi32, #tpu.memory_space<vmem>>
        %dma_start3A_420 = tpu.memref_squeeze %dma_start3A_419 : memref<1x128xi32, #tpu.memory_space<vmem>> -> memref<128xi32, #tpu.memory_space<vmem>>
        %dma_start3A_421 = arith.constant 0 : i32
        %dma_start3A_422 = arith.constant 0 : i32
        %dma_start3A_423 = tpu.memref_slice %arg4[%dma_start3A_421, %dma_start3A_422] : memref<160000x32xf32, #tpu.memory_space<hbm>> -> memref<160000x32xf32, #tpu.memory_space<hbm>>
        tpu.enqueue_indirect_dma source(%dma_start3A_423 : memref<160000x32xf32, #tpu.memory_space<hbm>>) target(%dma_start3A_417 : memref<128x32xf32, #tpu.memory_space<vmem>>) offsets(%dma_start3A_420 : memref<128xi32, #tpu.memory_space<vmem>>) semaphore(%arg13 : memref<!tpu.dma_semaphore, #tpu.memory_space<semaphore_mem>>)
        %dma_start3A_424 = arith.constant 1 : i32
        %dma_start3A_425 = arith.constant 1 : i32
        %dma_start3A_426 = arith.constant 768 : i32
        %dma_start3A_427 = arith.constant 0 : i32
        %dma_start3A_428 = tpu.memref_slice %arg8[%dma_start3A_425, %dma_start3A_426, %dma_start3A_427] : memref<2x1280x32xf32, #tpu.memory_space<vmem>> -> memref<1x128x32xf32, #tpu.memory_space<vmem>>
        %dma_start3A_429 = tpu.memref_squeeze %dma_start3A_428 : memref<1x128x32xf32, #tpu.memory_space<vmem>> -> memref<128x32xf32, #tpu.memory_space<vmem>>
        %dma_start3A_430 = arith.constant 768 : i32
        %dma_start3A_431 = tpu.memref_slice %arg6[%dma_start3A_424, %dma_start3A_430] : memref<2x1280xi32, #tpu.memory_space<vmem>> -> memref<1x128xi32, #tpu.memory_space<vmem>>
        %dma_start3A_432 = tpu.memref_squeeze %dma_start3A_431 : memref<1x128xi32, #tpu.memory_space<vmem>> -> memref<128xi32, #tpu.memory_space<vmem>>
        %dma_start3A_433 = arith.constant 0 : i32
        %dma_start3A_434 = arith.constant 0 : i32
        %dma_start3A_435 = tpu.memref_slice %arg4[%dma_start3A_433, %dma_start3A_434] : memref<160000x32xf32, #tpu.memory_space<hbm>> -> memref<160000x32xf32, #tpu.memory_space<hbm>>
        tpu.enqueue_indirect_dma source(%dma_start3A_435 : memref<160000x32xf32, #tpu.memory_space<hbm>>) target(%dma_start3A_429 : memref<128x32xf32, #tpu.memory_space<vmem>>) offsets(%dma_start3A_432 : memref<128xi32, #tpu.memory_space<vmem>>) semaphore(%arg13 : memref<!tpu.dma_semaphore, #tpu.memory_space<semaphore_mem>>)
        %dma_start3A_436 = arith.constant 1 : i32
        %dma_start3A_437 = arith.constant 1 : i32
        %dma_start3A_438 = arith.constant 896 : i32
        %dma_start3A_439 = arith.constant 0 : i32
        %dma_start3A_440 = tpu.memref_slice %arg8[%dma_start3A_437, %dma_start3A_438, %dma_start3A_439] : memref<2x1280x32xf32, #tpu.memory_space<vmem>> -> memref<1x128x32xf32, #tpu.memory_space<vmem>>
        %dma_start3A_441 = tpu.memref_squeeze %dma_start3A_440 : memref<1x128x32xf32, #tpu.memory_space<vmem>> -> memref<128x32xf32, #tpu.memory_space<vmem>>
        %dma_start3A_442 = arith.constant 896 : i32
        %dma_start3A_443 = tpu.memref_slice %arg6[%dma_start3A_436, %dma_start3A_442] : memref<2x1280xi32, #tpu.memory_space<vmem>> -> memref<1x128xi32, #tpu.memory_space<vmem>>
        %dma_start3A_444 = tpu.memref_squeeze %dma_start3A_443 : memref<1x128xi32, #tpu.memory_space<vmem>> -> memref<128xi32, #tpu.memory_space<vmem>>
        %dma_start3A_445 = arith.constant 0 : i32
        %dma_start3A_446 = arith.constant 0 : i32
        %dma_start3A_447 = tpu.memref_slice %arg4[%dma_start3A_445, %dma_start3A_446] : memref<160000x32xf32, #tpu.memory_space<hbm>> -> memref<160000x32xf32, #tpu.memory_space<hbm>>
        tpu.enqueue_indirect_dma source(%dma_start3A_447 : memref<160000x32xf32, #tpu.memory_space<hbm>>) target(%dma_start3A_441 : memref<128x32xf32, #tpu.memory_space<vmem>>) offsets(%dma_start3A_444 : memref<128xi32, #tpu.memory_space<vmem>>) semaphore(%arg13 : memref<!tpu.dma_semaphore, #tpu.memory_space<semaphore_mem>>)
        %dma_start3A_448 = arith.constant 1 : i32
        %dma_start3A_449 = arith.constant 1 : i32
        %dma_start3A_450 = arith.constant 1024 : i32
        %dma_start3A_451 = arith.constant 0 : i32
        %dma_start3A_452 = tpu.memref_slice %arg8[%dma_start3A_449, %dma_start3A_450, %dma_start3A_451] : memref<2x1280x32xf32, #tpu.memory_space<vmem>> -> memref<1x128x32xf32, #tpu.memory_space<vmem>>
        %dma_start3A_453 = tpu.memref_squeeze %dma_start3A_452 : memref<1x128x32xf32, #tpu.memory_space<vmem>> -> memref<128x32xf32, #tpu.memory_space<vmem>>
        %dma_start3A_454 = arith.constant 1024 : i32
        %dma_start3A_455 = tpu.memref_slice %arg6[%dma_start3A_448, %dma_start3A_454] : memref<2x1280xi32, #tpu.memory_space<vmem>> -> memref<1x128xi32, #tpu.memory_space<vmem>>
        %dma_start3A_456 = tpu.memref_squeeze %dma_start3A_455 : memref<1x128xi32, #tpu.memory_space<vmem>> -> memref<128xi32, #tpu.memory_space<vmem>>
        %dma_start3A_457 = arith.constant 0 : i32
        %dma_start3A_458 = arith.constant 0 : i32
        %dma_start3A_459 = tpu.memref_slice %arg4[%dma_start3A_457, %dma_start3A_458] : memref<160000x32xf32, #tpu.memory_space<hbm>> -> memref<160000x32xf32, #tpu.memory_space<hbm>>
        tpu.enqueue_indirect_dma source(%dma_start3A_459 : memref<160000x32xf32, #tpu.memory_space<hbm>>) target(%dma_start3A_453 : memref<128x32xf32, #tpu.memory_space<vmem>>) offsets(%dma_start3A_456 : memref<128xi32, #tpu.memory_space<vmem>>) semaphore(%arg13 : memref<!tpu.dma_semaphore, #tpu.memory_space<semaphore_mem>>)
        %dma_start3A_460 = arith.constant 1 : i32
        %dma_start3A_461 = arith.constant 1 : i32
        %dma_start3A_462 = arith.constant 1152 : i32
        %dma_start3A_463 = arith.constant 0 : i32
        %dma_start3A_464 = tpu.memref_slice %arg8[%dma_start3A_461, %dma_start3A_462, %dma_start3A_463] : memref<2x1280x32xf32, #tpu.memory_space<vmem>> -> memref<1x128x32xf32, #tpu.memory_space<vmem>>
        %dma_start3A_465 = tpu.memref_squeeze %dma_start3A_464 : memref<1x128x32xf32, #tpu.memory_space<vmem>> -> memref<128x32xf32, #tpu.memory_space<vmem>>
        %dma_start3A_466 = arith.constant 1152 : i32
        %dma_start3A_467 = tpu.memref_slice %arg6[%dma_start3A_460, %dma_start3A_466] : memref<2x1280xi32, #tpu.memory_space<vmem>> -> memref<1x128xi32, #tpu.memory_space<vmem>>
        %dma_start3A_468 = tpu.memref_squeeze %dma_start3A_467 : memref<1x128xi32, #tpu.memory_space<vmem>> -> memref<128xi32, #tpu.memory_space<vmem>>
        %dma_start3A_469 = arith.constant 0 : i32
        %dma_start3A_470 = arith.constant 0 : i32
        %dma_start3A_471 = tpu.memref_slice %arg4[%dma_start3A_469, %dma_start3A_470] : memref<160000x32xf32, #tpu.memory_space<hbm>> -> memref<160000x32xf32, #tpu.memory_space<hbm>>
        tpu.enqueue_indirect_dma source(%dma_start3A_471 : memref<160000x32xf32, #tpu.memory_space<hbm>>) target(%dma_start3A_465 : memref<128x32xf32, #tpu.memory_space<vmem>>) offsets(%dma_start3A_468 : memref<128xi32, #tpu.memory_space<vmem>>) semaphore(%arg13 : memref<!tpu.dma_semaphore, #tpu.memory_space<semaphore_mem>>)
      } else {
      }
      %dma_wait3A_229 = arith.constant 0 : i32
      %dma_wait3A_230 = arith.constant 0 : i32
      %dma_wait3A_231 = arith.constant 0 : i32
      %dma_wait3A_232 = tpu.memref_slice %arg8[%dma_wait3A_229, %dma_wait3A_230, %dma_wait3A_231] : memref<2x1280x32xf32, #tpu.memory_space<vmem>> -> memref<1x1280x32xf32, #tpu.memory_space<vmem>>
      %dma_wait3A_233 = tpu.memref_squeeze %dma_wait3A_232 : memref<1x1280x32xf32, #tpu.memory_space<vmem>> -> memref<1280x32xf32, #tpu.memory_space<vmem>>
      %dma_wait3A_234 = arith.constant 0 : i32
      %dma_wait3A_235 = arith.constant 0 : i32
      %dma_wait3A_236 = tpu.memref_slice %arg4[%dma_wait3A_234, %dma_wait3A_235] : memref<160000x32xf32, #tpu.memory_space<hbm>> -> memref<1280x32xf32, #tpu.memory_space<hbm>>
      %dma_wait3A_237 = arith.constant 0 : i32
      %dma_wait3A_238 = arith.constant 0 : i32
      %dma_wait3A_239 = tpu.memref_slice %arg8[%dma_wait3A_229, %dma_wait3A_237, %dma_wait3A_238] : memref<2x1280x32xf32, #tpu.memory_space<vmem>> -> memref<1x1280x32xf32, #tpu.memory_space<vmem>>
      %dma_wait3A_240 = tpu.memref_squeeze %dma_wait3A_239 : memref<1x1280x32xf32, #tpu.memory_space<vmem>> -> memref<1280x32xf32, #tpu.memory_space<vmem>>
      %dma_wait3A_241 = arith.constant 0 : i32
      %dma_wait3A_242 = arith.constant 0 : i32
      %dma_wait3A_243 = tpu.memref_slice %arg4[%dma_wait3A_241, %dma_wait3A_242] : memref<160000x32xf32, #tpu.memory_space<hbm>> -> memref<1280x32xf32, #tpu.memory_space<hbm>>
      tpu.wait_dma2 semaphore(%arg12 : memref<!tpu.dma_semaphore, #tpu.memory_space<semaphore_mem>>) src(%dma_wait3A_243 : memref<1280x32xf32, #tpu.memory_space<hbm>>) dst(%dma_wait3A_240 : memref<1280x32xf32, #tpu.memory_space<vmem>>)
      %ge3A = arith.constant 2 : i32
      %ge3A_244 = arith.cmpi sge, %mul3A_226, %ge3A : i32
      %convert_element_type3A_245 = arith.extui %ge3A_244 : i1 to i32
      %cond3A_246 = arith.constant 0 : i32
      %cond3A_247 = arith.cmpi ne, %convert_element_type3A_245, %cond3A_246 : i32
      scf.if %cond3A_247 {
        %dma_wait3A_330 = arith.constant 0 : i32
        %dma_wait3A_331 = arith.constant 0 : i32
        %dma_wait3A_332 = tpu.memref_slice %arg9[%dma_wait3A_330, %dma_wait3A_331] : memref<2x1280xf32, #tpu.memory_space<vmem>> -> memref<1x1280xf32, #tpu.memory_space<vmem>>
        %dma_wait3A_333 = tpu.memref_squeeze %dma_wait3A_332 : memref<1x1280xf32, #tpu.memory_space<vmem>> -> memref<1280xf32, #tpu.memory_space<vmem>>
        %dma_wait3A_334 = arith.constant 0 : i32
        %dma_wait3A_335 = tpu.memref_slice %arg5[%dma_wait3A_334] : memref<5120000xf32, #tpu.memory_space<hbm>> -> memref<1280xf32, #tpu.memory_space<hbm>>
        %dma_wait3A_336 = arith.constant 0 : i32
        %dma_wait3A_337 = tpu.memref_slice %arg5[%dma_wait3A_336] : memref<5120000xf32, #tpu.memory_space<hbm>> -> memref<1280xf32, #tpu.memory_space<hbm>>
        %dma_wait3A_338 = arith.constant 0 : i32
        %dma_wait3A_339 = tpu.memref_slice %arg9[%dma_wait3A_330, %dma_wait3A_338] : memref<2x1280xf32, #tpu.memory_space<vmem>> -> memref<1x1280xf32, #tpu.memory_space<vmem>>
        %dma_wait3A_340 = tpu.memref_squeeze %dma_wait3A_339 : memref<1x1280xf32, #tpu.memory_space<vmem>> -> memref<1280xf32, #tpu.memory_space<vmem>>
        tpu.wait_dma2 semaphore(%arg14 : memref<!tpu.dma_semaphore, #tpu.memory_space<semaphore_mem>>) src(%dma_wait3A_340 : memref<1280xf32, #tpu.memory_space<vmem>>) dst(%dma_wait3A_337 : memref<1280xf32, #tpu.memory_space<hbm>>)
      } else {
      }
      %scan3A_248 = arith.constant 0 : i32
      %scan3A_249 = arith.constant 0 : i32
      %scan3A_250 = arith.constant 40 : i32
      %scan3A_251 = arith.addi %scan3A_249, %scan3A_250 : i32
      %scan3A_252 = arith.constant 1 : i32
      scf.for %scan3A_330 = %scan3A_249 to %scan3A_251 step %scan3A_252  : i32 {
        %mul3A_331 = arith.constant 32 : i32
        %mul3A_332 = arith.muli %scan3A_330, %mul3A_331 : i32
        %get3A = arith.constant 0 : i32
        %get3A_333 = arith.index_cast %get3A : i32 to index
        %get3A_334 = arith.index_cast %mul3A_332 : i32 to index
        %get3A_335 = tpu.vector_load %arg7[%get3A_333, %get3A_334] {strides = array<i32>} : memref<2x1280xf32, #tpu.memory_space<vmem>>, vector<1x16xf32>,
        %get3A_336 = vector.shape_cast %get3A_335 : vector<1x16xf32> to vector<16xf32>
        %add3A_337 = arith.constant 16 : i32
        %add3A_338 = arith.addi %mul3A_332, %add3A_337 : i32
        %get3A_339 = arith.constant 0 : i32
        %get3A_340 = arith.index_cast %get3A_339 : i32 to index
        %get3A_341 = arith.index_cast %add3A_338 : i32 to index
        %get3A_342 = tpu.vector_load %arg7[%get3A_340, %get3A_341] {strides = array<i32>} : memref<2x1280xf32, #tpu.memory_space<vmem>>, vector<1x16xf32>,
        %get3A_343 = vector.shape_cast %get3A_342 : vector<1x16xf32> to vector<16xf32>
        %broadcast_in_dim3A = arith.constant 0.000000e+00 : f32
        %broadcast_in_dim3A_344 = vector.broadcast %broadcast_in_dim3A : f32 to vector<16xf32>
        %broadcast_in_dim3A_345 = arith.constant 0.000000e+00 : f32
        %broadcast_in_dim3A_346 = vector.broadcast %broadcast_in_dim3A_345 : f32 to vector<16xf32>
        %broadcast_in_dim3A_347 = arith.constant 0.000000e+00 : f32
        %broadcast_in_dim3A_348 = vector.broadcast %broadcast_in_dim3A_347 : f32 to vector<16xf32>
        %broadcast_in_dim3A_349 = arith.constant 0.000000e+00 : f32
        %broadcast_in_dim3A_350 = vector.broadcast %broadcast_in_dim3A_349 : f32 to vector<16xf32>
        %slice3A = vector.extract_strided_slice %get3A_336 {offsets = [0], sizes = [1], strides = [1]} : vector<16xf32> to vector<1xf32>
        %squeeze3A = vector.extract %slice3A[0] : f32 from vector<1xf32>
        %slice3A_351 = vector.extract_strided_slice %get3A_343 {offsets = [0], sizes = [1], strides = [1]} : vector<16xf32> to vector<1xf32>
        %squeeze3A_352 = vector.extract %slice3A_351[0] : f32 from vector<1xf32>
        %add3A_353 = arith.constant 0 : i32
        %add3A_354 = arith.addi %mul3A_332, %add3A_353 : i32
        %get3A_355 = arith.constant 0 : i32
        %get3A_356 = arith.index_cast %get3A_355 : i32 to index
        %get3A_357 = arith.index_cast %add3A_354 : i32 to index
        %get3A_358 = arith.constant 0 : index
        %get3A_359 = tpu.vector_load %arg8[%get3A_356, %get3A_357, %get3A_358] {strides = array<i32>} : memref<2x1280x32xf32, #tpu.memory_space<vmem>>, vector<1x1x16xf32>,
        %get3A_360 = vector.shape_cast %get3A_359 : vector<1x1x16xf32> to vector<16xf32>
        %mul3A_361 = vector.broadcast %squeeze3A : f32 to vector<16xf32>
        %mul3A_362 = arith.mulf %mul3A_361, %get3A_360 : vector<16xf32>
        %add3A_363 = arith.addf %broadcast_in_dim3A_344, %mul3A_362 : vector<16xf32>
        %add3A_364 = arith.constant 0 : i32
        %add3A_365 = arith.addi %mul3A_332, %add3A_364 : i32
        %get3A_366 = arith.constant 0 : i32
        %get3A_367 = arith.index_cast %get3A_366 : i32 to index
        %get3A_368 = arith.index_cast %add3A_365 : i32 to index
        %get3A_369 = arith.constant 16 : index
        %get3A_370 = tpu.vector_load %arg8[%get3A_367, %get3A_368, %get3A_369] {strides = array<i32>} : memref<2x1280x32xf32, #tpu.memory_space<vmem>>, vector<1x1x16xf32>,
        %get3A_371 = vector.shape_cast %get3A_370 : vector<1x1x16xf32> to vector<16xf32>
        %mul3A_372 = vector.broadcast %squeeze3A : f32 to vector<16xf32>
        %mul3A_373 = arith.mulf %mul3A_372, %get3A_371 : vector<16xf32>
        %add3A_374 = arith.addf %broadcast_in_dim3A_346, %mul3A_373 : vector<16xf32>
        %add3A_375 = arith.constant 16 : i32
        %add3A_376 = arith.addi %mul3A_332, %add3A_375 : i32
        %add3A_377 = arith.constant 0 : i32
        %add3A_378 = arith.addi %add3A_376, %add3A_377 : i32
        %get3A_379 = arith.constant 0 : i32
        %get3A_380 = arith.index_cast %get3A_379 : i32 to index
        %get3A_381 = arith.index_cast %add3A_378 : i32 to index
        %get3A_382 = arith.constant 0 : index
        %get3A_383 = tpu.vector_load %arg8[%get3A_380, %get3A_381, %get3A_382] {strides = array<i32>} : memref<2x1280x32xf32, #tpu.memory_space<vmem>>, vector<1x1x16xf32>,
        %get3A_384 = vector.shape_cast %get3A_383 : vector<1x1x16xf32> to vector<16xf32>
        %mul3A_385 = vector.broadcast %squeeze3A_352 : f32 to vector<16xf32>
        %mul3A_386 = arith.mulf %mul3A_385, %get3A_384 : vector<16xf32>
        %add3A_387 = arith.addf %broadcast_in_dim3A_348, %mul3A_386 : vector<16xf32>
        %add3A_388 = arith.constant 16 : i32
        %add3A_389 = arith.addi %mul3A_332, %add3A_388 : i32
        %add3A_390 = arith.constant 0 : i32
        %add3A_391 = arith.addi %add3A_389, %add3A_390 : i32
        %get3A_392 = arith.constant 0 : i32
        %get3A_393 = arith.index_cast %get3A_392 : i32 to index
        %get3A_394 = arith.index_cast %add3A_391 : i32 to index
        %get3A_395 = arith.constant 16 : index
        %get3A_396 = tpu.vector_load %arg8[%get3A_393, %get3A_394, %get3A_395] {strides = array<i32>} : memref<2x1280x32xf32, #tpu.memory_space<vmem>>, vector<1x1x16xf32>,
        %get3A_397 = vector.shape_cast %get3A_396 : vector<1x1x16xf32> to vector<16xf32>
        %mul3A_398 = vector.broadcast %squeeze3A_352 : f32 to vector<16xf32>
        %mul3A_399 = arith.mulf %mul3A_398, %get3A_397 : vector<16xf32>
        %add3A_400 = arith.addf %broadcast_in_dim3A_350, %mul3A_399 : vector<16xf32>
        %slice3A_401 = vector.extract_strided_slice %get3A_336 {offsets = [1], sizes = [1], strides = [1]} : vector<16xf32> to vector<1xf32>
        %squeeze3A_402 = vector.extract %slice3A_401[0] : f32 from vector<1xf32>
        %slice3A_403 = vector.extract_strided_slice %get3A_343 {offsets = [1], sizes = [1], strides = [1]} : vector<16xf32> to vector<1xf32>
        %squeeze3A_404 = vector.extract %slice3A_403[0] : f32 from vector<1xf32>
        %add3A_405 = arith.constant 1 : i32
        %add3A_406 = arith.addi %mul3A_332, %add3A_405 : i32
        %get3A_407 = arith.constant 0 : i32
        %get3A_408 = arith.index_cast %get3A_407 : i32 to index
        %get3A_409 = arith.index_cast %add3A_406 : i32 to index
        %get3A_410 = arith.constant 0 : index
        %get3A_411 = tpu.vector_load %arg8[%get3A_408, %get3A_409, %get3A_410] {strides = array<i32>} : memref<2x1280x32xf32, #tpu.memory_space<vmem>>, vector<1x1x16xf32>,
        %get3A_412 = vector.shape_cast %get3A_411 : vector<1x1x16xf32> to vector<16xf32>
        %mul3A_413 = vector.broadcast %squeeze3A_402 : f32 to vector<16xf32>
        %mul3A_414 = arith.mulf %mul3A_413, %get3A_412 : vector<16xf32>
        %add3A_415 = arith.addf %add3A_363, %mul3A_414 : vector<16xf32>
        %add3A_416 = arith.constant 1 : i32
        %add3A_417 = arith.addi %mul3A_332, %add3A_416 : i32
        %get3A_418 = arith.constant 0 : i32
        %get3A_419 = arith.index_cast %get3A_418 : i32 to index
        %get3A_420 = arith.index_cast %add3A_417 : i32 to index
        %get3A_421 = arith.constant 16 : index
        %get3A_422 = tpu.vector_load %arg8[%get3A_419, %get3A_420, %get3A_421] {strides = array<i32>} : memref<2x1280x32xf32, #tpu.memory_space<vmem>>, vector<1x1x16xf32>,
        %get3A_423 = vector.shape_cast %get3A_422 : vector<1x1x16xf32> to vector<16xf32>
        %mul3A_424 = vector.broadcast %squeeze3A_402 : f32 to vector<16xf32>
        %mul3A_425 = arith.mulf %mul3A_424, %get3A_423 : vector<16xf32>
        %add3A_426 = arith.addf %add3A_374, %mul3A_425 : vector<16xf32>
        %add3A_427 = arith.constant 16 : i32
        %add3A_428 = arith.addi %mul3A_332, %add3A_427 : i32
        %add3A_429 = arith.constant 1 : i32
        %add3A_430 = arith.addi %add3A_428, %add3A_429 : i32
        %get3A_431 = arith.constant 0 : i32
        %get3A_432 = arith.index_cast %get3A_431 : i32 to index
        %get3A_433 = arith.index_cast %add3A_430 : i32 to index
        %get3A_434 = arith.constant 0 : index
        %get3A_435 = tpu.vector_load %arg8[%get3A_432, %get3A_433, %get3A_434] {strides = array<i32>} : memref<2x1280x32xf32, #tpu.memory_space<vmem>>, vector<1x1x16xf32>,
        %get3A_436 = vector.shape_cast %get3A_435 : vector<1x1x16xf32> to vector<16xf32>
        %mul3A_437 = vector.broadcast %squeeze3A_404 : f32 to vector<16xf32>
        %mul3A_438 = arith.mulf %mul3A_437, %get3A_436 : vector<16xf32>
        %add3A_439 = arith.addf %add3A_387, %mul3A_438 : vector<16xf32>
        %add3A_440 = arith.constant 16 : i32
        %add3A_441 = arith.addi %mul3A_332, %add3A_440 : i32
        %add3A_442 = arith.constant 1 : i32
        %add3A_443 = arith.addi %add3A_441, %add3A_442 : i32
        %get3A_444 = arith.constant 0 : i32
        %get3A_445 = arith.index_cast %get3A_444 : i32 to index
        %get3A_446 = arith.index_cast %add3A_443 : i32 to index
        %get3A_447 = arith.constant 16 : index
        %get3A_448 = tpu.vector_load %arg8[%get3A_445, %get3A_446, %get3A_447] {strides = array<i32>} : memref<2x1280x32xf32, #tpu.memory_space<vmem>>, vector<1x1x16xf32>,
        %get3A_449 = vector.shape_cast %get3A_448 : vector<1x1x16xf32> to vector<16xf32>
        %mul3A_450 = vector.broadcast %squeeze3A_404 : f32 to vector<16xf32>
        %mul3A_451 = arith.mulf %mul3A_450, %get3A_449 : vector<16xf32>
        %add3A_452 = arith.addf %add3A_400, %mul3A_451 : vector<16xf32>
        %slice3A_453 = vector.extract_strided_slice %get3A_336 {offsets = [2], sizes = [1], strides = [1]} : vector<16xf32> to vector<1xf32>
        %squeeze3A_454 = vector.extract %slice3A_453[0] : f32 from vector<1xf32>
        %slice3A_455 = vector.extract_strided_slice %get3A_343 {offsets = [2], sizes = [1], strides = [1]} : vector<16xf32> to vector<1xf32>
        %squeeze3A_456 = vector.extract %slice3A_455[0] : f32 from vector<1xf32>
        %add3A_457 = arith.constant 2 : i32
        %add3A_458 = arith.addi %mul3A_332, %add3A_457 : i32
        %get3A_459 = arith.constant 0 : i32
        %get3A_460 = arith.index_cast %get3A_459 : i32 to index
        %get3A_461 = arith.index_cast %add3A_458 : i32 to index
        %get3A_462 = arith.constant 0 : index
        %get3A_463 = tpu.vector_load %arg8[%get3A_460, %get3A_461, %get3A_462] {strides = array<i32>} : memref<2x1280x32xf32, #tpu.memory_space<vmem>>, vector<1x1x16xf32>,
        %get3A_464 = vector.shape_cast %get3A_463 : vector<1x1x16xf32> to vector<16xf32>
        %mul3A_465 = vector.broadcast %squeeze3A_454 : f32 to vector<16xf32>
        %mul3A_466 = arith.mulf %mul3A_465, %get3A_464 : vector<16xf32>
        %add3A_467 = arith.addf %add3A_415, %mul3A_466 : vector<16xf32>
        %add3A_468 = arith.constant 2 : i32
        %add3A_469 = arith.addi %mul3A_332, %add3A_468 : i32
        %get3A_470 = arith.constant 0 : i32
        %get3A_471 = arith.index_cast %get3A_470 : i32 to index
        %get3A_472 = arith.index_cast %add3A_469 : i32 to index
        %get3A_473 = arith.constant 16 : index
        %get3A_474 = tpu.vector_load %arg8[%get3A_471, %get3A_472, %get3A_473] {strides = array<i32>} : memref<2x1280x32xf32, #tpu.memory_space<vmem>>, vector<1x1x16xf32>,
        %get3A_475 = vector.shape_cast %get3A_474 : vector<1x1x16xf32> to vector<16xf32>
        %mul3A_476 = vector.broadcast %squeeze3A_454 : f32 to vector<16xf32>
        %mul3A_477 = arith.mulf %mul3A_476, %get3A_475 : vector<16xf32>
        %add3A_478 = arith.addf %add3A_426, %mul3A_477 : vector<16xf32>
        %add3A_479 = arith.constant 16 : i32
        %add3A_480 = arith.addi %mul3A_332, %add3A_479 : i32
        %add3A_481 = arith.constant 2 : i32
        %add3A_482 = arith.addi %add3A_480, %add3A_481 : i32
        %get3A_483 = arith.constant 0 : i32
        %get3A_484 = arith.index_cast %get3A_483 : i32 to index
        %get3A_485 = arith.index_cast %add3A_482 : i32 to index
        %get3A_486 = arith.constant 0 : index
        %get3A_487 = tpu.vector_load %arg8[%get3A_484, %get3A_485, %get3A_486] {strides = array<i32>} : memref<2x1280x32xf32, #tpu.memory_space<vmem>>, vector<1x1x16xf32>,
        %get3A_488 = vector.shape_cast %get3A_487 : vector<1x1x16xf32> to vector<16xf32>
        %mul3A_489 = vector.broadcast %squeeze3A_456 : f32 to vector<16xf32>
        %mul3A_490 = arith.mulf %mul3A_489, %get3A_488 : vector<16xf32>
        %add3A_491 = arith.addf %add3A_439, %mul3A_490 : vector<16xf32>
        %add3A_492 = arith.constant 16 : i32
        %add3A_493 = arith.addi %mul3A_332, %add3A_492 : i32
        %add3A_494 = arith.constant 2 : i32
        %add3A_495 = arith.addi %add3A_493, %add3A_494 : i32
        %get3A_496 = arith.constant 0 : i32
        %get3A_497 = arith.index_cast %get3A_496 : i32 to index
        %get3A_498 = arith.index_cast %add3A_495 : i32 to index
        %get3A_499 = arith.constant 16 : index
        %get3A_500 = tpu.vector_load %arg8[%get3A_497, %get3A_498, %get3A_499] {strides = array<i32>} : memref<2x1280x32xf32, #tpu.memory_space<vmem>>, vector<1x1x16xf32>,
        %get3A_501 = vector.shape_cast %get3A_500 : vector<1x1x16xf32> to vector<16xf32>
        %mul3A_502 = vector.broadcast %squeeze3A_456 : f32 to vector<16xf32>
        %mul3A_503 = arith.mulf %mul3A_502, %get3A_501 : vector<16xf32>
        %add3A_504 = arith.addf %add3A_452, %mul3A_503 : vector<16xf32>
        %slice3A_505 = vector.extract_strided_slice %get3A_336 {offsets = [3], sizes = [1], strides = [1]} : vector<16xf32> to vector<1xf32>
        %squeeze3A_506 = vector.extract %slice3A_505[0] : f32 from vector<1xf32>
        %slice3A_507 = vector.extract_strided_slice %get3A_343 {offsets = [3], sizes = [1], strides = [1]} : vector<16xf32> to vector<1xf32>
        %squeeze3A_508 = vector.extract %slice3A_507[0] : f32 from vector<1xf32>
        %add3A_509 = arith.constant 3 : i32
        %add3A_510 = arith.addi %mul3A_332, %add3A_509 : i32
        %get3A_511 = arith.constant 0 : i32
        %get3A_512 = arith.index_cast %get3A_511 : i32 to index
        %get3A_513 = arith.index_cast %add3A_510 : i32 to index
        %get3A_514 = arith.constant 0 : index
        %get3A_515 = tpu.vector_load %arg8[%get3A_512, %get3A_513, %get3A_514] {strides = array<i32>} : memref<2x1280x32xf32, #tpu.memory_space<vmem>>, vector<1x1x16xf32>,
        %get3A_516 = vector.shape_cast %get3A_515 : vector<1x1x16xf32> to vector<16xf32>
        %mul3A_517 = vector.broadcast %squeeze3A_506 : f32 to vector<16xf32>
        %mul3A_518 = arith.mulf %mul3A_517, %get3A_516 : vector<16xf32>
        %add3A_519 = arith.addf %add3A_467, %mul3A_518 : vector<16xf32>
        %add3A_520 = arith.constant 3 : i32
        %add3A_521 = arith.addi %mul3A_332, %add3A_520 : i32
        %get3A_522 = arith.constant 0 : i32
        %get3A_523 = arith.index_cast %get3A_522 : i32 to index
        %get3A_524 = arith.index_cast %add3A_521 : i32 to index
        %get3A_525 = arith.constant 16 : index
        %get3A_526 = tpu.vector_load %arg8[%get3A_523, %get3A_524, %get3A_525] {strides = array<i32>} : memref<2x1280x32xf32, #tpu.memory_space<vmem>>, vector<1x1x16xf32>,
        %get3A_527 = vector.shape_cast %get3A_526 : vector<1x1x16xf32> to vector<16xf32>
        %mul3A_528 = vector.broadcast %squeeze3A_506 : f32 to vector<16xf32>
        %mul3A_529 = arith.mulf %mul3A_528, %get3A_527 : vector<16xf32>
        %add3A_530 = arith.addf %add3A_478, %mul3A_529 : vector<16xf32>
        %add3A_531 = arith.constant 16 : i32
        %add3A_532 = arith.addi %mul3A_332, %add3A_531 : i32
        %add3A_533 = arith.constant 3 : i32
        %add3A_534 = arith.addi %add3A_532, %add3A_533 : i32
        %get3A_535 = arith.constant 0 : i32
        %get3A_536 = arith.index_cast %get3A_535 : i32 to index
        %get3A_537 = arith.index_cast %add3A_534 : i32 to index
        %get3A_538 = arith.constant 0 : index
        %get3A_539 = tpu.vector_load %arg8[%get3A_536, %get3A_537, %get3A_538] {strides = array<i32>} : memref<2x1280x32xf32, #tpu.memory_space<vmem>>, vector<1x1x16xf32>,
        %get3A_540 = vector.shape_cast %get3A_539 : vector<1x1x16xf32> to vector<16xf32>
        %mul3A_541 = vector.broadcast %squeeze3A_508 : f32 to vector<16xf32>
        %mul3A_542 = arith.mulf %mul3A_541, %get3A_540 : vector<16xf32>
        %add3A_543 = arith.addf %add3A_491, %mul3A_542 : vector<16xf32>
        %add3A_544 = arith.constant 16 : i32
        %add3A_545 = arith.addi %mul3A_332, %add3A_544 : i32
        %add3A_546 = arith.constant 3 : i32
        %add3A_547 = arith.addi %add3A_545, %add3A_546 : i32
        %get3A_548 = arith.constant 0 : i32
        %get3A_549 = arith.index_cast %get3A_548 : i32 to index
        %get3A_550 = arith.index_cast %add3A_547 : i32 to index
        %get3A_551 = arith.constant 16 : index
        %get3A_552 = tpu.vector_load %arg8[%get3A_549, %get3A_550, %get3A_551] {strides = array<i32>} : memref<2x1280x32xf32, #tpu.memory_space<vmem>>, vector<1x1x16xf32>,
        %get3A_553 = vector.shape_cast %get3A_552 : vector<1x1x16xf32> to vector<16xf32>
        %mul3A_554 = vector.broadcast %squeeze3A_508 : f32 to vector<16xf32>
        %mul3A_555 = arith.mulf %mul3A_554, %get3A_553 : vector<16xf32>
        %add3A_556 = arith.addf %add3A_504, %mul3A_555 : vector<16xf32>
        %slice3A_557 = vector.extract_strided_slice %get3A_336 {offsets = [4], sizes = [1], strides = [1]} : vector<16xf32> to vector<1xf32>
        %squeeze3A_558 = vector.extract %slice3A_557[0] : f32 from vector<1xf32>
        %slice3A_559 = vector.extract_strided_slice %get3A_343 {offsets = [4], sizes = [1], strides = [1]} : vector<16xf32> to vector<1xf32>
        %squeeze3A_560 = vector.extract %slice3A_559[0] : f32 from vector<1xf32>
        %add3A_561 = arith.constant 4 : i32
        %add3A_562 = arith.addi %mul3A_332, %add3A_561 : i32
        %get3A_563 = arith.constant 0 : i32
        %get3A_564 = arith.index_cast %get3A_563 : i32 to index
        %get3A_565 = arith.index_cast %add3A_562 : i32 to index
        %get3A_566 = arith.constant 0 : index
        %get3A_567 = tpu.vector_load %arg8[%get3A_564, %get3A_565, %get3A_566] {strides = array<i32>} : memref<2x1280x32xf32, #tpu.memory_space<vmem>>, vector<1x1x16xf32>,
        %get3A_568 = vector.shape_cast %get3A_567 : vector<1x1x16xf32> to vector<16xf32>
        %mul3A_569 = vector.broadcast %squeeze3A_558 : f32 to vector<16xf32>
        %mul3A_570 = arith.mulf %mul3A_569, %get3A_568 : vector<16xf32>
        %add3A_571 = arith.addf %add3A_519, %mul3A_570 : vector<16xf32>
        %add3A_572 = arith.constant 4 : i32
        %add3A_573 = arith.addi %mul3A_332, %add3A_572 : i32
        %get3A_574 = arith.constant 0 : i32
        %get3A_575 = arith.index_cast %get3A_574 : i32 to index
        %get3A_576 = arith.index_cast %add3A_573 : i32 to index
        %get3A_577 = arith.constant 16 : index
        %get3A_578 = tpu.vector_load %arg8[%get3A_575, %get3A_576, %get3A_577] {strides = array<i32>} : memref<2x1280x32xf32, #tpu.memory_space<vmem>>, vector<1x1x16xf32>,
        %get3A_579 = vector.shape_cast %get3A_578 : vector<1x1x16xf32> to vector<16xf32>
        %mul3A_580 = vector.broadcast %squeeze3A_558 : f32 to vector<16xf32>
        %mul3A_581 = arith.mulf %mul3A_580, %get3A_579 : vector<16xf32>
        %add3A_582 = arith.addf %add3A_530, %mul3A_581 : vector<16xf32>
        %add3A_583 = arith.constant 16 : i32
        %add3A_584 = arith.addi %mul3A_332, %add3A_583 : i32
        %add3A_585 = arith.constant 4 : i32
        %add3A_586 = arith.addi %add3A_584, %add3A_585 : i32
        %get3A_587 = arith.constant 0 : i32
        %get3A_588 = arith.index_cast %get3A_587 : i32 to index
        %get3A_589 = arith.index_cast %add3A_586 : i32 to index
        %get3A_590 = arith.constant 0 : index
        %get3A_591 = tpu.vector_load %arg8[%get3A_588, %get3A_589, %get3A_590] {strides = array<i32>} : memref<2x1280x32xf32, #tpu.memory_space<vmem>>, vector<1x1x16xf32>,
        %get3A_592 = vector.shape_cast %get3A_591 : vector<1x1x16xf32> to vector<16xf32>
        %mul3A_593 = vector.broadcast %squeeze3A_560 : f32 to vector<16xf32>
        %mul3A_594 = arith.mulf %mul3A_593, %get3A_592 : vector<16xf32>
        %add3A_595 = arith.addf %add3A_543, %mul3A_594 : vector<16xf32>
        %add3A_596 = arith.constant 16 : i32
        %add3A_597 = arith.addi %mul3A_332, %add3A_596 : i32
        %add3A_598 = arith.constant 4 : i32
        %add3A_599 = arith.addi %add3A_597, %add3A_598 : i32
        %get3A_600 = arith.constant 0 : i32
        %get3A_601 = arith.index_cast %get3A_600 : i32 to index
        %get3A_602 = arith.index_cast %add3A_599 : i32 to index
        %get3A_603 = arith.constant 16 : index
        %get3A_604 = tpu.vector_load %arg8[%get3A_601, %get3A_602, %get3A_603] {strides = array<i32>} : memref<2x1280x32xf32, #tpu.memory_space<vmem>>, vector<1x1x16xf32>,
        %get3A_605 = vector.shape_cast %get3A_604 : vector<1x1x16xf32> to vector<16xf32>
        %mul3A_606 = vector.broadcast %squeeze3A_560 : f32 to vector<16xf32>
        %mul3A_607 = arith.mulf %mul3A_606, %get3A_605 : vector<16xf32>
        %add3A_608 = arith.addf %add3A_556, %mul3A_607 : vector<16xf32>
        %slice3A_609 = vector.extract_strided_slice %get3A_336 {offsets = [5], sizes = [1], strides = [1]} : vector<16xf32> to vector<1xf32>
        %squeeze3A_610 = vector.extract %slice3A_609[0] : f32 from vector<1xf32>
        %slice3A_611 = vector.extract_strided_slice %get3A_343 {offsets = [5], sizes = [1], strides = [1]} : vector<16xf32> to vector<1xf32>
        %squeeze3A_612 = vector.extract %slice3A_611[0] : f32 from vector<1xf32>
        %add3A_613 = arith.constant 5 : i32
        %add3A_614 = arith.addi %mul3A_332, %add3A_613 : i32
        %get3A_615 = arith.constant 0 : i32
        %get3A_616 = arith.index_cast %get3A_615 : i32 to index
        %get3A_617 = arith.index_cast %add3A_614 : i32 to index
        %get3A_618 = arith.constant 0 : index
        %get3A_619 = tpu.vector_load %arg8[%get3A_616, %get3A_617, %get3A_618] {strides = array<i32>} : memref<2x1280x32xf32, #tpu.memory_space<vmem>>, vector<1x1x16xf32>,
        %get3A_620 = vector.shape_cast %get3A_619 : vector<1x1x16xf32> to vector<16xf32>
        %mul3A_621 = vector.broadcast %squeeze3A_610 : f32 to vector<16xf32>
        %mul3A_622 = arith.mulf %mul3A_621, %get3A_620 : vector<16xf32>
        %add3A_623 = arith.addf %add3A_571, %mul3A_622 : vector<16xf32>
        %add3A_624 = arith.constant 5 : i32
        %add3A_625 = arith.addi %mul3A_332, %add3A_624 : i32
        %get3A_626 = arith.constant 0 : i32
        %get3A_627 = arith.index_cast %get3A_626 : i32 to index
        %get3A_628 = arith.index_cast %add3A_625 : i32 to index
        %get3A_629 = arith.constant 16 : index
        %get3A_630 = tpu.vector_load %arg8[%get3A_627, %get3A_628, %get3A_629] {strides = array<i32>} : memref<2x1280x32xf32, #tpu.memory_space<vmem>>, vector<1x1x16xf32>,
        %get3A_631 = vector.shape_cast %get3A_630 : vector<1x1x16xf32> to vector<16xf32>
        %mul3A_632 = vector.broadcast %squeeze3A_610 : f32 to vector<16xf32>
        %mul3A_633 = arith.mulf %mul3A_632, %get3A_631 : vector<16xf32>
        %add3A_634 = arith.addf %add3A_582, %mul3A_633 : vector<16xf32>
        %add3A_635 = arith.constant 16 : i32
        %add3A_636 = arith.addi %mul3A_332, %add3A_635 : i32
        %add3A_637 = arith.constant 5 : i32
        %add3A_638 = arith.addi %add3A_636, %add3A_637 : i32
        %get3A_639 = arith.constant 0 : i32
        %get3A_640 = arith.index_cast %get3A_639 : i32 to index
        %get3A_641 = arith.index_cast %add3A_638 : i32 to index
        %get3A_642 = arith.constant 0 : index
        %get3A_643 = tpu.vector_load %arg8[%get3A_640, %get3A_641, %get3A_642] {strides = array<i32>} : memref<2x1280x32xf32, #tpu.memory_space<vmem>>, vector<1x1x16xf32>,
        %get3A_644 = vector.shape_cast %get3A_643 : vector<1x1x16xf32> to vector<16xf32>
        %mul3A_645 = vector.broadcast %squeeze3A_612 : f32 to vector<16xf32>
        %mul3A_646 = arith.mulf %mul3A_645, %get3A_644 : vector<16xf32>
        %add3A_647 = arith.addf %add3A_595, %mul3A_646 : vector<16xf32>
        %add3A_648 = arith.constant 16 : i32
        %add3A_649 = arith.addi %mul3A_332, %add3A_648 : i32
        %add3A_650 = arith.constant 5 : i32
        %add3A_651 = arith.addi %add3A_649, %add3A_650 : i32
        %get3A_652 = arith.constant 0 : i32
        %get3A_653 = arith.index_cast %get3A_652 : i32 to index
        %get3A_654 = arith.index_cast %add3A_651 : i32 to index
        %get3A_655 = arith.constant 16 : index
        %get3A_656 = tpu.vector_load %arg8[%get3A_653, %get3A_654, %get3A_655] {strides = array<i32>} : memref<2x1280x32xf32, #tpu.memory_space<vmem>>, vector<1x1x16xf32>,
        %get3A_657 = vector.shape_cast %get3A_656 : vector<1x1x16xf32> to vector<16xf32>
        %mul3A_658 = vector.broadcast %squeeze3A_612 : f32 to vector<16xf32>
        %mul3A_659 = arith.mulf %mul3A_658, %get3A_657 : vector<16xf32>
        %add3A_660 = arith.addf %add3A_608, %mul3A_659 : vector<16xf32>
        %slice3A_661 = vector.extract_strided_slice %get3A_336 {offsets = [6], sizes = [1], strides = [1]} : vector<16xf32> to vector<1xf32>
        %squeeze3A_662 = vector.extract %slice3A_661[0] : f32 from vector<1xf32>
        %slice3A_663 = vector.extract_strided_slice %get3A_343 {offsets = [6], sizes = [1], strides = [1]} : vector<16xf32> to vector<1xf32>
        %squeeze3A_664 = vector.extract %slice3A_663[0] : f32 from vector<1xf32>
        %add3A_665 = arith.constant 6 : i32
        %add3A_666 = arith.addi %mul3A_332, %add3A_665 : i32
        %get3A_667 = arith.constant 0 : i32
        %get3A_668 = arith.index_cast %get3A_667 : i32 to index
        %get3A_669 = arith.index_cast %add3A_666 : i32 to index
        %get3A_670 = arith.constant 0 : index
        %get3A_671 = tpu.vector_load %arg8[%get3A_668, %get3A_669, %get3A_670] {strides = array<i32>} : memref<2x1280x32xf32, #tpu.memory_space<vmem>>, vector<1x1x16xf32>,
        %get3A_672 = vector.shape_cast %get3A_671 : vector<1x1x16xf32> to vector<16xf32>
        %mul3A_673 = vector.broadcast %squeeze3A_662 : f32 to vector<16xf32>
        %mul3A_674 = arith.mulf %mul3A_673, %get3A_672 : vector<16xf32>
        %add3A_675 = arith.addf %add3A_623, %mul3A_674 : vector<16xf32>
        %add3A_676 = arith.constant 6 : i32
        %add3A_677 = arith.addi %mul3A_332, %add3A_676 : i32
        %get3A_678 = arith.constant 0 : i32
        %get3A_679 = arith.index_cast %get3A_678 : i32 to index
        %get3A_680 = arith.index_cast %add3A_677 : i32 to index
        %get3A_681 = arith.constant 16 : index
        %get3A_682 = tpu.vector_load %arg8[%get3A_679, %get3A_680, %get3A_681] {strides = array<i32>} : memref<2x1280x32xf32, #tpu.memory_space<vmem>>, vector<1x1x16xf32>,
        %get3A_683 = vector.shape_cast %get3A_682 : vector<1x1x16xf32> to vector<16xf32>
        %mul3A_684 = vector.broadcast %squeeze3A_662 : f32 to vector<16xf32>
        %mul3A_685 = arith.mulf %mul3A_684, %get3A_683 : vector<16xf32>
        %add3A_686 = arith.addf %add3A_634, %mul3A_685 : vector<16xf32>
        %add3A_687 = arith.constant 16 : i32
        %add3A_688 = arith.addi %mul3A_332, %add3A_687 : i32
        %add3A_689 = arith.constant 6 : i32
        %add3A_690 = arith.addi %add3A_688, %add3A_689 : i32
        %get3A_691 = arith.constant 0 : i32
        %get3A_692 = arith.index_cast %get3A_691 : i32 to index
        %get3A_693 = arith.index_cast %add3A_690 : i32 to index
        %get3A_694 = arith.constant 0 : index
        %get3A_695 = tpu.vector_load %arg8[%get3A_692, %get3A_693, %get3A_694] {strides = array<i32>} : memref<2x1280x32xf32, #tpu.memory_space<vmem>>, vector<1x1x16xf32>,
        %get3A_696 = vector.shape_cast %get3A_695 : vector<1x1x16xf32> to vector<16xf32>
        %mul3A_697 = vector.broadcast %squeeze3A_664 : f32 to vector<16xf32>
        %mul3A_698 = arith.mulf %mul3A_697, %get3A_696 : vector<16xf32>
        %add3A_699 = arith.addf %add3A_647, %mul3A_698 : vector<16xf32>
        %add3A_700 = arith.constant 16 : i32
        %add3A_701 = arith.addi %mul3A_332, %add3A_700 : i32
        %add3A_702 = arith.constant 6 : i32
        %add3A_703 = arith.addi %add3A_701, %add3A_702 : i32
        %get3A_704 = arith.constant 0 : i32
        %get3A_705 = arith.index_cast %get3A_704 : i32 to index
        %get3A_706 = arith.index_cast %add3A_703 : i32 to index
        %get3A_707 = arith.constant 16 : index
        %get3A_708 = tpu.vector_load %arg8[%get3A_705, %get3A_706, %get3A_707] {strides = array<i32>} : memref<2x1280x32xf32, #tpu.memory_space<vmem>>, vector<1x1x16xf32>,
        %get3A_709 = vector.shape_cast %get3A_708 : vector<1x1x16xf32> to vector<16xf32>
        %mul3A_710 = vector.broadcast %squeeze3A_664 : f32 to vector<16xf32>
        %mul3A_711 = arith.mulf %mul3A_710, %get3A_709 : vector<16xf32>
        %add3A_712 = arith.addf %add3A_660, %mul3A_711 : vector<16xf32>
        %slice3A_713 = vector.extract_strided_slice %get3A_336 {offsets = [7], sizes = [1], strides = [1]} : vector<16xf32> to vector<1xf32>
        %squeeze3A_714 = vector.extract %slice3A_713[0] : f32 from vector<1xf32>
        %slice3A_715 = vector.extract_strided_slice %get3A_343 {offsets = [7], sizes = [1], strides = [1]} : vector<16xf32> to vector<1xf32>
        %squeeze3A_716 = vector.extract %slice3A_715[0] : f32 from vector<1xf32>
        %add3A_717 = arith.constant 7 : i32
        %add3A_718 = arith.addi %mul3A_332, %add3A_717 : i32
        %get3A_719 = arith.constant 0 : i32
        %get3A_720 = arith.index_cast %get3A_719 : i32 to index
        %get3A_721 = arith.index_cast %add3A_718 : i32 to index
        %get3A_722 = arith.constant 0 : index
        %get3A_723 = tpu.vector_load %arg8[%get3A_720, %get3A_721, %get3A_722] {strides = array<i32>} : memref<2x1280x32xf32, #tpu.memory_space<vmem>>, vector<1x1x16xf32>,
        %get3A_724 = vector.shape_cast %get3A_723 : vector<1x1x16xf32> to vector<16xf32>
        %mul3A_725 = vector.broadcast %squeeze3A_714 : f32 to vector<16xf32>
        %mul3A_726 = arith.mulf %mul3A_725, %get3A_724 : vector<16xf32>
        %add3A_727 = arith.addf %add3A_675, %mul3A_726 : vector<16xf32>
        %add3A_728 = arith.constant 7 : i32
        %add3A_729 = arith.addi %mul3A_332, %add3A_728 : i32
        %get3A_730 = arith.constant 0 : i32
        %get3A_731 = arith.index_cast %get3A_730 : i32 to index
        %get3A_732 = arith.index_cast %add3A_729 : i32 to index
        %get3A_733 = arith.constant 16 : index
        %get3A_734 = tpu.vector_load %arg8[%get3A_731, %get3A_732, %get3A_733] {strides = array<i32>} : memref<2x1280x32xf32, #tpu.memory_space<vmem>>, vector<1x1x16xf32>,
        %get3A_735 = vector.shape_cast %get3A_734 : vector<1x1x16xf32> to vector<16xf32>
        %mul3A_736 = vector.broadcast %squeeze3A_714 : f32 to vector<16xf32>
        %mul3A_737 = arith.mulf %mul3A_736, %get3A_735 : vector<16xf32>
        %add3A_738 = arith.addf %add3A_686, %mul3A_737 : vector<16xf32>
        %add3A_739 = arith.constant 16 : i32
        %add3A_740 = arith.addi %mul3A_332, %add3A_739 : i32
        %add3A_741 = arith.constant 7 : i32
        %add3A_742 = arith.addi %add3A_740, %add3A_741 : i32
        %get3A_743 = arith.constant 0 : i32
        %get3A_744 = arith.index_cast %get3A_743 : i32 to index
        %get3A_745 = arith.index_cast %add3A_742 : i32 to index
        %get3A_746 = arith.constant 0 : index
        %get3A_747 = tpu.vector_load %arg8[%get3A_744, %get3A_745, %get3A_746] {strides = array<i32>} : memref<2x1280x32xf32, #tpu.memory_space<vmem>>, vector<1x1x16xf32>,
        %get3A_748 = vector.shape_cast %get3A_747 : vector<1x1x16xf32> to vector<16xf32>
        %mul3A_749 = vector.broadcast %squeeze3A_716 : f32 to vector<16xf32>
        %mul3A_750 = arith.mulf %mul3A_749, %get3A_748 : vector<16xf32>
        %add3A_751 = arith.addf %add3A_699, %mul3A_750 : vector<16xf32>
        %add3A_752 = arith.constant 16 : i32
        %add3A_753 = arith.addi %mul3A_332, %add3A_752 : i32
        %add3A_754 = arith.constant 7 : i32
        %add3A_755 = arith.addi %add3A_753, %add3A_754 : i32
        %get3A_756 = arith.constant 0 : i32
        %get3A_757 = arith.index_cast %get3A_756 : i32 to index
        %get3A_758 = arith.index_cast %add3A_755 : i32 to index
        %get3A_759 = arith.constant 16 : index
        %get3A_760 = tpu.vector_load %arg8[%get3A_757, %get3A_758, %get3A_759] {strides = array<i32>} : memref<2x1280x32xf32, #tpu.memory_space<vmem>>, vector<1x1x16xf32>,
        %get3A_761 = vector.shape_cast %get3A_760 : vector<1x1x16xf32> to vector<16xf32>
        %mul3A_762 = vector.broadcast %squeeze3A_716 : f32 to vector<16xf32>
        %mul3A_763 = arith.mulf %mul3A_762, %get3A_761 : vector<16xf32>
        %add3A_764 = arith.addf %add3A_712, %mul3A_763 : vector<16xf32>
        %slice3A_765 = vector.extract_strided_slice %get3A_336 {offsets = [8], sizes = [1], strides = [1]} : vector<16xf32> to vector<1xf32>
        %squeeze3A_766 = vector.extract %slice3A_765[0] : f32 from vector<1xf32>
        %slice3A_767 = vector.extract_strided_slice %get3A_343 {offsets = [8], sizes = [1], strides = [1]} : vector<16xf32> to vector<1xf32>
        %squeeze3A_768 = vector.extract %slice3A_767[0] : f32 from vector<1xf32>
        %add3A_769 = arith.constant 8 : i32
        %add3A_770 = arith.addi %mul3A_332, %add3A_769 : i32
        %get3A_771 = arith.constant 0 : i32
        %get3A_772 = arith.index_cast %get3A_771 : i32 to index
        %get3A_773 = arith.index_cast %add3A_770 : i32 to index
        %get3A_774 = arith.constant 0 : index
        %get3A_775 = tpu.vector_load %arg8[%get3A_772, %get3A_773, %get3A_774] {strides = array<i32>} : memref<2x1280x32xf32, #tpu.memory_space<vmem>>, vector<1x1x16xf32>,
        %get3A_776 = vector.shape_cast %get3A_775 : vector<1x1x16xf32> to vector<16xf32>
        %mul3A_777 = vector.broadcast %squeeze3A_766 : f32 to vector<16xf32>
        %mul3A_778 = arith.mulf %mul3A_777, %get3A_776 : vector<16xf32>
        %add3A_779 = arith.addf %add3A_727, %mul3A_778 : vector<16xf32>
        %add3A_780 = arith.constant 8 : i32
        %add3A_781 = arith.addi %mul3A_332, %add3A_780 : i32
        %get3A_782 = arith.constant 0 : i32
        %get3A_783 = arith.index_cast %get3A_782 : i32 to index
        %get3A_784 = arith.index_cast %add3A_781 : i32 to index
        %get3A_785 = arith.constant 16 : index
        %get3A_786 = tpu.vector_load %arg8[%get3A_783, %get3A_784, %get3A_785] {strides = array<i32>} : memref<2x1280x32xf32, #tpu.memory_space<vmem>>, vector<1x1x16xf32>,
        %get3A_787 = vector.shape_cast %get3A_786 : vector<1x1x16xf32> to vector<16xf32>
        %mul3A_788 = vector.broadcast %squeeze3A_766 : f32 to vector<16xf32>
        %mul3A_789 = arith.mulf %mul3A_788, %get3A_787 : vector<16xf32>
        %add3A_790 = arith.addf %add3A_738, %mul3A_789 : vector<16xf32>
        %add3A_791 = arith.constant 16 : i32
        %add3A_792 = arith.addi %mul3A_332, %add3A_791 : i32
        %add3A_793 = arith.constant 8 : i32
        %add3A_794 = arith.addi %add3A_792, %add3A_793 : i32
        %get3A_795 = arith.constant 0 : i32
        %get3A_796 = arith.index_cast %get3A_795 : i32 to index
        %get3A_797 = arith.index_cast %add3A_794 : i32 to index
        %get3A_798 = arith.constant 0 : index
        %get3A_799 = tpu.vector_load %arg8[%get3A_796, %get3A_797, %get3A_798] {strides = array<i32>} : memref<2x1280x32xf32, #tpu.memory_space<vmem>>, vector<1x1x16xf32>,
        %get3A_800 = vector.shape_cast %get3A_799 : vector<1x1x16xf32> to vector<16xf32>
        %mul3A_801 = vector.broadcast %squeeze3A_768 : f32 to vector<16xf32>
        %mul3A_802 = arith.mulf %mul3A_801, %get3A_800 : vector<16xf32>
        %add3A_803 = arith.addf %add3A_751, %mul3A_802 : vector<16xf32>
        %add3A_804 = arith.constant 16 : i32
        %add3A_805 = arith.addi %mul3A_332, %add3A_804 : i32
        %add3A_806 = arith.constant 8 : i32
        %add3A_807 = arith.addi %add3A_805, %add3A_806 : i32
        %get3A_808 = arith.constant 0 : i32
        %get3A_809 = arith.index_cast %get3A_808 : i32 to index
        %get3A_810 = arith.index_cast %add3A_807 : i32 to index
        %get3A_811 = arith.constant 16 : index
        %get3A_812 = tpu.vector_load %arg8[%get3A_809, %get3A_810, %get3A_811] {strides = array<i32>} : memref<2x1280x32xf32, #tpu.memory_space<vmem>>, vector<1x1x16xf32>,
        %get3A_813 = vector.shape_cast %get3A_812 : vector<1x1x16xf32> to vector<16xf32>
        %mul3A_814 = vector.broadcast %squeeze3A_768 : f32 to vector<16xf32>
        %mul3A_815 = arith.mulf %mul3A_814, %get3A_813 : vector<16xf32>
        %add3A_816 = arith.addf %add3A_764, %mul3A_815 : vector<16xf32>
        %slice3A_817 = vector.extract_strided_slice %get3A_336 {offsets = [9], sizes = [1], strides = [1]} : vector<16xf32> to vector<1xf32>
        %squeeze3A_818 = vector.extract %slice3A_817[0] : f32 from vector<1xf32>
        %slice3A_819 = vector.extract_strided_slice %get3A_343 {offsets = [9], sizes = [1], strides = [1]} : vector<16xf32> to vector<1xf32>
        %squeeze3A_820 = vector.extract %slice3A_819[0] : f32 from vector<1xf32>
        %add3A_821 = arith.constant 9 : i32
        %add3A_822 = arith.addi %mul3A_332, %add3A_821 : i32
        %get3A_823 = arith.constant 0 : i32
        %get3A_824 = arith.index_cast %get3A_823 : i32 to index
        %get3A_825 = arith.index_cast %add3A_822 : i32 to index
        %get3A_826 = arith.constant 0 : index
        %get3A_827 = tpu.vector_load %arg8[%get3A_824, %get3A_825, %get3A_826] {strides = array<i32>} : memref<2x1280x32xf32, #tpu.memory_space<vmem>>, vector<1x1x16xf32>,
        %get3A_828 = vector.shape_cast %get3A_827 : vector<1x1x16xf32> to vector<16xf32>
        %mul3A_829 = vector.broadcast %squeeze3A_818 : f32 to vector<16xf32>
        %mul3A_830 = arith.mulf %mul3A_829, %get3A_828 : vector<16xf32>
        %add3A_831 = arith.addf %add3A_779, %mul3A_830 : vector<16xf32>
        %add3A_832 = arith.constant 9 : i32
        %add3A_833 = arith.addi %mul3A_332, %add3A_832 : i32
        %get3A_834 = arith.constant 0 : i32
        %get3A_835 = arith.index_cast %get3A_834 : i32 to index
        %get3A_836 = arith.index_cast %add3A_833 : i32 to index
        %get3A_837 = arith.constant 16 : index
        %get3A_838 = tpu.vector_load %arg8[%get3A_835, %get3A_836, %get3A_837] {strides = array<i32>} : memref<2x1280x32xf32, #tpu.memory_space<vmem>>, vector<1x1x16xf32>,
        %get3A_839 = vector.shape_cast %get3A_838 : vector<1x1x16xf32> to vector<16xf32>
        %mul3A_840 = vector.broadcast %squeeze3A_818 : f32 to vector<16xf32>
        %mul3A_841 = arith.mulf %mul3A_840, %get3A_839 : vector<16xf32>
        %add3A_842 = arith.addf %add3A_790, %mul3A_841 : vector<16xf32>
        %add3A_843 = arith.constant 16 : i32
        %add3A_844 = arith.addi %mul3A_332, %add3A_843 : i32
        %add3A_845 = arith.constant 9 : i32
        %add3A_846 = arith.addi %add3A_844, %add3A_845 : i32
        %get3A_847 = arith.constant 0 : i32
        %get3A_848 = arith.index_cast %get3A_847 : i32 to index
        %get3A_849 = arith.index_cast %add3A_846 : i32 to index
        %get3A_850 = arith.constant 0 : index
        %get3A_851 = tpu.vector_load %arg8[%get3A_848, %get3A_849, %get3A_850] {strides = array<i32>} : memref<2x1280x32xf32, #tpu.memory_space<vmem>>, vector<1x1x16xf32>,
        %get3A_852 = vector.shape_cast %get3A_851 : vector<1x1x16xf32> to vector<16xf32>
        %mul3A_853 = vector.broadcast %squeeze3A_820 : f32 to vector<16xf32>
        %mul3A_854 = arith.mulf %mul3A_853, %get3A_852 : vector<16xf32>
        %add3A_855 = arith.addf %add3A_803, %mul3A_854 : vector<16xf32>
        %add3A_856 = arith.constant 16 : i32
        %add3A_857 = arith.addi %mul3A_332, %add3A_856 : i32
        %add3A_858 = arith.constant 9 : i32
        %add3A_859 = arith.addi %add3A_857, %add3A_858 : i32
        %get3A_860 = arith.constant 0 : i32
        %get3A_861 = arith.index_cast %get3A_860 : i32 to index
        %get3A_862 = arith.index_cast %add3A_859 : i32 to index
        %get3A_863 = arith.constant 16 : index
        %get3A_864 = tpu.vector_load %arg8[%get3A_861, %get3A_862, %get3A_863] {strides = array<i32>} : memref<2x1280x32xf32, #tpu.memory_space<vmem>>, vector<1x1x16xf32>,
        %get3A_865 = vector.shape_cast %get3A_864 : vector<1x1x16xf32> to vector<16xf32>
        %mul3A_866 = vector.broadcast %squeeze3A_820 : f32 to vector<16xf32>
        %mul3A_867 = arith.mulf %mul3A_866, %get3A_865 : vector<16xf32>
        %add3A_868 = arith.addf %add3A_816, %mul3A_867 : vector<16xf32>
        %slice3A_869 = vector.extract_strided_slice %get3A_336 {offsets = [10], sizes = [1], strides = [1]} : vector<16xf32> to vector<1xf32>
        %squeeze3A_870 = vector.extract %slice3A_869[0] : f32 from vector<1xf32>
        %slice3A_871 = vector.extract_strided_slice %get3A_343 {offsets = [10], sizes = [1], strides = [1]} : vector<16xf32> to vector<1xf32>
        %squeeze3A_872 = vector.extract %slice3A_871[0] : f32 from vector<1xf32>
        %add3A_873 = arith.constant 10 : i32
        %add3A_874 = arith.addi %mul3A_332, %add3A_873 : i32
        %get3A_875 = arith.constant 0 : i32
        %get3A_876 = arith.index_cast %get3A_875 : i32 to index
        %get3A_877 = arith.index_cast %add3A_874 : i32 to index
        %get3A_878 = arith.constant 0 : index
        %get3A_879 = tpu.vector_load %arg8[%get3A_876, %get3A_877, %get3A_878] {strides = array<i32>} : memref<2x1280x32xf32, #tpu.memory_space<vmem>>, vector<1x1x16xf32>,
        %get3A_880 = vector.shape_cast %get3A_879 : vector<1x1x16xf32> to vector<16xf32>
        %mul3A_881 = vector.broadcast %squeeze3A_870 : f32 to vector<16xf32>
        %mul3A_882 = arith.mulf %mul3A_881, %get3A_880 : vector<16xf32>
        %add3A_883 = arith.addf %add3A_831, %mul3A_882 : vector<16xf32>
        %add3A_884 = arith.constant 10 : i32
        %add3A_885 = arith.addi %mul3A_332, %add3A_884 : i32
        %get3A_886 = arith.constant 0 : i32
        %get3A_887 = arith.index_cast %get3A_886 : i32 to index
        %get3A_888 = arith.index_cast %add3A_885 : i32 to index
        %get3A_889 = arith.constant 16 : index
        %get3A_890 = tpu.vector_load %arg8[%get3A_887, %get3A_888, %get3A_889] {strides = array<i32>} : memref<2x1280x32xf32, #tpu.memory_space<vmem>>, vector<1x1x16xf32>,
        %get3A_891 = vector.shape_cast %get3A_890 : vector<1x1x16xf32> to vector<16xf32>
        %mul3A_892 = vector.broadcast %squeeze3A_870 : f32 to vector<16xf32>
        %mul3A_893 = arith.mulf %mul3A_892, %get3A_891 : vector<16xf32>
        %add3A_894 = arith.addf %add3A_842, %mul3A_893 : vector<16xf32>
        %add3A_895 = arith.constant 16 : i32
        %add3A_896 = arith.addi %mul3A_332, %add3A_895 : i32
        %add3A_897 = arith.constant 10 : i32
        %add3A_898 = arith.addi %add3A_896, %add3A_897 : i32
        %get3A_899 = arith.constant 0 : i32
        %get3A_900 = arith.index_cast %get3A_899 : i32 to index
        %get3A_901 = arith.index_cast %add3A_898 : i32 to index
        %get3A_902 = arith.constant 0 : index
        %get3A_903 = tpu.vector_load %arg8[%get3A_900, %get3A_901, %get3A_902] {strides = array<i32>} : memref<2x1280x32xf32, #tpu.memory_space<vmem>>, vector<1x1x16xf32>,
        %get3A_904 = vector.shape_cast %get3A_903 : vector<1x1x16xf32> to vector<16xf32>
        %mul3A_905 = vector.broadcast %squeeze3A_872 : f32 to vector<16xf32>
        %mul3A_906 = arith.mulf %mul3A_905, %get3A_904 : vector<16xf32>
        %add3A_907 = arith.addf %add3A_855, %mul3A_906 : vector<16xf32>
        %add3A_908 = arith.constant 16 : i32
        %add3A_909 = arith.addi %mul3A_332, %add3A_908 : i32
        %add3A_910 = arith.constant 10 : i32
        %add3A_911 = arith.addi %add3A_909, %add3A_910 : i32
        %get3A_912 = arith.constant 0 : i32
        %get3A_913 = arith.index_cast %get3A_912 : i32 to index
        %get3A_914 = arith.index_cast %add3A_911 : i32 to index
        %get3A_915 = arith.constant 16 : index
        %get3A_916 = tpu.vector_load %arg8[%get3A_913, %get3A_914, %get3A_915] {strides = array<i32>} : memref<2x1280x32xf32, #tpu.memory_space<vmem>>, vector<1x1x16xf32>,
        %get3A_917 = vector.shape_cast %get3A_916 : vector<1x1x16xf32> to vector<16xf32>
        %mul3A_918 = vector.broadcast %squeeze3A_872 : f32 to vector<16xf32>
        %mul3A_919 = arith.mulf %mul3A_918, %get3A_917 : vector<16xf32>
        %add3A_920 = arith.addf %add3A_868, %mul3A_919 : vector<16xf32>
        %slice3A_921 = vector.extract_strided_slice %get3A_336 {offsets = [11], sizes = [1], strides = [1]} : vector<16xf32> to vector<1xf32>
        %squeeze3A_922 = vector.extract %slice3A_921[0] : f32 from vector<1xf32>
        %slice3A_923 = vector.extract_strided_slice %get3A_343 {offsets = [11], sizes = [1], strides = [1]} : vector<16xf32> to vector<1xf32>
        %squeeze3A_924 = vector.extract %slice3A_923[0] : f32 from vector<1xf32>
        %add3A_925 = arith.constant 11 : i32
        %add3A_926 = arith.addi %mul3A_332, %add3A_925 : i32
        %get3A_927 = arith.constant 0 : i32
        %get3A_928 = arith.index_cast %get3A_927 : i32 to index
        %get3A_929 = arith.index_cast %add3A_926 : i32 to index
        %get3A_930 = arith.constant 0 : index
        %get3A_931 = tpu.vector_load %arg8[%get3A_928, %get3A_929, %get3A_930] {strides = array<i32>} : memref<2x1280x32xf32, #tpu.memory_space<vmem>>, vector<1x1x16xf32>,
        %get3A_932 = vector.shape_cast %get3A_931 : vector<1x1x16xf32> to vector<16xf32>
        %mul3A_933 = vector.broadcast %squeeze3A_922 : f32 to vector<16xf32>
        %mul3A_934 = arith.mulf %mul3A_933, %get3A_932 : vector<16xf32>
        %add3A_935 = arith.addf %add3A_883, %mul3A_934 : vector<16xf32>
        %add3A_936 = arith.constant 11 : i32
        %add3A_937 = arith.addi %mul3A_332, %add3A_936 : i32
        %get3A_938 = arith.constant 0 : i32
        %get3A_939 = arith.index_cast %get3A_938 : i32 to index
        %get3A_940 = arith.index_cast %add3A_937 : i32 to index
        %get3A_941 = arith.constant 16 : index
        %get3A_942 = tpu.vector_load %arg8[%get3A_939, %get3A_940, %get3A_941] {strides = array<i32>} : memref<2x1280x32xf32, #tpu.memory_space<vmem>>, vector<1x1x16xf32>,
        %get3A_943 = vector.shape_cast %get3A_942 : vector<1x1x16xf32> to vector<16xf32>
        %mul3A_944 = vector.broadcast %squeeze3A_922 : f32 to vector<16xf32>
        %mul3A_945 = arith.mulf %mul3A_944, %get3A_943 : vector<16xf32>
        %add3A_946 = arith.addf %add3A_894, %mul3A_945 : vector<16xf32>
        %add3A_947 = arith.constant 16 : i32
        %add3A_948 = arith.addi %mul3A_332, %add3A_947 : i32
        %add3A_949 = arith.constant 11 : i32
        %add3A_950 = arith.addi %add3A_948, %add3A_949 : i32
        %get3A_951 = arith.constant 0 : i32
        %get3A_952 = arith.index_cast %get3A_951 : i32 to index
        %get3A_953 = arith.index_cast %add3A_950 : i32 to index
        %get3A_954 = arith.constant 0 : index
        %get3A_955 = tpu.vector_load %arg8[%get3A_952, %get3A_953, %get3A_954] {strides = array<i32>} : memref<2x1280x32xf32, #tpu.memory_space<vmem>>, vector<1x1x16xf32>,
        %get3A_956 = vector.shape_cast %get3A_955 : vector<1x1x16xf32> to vector<16xf32>
        %mul3A_957 = vector.broadcast %squeeze3A_924 : f32 to vector<16xf32>
        %mul3A_958 = arith.mulf %mul3A_957, %get3A_956 : vector<16xf32>
        %add3A_959 = arith.addf %add3A_907, %mul3A_958 : vector<16xf32>
        %add3A_960 = arith.constant 16 : i32
        %add3A_961 = arith.addi %mul3A_332, %add3A_960 : i32
        %add3A_962 = arith.constant 11 : i32
        %add3A_963 = arith.addi %add3A_961, %add3A_962 : i32
        %get3A_964 = arith.constant 0 : i32
        %get3A_965 = arith.index_cast %get3A_964 : i32 to index
        %get3A_966 = arith.index_cast %add3A_963 : i32 to index
        %get3A_967 = arith.constant 16 : index
        %get3A_968 = tpu.vector_load %arg8[%get3A_965, %get3A_966, %get3A_967] {strides = array<i32>} : memref<2x1280x32xf32, #tpu.memory_space<vmem>>, vector<1x1x16xf32>,
        %get3A_969 = vector.shape_cast %get3A_968 : vector<1x1x16xf32> to vector<16xf32>
        %mul3A_970 = vector.broadcast %squeeze3A_924 : f32 to vector<16xf32>
        %mul3A_971 = arith.mulf %mul3A_970, %get3A_969 : vector<16xf32>
        %add3A_972 = arith.addf %add3A_920, %mul3A_971 : vector<16xf32>
        %slice3A_973 = vector.extract_strided_slice %get3A_336 {offsets = [12], sizes = [1], strides = [1]} : vector<16xf32> to vector<1xf32>
        %squeeze3A_974 = vector.extract %slice3A_973[0] : f32 from vector<1xf32>
        %slice3A_975 = vector.extract_strided_slice %get3A_343 {offsets = [12], sizes = [1], strides = [1]} : vector<16xf32> to vector<1xf32>
        %squeeze3A_976 = vector.extract %slice3A_975[0] : f32 from vector<1xf32>
        %add3A_977 = arith.constant 12 : i32
        %add3A_978 = arith.addi %mul3A_332, %add3A_977 : i32
        %get3A_979 = arith.constant 0 : i32
        %get3A_980 = arith.index_cast %get3A_979 : i32 to index
        %get3A_981 = arith.index_cast %add3A_978 : i32 to index
        %get3A_982 = arith.constant 0 : index
        %get3A_983 = tpu.vector_load %arg8[%get3A_980, %get3A_981, %get3A_982] {strides = array<i32>} : memref<2x1280x32xf32, #tpu.memory_space<vmem>>, vector<1x1x16xf32>,
        %get3A_984 = vector.shape_cast %get3A_983 : vector<1x1x16xf32> to vector<16xf32>
        %mul3A_985 = vector.broadcast %squeeze3A_974 : f32 to vector<16xf32>
        %mul3A_986 = arith.mulf %mul3A_985, %get3A_984 : vector<16xf32>
        %add3A_987 = arith.addf %add3A_935, %mul3A_986 : vector<16xf32>
        %add3A_988 = arith.constant 12 : i32
        %add3A_989 = arith.addi %mul3A_332, %add3A_988 : i32
        %get3A_990 = arith.constant 0 : i32
        %get3A_991 = arith.index_cast %get3A_990 : i32 to index
        %get3A_992 = arith.index_cast %add3A_989 : i32 to index
        %get3A_993 = arith.constant 16 : index
        %get3A_994 = tpu.vector_load %arg8[%get3A_991, %get3A_992, %get3A_993] {strides = array<i32>} : memref<2x1280x32xf32, #tpu.memory_space<vmem>>, vector<1x1x16xf32>,
        %get3A_995 = vector.shape_cast %get3A_994 : vector<1x1x16xf32> to vector<16xf32>
        %mul3A_996 = vector.broadcast %squeeze3A_974 : f32 to vector<16xf32>
        %mul3A_997 = arith.mulf %mul3A_996, %get3A_995 : vector<16xf32>
        %add3A_998 = arith.addf %add3A_946, %mul3A_997 : vector<16xf32>
        %add3A_999 = arith.constant 16 : i32
        %add3A_1000 = arith.addi %mul3A_332, %add3A_999 : i32
        %add3A_1001 = arith.constant 12 : i32
        %add3A_1002 = arith.addi %add3A_1000, %add3A_1001 : i32
        %get3A_1003 = arith.constant 0 : i32
        %get3A_1004 = arith.index_cast %get3A_1003 : i32 to index
        %get3A_1005 = arith.index_cast %add3A_1002 : i32 to index
        %get3A_1006 = arith.constant 0 : index
        %get3A_1007 = tpu.vector_load %arg8[%get3A_1004, %get3A_1005, %get3A_1006] {strides = array<i32>} : memref<2x1280x32xf32, #tpu.memory_space<vmem>>, vector<1x1x16xf32>,
        %get3A_1008 = vector.shape_cast %get3A_1007 : vector<1x1x16xf32> to vector<16xf32>
        %mul3A_1009 = vector.broadcast %squeeze3A_976 : f32 to vector<16xf32>
        %mul3A_1010 = arith.mulf %mul3A_1009, %get3A_1008 : vector<16xf32>
        %add3A_1011 = arith.addf %add3A_959, %mul3A_1010 : vector<16xf32>
        %add3A_1012 = arith.constant 16 : i32
        %add3A_1013 = arith.addi %mul3A_332, %add3A_1012 : i32
        %add3A_1014 = arith.constant 12 : i32
        %add3A_1015 = arith.addi %add3A_1013, %add3A_1014 : i32
        %get3A_1016 = arith.constant 0 : i32
        %get3A_1017 = arith.index_cast %get3A_1016 : i32 to index
        %get3A_1018 = arith.index_cast %add3A_1015 : i32 to index
        %get3A_1019 = arith.constant 16 : index
        %get3A_1020 = tpu.vector_load %arg8[%get3A_1017, %get3A_1018, %get3A_1019] {strides = array<i32>} : memref<2x1280x32xf32, #tpu.memory_space<vmem>>, vector<1x1x16xf32>,
        %get3A_1021 = vector.shape_cast %get3A_1020 : vector<1x1x16xf32> to vector<16xf32>
        %mul3A_1022 = vector.broadcast %squeeze3A_976 : f32 to vector<16xf32>
        %mul3A_1023 = arith.mulf %mul3A_1022, %get3A_1021 : vector<16xf32>
        %add3A_1024 = arith.addf %add3A_972, %mul3A_1023 : vector<16xf32>
        %slice3A_1025 = vector.extract_strided_slice %get3A_336 {offsets = [13], sizes = [1], strides = [1]} : vector<16xf32> to vector<1xf32>
        %squeeze3A_1026 = vector.extract %slice3A_1025[0] : f32 from vector<1xf32>
        %slice3A_1027 = vector.extract_strided_slice %get3A_343 {offsets = [13], sizes = [1], strides = [1]} : vector<16xf32> to vector<1xf32>
        %squeeze3A_1028 = vector.extract %slice3A_1027[0] : f32 from vector<1xf32>
        %add3A_1029 = arith.constant 13 : i32
        %add3A_1030 = arith.addi %mul3A_332, %add3A_1029 : i32
        %get3A_1031 = arith.constant 0 : i32
        %get3A_1032 = arith.index_cast %get3A_1031 : i32 to index
        %get3A_1033 = arith.index_cast %add3A_1030 : i32 to index
        %get3A_1034 = arith.constant 0 : index
        %get3A_1035 = tpu.vector_load %arg8[%get3A_1032, %get3A_1033, %get3A_1034] {strides = array<i32>} : memref<2x1280x32xf32, #tpu.memory_space<vmem>>, vector<1x1x16xf32>,
        %get3A_1036 = vector.shape_cast %get3A_1035 : vector<1x1x16xf32> to vector<16xf32>
        %mul3A_1037 = vector.broadcast %squeeze3A_1026 : f32 to vector<16xf32>
        %mul3A_1038 = arith.mulf %mul3A_1037, %get3A_1036 : vector<16xf32>
        %add3A_1039 = arith.addf %add3A_987, %mul3A_1038 : vector<16xf32>
        %add3A_1040 = arith.constant 13 : i32
        %add3A_1041 = arith.addi %mul3A_332, %add3A_1040 : i32
        %get3A_1042 = arith.constant 0 : i32
        %get3A_1043 = arith.index_cast %get3A_1042 : i32 to index
        %get3A_1044 = arith.index_cast %add3A_1041 : i32 to index
        %get3A_1045 = arith.constant 16 : index
        %get3A_1046 = tpu.vector_load %arg8[%get3A_1043, %get3A_1044, %get3A_1045] {strides = array<i32>} : memref<2x1280x32xf32, #tpu.memory_space<vmem>>, vector<1x1x16xf32>,
        %get3A_1047 = vector.shape_cast %get3A_1046 : vector<1x1x16xf32> to vector<16xf32>
        %mul3A_1048 = vector.broadcast %squeeze3A_1026 : f32 to vector<16xf32>
        %mul3A_1049 = arith.mulf %mul3A_1048, %get3A_1047 : vector<16xf32>
        %add3A_1050 = arith.addf %add3A_998, %mul3A_1049 : vector<16xf32>
        %add3A_1051 = arith.constant 16 : i32
        %add3A_1052 = arith.addi %mul3A_332, %add3A_1051 : i32
        %add3A_1053 = arith.constant 13 : i32
        %add3A_1054 = arith.addi %add3A_1052, %add3A_1053 : i32
        %get3A_1055 = arith.constant 0 : i32
        %get3A_1056 = arith.index_cast %get3A_1055 : i32 to index
        %get3A_1057 = arith.index_cast %add3A_1054 : i32 to index
        %get3A_1058 = arith.constant 0 : index
        %get3A_1059 = tpu.vector_load %arg8[%get3A_1056, %get3A_1057, %get3A_1058] {strides = array<i32>} : memref<2x1280x32xf32, #tpu.memory_space<vmem>>, vector<1x1x16xf32>,
        %get3A_1060 = vector.shape_cast %get3A_1059 : vector<1x1x16xf32> to vector<16xf32>
        %mul3A_1061 = vector.broadcast %squeeze3A_1028 : f32 to vector<16xf32>
        %mul3A_1062 = arith.mulf %mul3A_1061, %get3A_1060 : vector<16xf32>
        %add3A_1063 = arith.addf %add3A_1011, %mul3A_1062 : vector<16xf32>
        %add3A_1064 = arith.constant 16 : i32
        %add3A_1065 = arith.addi %mul3A_332, %add3A_1064 : i32
        %add3A_1066 = arith.constant 13 : i32
        %add3A_1067 = arith.addi %add3A_1065, %add3A_1066 : i32
        %get3A_1068 = arith.constant 0 : i32
        %get3A_1069 = arith.index_cast %get3A_1068 : i32 to index
        %get3A_1070 = arith.index_cast %add3A_1067 : i32 to index
        %get3A_1071 = arith.constant 16 : index
        %get3A_1072 = tpu.vector_load %arg8[%get3A_1069, %get3A_1070, %get3A_1071] {strides = array<i32>} : memref<2x1280x32xf32, #tpu.memory_space<vmem>>, vector<1x1x16xf32>,
        %get3A_1073 = vector.shape_cast %get3A_1072 : vector<1x1x16xf32> to vector<16xf32>
        %mul3A_1074 = vector.broadcast %squeeze3A_1028 : f32 to vector<16xf32>
        %mul3A_1075 = arith.mulf %mul3A_1074, %get3A_1073 : vector<16xf32>
        %add3A_1076 = arith.addf %add3A_1024, %mul3A_1075 : vector<16xf32>
        %slice3A_1077 = vector.extract_strided_slice %get3A_336 {offsets = [14], sizes = [1], strides = [1]} : vector<16xf32> to vector<1xf32>
        %squeeze3A_1078 = vector.extract %slice3A_1077[0] : f32 from vector<1xf32>
        %slice3A_1079 = vector.extract_strided_slice %get3A_343 {offsets = [14], sizes = [1], strides = [1]} : vector<16xf32> to vector<1xf32>
        %squeeze3A_1080 = vector.extract %slice3A_1079[0] : f32 from vector<1xf32>
        %add3A_1081 = arith.constant 14 : i32
        %add3A_1082 = arith.addi %mul3A_332, %add3A_1081 : i32
        %get3A_1083 = arith.constant 0 : i32
        %get3A_1084 = arith.index_cast %get3A_1083 : i32 to index
        %get3A_1085 = arith.index_cast %add3A_1082 : i32 to index
        %get3A_1086 = arith.constant 0 : index
        %get3A_1087 = tpu.vector_load %arg8[%get3A_1084, %get3A_1085, %get3A_1086] {strides = array<i32>} : memref<2x1280x32xf32, #tpu.memory_space<vmem>>, vector<1x1x16xf32>,
        %get3A_1088 = vector.shape_cast %get3A_1087 : vector<1x1x16xf32> to vector<16xf32>
        %mul3A_1089 = vector.broadcast %squeeze3A_1078 : f32 to vector<16xf32>
        %mul3A_1090 = arith.mulf %mul3A_1089, %get3A_1088 : vector<16xf32>
        %add3A_1091 = arith.addf %add3A_1039, %mul3A_1090 : vector<16xf32>
        %add3A_1092 = arith.constant 14 : i32
        %add3A_1093 = arith.addi %mul3A_332, %add3A_1092 : i32
        %get3A_1094 = arith.constant 0 : i32
        %get3A_1095 = arith.index_cast %get3A_1094 : i32 to index
        %get3A_1096 = arith.index_cast %add3A_1093 : i32 to index
        %get3A_1097 = arith.constant 16 : index
        %get3A_1098 = tpu.vector_load %arg8[%get3A_1095, %get3A_1096, %get3A_1097] {strides = array<i32>} : memref<2x1280x32xf32, #tpu.memory_space<vmem>>, vector<1x1x16xf32>,
        %get3A_1099 = vector.shape_cast %get3A_1098 : vector<1x1x16xf32> to vector<16xf32>
        %mul3A_1100 = vector.broadcast %squeeze3A_1078 : f32 to vector<16xf32>
        %mul3A_1101 = arith.mulf %mul3A_1100, %get3A_1099 : vector<16xf32>
        %add3A_1102 = arith.addf %add3A_1050, %mul3A_1101 : vector<16xf32>
        %add3A_1103 = arith.constant 16 : i32
        %add3A_1104 = arith.addi %mul3A_332, %add3A_1103 : i32
        %add3A_1105 = arith.constant 14 : i32
        %add3A_1106 = arith.addi %add3A_1104, %add3A_1105 : i32
        %get3A_1107 = arith.constant 0 : i32
        %get3A_1108 = arith.index_cast %get3A_1107 : i32 to index
        %get3A_1109 = arith.index_cast %add3A_1106 : i32 to index
        %get3A_1110 = arith.constant 0 : index
        %get3A_1111 = tpu.vector_load %arg8[%get3A_1108, %get3A_1109, %get3A_1110] {strides = array<i32>} : memref<2x1280x32xf32, #tpu.memory_space<vmem>>, vector<1x1x16xf32>,
        %get3A_1112 = vector.shape_cast %get3A_1111 : vector<1x1x16xf32> to vector<16xf32>
        %mul3A_1113 = vector.broadcast %squeeze3A_1080 : f32 to vector<16xf32>
        %mul3A_1114 = arith.mulf %mul3A_1113, %get3A_1112 : vector<16xf32>
        %add3A_1115 = arith.addf %add3A_1063, %mul3A_1114 : vector<16xf32>
        %add3A_1116 = arith.constant 16 : i32
        %add3A_1117 = arith.addi %mul3A_332, %add3A_1116 : i32
        %add3A_1118 = arith.constant 14 : i32
        %add3A_1119 = arith.addi %add3A_1117, %add3A_1118 : i32
        %get3A_1120 = arith.constant 0 : i32
        %get3A_1121 = arith.index_cast %get3A_1120 : i32 to index
        %get3A_1122 = arith.index_cast %add3A_1119 : i32 to index
        %get3A_1123 = arith.constant 16 : index
        %get3A_1124 = tpu.vector_load %arg8[%get3A_1121, %get3A_1122, %get3A_1123] {strides = array<i32>} : memref<2x1280x32xf32, #tpu.memory_space<vmem>>, vector<1x1x16xf32>,
        %get3A_1125 = vector.shape_cast %get3A_1124 : vector<1x1x16xf32> to vector<16xf32>
        %mul3A_1126 = vector.broadcast %squeeze3A_1080 : f32 to vector<16xf32>
        %mul3A_1127 = arith.mulf %mul3A_1126, %get3A_1125 : vector<16xf32>
        %add3A_1128 = arith.addf %add3A_1076, %mul3A_1127 : vector<16xf32>
        %slice3A_1129 = vector.extract_strided_slice %get3A_336 {offsets = [15], sizes = [1], strides = [1]} : vector<16xf32> to vector<1xf32>
        %squeeze3A_1130 = vector.extract %slice3A_1129[0] : f32 from vector<1xf32>
        %slice3A_1131 = vector.extract_strided_slice %get3A_343 {offsets = [15], sizes = [1], strides = [1]} : vector<16xf32> to vector<1xf32>
        %squeeze3A_1132 = vector.extract %slice3A_1131[0] : f32 from vector<1xf32>
        %add3A_1133 = arith.constant 15 : i32
        %add3A_1134 = arith.addi %mul3A_332, %add3A_1133 : i32
        %get3A_1135 = arith.constant 0 : i32
        %get3A_1136 = arith.index_cast %get3A_1135 : i32 to index
        %get3A_1137 = arith.index_cast %add3A_1134 : i32 to index
        %get3A_1138 = arith.constant 0 : index
        %get3A_1139 = tpu.vector_load %arg8[%get3A_1136, %get3A_1137, %get3A_1138] {strides = array<i32>} : memref<2x1280x32xf32, #tpu.memory_space<vmem>>, vector<1x1x16xf32>,
        %get3A_1140 = vector.shape_cast %get3A_1139 : vector<1x1x16xf32> to vector<16xf32>
        %mul3A_1141 = vector.broadcast %squeeze3A_1130 : f32 to vector<16xf32>
        %mul3A_1142 = arith.mulf %mul3A_1141, %get3A_1140 : vector<16xf32>
        %add3A_1143 = arith.addf %add3A_1091, %mul3A_1142 : vector<16xf32>
        %add3A_1144 = arith.constant 15 : i32
        %add3A_1145 = arith.addi %mul3A_332, %add3A_1144 : i32
        %get3A_1146 = arith.constant 0 : i32
        %get3A_1147 = arith.index_cast %get3A_1146 : i32 to index
        %get3A_1148 = arith.index_cast %add3A_1145 : i32 to index
        %get3A_1149 = arith.constant 16 : index
        %get3A_1150 = tpu.vector_load %arg8[%get3A_1147, %get3A_1148, %get3A_1149] {strides = array<i32>} : memref<2x1280x32xf32, #tpu.memory_space<vmem>>, vector<1x1x16xf32>,
        %get3A_1151 = vector.shape_cast %get3A_1150 : vector<1x1x16xf32> to vector<16xf32>
        %mul3A_1152 = vector.broadcast %squeeze3A_1130 : f32 to vector<16xf32>
        %mul3A_1153 = arith.mulf %mul3A_1152, %get3A_1151 : vector<16xf32>
        %add3A_1154 = arith.addf %add3A_1102, %mul3A_1153 : vector<16xf32>
        %add3A_1155 = arith.constant 16 : i32
        %add3A_1156 = arith.addi %mul3A_332, %add3A_1155 : i32
        %add3A_1157 = arith.constant 15 : i32
        %add3A_1158 = arith.addi %add3A_1156, %add3A_1157 : i32
        %get3A_1159 = arith.constant 0 : i32
        %get3A_1160 = arith.index_cast %get3A_1159 : i32 to index
        %get3A_1161 = arith.index_cast %add3A_1158 : i32 to index
        %get3A_1162 = arith.constant 0 : index
        %get3A_1163 = tpu.vector_load %arg8[%get3A_1160, %get3A_1161, %get3A_1162] {strides = array<i32>} : memref<2x1280x32xf32, #tpu.memory_space<vmem>>, vector<1x1x16xf32>,
        %get3A_1164 = vector.shape_cast %get3A_1163 : vector<1x1x16xf32> to vector<16xf32>
        %mul3A_1165 = vector.broadcast %squeeze3A_1132 : f32 to vector<16xf32>
        %mul3A_1166 = arith.mulf %mul3A_1165, %get3A_1164 : vector<16xf32>
        %add3A_1167 = arith.addf %add3A_1115, %mul3A_1166 : vector<16xf32>
        %add3A_1168 = arith.constant 16 : i32
        %add3A_1169 = arith.addi %mul3A_332, %add3A_1168 : i32
        %add3A_1170 = arith.constant 15 : i32
        %add3A_1171 = arith.addi %add3A_1169, %add3A_1170 : i32
        %get3A_1172 = arith.constant 0 : i32
        %get3A_1173 = arith.index_cast %get3A_1172 : i32 to index
        %get3A_1174 = arith.index_cast %add3A_1171 : i32 to index
        %get3A_1175 = arith.constant 16 : index
        %get3A_1176 = tpu.vector_load %arg8[%get3A_1173, %get3A_1174, %get3A_1175] {strides = array<i32>} : memref<2x1280x32xf32, #tpu.memory_space<vmem>>, vector<1x1x16xf32>,
        %get3A_1177 = vector.shape_cast %get3A_1176 : vector<1x1x16xf32> to vector<16xf32>
        %mul3A_1178 = vector.broadcast %squeeze3A_1132 : f32 to vector<16xf32>
        %mul3A_1179 = arith.mulf %mul3A_1178, %get3A_1177 : vector<16xf32>
        %add3A_1180 = arith.addf %add3A_1128, %mul3A_1179 : vector<16xf32>
        %add3A_1181 = arith.addf %add3A_1143, %add3A_1167 : vector<16xf32>
        %swap3A = arith.constant 0 : i32
        %swap3A_1182 = arith.index_cast %swap3A : i32 to index
        %swap3A_1183 = arith.index_cast %mul3A_332 : i32 to index
        %swap3A_1184 = tpu.vector_load %arg9[%swap3A_1182, %swap3A_1183] {strides = array<i32>} : memref<2x1280xf32, #tpu.memory_space<vmem>>, vector<1x16xf32>,
        %swap3A_1185 = vector.shape_cast %swap3A_1184 : vector<1x16xf32> to vector<16xf32>
        %swap3A_1186 = vector.shape_cast %add3A_1181 : vector<16xf32> to vector<1x16xf32>
        tpu.vector_store %arg9[%swap3A_1182, %swap3A_1183], %swap3A_1186 {strides = array<i32>} : memref<2x1280xf32, #tpu.memory_space<vmem>>, vector<1x16xf32>,
        %add3A_1187 = arith.addf %add3A_1154, %add3A_1180 : vector<16xf32>
        %add3A_1188 = arith.constant 16 : i32
        %add3A_1189 = arith.addi %mul3A_332, %add3A_1188 : i32
        %swap3A_1190 = arith.constant 0 : i32
        %swap3A_1191 = arith.index_cast %swap3A_1190 : i32 to index
        %swap3A_1192 = arith.index_cast %add3A_1189 : i32 to index
        %swap3A_1193 = tpu.vector_load %arg9[%swap3A_1191, %swap3A_1192] {strides = array<i32>} : memref<2x1280xf32, #tpu.memory_space<vmem>>, vector<1x16xf32>,
        %swap3A_1194 = vector.shape_cast %swap3A_1193 : vector<1x16xf32> to vector<16xf32>
        %swap3A_1195 = vector.shape_cast %add3A_1187 : vector<16xf32> to vector<1x16xf32>
        tpu.vector_store %arg9[%swap3A_1191, %swap3A_1192], %swap3A_1195 {strides = array<i32>} : memref<2x1280xf32, #tpu.memory_space<vmem>>, vector<1x16xf32>,
      }
      %scan3A_253 = arith.constant 40 : i32
      %mul3A_254 = arith.constant 40 : i32
      %mul3A_255 = arith.muli %mul3A_226, %mul3A_254 : i32
      %add3A_256 = arith.addi %mul3A_2, %mul3A_255 : i32
      %mul3A_257 = arith.constant 32 : i32
      %mul3A_258 = arith.muli %add3A_256, %mul3A_257 : i32
      %dma_start3A_259 = arith.constant 0 : i32
      %dma_start3A_260 = arith.constant 0 : i32
      %dma_start3A_261 = tpu.memref_slice %arg9[%dma_start3A_259, %dma_start3A_260] : memref<2x1280xf32, #tpu.memory_space<vmem>> -> memref<1x1280xf32, #tpu.memory_space<vmem>>
      %dma_start3A_262 = tpu.memref_squeeze %dma_start3A_261 : memref<1x1280xf32, #tpu.memory_space<vmem>> -> memref<1280xf32, #tpu.memory_space<vmem>>
      %dma_start3A_263 = tpu.memref_slice %arg5[%mul3A_258] : memref<5120000xf32, #tpu.memory_space<hbm>> -> memref<1280xf32, #tpu.memory_space<hbm>>
      %dma_start3A_264 = tpu.memref_slice %arg5[%mul3A_258] : memref<5120000xf32, #tpu.memory_space<hbm>> -> memref<1280xf32, #tpu.memory_space<hbm>>
      %dma_start3A_265 = arith.constant 0 : i32
      %dma_start3A_266 = tpu.memref_slice %arg9[%dma_start3A_259, %dma_start3A_265] : memref<2x1280xf32, #tpu.memory_space<vmem>> -> memref<1x1280xf32, #tpu.memory_space<vmem>>
      %dma_start3A_267 = tpu.memref_squeeze %dma_start3A_266 : memref<1x1280xf32, #tpu.memory_space<vmem>> -> memref<1280xf32, #tpu.memory_space<vmem>>
      tpu.enqueue_dma source(%dma_start3A_267 : memref<1280xf32, #tpu.memory_space<vmem>>) target(%dma_start3A_264 : memref<1280xf32, #tpu.memory_space<hbm>>) target_semaphore(%arg14 : memref<!tpu.dma_semaphore, #tpu.memory_space<semaphore_mem>>)
      %add3A_268 = arith.constant 2 : i32
      %add3A_269 = arith.addi %mul3A_226, %add3A_268 : i32
      %le3A = arith.constant 124 : i32
      %le3A_270 = arith.cmpi sle, %add3A_269, %le3A : i32
      %convert_element_type3A_271 = arith.extui %le3A_270 : i1 to i32
      %cond3A_272 = arith.constant 0 : i32
      %cond3A_273 = arith.cmpi ne, %convert_element_type3A_271, %cond3A_272 : i32
      scf.if %cond3A_273 {
        %add3A_330 = arith.constant 2 : i32
        %add3A_331 = arith.addi %mul3A_226, %add3A_330 : i32
        %mul3A_332 = arith.constant 40 : i32
        %mul3A_333 = arith.muli %add3A_331, %mul3A_332 : i32
        %add3A_334 = arith.addi %mul3A_2, %mul3A_333 : i32
        %mul3A_335 = arith.constant 32 : i32
        %mul3A_336 = arith.muli %add3A_334, %mul3A_335 : i32
        %dma_start3A_337 = arith.constant 0 : i32
        %dma_start3A_338 = arith.constant 0 : i32
        %dma_start3A_339 = tpu.memref_slice %arg6[%dma_start3A_337, %dma_start3A_338] : memref<2x1280xi32, #tpu.memory_space<vmem>> -> memref<1x1280xi32, #tpu.memory_space<vmem>>
        %dma_start3A_340 = tpu.memref_squeeze %dma_start3A_339 : memref<1x1280xi32, #tpu.memory_space<vmem>> -> memref<1280xi32, #tpu.memory_space<vmem>>
        %dma_start3A_341 = tpu.memref_slice %arg2[%mul3A_336] : memref<5120000xi32, #tpu.memory_space<hbm>> -> memref<1280xi32, #tpu.memory_space<hbm>>
        %dma_start3A_342 = arith.constant 0 : i32
        %dma_start3A_343 = tpu.memref_slice %arg6[%dma_start3A_337, %dma_start3A_342] : memref<2x1280xi32, #tpu.memory_space<vmem>> -> memref<1x1280xi32, #tpu.memory_space<vmem>>
        %dma_start3A_344 = tpu.memref_squeeze %dma_start3A_343 : memref<1x1280xi32, #tpu.memory_space<vmem>> -> memref<1280xi32, #tpu.memory_space<vmem>>
        %dma_start3A_345 = tpu.memref_slice %arg2[%mul3A_336] : memref<5120000xi32, #tpu.memory_space<hbm>> -> memref<1280xi32, #tpu.memory_space<hbm>>
        tpu.enqueue_dma source(%dma_start3A_345 : memref<1280xi32, #tpu.memory_space<hbm>>) target(%dma_start3A_344 : memref<1280xi32, #tpu.memory_space<vmem>>) target_semaphore(%arg10 : memref<!tpu.dma_semaphore, #tpu.memory_space<semaphore_mem>>)
        %dma_start3A_346 = arith.constant 0 : i32
        %dma_start3A_347 = arith.constant 0 : i32
        %dma_start3A_348 = tpu.memref_slice %arg7[%dma_start3A_346, %dma_start3A_347] : memref<2x1280xf32, #tpu.memory_space<vmem>> -> memref<1x1280xf32, #tpu.memory_space<vmem>>
        %dma_start3A_349 = tpu.memref_squeeze %dma_start3A_348 : memref<1x1280xf32, #tpu.memory_space<vmem>> -> memref<1280xf32, #tpu.memory_space<vmem>>
        %dma_start3A_350 = tpu.memref_slice %arg3[%mul3A_336] : memref<5120000xf32, #tpu.memory_space<hbm>> -> memref<1280xf32, #tpu.memory_space<hbm>>
        %dma_start3A_351 = arith.constant 0 : i32
        %dma_start3A_352 = tpu.memref_slice %arg7[%dma_start3A_346, %dma_start3A_351] : memref<2x1280xf32, #tpu.memory_space<vmem>> -> memref<1x1280xf32, #tpu.memory_space<vmem>>
        %dma_start3A_353 = tpu.memref_squeeze %dma_start3A_352 : memref<1x1280xf32, #tpu.memory_space<vmem>> -> memref<1280xf32, #tpu.memory_space<vmem>>
        %dma_start3A_354 = tpu.memref_slice %arg3[%mul3A_336] : memref<5120000xf32, #tpu.memory_space<hbm>> -> memref<1280xf32, #tpu.memory_space<hbm>>
        tpu.enqueue_dma source(%dma_start3A_354 : memref<1280xf32, #tpu.memory_space<hbm>>) target(%dma_start3A_353 : memref<1280xf32, #tpu.memory_space<vmem>>) target_semaphore(%arg10 : memref<!tpu.dma_semaphore, #tpu.memory_space<semaphore_mem>>)
      } else {
      }
      %mul3A_274 = arith.constant 2 : i32
      %mul3A_275 = arith.muli %mul3A_274, %scan3A_224 : i32
      %add3A_276 = arith.constant 1 : i32
      %add3A_277 = arith.addi %mul3A_275, %add3A_276 : i32
      %lt3A_278 = arith.constant 124 : i32
      %lt3A_279 = arith.cmpi slt, %add3A_277, %lt3A_278 : i32
      %convert_element_type3A_280 = arith.extui %lt3A_279 : i1 to i32
      %cond3A_281 = arith.constant 0 : i32
      %cond3A_282 = arith.cmpi ne, %convert_element_type3A_280, %cond3A_281 : i32
      scf.if %cond3A_282 {
        %dma_wait3A_330 = arith.constant 0 : i32
        %dma_wait3A_331 = arith.constant 0 : i32
        %dma_wait3A_332 = tpu.memref_slice %arg6[%dma_wait3A_330, %dma_wait3A_331] : memref<2x1280xi32, #tpu.memory_space<vmem>> -> memref<1x1280xi32, #tpu.memory_space<vmem>>
        %dma_wait3A_333 = tpu.memref_squeeze %dma_wait3A_332 : memref<1x1280xi32, #tpu.memory_space<vmem>> -> memref<1280xi32, #tpu.memory_space<vmem>>
        %dma_wait3A_334 = arith.constant 0 : i32
        %dma_wait3A_335 = tpu.memref_slice %arg2[%dma_wait3A_334] : memref<5120000xi32, #tpu.memory_space<hbm>> -> memref<1280xi32, #tpu.memory_space<hbm>>
        %dma_wait3A_336 = arith.constant 0 : i32
        %dma_wait3A_337 = tpu.memref_slice %arg6[%dma_wait3A_330, %dma_wait3A_336] : memref<2x1280xi32, #tpu.memory_space<vmem>> -> memref<1x1280xi32, #tpu.memory_space<vmem>>
        %dma_wait3A_338 = tpu.memref_squeeze %dma_wait3A_337 : memref<1x1280xi32, #tpu.memory_space<vmem>> -> memref<1280xi32, #tpu.memory_space<vmem>>
        %dma_wait3A_339 = arith.constant 0 : i32
        %dma_wait3A_340 = tpu.memref_slice %arg2[%dma_wait3A_339] : memref<5120000xi32, #tpu.memory_space<hbm>> -> memref<1280xi32, #tpu.memory_space<hbm>>
        tpu.wait_dma2 semaphore(%arg10 : memref<!tpu.dma_semaphore, #tpu.memory_space<semaphore_mem>>) src(%dma_wait3A_340 : memref<1280xi32, #tpu.memory_space<hbm>>) dst(%dma_wait3A_338 : memref<1280xi32, #tpu.memory_space<vmem>>)
        %dma_wait3A_341 = arith.constant 0 : i32
        %dma_wait3A_342 = arith.constant 0 : i32
        %dma_wait3A_343 = tpu.memref_slice %arg7[%dma_wait3A_341, %dma_wait3A_342] : memref<2x1280xf32, #tpu.memory_space<vmem>> -> memref<1x1280xf32, #tpu.memory_space<vmem>>
        %dma_wait3A_344 = tpu.memref_squeeze %dma_wait3A_343 : memref<1x1280xf32, #tpu.memory_space<vmem>> -> memref<1280xf32, #tpu.memory_space<vmem>>
        %dma_wait3A_345 = arith.constant 0 : i32
        %dma_wait3A_346 = tpu.memref_slice %arg3[%dma_wait3A_345] : memref<5120000xf32, #tpu.memory_space<hbm>> -> memref<1280xf32, #tpu.memory_space<hbm>>
        %dma_wait3A_347 = arith.constant 0 : i32
        %dma_wait3A_348 = tpu.memref_slice %arg7[%dma_wait3A_341, %dma_wait3A_347] : memref<2x1280xf32, #tpu.memory_space<vmem>> -> memref<1x1280xf32, #tpu.memory_space<vmem>>
        %dma_wait3A_349 = tpu.memref_squeeze %dma_wait3A_348 : memref<1x1280xf32, #tpu.memory_space<vmem>> -> memref<1280xf32, #tpu.memory_space<vmem>>
        %dma_wait3A_350 = arith.constant 0 : i32
        %dma_wait3A_351 = tpu.memref_slice %arg3[%dma_wait3A_350] : memref<5120000xf32, #tpu.memory_space<hbm>> -> memref<1280xf32, #tpu.memory_space<hbm>>
        tpu.wait_dma2 semaphore(%arg10 : memref<!tpu.dma_semaphore, #tpu.memory_space<semaphore_mem>>) src(%dma_wait3A_351 : memref<1280xf32, #tpu.memory_space<hbm>>) dst(%dma_wait3A_349 : memref<1280xf32, #tpu.memory_space<vmem>>)
        %dma_start3A_352 = arith.constant 0 : i32
        %dma_start3A_353 = arith.constant 0 : i32
        %dma_start3A_354 = arith.constant 0 : i32
        %dma_start3A_355 = arith.constant 0 : i32
        %dma_start3A_356 = tpu.memref_slice %arg8[%dma_start3A_353, %dma_start3A_354, %dma_start3A_355] : memref<2x1280x32xf32, #tpu.memory_space<vmem>> -> memref<1x128x32xf32, #tpu.memory_space<vmem>>
        %dma_start3A_357 = tpu.memref_squeeze %dma_start3A_356 : memref<1x128x32xf32, #tpu.memory_space<vmem>> -> memref<128x32xf32, #tpu.memory_space<vmem>>
        %dma_start3A_358 = arith.constant 0 : i32
        %dma_start3A_359 = tpu.memref_slice %arg6[%dma_start3A_352, %dma_start3A_358] : memref<2x1280xi32, #tpu.memory_space<vmem>> -> memref<1x128xi32, #tpu.memory_space<vmem>>
        %dma_start3A_360 = tpu.memref_squeeze %dma_start3A_359 : memref<1x128xi32, #tpu.memory_space<vmem>> -> memref<128xi32, #tpu.memory_space<vmem>>
        %dma_start3A_361 = arith.constant 0 : i32
        %dma_start3A_362 = arith.constant 0 : i32
        %dma_start3A_363 = tpu.memref_slice %arg4[%dma_start3A_361, %dma_start3A_362] : memref<160000x32xf32, #tpu.memory_space<hbm>> -> memref<160000x32xf32, #tpu.memory_space<hbm>>
        tpu.enqueue_indirect_dma source(%dma_start3A_363 : memref<160000x32xf32, #tpu.memory_space<hbm>>) target(%dma_start3A_357 : memref<128x32xf32, #tpu.memory_space<vmem>>) offsets(%dma_start3A_360 : memref<128xi32, #tpu.memory_space<vmem>>) semaphore(%arg12 : memref<!tpu.dma_semaphore, #tpu.memory_space<semaphore_mem>>)
        %dma_start3A_364 = arith.constant 0 : i32
        %dma_start3A_365 = arith.constant 0 : i32
        %dma_start3A_366 = arith.constant 128 : i32
        %dma_start3A_367 = arith.constant 0 : i32
        %dma_start3A_368 = tpu.memref_slice %arg8[%dma_start3A_365, %dma_start3A_366, %dma_start3A_367] : memref<2x1280x32xf32, #tpu.memory_space<vmem>> -> memref<1x128x32xf32, #tpu.memory_space<vmem>>
        %dma_start3A_369 = tpu.memref_squeeze %dma_start3A_368 : memref<1x128x32xf32, #tpu.memory_space<vmem>> -> memref<128x32xf32, #tpu.memory_space<vmem>>
        %dma_start3A_370 = arith.constant 128 : i32
        %dma_start3A_371 = tpu.memref_slice %arg6[%dma_start3A_364, %dma_start3A_370] : memref<2x1280xi32, #tpu.memory_space<vmem>> -> memref<1x128xi32, #tpu.memory_space<vmem>>
        %dma_start3A_372 = tpu.memref_squeeze %dma_start3A_371 : memref<1x128xi32, #tpu.memory_space<vmem>> -> memref<128xi32, #tpu.memory_space<vmem>>
        %dma_start3A_373 = arith.constant 0 : i32
        %dma_start3A_374 = arith.constant 0 : i32
        %dma_start3A_375 = tpu.memref_slice %arg4[%dma_start3A_373, %dma_start3A_374] : memref<160000x32xf32, #tpu.memory_space<hbm>> -> memref<160000x32xf32, #tpu.memory_space<hbm>>
        tpu.enqueue_indirect_dma source(%dma_start3A_375 : memref<160000x32xf32, #tpu.memory_space<hbm>>) target(%dma_start3A_369 : memref<128x32xf32, #tpu.memory_space<vmem>>) offsets(%dma_start3A_372 : memref<128xi32, #tpu.memory_space<vmem>>) semaphore(%arg12 : memref<!tpu.dma_semaphore, #tpu.memory_space<semaphore_mem>>)
        %dma_start3A_376 = arith.constant 0 : i32
        %dma_start3A_377 = arith.constant 0 : i32
        %dma_start3A_378 = arith.constant 256 : i32
        %dma_start3A_379 = arith.constant 0 : i32
        %dma_start3A_380 = tpu.memref_slice %arg8[%dma_start3A_377, %dma_start3A_378, %dma_start3A_379] : memref<2x1280x32xf32, #tpu.memory_space<vmem>> -> memref<1x128x32xf32, #tpu.memory_space<vmem>>
        %dma_start3A_381 = tpu.memref_squeeze %dma_start3A_380 : memref<1x128x32xf32, #tpu.memory_space<vmem>> -> memref<128x32xf32, #tpu.memory_space<vmem>>
        %dma_start3A_382 = arith.constant 256 : i32
        %dma_start3A_383 = tpu.memref_slice %arg6[%dma_start3A_376, %dma_start3A_382] : memref<2x1280xi32, #tpu.memory_space<vmem>> -> memref<1x128xi32, #tpu.memory_space<vmem>>
        %dma_start3A_384 = tpu.memref_squeeze %dma_start3A_383 : memref<1x128xi32, #tpu.memory_space<vmem>> -> memref<128xi32, #tpu.memory_space<vmem>>
        %dma_start3A_385 = arith.constant 0 : i32
        %dma_start3A_386 = arith.constant 0 : i32
        %dma_start3A_387 = tpu.memref_slice %arg4[%dma_start3A_385, %dma_start3A_386] : memref<160000x32xf32, #tpu.memory_space<hbm>> -> memref<160000x32xf32, #tpu.memory_space<hbm>>
        tpu.enqueue_indirect_dma source(%dma_start3A_387 : memref<160000x32xf32, #tpu.memory_space<hbm>>) target(%dma_start3A_381 : memref<128x32xf32, #tpu.memory_space<vmem>>) offsets(%dma_start3A_384 : memref<128xi32, #tpu.memory_space<vmem>>) semaphore(%arg12 : memref<!tpu.dma_semaphore, #tpu.memory_space<semaphore_mem>>)
        %dma_start3A_388 = arith.constant 0 : i32
        %dma_start3A_389 = arith.constant 0 : i32
        %dma_start3A_390 = arith.constant 384 : i32
        %dma_start3A_391 = arith.constant 0 : i32
        %dma_start3A_392 = tpu.memref_slice %arg8[%dma_start3A_389, %dma_start3A_390, %dma_start3A_391] : memref<2x1280x32xf32, #tpu.memory_space<vmem>> -> memref<1x128x32xf32, #tpu.memory_space<vmem>>
        %dma_start3A_393 = tpu.memref_squeeze %dma_start3A_392 : memref<1x128x32xf32, #tpu.memory_space<vmem>> -> memref<128x32xf32, #tpu.memory_space<vmem>>
        %dma_start3A_394 = arith.constant 384 : i32
        %dma_start3A_395 = tpu.memref_slice %arg6[%dma_start3A_388, %dma_start3A_394] : memref<2x1280xi32, #tpu.memory_space<vmem>> -> memref<1x128xi32, #tpu.memory_space<vmem>>
        %dma_start3A_396 = tpu.memref_squeeze %dma_start3A_395 : memref<1x128xi32, #tpu.memory_space<vmem>> -> memref<128xi32, #tpu.memory_space<vmem>>
        %dma_start3A_397 = arith.constant 0 : i32
        %dma_start3A_398 = arith.constant 0 : i32
        %dma_start3A_399 = tpu.memref_slice %arg4[%dma_start3A_397, %dma_start3A_398] : memref<160000x32xf32, #tpu.memory_space<hbm>> -> memref<160000x32xf32, #tpu.memory_space<hbm>>
        tpu.enqueue_indirect_dma source(%dma_start3A_399 : memref<160000x32xf32, #tpu.memory_space<hbm>>) target(%dma_start3A_393 : memref<128x32xf32, #tpu.memory_space<vmem>>) offsets(%dma_start3A_396 : memref<128xi32, #tpu.memory_space<vmem>>) semaphore(%arg12 : memref<!tpu.dma_semaphore, #tpu.memory_space<semaphore_mem>>)
        %dma_start3A_400 = arith.constant 0 : i32
        %dma_start3A_401 = arith.constant 0 : i32
        %dma_start3A_402 = arith.constant 512 : i32
        %dma_start3A_403 = arith.constant 0 : i32
        %dma_start3A_404 = tpu.memref_slice %arg8[%dma_start3A_401, %dma_start3A_402, %dma_start3A_403] : memref<2x1280x32xf32, #tpu.memory_space<vmem>> -> memref<1x128x32xf32, #tpu.memory_space<vmem>>
        %dma_start3A_405 = tpu.memref_squeeze %dma_start3A_404 : memref<1x128x32xf32, #tpu.memory_space<vmem>> -> memref<128x32xf32, #tpu.memory_space<vmem>>
        %dma_start3A_406 = arith.constant 512 : i32
        %dma_start3A_407 = tpu.memref_slice %arg6[%dma_start3A_400, %dma_start3A_406] : memref<2x1280xi32, #tpu.memory_space<vmem>> -> memref<1x128xi32, #tpu.memory_space<vmem>>
        %dma_start3A_408 = tpu.memref_squeeze %dma_start3A_407 : memref<1x128xi32, #tpu.memory_space<vmem>> -> memref<128xi32, #tpu.memory_space<vmem>>
        %dma_start3A_409 = arith.constant 0 : i32
        %dma_start3A_410 = arith.constant 0 : i32
        %dma_start3A_411 = tpu.memref_slice %arg4[%dma_start3A_409, %dma_start3A_410] : memref<160000x32xf32, #tpu.memory_space<hbm>> -> memref<160000x32xf32, #tpu.memory_space<hbm>>
        tpu.enqueue_indirect_dma source(%dma_start3A_411 : memref<160000x32xf32, #tpu.memory_space<hbm>>) target(%dma_start3A_405 : memref<128x32xf32, #tpu.memory_space<vmem>>) offsets(%dma_start3A_408 : memref<128xi32, #tpu.memory_space<vmem>>) semaphore(%arg12 : memref<!tpu.dma_semaphore, #tpu.memory_space<semaphore_mem>>)
        %dma_start3A_412 = arith.constant 0 : i32
        %dma_start3A_413 = arith.constant 0 : i32
        %dma_start3A_414 = arith.constant 640 : i32
        %dma_start3A_415 = arith.constant 0 : i32
        %dma_start3A_416 = tpu.memref_slice %arg8[%dma_start3A_413, %dma_start3A_414, %dma_start3A_415] : memref<2x1280x32xf32, #tpu.memory_space<vmem>> -> memref<1x128x32xf32, #tpu.memory_space<vmem>>
        %dma_start3A_417 = tpu.memref_squeeze %dma_start3A_416 : memref<1x128x32xf32, #tpu.memory_space<vmem>> -> memref<128x32xf32, #tpu.memory_space<vmem>>
        %dma_start3A_418 = arith.constant 640 : i32
        %dma_start3A_419 = tpu.memref_slice %arg6[%dma_start3A_412, %dma_start3A_418] : memref<2x1280xi32, #tpu.memory_space<vmem>> -> memref<1x128xi32, #tpu.memory_space<vmem>>
        %dma_start3A_420 = tpu.memref_squeeze %dma_start3A_419 : memref<1x128xi32, #tpu.memory_space<vmem>> -> memref<128xi32, #tpu.memory_space<vmem>>
        %dma_start3A_421 = arith.constant 0 : i32
        %dma_start3A_422 = arith.constant 0 : i32
        %dma_start3A_423 = tpu.memref_slice %arg4[%dma_start3A_421, %dma_start3A_422] : memref<160000x32xf32, #tpu.memory_space<hbm>> -> memref<160000x32xf32, #tpu.memory_space<hbm>>
        tpu.enqueue_indirect_dma source(%dma_start3A_423 : memref<160000x32xf32, #tpu.memory_space<hbm>>) target(%dma_start3A_417 : memref<128x32xf32, #tpu.memory_space<vmem>>) offsets(%dma_start3A_420 : memref<128xi32, #tpu.memory_space<vmem>>) semaphore(%arg12 : memref<!tpu.dma_semaphore, #tpu.memory_space<semaphore_mem>>)
        %dma_start3A_424 = arith.constant 0 : i32
        %dma_start3A_425 = arith.constant 0 : i32
        %dma_start3A_426 = arith.constant 768 : i32
        %dma_start3A_427 = arith.constant 0 : i32
        %dma_start3A_428 = tpu.memref_slice %arg8[%dma_start3A_425, %dma_start3A_426, %dma_start3A_427] : memref<2x1280x32xf32, #tpu.memory_space<vmem>> -> memref<1x128x32xf32, #tpu.memory_space<vmem>>
        %dma_start3A_429 = tpu.memref_squeeze %dma_start3A_428 : memref<1x128x32xf32, #tpu.memory_space<vmem>> -> memref<128x32xf32, #tpu.memory_space<vmem>>
        %dma_start3A_430 = arith.constant 768 : i32
        %dma_start3A_431 = tpu.memref_slice %arg6[%dma_start3A_424, %dma_start3A_430] : memref<2x1280xi32, #tpu.memory_space<vmem>> -> memref<1x128xi32, #tpu.memory_space<vmem>>
        %dma_start3A_432 = tpu.memref_squeeze %dma_start3A_431 : memref<1x128xi32, #tpu.memory_space<vmem>> -> memref<128xi32, #tpu.memory_space<vmem>>
        %dma_start3A_433 = arith.constant 0 : i32
        %dma_start3A_434 = arith.constant 0 : i32
        %dma_start3A_435 = tpu.memref_slice %arg4[%dma_start3A_433, %dma_start3A_434] : memref<160000x32xf32, #tpu.memory_space<hbm>> -> memref<160000x32xf32, #tpu.memory_space<hbm>>
        tpu.enqueue_indirect_dma source(%dma_start3A_435 : memref<160000x32xf32, #tpu.memory_space<hbm>>) target(%dma_start3A_429 : memref<128x32xf32, #tpu.memory_space<vmem>>) offsets(%dma_start3A_432 : memref<128xi32, #tpu.memory_space<vmem>>) semaphore(%arg12 : memref<!tpu.dma_semaphore, #tpu.memory_space<semaphore_mem>>)
        %dma_start3A_436 = arith.constant 0 : i32
        %dma_start3A_437 = arith.constant 0 : i32
        %dma_start3A_438 = arith.constant 896 : i32
        %dma_start3A_439 = arith.constant 0 : i32
        %dma_start3A_440 = tpu.memref_slice %arg8[%dma_start3A_437, %dma_start3A_438, %dma_start3A_439] : memref<2x1280x32xf32, #tpu.memory_space<vmem>> -> memref<1x128x32xf32, #tpu.memory_space<vmem>>
        %dma_start3A_441 = tpu.memref_squeeze %dma_start3A_440 : memref<1x128x32xf32, #tpu.memory_space<vmem>> -> memref<128x32xf32, #tpu.memory_space<vmem>>
        %dma_start3A_442 = arith.constant 896 : i32
        %dma_start3A_443 = tpu.memref_slice %arg6[%dma_start3A_436, %dma_start3A_442] : memref<2x1280xi32, #tpu.memory_space<vmem>> -> memref<1x128xi32, #tpu.memory_space<vmem>>
        %dma_start3A_444 = tpu.memref_squeeze %dma_start3A_443 : memref<1x128xi32, #tpu.memory_space<vmem>> -> memref<128xi32, #tpu.memory_space<vmem>>
        %dma_start3A_445 = arith.constant 0 : i32
        %dma_start3A_446 = arith.constant 0 : i32
        %dma_start3A_447 = tpu.memref_slice %arg4[%dma_start3A_445, %dma_start3A_446] : memref<160000x32xf32, #tpu.memory_space<hbm>> -> memref<160000x32xf32, #tpu.memory_space<hbm>>
        tpu.enqueue_indirect_dma source(%dma_start3A_447 : memref<160000x32xf32, #tpu.memory_space<hbm>>) target(%dma_start3A_441 : memref<128x32xf32, #tpu.memory_space<vmem>>) offsets(%dma_start3A_444 : memref<128xi32, #tpu.memory_space<vmem>>) semaphore(%arg12 : memref<!tpu.dma_semaphore, #tpu.memory_space<semaphore_mem>>)
        %dma_start3A_448 = arith.constant 0 : i32
        %dma_start3A_449 = arith.constant 0 : i32
        %dma_start3A_450 = arith.constant 1024 : i32
        %dma_start3A_451 = arith.constant 0 : i32
        %dma_start3A_452 = tpu.memref_slice %arg8[%dma_start3A_449, %dma_start3A_450, %dma_start3A_451] : memref<2x1280x32xf32, #tpu.memory_space<vmem>> -> memref<1x128x32xf32, #tpu.memory_space<vmem>>
        %dma_start3A_453 = tpu.memref_squeeze %dma_start3A_452 : memref<1x128x32xf32, #tpu.memory_space<vmem>> -> memref<128x32xf32, #tpu.memory_space<vmem>>
        %dma_start3A_454 = arith.constant 1024 : i32
        %dma_start3A_455 = tpu.memref_slice %arg6[%dma_start3A_448, %dma_start3A_454] : memref<2x1280xi32, #tpu.memory_space<vmem>> -> memref<1x128xi32, #tpu.memory_space<vmem>>
        %dma_start3A_456 = tpu.memref_squeeze %dma_start3A_455 : memref<1x128xi32, #tpu.memory_space<vmem>> -> memref<128xi32, #tpu.memory_space<vmem>>
        %dma_start3A_457 = arith.constant 0 : i32
        %dma_start3A_458 = arith.constant 0 : i32
        %dma_start3A_459 = tpu.memref_slice %arg4[%dma_start3A_457, %dma_start3A_458] : memref<160000x32xf32, #tpu.memory_space<hbm>> -> memref<160000x32xf32, #tpu.memory_space<hbm>>
        tpu.enqueue_indirect_dma source(%dma_start3A_459 : memref<160000x32xf32, #tpu.memory_space<hbm>>) target(%dma_start3A_453 : memref<128x32xf32, #tpu.memory_space<vmem>>) offsets(%dma_start3A_456 : memref<128xi32, #tpu.memory_space<vmem>>) semaphore(%arg12 : memref<!tpu.dma_semaphore, #tpu.memory_space<semaphore_mem>>)
        %dma_start3A_460 = arith.constant 0 : i32
        %dma_start3A_461 = arith.constant 0 : i32
        %dma_start3A_462 = arith.constant 1152 : i32
        %dma_start3A_463 = arith.constant 0 : i32
        %dma_start3A_464 = tpu.memref_slice %arg8[%dma_start3A_461, %dma_start3A_462, %dma_start3A_463] : memref<2x1280x32xf32, #tpu.memory_space<vmem>> -> memref<1x128x32xf32, #tpu.memory_space<vmem>>
        %dma_start3A_465 = tpu.memref_squeeze %dma_start3A_464 : memref<1x128x32xf32, #tpu.memory_space<vmem>> -> memref<128x32xf32, #tpu.memory_space<vmem>>
        %dma_start3A_466 = arith.constant 1152 : i32
        %dma_start3A_467 = tpu.memref_slice %arg6[%dma_start3A_460, %dma_start3A_466] : memref<2x1280xi32, #tpu.memory_space<vmem>> -> memref<1x128xi32, #tpu.memory_space<vmem>>
        %dma_start3A_468 = tpu.memref_squeeze %dma_start3A_467 : memref<1x128xi32, #tpu.memory_space<vmem>> -> memref<128xi32, #tpu.memory_space<vmem>>
        %dma_start3A_469 = arith.constant 0 : i32
        %dma_start3A_470 = arith.constant 0 : i32
        %dma_start3A_471 = tpu.memref_slice %arg4[%dma_start3A_469, %dma_start3A_470] : memref<160000x32xf32, #tpu.memory_space<hbm>> -> memref<160000x32xf32, #tpu.memory_space<hbm>>
        tpu.enqueue_indirect_dma source(%dma_start3A_471 : memref<160000x32xf32, #tpu.memory_space<hbm>>) target(%dma_start3A_465 : memref<128x32xf32, #tpu.memory_space<vmem>>) offsets(%dma_start3A_468 : memref<128xi32, #tpu.memory_space<vmem>>) semaphore(%arg12 : memref<!tpu.dma_semaphore, #tpu.memory_space<semaphore_mem>>)
      } else {
      }
      %dma_wait3A_283 = arith.constant 1 : i32
      %dma_wait3A_284 = arith.constant 0 : i32
      %dma_wait3A_285 = arith.constant 0 : i32
      %dma_wait3A_286 = tpu.memref_slice %arg8[%dma_wait3A_283, %dma_wait3A_284, %dma_wait3A_285] : memref<2x1280x32xf32, #tpu.memory_space<vmem>> -> memref<1x1280x32xf32, #tpu.memory_space<vmem>>
      %dma_wait3A_287 = tpu.memref_squeeze %dma_wait3A_286 : memref<1x1280x32xf32, #tpu.memory_space<vmem>> -> memref<1280x32xf32, #tpu.memory_space<vmem>>
      %dma_wait3A_288 = arith.constant 0 : i32
      %dma_wait3A_289 = arith.constant 0 : i32
      %dma_wait3A_290 = tpu.memref_slice %arg4[%dma_wait3A_288, %dma_wait3A_289] : memref<160000x32xf32, #tpu.memory_space<hbm>> -> memref<1280x32xf32, #tpu.memory_space<hbm>>
      %dma_wait3A_291 = arith.constant 0 : i32
      %dma_wait3A_292 = arith.constant 0 : i32
      %dma_wait3A_293 = tpu.memref_slice %arg8[%dma_wait3A_283, %dma_wait3A_291, %dma_wait3A_292] : memref<2x1280x32xf32, #tpu.memory_space<vmem>> -> memref<1x1280x32xf32, #tpu.memory_space<vmem>>
      %dma_wait3A_294 = tpu.memref_squeeze %dma_wait3A_293 : memref<1x1280x32xf32, #tpu.memory_space<vmem>> -> memref<1280x32xf32, #tpu.memory_space<vmem>>
      %dma_wait3A_295 = arith.constant 0 : i32
      %dma_wait3A_296 = arith.constant 0 : i32
      %dma_wait3A_297 = tpu.memref_slice %arg4[%dma_wait3A_295, %dma_wait3A_296] : memref<160000x32xf32, #tpu.memory_space<hbm>> -> memref<1280x32xf32, #tpu.memory_space<hbm>>
      tpu.wait_dma2 semaphore(%arg13 : memref<!tpu.dma_semaphore, #tpu.memory_space<semaphore_mem>>) src(%dma_wait3A_297 : memref<1280x32xf32, #tpu.memory_space<hbm>>) dst(%dma_wait3A_294 : memref<1280x32xf32, #tpu.memory_space<vmem>>)
      %ge3A_298 = arith.constant 2 : i32
      %ge3A_299 = arith.cmpi sge, %add3A_277, %ge3A_298 : i32
      %convert_element_type3A_300 = arith.extui %ge3A_299 : i1 to i32
      %cond3A_301 = arith.constant 0 : i32
      %cond3A_302 = arith.cmpi ne, %convert_element_type3A_300, %cond3A_301 : i32
      scf.if %cond3A_302 {
        %dma_wait3A_330 = arith.constant 1 : i32
        %dma_wait3A_331 = arith.constant 0 : i32
        %dma_wait3A_332 = tpu.memref_slice %arg9[%dma_wait3A_330, %dma_wait3A_331] : memref<2x1280xf32, #tpu.memory_space<vmem>> -> memref<1x1280xf32, #tpu.memory_space<vmem>>
        %dma_wait3A_333 = tpu.memref_squeeze %dma_wait3A_332 : memref<1x1280xf32, #tpu.memory_space<vmem>> -> memref<1280xf32, #tpu.memory_space<vmem>>
        %dma_wait3A_334 = arith.constant 0 : i32
        %dma_wait3A_335 = tpu.memref_slice %arg5[%dma_wait3A_334] : memref<5120000xf32, #tpu.memory_space<hbm>> -> memref<1280xf32, #tpu.memory_space<hbm>>
        %dma_wait3A_336 = arith.constant 0 : i32
        %dma_wait3A_337 = tpu.memref_slice %arg5[%dma_wait3A_336] : memref<5120000xf32, #tpu.memory_space<hbm>> -> memref<1280xf32, #tpu.memory_space<hbm>>
        %dma_wait3A_338 = arith.constant 0 : i32
        %dma_wait3A_339 = tpu.memref_slice %arg9[%dma_wait3A_330, %dma_wait3A_338] : memref<2x1280xf32, #tpu.memory_space<vmem>> -> memref<1x1280xf32, #tpu.memory_space<vmem>>
        %dma_wait3A_340 = tpu.memref_squeeze %dma_wait3A_339 : memref<1x1280xf32, #tpu.memory_space<vmem>> -> memref<1280xf32, #tpu.memory_space<vmem>>
        tpu.wait_dma2 semaphore(%arg15 : memref<!tpu.dma_semaphore, #tpu.memory_space<semaphore_mem>>) src(%dma_wait3A_340 : memref<1280xf32, #tpu.memory_space<vmem>>) dst(%dma_wait3A_337 : memref<1280xf32, #tpu.memory_space<hbm>>)
      } else {
      }
      %scan3A_303 = arith.constant 0 : i32
      %scan3A_304 = arith.constant 0 : i32
      %scan3A_305 = arith.constant 40 : i32
      %scan3A_306 = arith.addi %scan3A_304, %scan3A_305 : i32
      %scan3A_307 = arith.constant 1 : i32
      scf.for %scan3A_330 = %scan3A_304 to %scan3A_306 step %scan3A_307  : i32 {
        %mul3A_331 = arith.constant 32 : i32
        %mul3A_332 = arith.muli %scan3A_330, %mul3A_331 : i32
        %get3A = arith.constant 1 : i32
        %get3A_333 = arith.index_cast %get3A : i32 to index
        %get3A_334 = arith.index_cast %mul3A_332 : i32 to index
        %get3A_335 = tpu.vector_load %arg7[%get3A_333, %get3A_334] {strides = array<i32>} : memref<2x1280xf32, #tpu.memory_space<vmem>>, vector<1x16xf32>,
        %get3A_336 = vector.shape_cast %get3A_335 : vector<1x16xf32> to vector<16xf32>
        %add3A_337 = arith.constant 16 : i32
        %add3A_338 = arith.addi %mul3A_332, %add3A_337 : i32
        %get3A_339 = arith.constant 1 : i32
        %get3A_340 = arith.index_cast %get3A_339 : i32 to index
        %get3A_341 = arith.index_cast %add3A_338 : i32 to index
        %get3A_342 = tpu.vector_load %arg7[%get3A_340, %get3A_341] {strides = array<i32>} : memref<2x1280xf32, #tpu.memory_space<vmem>>, vector<1x16xf32>,
        %get3A_343 = vector.shape_cast %get3A_342 : vector<1x16xf32> to vector<16xf32>
        %broadcast_in_dim3A = arith.constant 0.000000e+00 : f32
        %broadcast_in_dim3A_344 = vector.broadcast %broadcast_in_dim3A : f32 to vector<16xf32>
        %broadcast_in_dim3A_345 = arith.constant 0.000000e+00 : f32
        %broadcast_in_dim3A_346 = vector.broadcast %broadcast_in_dim3A_345 : f32 to vector<16xf32>
        %broadcast_in_dim3A_347 = arith.constant 0.000000e+00 : f32
        %broadcast_in_dim3A_348 = vector.broadcast %broadcast_in_dim3A_347 : f32 to vector<16xf32>
        %broadcast_in_dim3A_349 = arith.constant 0.000000e+00 : f32
        %broadcast_in_dim3A_350 = vector.broadcast %broadcast_in_dim3A_349 : f32 to vector<16xf32>
        %slice3A = vector.extract_strided_slice %get3A_336 {offsets = [0], sizes = [1], strides = [1]} : vector<16xf32> to vector<1xf32>
        %squeeze3A = vector.extract %slice3A[0] : f32 from vector<1xf32>
        %slice3A_351 = vector.extract_strided_slice %get3A_343 {offsets = [0], sizes = [1], strides = [1]} : vector<16xf32> to vector<1xf32>
        %squeeze3A_352 = vector.extract %slice3A_351[0] : f32 from vector<1xf32>
        %add3A_353 = arith.constant 0 : i32
        %add3A_354 = arith.addi %mul3A_332, %add3A_353 : i32
        %get3A_355 = arith.constant 1 : i32
        %get3A_356 = arith.index_cast %get3A_355 : i32 to index
        %get3A_357 = arith.index_cast %add3A_354 : i32 to index
        %get3A_358 = arith.constant 0 : index
        %get3A_359 = tpu.vector_load %arg8[%get3A_356, %get3A_357, %get3A_358] {strides = array<i32>} : memref<2x1280x32xf32, #tpu.memory_space<vmem>>, vector<1x1x16xf32>,
        %get3A_360 = vector.shape_cast %get3A_359 : vector<1x1x16xf32> to vector<16xf32>
        %mul3A_361 = vector.broadcast %squeeze3A : f32 to vector<16xf32>
        %mul3A_362 = arith.mulf %mul3A_361, %get3A_360 : vector<16xf32>
        %add3A_363 = arith.addf %broadcast_in_dim3A_344, %mul3A_362 : vector<16xf32>
        %add3A_364 = arith.constant 0 : i32
        %add3A_365 = arith.addi %mul3A_332, %add3A_364 : i32
        %get3A_366 = arith.constant 1 : i32
        %get3A_367 = arith.index_cast %get3A_366 : i32 to index
        %get3A_368 = arith.index_cast %add3A_365 : i32 to index
        %get3A_369 = arith.constant 16 : index
        %get3A_370 = tpu.vector_load %arg8[%get3A_367, %get3A_368, %get3A_369] {strides = array<i32>} : memref<2x1280x32xf32, #tpu.memory_space<vmem>>, vector<1x1x16xf32>,
        %get3A_371 = vector.shape_cast %get3A_370 : vector<1x1x16xf32> to vector<16xf32>
        %mul3A_372 = vector.broadcast %squeeze3A : f32 to vector<16xf32>
        %mul3A_373 = arith.mulf %mul3A_372, %get3A_371 : vector<16xf32>
        %add3A_374 = arith.addf %broadcast_in_dim3A_346, %mul3A_373 : vector<16xf32>
        %add3A_375 = arith.constant 16 : i32
        %add3A_376 = arith.addi %mul3A_332, %add3A_375 : i32
        %add3A_377 = arith.constant 0 : i32
        %add3A_378 = arith.addi %add3A_376, %add3A_377 : i32
        %get3A_379 = arith.constant 1 : i32
        %get3A_380 = arith.index_cast %get3A_379 : i32 to index
        %get3A_381 = arith.index_cast %add3A_378 : i32 to index
        %get3A_382 = arith.constant 0 : index
        %get3A_383 = tpu.vector_load %arg8[%get3A_380, %get3A_381, %get3A_382] {strides = array<i32>} : memref<2x1280x32xf32, #tpu.memory_space<vmem>>, vector<1x1x16xf32>,
        %get3A_384 = vector.shape_cast %get3A_383 : vector<1x1x16xf32> to vector<16xf32>
        %mul3A_385 = vector.broadcast %squeeze3A_352 : f32 to vector<16xf32>
        %mul3A_386 = arith.mulf %mul3A_385, %get3A_384 : vector<16xf32>
        %add3A_387 = arith.addf %broadcast_in_dim3A_348, %mul3A_386 : vector<16xf32>
        %add3A_388 = arith.constant 16 : i32
        %add3A_389 = arith.addi %mul3A_332, %add3A_388 : i32
        %add3A_390 = arith.constant 0 : i32
        %add3A_391 = arith.addi %add3A_389, %add3A_390 : i32
        %get3A_392 = arith.constant 1 : i32
        %get3A_393 = arith.index_cast %get3A_392 : i32 to index
        %get3A_394 = arith.index_cast %add3A_391 : i32 to index
        %get3A_395 = arith.constant 16 : index
        %get3A_396 = tpu.vector_load %arg8[%get3A_393, %get3A_394, %get3A_395] {strides = array<i32>} : memref<2x1280x32xf32, #tpu.memory_space<vmem>>, vector<1x1x16xf32>,
        %get3A_397 = vector.shape_cast %get3A_396 : vector<1x1x16xf32> to vector<16xf32>
        %mul3A_398 = vector.broadcast %squeeze3A_352 : f32 to vector<16xf32>
        %mul3A_399 = arith.mulf %mul3A_398, %get3A_397 : vector<16xf32>
        %add3A_400 = arith.addf %broadcast_in_dim3A_350, %mul3A_399 : vector<16xf32>
        %slice3A_401 = vector.extract_strided_slice %get3A_336 {offsets = [1], sizes = [1], strides = [1]} : vector<16xf32> to vector<1xf32>
        %squeeze3A_402 = vector.extract %slice3A_401[0] : f32 from vector<1xf32>
        %slice3A_403 = vector.extract_strided_slice %get3A_343 {offsets = [1], sizes = [1], strides = [1]} : vector<16xf32> to vector<1xf32>
        %squeeze3A_404 = vector.extract %slice3A_403[0] : f32 from vector<1xf32>
        %add3A_405 = arith.constant 1 : i32
        %add3A_406 = arith.addi %mul3A_332, %add3A_405 : i32
        %get3A_407 = arith.constant 1 : i32
        %get3A_408 = arith.index_cast %get3A_407 : i32 to index
        %get3A_409 = arith.index_cast %add3A_406 : i32 to index
        %get3A_410 = arith.constant 0 : index
        %get3A_411 = tpu.vector_load %arg8[%get3A_408, %get3A_409, %get3A_410] {strides = array<i32>} : memref<2x1280x32xf32, #tpu.memory_space<vmem>>, vector<1x1x16xf32>,
        %get3A_412 = vector.shape_cast %get3A_411 : vector<1x1x16xf32> to vector<16xf32>
        %mul3A_413 = vector.broadcast %squeeze3A_402 : f32 to vector<16xf32>
        %mul3A_414 = arith.mulf %mul3A_413, %get3A_412 : vector<16xf32>
        %add3A_415 = arith.addf %add3A_363, %mul3A_414 : vector<16xf32>
        %add3A_416 = arith.constant 1 : i32
        %add3A_417 = arith.addi %mul3A_332, %add3A_416 : i32
        %get3A_418 = arith.constant 1 : i32
        %get3A_419 = arith.index_cast %get3A_418 : i32 to index
        %get3A_420 = arith.index_cast %add3A_417 : i32 to index
        %get3A_421 = arith.constant 16 : index
        %get3A_422 = tpu.vector_load %arg8[%get3A_419, %get3A_420, %get3A_421] {strides = array<i32>} : memref<2x1280x32xf32, #tpu.memory_space<vmem>>, vector<1x1x16xf32>,
        %get3A_423 = vector.shape_cast %get3A_422 : vector<1x1x16xf32> to vector<16xf32>
        %mul3A_424 = vector.broadcast %squeeze3A_402 : f32 to vector<16xf32>
        %mul3A_425 = arith.mulf %mul3A_424, %get3A_423 : vector<16xf32>
        %add3A_426 = arith.addf %add3A_374, %mul3A_425 : vector<16xf32>
        %add3A_427 = arith.constant 16 : i32
        %add3A_428 = arith.addi %mul3A_332, %add3A_427 : i32
        %add3A_429 = arith.constant 1 : i32
        %add3A_430 = arith.addi %add3A_428, %add3A_429 : i32
        %get3A_431 = arith.constant 1 : i32
        %get3A_432 = arith.index_cast %get3A_431 : i32 to index
        %get3A_433 = arith.index_cast %add3A_430 : i32 to index
        %get3A_434 = arith.constant 0 : index
        %get3A_435 = tpu.vector_load %arg8[%get3A_432, %get3A_433, %get3A_434] {strides = array<i32>} : memref<2x1280x32xf32, #tpu.memory_space<vmem>>, vector<1x1x16xf32>,
        %get3A_436 = vector.shape_cast %get3A_435 : vector<1x1x16xf32> to vector<16xf32>
        %mul3A_437 = vector.broadcast %squeeze3A_404 : f32 to vector<16xf32>
        %mul3A_438 = arith.mulf %mul3A_437, %get3A_436 : vector<16xf32>
        %add3A_439 = arith.addf %add3A_387, %mul3A_438 : vector<16xf32>
        %add3A_440 = arith.constant 16 : i32
        %add3A_441 = arith.addi %mul3A_332, %add3A_440 : i32
        %add3A_442 = arith.constant 1 : i32
        %add3A_443 = arith.addi %add3A_441, %add3A_442 : i32
        %get3A_444 = arith.constant 1 : i32
        %get3A_445 = arith.index_cast %get3A_444 : i32 to index
        %get3A_446 = arith.index_cast %add3A_443 : i32 to index
        %get3A_447 = arith.constant 16 : index
        %get3A_448 = tpu.vector_load %arg8[%get3A_445, %get3A_446, %get3A_447] {strides = array<i32>} : memref<2x1280x32xf32, #tpu.memory_space<vmem>>, vector<1x1x16xf32>,
        %get3A_449 = vector.shape_cast %get3A_448 : vector<1x1x16xf32> to vector<16xf32>
        %mul3A_450 = vector.broadcast %squeeze3A_404 : f32 to vector<16xf32>
        %mul3A_451 = arith.mulf %mul3A_450, %get3A_449 : vector<16xf32>
        %add3A_452 = arith.addf %add3A_400, %mul3A_451 : vector<16xf32>
        %slice3A_453 = vector.extract_strided_slice %get3A_336 {offsets = [2], sizes = [1], strides = [1]} : vector<16xf32> to vector<1xf32>
        %squeeze3A_454 = vector.extract %slice3A_453[0] : f32 from vector<1xf32>
        %slice3A_455 = vector.extract_strided_slice %get3A_343 {offsets = [2], sizes = [1], strides = [1]} : vector<16xf32> to vector<1xf32>
        %squeeze3A_456 = vector.extract %slice3A_455[0] : f32 from vector<1xf32>
        %add3A_457 = arith.constant 2 : i32
        %add3A_458 = arith.addi %mul3A_332, %add3A_457 : i32
        %get3A_459 = arith.constant 1 : i32
        %get3A_460 = arith.index_cast %get3A_459 : i32 to index
        %get3A_461 = arith.index_cast %add3A_458 : i32 to index
        %get3A_462 = arith.constant 0 : index
        %get3A_463 = tpu.vector_load %arg8[%get3A_460, %get3A_461, %get3A_462] {strides = array<i32>} : memref<2x1280x32xf32, #tpu.memory_space<vmem>>, vector<1x1x16xf32>,
        %get3A_464 = vector.shape_cast %get3A_463 : vector<1x1x16xf32> to vector<16xf32>
        %mul3A_465 = vector.broadcast %squeeze3A_454 : f32 to vector<16xf32>
        %mul3A_466 = arith.mulf %mul3A_465, %get3A_464 : vector<16xf32>
        %add3A_467 = arith.addf %add3A_415, %mul3A_466 : vector<16xf32>
        %add3A_468 = arith.constant 2 : i32
        %add3A_469 = arith.addi %mul3A_332, %add3A_468 : i32
        %get3A_470 = arith.constant 1 : i32
        %get3A_471 = arith.index_cast %get3A_470 : i32 to index
        %get3A_472 = arith.index_cast %add3A_469 : i32 to index
        %get3A_473 = arith.constant 16 : index
        %get3A_474 = tpu.vector_load %arg8[%get3A_471, %get3A_472, %get3A_473] {strides = array<i32>} : memref<2x1280x32xf32, #tpu.memory_space<vmem>>, vector<1x1x16xf32>,
        %get3A_475 = vector.shape_cast %get3A_474 : vector<1x1x16xf32> to vector<16xf32>
        %mul3A_476 = vector.broadcast %squeeze3A_454 : f32 to vector<16xf32>
        %mul3A_477 = arith.mulf %mul3A_476, %get3A_475 : vector<16xf32>
        %add3A_478 = arith.addf %add3A_426, %mul3A_477 : vector<16xf32>
        %add3A_479 = arith.constant 16 : i32
        %add3A_480 = arith.addi %mul3A_332, %add3A_479 : i32
        %add3A_481 = arith.constant 2 : i32
        %add3A_482 = arith.addi %add3A_480, %add3A_481 : i32
        %get3A_483 = arith.constant 1 : i32
        %get3A_484 = arith.index_cast %get3A_483 : i32 to index
        %get3A_485 = arith.index_cast %add3A_482 : i32 to index
        %get3A_486 = arith.constant 0 : index
        %get3A_487 = tpu.vector_load %arg8[%get3A_484, %get3A_485, %get3A_486] {strides = array<i32>} : memref<2x1280x32xf32, #tpu.memory_space<vmem>>, vector<1x1x16xf32>,
        %get3A_488 = vector.shape_cast %get3A_487 : vector<1x1x16xf32> to vector<16xf32>
        %mul3A_489 = vector.broadcast %squeeze3A_456 : f32 to vector<16xf32>
        %mul3A_490 = arith.mulf %mul3A_489, %get3A_488 : vector<16xf32>
        %add3A_491 = arith.addf %add3A_439, %mul3A_490 : vector<16xf32>
        %add3A_492 = arith.constant 16 : i32
        %add3A_493 = arith.addi %mul3A_332, %add3A_492 : i32
        %add3A_494 = arith.constant 2 : i32
        %add3A_495 = arith.addi %add3A_493, %add3A_494 : i32
        %get3A_496 = arith.constant 1 : i32
        %get3A_497 = arith.index_cast %get3A_496 : i32 to index
        %get3A_498 = arith.index_cast %add3A_495 : i32 to index
        %get3A_499 = arith.constant 16 : index
        %get3A_500 = tpu.vector_load %arg8[%get3A_497, %get3A_498, %get3A_499] {strides = array<i32>} : memref<2x1280x32xf32, #tpu.memory_space<vmem>>, vector<1x1x16xf32>,
        %get3A_501 = vector.shape_cast %get3A_500 : vector<1x1x16xf32> to vector<16xf32>
        %mul3A_502 = vector.broadcast %squeeze3A_456 : f32 to vector<16xf32>
        %mul3A_503 = arith.mulf %mul3A_502, %get3A_501 : vector<16xf32>
        %add3A_504 = arith.addf %add3A_452, %mul3A_503 : vector<16xf32>
        %slice3A_505 = vector.extract_strided_slice %get3A_336 {offsets = [3], sizes = [1], strides = [1]} : vector<16xf32> to vector<1xf32>
        %squeeze3A_506 = vector.extract %slice3A_505[0] : f32 from vector<1xf32>
        %slice3A_507 = vector.extract_strided_slice %get3A_343 {offsets = [3], sizes = [1], strides = [1]} : vector<16xf32> to vector<1xf32>
        %squeeze3A_508 = vector.extract %slice3A_507[0] : f32 from vector<1xf32>
        %add3A_509 = arith.constant 3 : i32
        %add3A_510 = arith.addi %mul3A_332, %add3A_509 : i32
        %get3A_511 = arith.constant 1 : i32
        %get3A_512 = arith.index_cast %get3A_511 : i32 to index
        %get3A_513 = arith.index_cast %add3A_510 : i32 to index
        %get3A_514 = arith.constant 0 : index
        %get3A_515 = tpu.vector_load %arg8[%get3A_512, %get3A_513, %get3A_514] {strides = array<i32>} : memref<2x1280x32xf32, #tpu.memory_space<vmem>>, vector<1x1x16xf32>,
        %get3A_516 = vector.shape_cast %get3A_515 : vector<1x1x16xf32> to vector<16xf32>
        %mul3A_517 = vector.broadcast %squeeze3A_506 : f32 to vector<16xf32>
        %mul3A_518 = arith.mulf %mul3A_517, %get3A_516 : vector<16xf32>
        %add3A_519 = arith.addf %add3A_467, %mul3A_518 : vector<16xf32>
        %add3A_520 = arith.constant 3 : i32
        %add3A_521 = arith.addi %mul3A_332, %add3A_520 : i32
        %get3A_522 = arith.constant 1 : i32
        %get3A_523 = arith.index_cast %get3A_522 : i32 to index
        %get3A_524 = arith.index_cast %add3A_521 : i32 to index
        %get3A_525 = arith.constant 16 : index
        %get3A_526 = tpu.vector_load %arg8[%get3A_523, %get3A_524, %get3A_525] {strides = array<i32>} : memref<2x1280x32xf32, #tpu.memory_space<vmem>>, vector<1x1x16xf32>,
        %get3A_527 = vector.shape_cast %get3A_526 : vector<1x1x16xf32> to vector<16xf32>
        %mul3A_528 = vector.broadcast %squeeze3A_506 : f32 to vector<16xf32>
        %mul3A_529 = arith.mulf %mul3A_528, %get3A_527 : vector<16xf32>
        %add3A_530 = arith.addf %add3A_478, %mul3A_529 : vector<16xf32>
        %add3A_531 = arith.constant 16 : i32
        %add3A_532 = arith.addi %mul3A_332, %add3A_531 : i32
        %add3A_533 = arith.constant 3 : i32
        %add3A_534 = arith.addi %add3A_532, %add3A_533 : i32
        %get3A_535 = arith.constant 1 : i32
        %get3A_536 = arith.index_cast %get3A_535 : i32 to index
        %get3A_537 = arith.index_cast %add3A_534 : i32 to index
        %get3A_538 = arith.constant 0 : index
        %get3A_539 = tpu.vector_load %arg8[%get3A_536, %get3A_537, %get3A_538] {strides = array<i32>} : memref<2x1280x32xf32, #tpu.memory_space<vmem>>, vector<1x1x16xf32>,
        %get3A_540 = vector.shape_cast %get3A_539 : vector<1x1x16xf32> to vector<16xf32>
        %mul3A_541 = vector.broadcast %squeeze3A_508 : f32 to vector<16xf32>
        %mul3A_542 = arith.mulf %mul3A_541, %get3A_540 : vector<16xf32>
        %add3A_543 = arith.addf %add3A_491, %mul3A_542 : vector<16xf32>
        %add3A_544 = arith.constant 16 : i32
        %add3A_545 = arith.addi %mul3A_332, %add3A_544 : i32
        %add3A_546 = arith.constant 3 : i32
        %add3A_547 = arith.addi %add3A_545, %add3A_546 : i32
        %get3A_548 = arith.constant 1 : i32
        %get3A_549 = arith.index_cast %get3A_548 : i32 to index
        %get3A_550 = arith.index_cast %add3A_547 : i32 to index
        %get3A_551 = arith.constant 16 : index
        %get3A_552 = tpu.vector_load %arg8[%get3A_549, %get3A_550, %get3A_551] {strides = array<i32>} : memref<2x1280x32xf32, #tpu.memory_space<vmem>>, vector<1x1x16xf32>,
        %get3A_553 = vector.shape_cast %get3A_552 : vector<1x1x16xf32> to vector<16xf32>
        %mul3A_554 = vector.broadcast %squeeze3A_508 : f32 to vector<16xf32>
        %mul3A_555 = arith.mulf %mul3A_554, %get3A_553 : vector<16xf32>
        %add3A_556 = arith.addf %add3A_504, %mul3A_555 : vector<16xf32>
        %slice3A_557 = vector.extract_strided_slice %get3A_336 {offsets = [4], sizes = [1], strides = [1]} : vector<16xf32> to vector<1xf32>
        %squeeze3A_558 = vector.extract %slice3A_557[0] : f32 from vector<1xf32>
        %slice3A_559 = vector.extract_strided_slice %get3A_343 {offsets = [4], sizes = [1], strides = [1]} : vector<16xf32> to vector<1xf32>
        %squeeze3A_560 = vector.extract %slice3A_559[0] : f32 from vector<1xf32>
        %add3A_561 = arith.constant 4 : i32
        %add3A_562 = arith.addi %mul3A_332, %add3A_561 : i32
        %get3A_563 = arith.constant 1 : i32
        %get3A_564 = arith.index_cast %get3A_563 : i32 to index
        %get3A_565 = arith.index_cast %add3A_562 : i32 to index
        %get3A_566 = arith.constant 0 : index
        %get3A_567 = tpu.vector_load %arg8[%get3A_564, %get3A_565, %get3A_566] {strides = array<i32>} : memref<2x1280x32xf32, #tpu.memory_space<vmem>>, vector<1x1x16xf32>,
        %get3A_568 = vector.shape_cast %get3A_567 : vector<1x1x16xf32> to vector<16xf32>
        %mul3A_569 = vector.broadcast %squeeze3A_558 : f32 to vector<16xf32>
        %mul3A_570 = arith.mulf %mul3A_569, %get3A_568 : vector<16xf32>
        %add3A_571 = arith.addf %add3A_519, %mul3A_570 : vector<16xf32>
        %add3A_572 = arith.constant 4 : i32
        %add3A_573 = arith.addi %mul3A_332, %add3A_572 : i32
        %get3A_574 = arith.constant 1 : i32
        %get3A_575 = arith.index_cast %get3A_574 : i32 to index
        %get3A_576 = arith.index_cast %add3A_573 : i32 to index
        %get3A_577 = arith.constant 16 : index
        %get3A_578 = tpu.vector_load %arg8[%get3A_575, %get3A_576, %get3A_577] {strides = array<i32>} : memref<2x1280x32xf32, #tpu.memory_space<vmem>>, vector<1x1x16xf32>,
        %get3A_579 = vector.shape_cast %get3A_578 : vector<1x1x16xf32> to vector<16xf32>
        %mul3A_580 = vector.broadcast %squeeze3A_558 : f32 to vector<16xf32>
        %mul3A_581 = arith.mulf %mul3A_580, %get3A_579 : vector<16xf32>
        %add3A_582 = arith.addf %add3A_530, %mul3A_581 : vector<16xf32>
        %add3A_583 = arith.constant 16 : i32
        %add3A_584 = arith.addi %mul3A_332, %add3A_583 : i32
        %add3A_585 = arith.constant 4 : i32
        %add3A_586 = arith.addi %add3A_584, %add3A_585 : i32
        %get3A_587 = arith.constant 1 : i32
        %get3A_588 = arith.index_cast %get3A_587 : i32 to index
        %get3A_589 = arith.index_cast %add3A_586 : i32 to index
        %get3A_590 = arith.constant 0 : index
        %get3A_591 = tpu.vector_load %arg8[%get3A_588, %get3A_589, %get3A_590] {strides = array<i32>} : memref<2x1280x32xf32, #tpu.memory_space<vmem>>, vector<1x1x16xf32>,
        %get3A_592 = vector.shape_cast %get3A_591 : vector<1x1x16xf32> to vector<16xf32>
        %mul3A_593 = vector.broadcast %squeeze3A_560 : f32 to vector<16xf32>
        %mul3A_594 = arith.mulf %mul3A_593, %get3A_592 : vector<16xf32>
        %add3A_595 = arith.addf %add3A_543, %mul3A_594 : vector<16xf32>
        %add3A_596 = arith.constant 16 : i32
        %add3A_597 = arith.addi %mul3A_332, %add3A_596 : i32
        %add3A_598 = arith.constant 4 : i32
        %add3A_599 = arith.addi %add3A_597, %add3A_598 : i32
        %get3A_600 = arith.constant 1 : i32
        %get3A_601 = arith.index_cast %get3A_600 : i32 to index
        %get3A_602 = arith.index_cast %add3A_599 : i32 to index
        %get3A_603 = arith.constant 16 : index
        %get3A_604 = tpu.vector_load %arg8[%get3A_601, %get3A_602, %get3A_603] {strides = array<i32>} : memref<2x1280x32xf32, #tpu.memory_space<vmem>>, vector<1x1x16xf32>,
        %get3A_605 = vector.shape_cast %get3A_604 : vector<1x1x16xf32> to vector<16xf32>
        %mul3A_606 = vector.broadcast %squeeze3A_560 : f32 to vector<16xf32>
        %mul3A_607 = arith.mulf %mul3A_606, %get3A_605 : vector<16xf32>
        %add3A_608 = arith.addf %add3A_556, %mul3A_607 : vector<16xf32>
        %slice3A_609 = vector.extract_strided_slice %get3A_336 {offsets = [5], sizes = [1], strides = [1]} : vector<16xf32> to vector<1xf32>
        %squeeze3A_610 = vector.extract %slice3A_609[0] : f32 from vector<1xf32>
        %slice3A_611 = vector.extract_strided_slice %get3A_343 {offsets = [5], sizes = [1], strides = [1]} : vector<16xf32> to vector<1xf32>
        %squeeze3A_612 = vector.extract %slice3A_611[0] : f32 from vector<1xf32>
        %add3A_613 = arith.constant 5 : i32
        %add3A_614 = arith.addi %mul3A_332, %add3A_613 : i32
        %get3A_615 = arith.constant 1 : i32
        %get3A_616 = arith.index_cast %get3A_615 : i32 to index
        %get3A_617 = arith.index_cast %add3A_614 : i32 to index
        %get3A_618 = arith.constant 0 : index
        %get3A_619 = tpu.vector_load %arg8[%get3A_616, %get3A_617, %get3A_618] {strides = array<i32>} : memref<2x1280x32xf32, #tpu.memory_space<vmem>>, vector<1x1x16xf32>,
        %get3A_620 = vector.shape_cast %get3A_619 : vector<1x1x16xf32> to vector<16xf32>
        %mul3A_621 = vector.broadcast %squeeze3A_610 : f32 to vector<16xf32>
        %mul3A_622 = arith.mulf %mul3A_621, %get3A_620 : vector<16xf32>
        %add3A_623 = arith.addf %add3A_571, %mul3A_622 : vector<16xf32>
        %add3A_624 = arith.constant 5 : i32
        %add3A_625 = arith.addi %mul3A_332, %add3A_624 : i32
        %get3A_626 = arith.constant 1 : i32
        %get3A_627 = arith.index_cast %get3A_626 : i32 to index
        %get3A_628 = arith.index_cast %add3A_625 : i32 to index
        %get3A_629 = arith.constant 16 : index
        %get3A_630 = tpu.vector_load %arg8[%get3A_627, %get3A_628, %get3A_629] {strides = array<i32>} : memref<2x1280x32xf32, #tpu.memory_space<vmem>>, vector<1x1x16xf32>,
        %get3A_631 = vector.shape_cast %get3A_630 : vector<1x1x16xf32> to vector<16xf32>
        %mul3A_632 = vector.broadcast %squeeze3A_610 : f32 to vector<16xf32>
        %mul3A_633 = arith.mulf %mul3A_632, %get3A_631 : vector<16xf32>
        %add3A_634 = arith.addf %add3A_582, %mul3A_633 : vector<16xf32>
        %add3A_635 = arith.constant 16 : i32
        %add3A_636 = arith.addi %mul3A_332, %add3A_635 : i32
        %add3A_637 = arith.constant 5 : i32
        %add3A_638 = arith.addi %add3A_636, %add3A_637 : i32
        %get3A_639 = arith.constant 1 : i32
        %get3A_640 = arith.index_cast %get3A_639 : i32 to index
        %get3A_641 = arith.index_cast %add3A_638 : i32 to index
        %get3A_642 = arith.constant 0 : index
        %get3A_643 = tpu.vector_load %arg8[%get3A_640, %get3A_641, %get3A_642] {strides = array<i32>} : memref<2x1280x32xf32, #tpu.memory_space<vmem>>, vector<1x1x16xf32>,
        %get3A_644 = vector.shape_cast %get3A_643 : vector<1x1x16xf32> to vector<16xf32>
        %mul3A_645 = vector.broadcast %squeeze3A_612 : f32 to vector<16xf32>
        %mul3A_646 = arith.mulf %mul3A_645, %get3A_644 : vector<16xf32>
        %add3A_647 = arith.addf %add3A_595, %mul3A_646 : vector<16xf32>
        %add3A_648 = arith.constant 16 : i32
        %add3A_649 = arith.addi %mul3A_332, %add3A_648 : i32
        %add3A_650 = arith.constant 5 : i32
        %add3A_651 = arith.addi %add3A_649, %add3A_650 : i32
        %get3A_652 = arith.constant 1 : i32
        %get3A_653 = arith.index_cast %get3A_652 : i32 to index
        %get3A_654 = arith.index_cast %add3A_651 : i32 to index
        %get3A_655 = arith.constant 16 : index
        %get3A_656 = tpu.vector_load %arg8[%get3A_653, %get3A_654, %get3A_655] {strides = array<i32>} : memref<2x1280x32xf32, #tpu.memory_space<vmem>>, vector<1x1x16xf32>,
        %get3A_657 = vector.shape_cast %get3A_656 : vector<1x1x16xf32> to vector<16xf32>
        %mul3A_658 = vector.broadcast %squeeze3A_612 : f32 to vector<16xf32>
        %mul3A_659 = arith.mulf %mul3A_658, %get3A_657 : vector<16xf32>
        %add3A_660 = arith.addf %add3A_608, %mul3A_659 : vector<16xf32>
        %slice3A_661 = vector.extract_strided_slice %get3A_336 {offsets = [6], sizes = [1], strides = [1]} : vector<16xf32> to vector<1xf32>
        %squeeze3A_662 = vector.extract %slice3A_661[0] : f32 from vector<1xf32>
        %slice3A_663 = vector.extract_strided_slice %get3A_343 {offsets = [6], sizes = [1], strides = [1]} : vector<16xf32> to vector<1xf32>
        %squeeze3A_664 = vector.extract %slice3A_663[0] : f32 from vector<1xf32>
        %add3A_665 = arith.constant 6 : i32
        %add3A_666 = arith.addi %mul3A_332, %add3A_665 : i32
        %get3A_667 = arith.constant 1 : i32
        %get3A_668 = arith.index_cast %get3A_667 : i32 to index
        %get3A_669 = arith.index_cast %add3A_666 : i32 to index
        %get3A_670 = arith.constant 0 : index
        %get3A_671 = tpu.vector_load %arg8[%get3A_668, %get3A_669, %get3A_670] {strides = array<i32>} : memref<2x1280x32xf32, #tpu.memory_space<vmem>>, vector<1x1x16xf32>,
        %get3A_672 = vector.shape_cast %get3A_671 : vector<1x1x16xf32> to vector<16xf32>
        %mul3A_673 = vector.broadcast %squeeze3A_662 : f32 to vector<16xf32>
        %mul3A_674 = arith.mulf %mul3A_673, %get3A_672 : vector<16xf32>
        %add3A_675 = arith.addf %add3A_623, %mul3A_674 : vector<16xf32>
        %add3A_676 = arith.constant 6 : i32
        %add3A_677 = arith.addi %mul3A_332, %add3A_676 : i32
        %get3A_678 = arith.constant 1 : i32
        %get3A_679 = arith.index_cast %get3A_678 : i32 to index
        %get3A_680 = arith.index_cast %add3A_677 : i32 to index
        %get3A_681 = arith.constant 16 : index
        %get3A_682 = tpu.vector_load %arg8[%get3A_679, %get3A_680, %get3A_681] {strides = array<i32>} : memref<2x1280x32xf32, #tpu.memory_space<vmem>>, vector<1x1x16xf32>,
        %get3A_683 = vector.shape_cast %get3A_682 : vector<1x1x16xf32> to vector<16xf32>
        %mul3A_684 = vector.broadcast %squeeze3A_662 : f32 to vector<16xf32>
        %mul3A_685 = arith.mulf %mul3A_684, %get3A_683 : vector<16xf32>
        %add3A_686 = arith.addf %add3A_634, %mul3A_685 : vector<16xf32>
        %add3A_687 = arith.constant 16 : i32
        %add3A_688 = arith.addi %mul3A_332, %add3A_687 : i32
        %add3A_689 = arith.constant 6 : i32
        %add3A_690 = arith.addi %add3A_688, %add3A_689 : i32
        %get3A_691 = arith.constant 1 : i32
        %get3A_692 = arith.index_cast %get3A_691 : i32 to index
        %get3A_693 = arith.index_cast %add3A_690 : i32 to index
        %get3A_694 = arith.constant 0 : index
        %get3A_695 = tpu.vector_load %arg8[%get3A_692, %get3A_693, %get3A_694] {strides = array<i32>} : memref<2x1280x32xf32, #tpu.memory_space<vmem>>, vector<1x1x16xf32>,
        %get3A_696 = vector.shape_cast %get3A_695 : vector<1x1x16xf32> to vector<16xf32>
        %mul3A_697 = vector.broadcast %squeeze3A_664 : f32 to vector<16xf32>
        %mul3A_698 = arith.mulf %mul3A_697, %get3A_696 : vector<16xf32>
        %add3A_699 = arith.addf %add3A_647, %mul3A_698 : vector<16xf32>
        %add3A_700 = arith.constant 16 : i32
        %add3A_701 = arith.addi %mul3A_332, %add3A_700 : i32
        %add3A_702 = arith.constant 6 : i32
        %add3A_703 = arith.addi %add3A_701, %add3A_702 : i32
        %get3A_704 = arith.constant 1 : i32
        %get3A_705 = arith.index_cast %get3A_704 : i32 to index
        %get3A_706 = arith.index_cast %add3A_703 : i32 to index
        %get3A_707 = arith.constant 16 : index
        %get3A_708 = tpu.vector_load %arg8[%get3A_705, %get3A_706, %get3A_707] {strides = array<i32>} : memref<2x1280x32xf32, #tpu.memory_space<vmem>>, vector<1x1x16xf32>,
        %get3A_709 = vector.shape_cast %get3A_708 : vector<1x1x16xf32> to vector<16xf32>
        %mul3A_710 = vector.broadcast %squeeze3A_664 : f32 to vector<16xf32>
        %mul3A_711 = arith.mulf %mul3A_710, %get3A_709 : vector<16xf32>
        %add3A_712 = arith.addf %add3A_660, %mul3A_711 : vector<16xf32>
        %slice3A_713 = vector.extract_strided_slice %get3A_336 {offsets = [7], sizes = [1], strides = [1]} : vector<16xf32> to vector<1xf32>
        %squeeze3A_714 = vector.extract %slice3A_713[0] : f32 from vector<1xf32>
        %slice3A_715 = vector.extract_strided_slice %get3A_343 {offsets = [7], sizes = [1], strides = [1]} : vector<16xf32> to vector<1xf32>
        %squeeze3A_716 = vector.extract %slice3A_715[0] : f32 from vector<1xf32>
        %add3A_717 = arith.constant 7 : i32
        %add3A_718 = arith.addi %mul3A_332, %add3A_717 : i32
        %get3A_719 = arith.constant 1 : i32
        %get3A_720 = arith.index_cast %get3A_719 : i32 to index
        %get3A_721 = arith.index_cast %add3A_718 : i32 to index
        %get3A_722 = arith.constant 0 : index
        %get3A_723 = tpu.vector_load %arg8[%get3A_720, %get3A_721, %get3A_722] {strides = array<i32>} : memref<2x1280x32xf32, #tpu.memory_space<vmem>>, vector<1x1x16xf32>,
        %get3A_724 = vector.shape_cast %get3A_723 : vector<1x1x16xf32> to vector<16xf32>
        %mul3A_725 = vector.broadcast %squeeze3A_714 : f32 to vector<16xf32>
        %mul3A_726 = arith.mulf %mul3A_725, %get3A_724 : vector<16xf32>
        %add3A_727 = arith.addf %add3A_675, %mul3A_726 : vector<16xf32>
        %add3A_728 = arith.constant 7 : i32
        %add3A_729 = arith.addi %mul3A_332, %add3A_728 : i32
        %get3A_730 = arith.constant 1 : i32
        %get3A_731 = arith.index_cast %get3A_730 : i32 to index
        %get3A_732 = arith.index_cast %add3A_729 : i32 to index
        %get3A_733 = arith.constant 16 : index
        %get3A_734 = tpu.vector_load %arg8[%get3A_731, %get3A_732, %get3A_733] {strides = array<i32>} : memref<2x1280x32xf32, #tpu.memory_space<vmem>>, vector<1x1x16xf32>,
        %get3A_735 = vector.shape_cast %get3A_734 : vector<1x1x16xf32> to vector<16xf32>
        %mul3A_736 = vector.broadcast %squeeze3A_714 : f32 to vector<16xf32>
        %mul3A_737 = arith.mulf %mul3A_736, %get3A_735 : vector<16xf32>
        %add3A_738 = arith.addf %add3A_686, %mul3A_737 : vector<16xf32>
        %add3A_739 = arith.constant 16 : i32
        %add3A_740 = arith.addi %mul3A_332, %add3A_739 : i32
        %add3A_741 = arith.constant 7 : i32
        %add3A_742 = arith.addi %add3A_740, %add3A_741 : i32
        %get3A_743 = arith.constant 1 : i32
        %get3A_744 = arith.index_cast %get3A_743 : i32 to index
        %get3A_745 = arith.index_cast %add3A_742 : i32 to index
        %get3A_746 = arith.constant 0 : index
        %get3A_747 = tpu.vector_load %arg8[%get3A_744, %get3A_745, %get3A_746] {strides = array<i32>} : memref<2x1280x32xf32, #tpu.memory_space<vmem>>, vector<1x1x16xf32>,
        %get3A_748 = vector.shape_cast %get3A_747 : vector<1x1x16xf32> to vector<16xf32>
        %mul3A_749 = vector.broadcast %squeeze3A_716 : f32 to vector<16xf32>
        %mul3A_750 = arith.mulf %mul3A_749, %get3A_748 : vector<16xf32>
        %add3A_751 = arith.addf %add3A_699, %mul3A_750 : vector<16xf32>
        %add3A_752 = arith.constant 16 : i32
        %add3A_753 = arith.addi %mul3A_332, %add3A_752 : i32
        %add3A_754 = arith.constant 7 : i32
        %add3A_755 = arith.addi %add3A_753, %add3A_754 : i32
        %get3A_756 = arith.constant 1 : i32
        %get3A_757 = arith.index_cast %get3A_756 : i32 to index
        %get3A_758 = arith.index_cast %add3A_755 : i32 to index
        %get3A_759 = arith.constant 16 : index
        %get3A_760 = tpu.vector_load %arg8[%get3A_757, %get3A_758, %get3A_759] {strides = array<i32>} : memref<2x1280x32xf32, #tpu.memory_space<vmem>>, vector<1x1x16xf32>,
        %get3A_761 = vector.shape_cast %get3A_760 : vector<1x1x16xf32> to vector<16xf32>
        %mul3A_762 = vector.broadcast %squeeze3A_716 : f32 to vector<16xf32>
        %mul3A_763 = arith.mulf %mul3A_762, %get3A_761 : vector<16xf32>
        %add3A_764 = arith.addf %add3A_712, %mul3A_763 : vector<16xf32>
        %slice3A_765 = vector.extract_strided_slice %get3A_336 {offsets = [8], sizes = [1], strides = [1]} : vector<16xf32> to vector<1xf32>
        %squeeze3A_766 = vector.extract %slice3A_765[0] : f32 from vector<1xf32>
        %slice3A_767 = vector.extract_strided_slice %get3A_343 {offsets = [8], sizes = [1], strides = [1]} : vector<16xf32> to vector<1xf32>
        %squeeze3A_768 = vector.extract %slice3A_767[0] : f32 from vector<1xf32>
        %add3A_769 = arith.constant 8 : i32
        %add3A_770 = arith.addi %mul3A_332, %add3A_769 : i32
        %get3A_771 = arith.constant 1 : i32
        %get3A_772 = arith.index_cast %get3A_771 : i32 to index
        %get3A_773 = arith.index_cast %add3A_770 : i32 to index
        %get3A_774 = arith.constant 0 : index
        %get3A_775 = tpu.vector_load %arg8[%get3A_772, %get3A_773, %get3A_774] {strides = array<i32>} : memref<2x1280x32xf32, #tpu.memory_space<vmem>>, vector<1x1x16xf32>,
        %get3A_776 = vector.shape_cast %get3A_775 : vector<1x1x16xf32> to vector<16xf32>
        %mul3A_777 = vector.broadcast %squeeze3A_766 : f32 to vector<16xf32>
        %mul3A_778 = arith.mulf %mul3A_777, %get3A_776 : vector<16xf32>
        %add3A_779 = arith.addf %add3A_727, %mul3A_778 : vector<16xf32>
        %add3A_780 = arith.constant 8 : i32
        %add3A_781 = arith.addi %mul3A_332, %add3A_780 : i32
        %get3A_782 = arith.constant 1 : i32
        %get3A_783 = arith.index_cast %get3A_782 : i32 to index
        %get3A_784 = arith.index_cast %add3A_781 : i32 to index
        %get3A_785 = arith.constant 16 : index
        %get3A_786 = tpu.vector_load %arg8[%get3A_783, %get3A_784, %get3A_785] {strides = array<i32>} : memref<2x1280x32xf32, #tpu.memory_space<vmem>>, vector<1x1x16xf32>,
        %get3A_787 = vector.shape_cast %get3A_786 : vector<1x1x16xf32> to vector<16xf32>
        %mul3A_788 = vector.broadcast %squeeze3A_766 : f32 to vector<16xf32>
        %mul3A_789 = arith.mulf %mul3A_788, %get3A_787 : vector<16xf32>
        %add3A_790 = arith.addf %add3A_738, %mul3A_789 : vector<16xf32>
        %add3A_791 = arith.constant 16 : i32
        %add3A_792 = arith.addi %mul3A_332, %add3A_791 : i32
        %add3A_793 = arith.constant 8 : i32
        %add3A_794 = arith.addi %add3A_792, %add3A_793 : i32
        %get3A_795 = arith.constant 1 : i32
        %get3A_796 = arith.index_cast %get3A_795 : i32 to index
        %get3A_797 = arith.index_cast %add3A_794 : i32 to index
        %get3A_798 = arith.constant 0 : index
        %get3A_799 = tpu.vector_load %arg8[%get3A_796, %get3A_797, %get3A_798] {strides = array<i32>} : memref<2x1280x32xf32, #tpu.memory_space<vmem>>, vector<1x1x16xf32>,
        %get3A_800 = vector.shape_cast %get3A_799 : vector<1x1x16xf32> to vector<16xf32>
        %mul3A_801 = vector.broadcast %squeeze3A_768 : f32 to vector<16xf32>
        %mul3A_802 = arith.mulf %mul3A_801, %get3A_800 : vector<16xf32>
        %add3A_803 = arith.addf %add3A_751, %mul3A_802 : vector<16xf32>
        %add3A_804 = arith.constant 16 : i32
        %add3A_805 = arith.addi %mul3A_332, %add3A_804 : i32
        %add3A_806 = arith.constant 8 : i32
        %add3A_807 = arith.addi %add3A_805, %add3A_806 : i32
        %get3A_808 = arith.constant 1 : i32
        %get3A_809 = arith.index_cast %get3A_808 : i32 to index
        %get3A_810 = arith.index_cast %add3A_807 : i32 to index
        %get3A_811 = arith.constant 16 : index
        %get3A_812 = tpu.vector_load %arg8[%get3A_809, %get3A_810, %get3A_811] {strides = array<i32>} : memref<2x1280x32xf32, #tpu.memory_space<vmem>>, vector<1x1x16xf32>,
        %get3A_813 = vector.shape_cast %get3A_812 : vector<1x1x16xf32> to vector<16xf32>
        %mul3A_814 = vector.broadcast %squeeze3A_768 : f32 to vector<16xf32>
        %mul3A_815 = arith.mulf %mul3A_814, %get3A_813 : vector<16xf32>
        %add3A_816 = arith.addf %add3A_764, %mul3A_815 : vector<16xf32>
        %slice3A_817 = vector.extract_strided_slice %get3A_336 {offsets = [9], sizes = [1], strides = [1]} : vector<16xf32> to vector<1xf32>
        %squeeze3A_818 = vector.extract %slice3A_817[0] : f32 from vector<1xf32>
        %slice3A_819 = vector.extract_strided_slice %get3A_343 {offsets = [9], sizes = [1], strides = [1]} : vector<16xf32> to vector<1xf32>
        %squeeze3A_820 = vector.extract %slice3A_819[0] : f32 from vector<1xf32>
        %add3A_821 = arith.constant 9 : i32
        %add3A_822 = arith.addi %mul3A_332, %add3A_821 : i32
        %get3A_823 = arith.constant 1 : i32
        %get3A_824 = arith.index_cast %get3A_823 : i32 to index
        %get3A_825 = arith.index_cast %add3A_822 : i32 to index
        %get3A_826 = arith.constant 0 : index
        %get3A_827 = tpu.vector_load %arg8[%get3A_824, %get3A_825, %get3A_826] {strides = array<i32>} : memref<2x1280x32xf32, #tpu.memory_space<vmem>>, vector<1x1x16xf32>,
        %get3A_828 = vector.shape_cast %get3A_827 : vector<1x1x16xf32> to vector<16xf32>
        %mul3A_829 = vector.broadcast %squeeze3A_818 : f32 to vector<16xf32>
        %mul3A_830 = arith.mulf %mul3A_829, %get3A_828 : vector<16xf32>
        %add3A_831 = arith.addf %add3A_779, %mul3A_830 : vector<16xf32>
        %add3A_832 = arith.constant 9 : i32
        %add3A_833 = arith.addi %mul3A_332, %add3A_832 : i32
        %get3A_834 = arith.constant 1 : i32
        %get3A_835 = arith.index_cast %get3A_834 : i32 to index
        %get3A_836 = arith.index_cast %add3A_833 : i32 to index
        %get3A_837 = arith.constant 16 : index
        %get3A_838 = tpu.vector_load %arg8[%get3A_835, %get3A_836, %get3A_837] {strides = array<i32>} : memref<2x1280x32xf32, #tpu.memory_space<vmem>>, vector<1x1x16xf32>,
        %get3A_839 = vector.shape_cast %get3A_838 : vector<1x1x16xf32> to vector<16xf32>
        %mul3A_840 = vector.broadcast %squeeze3A_818 : f32 to vector<16xf32>
        %mul3A_841 = arith.mulf %mul3A_840, %get3A_839 : vector<16xf32>
        %add3A_842 = arith.addf %add3A_790, %mul3A_841 : vector<16xf32>
        %add3A_843 = arith.constant 16 : i32
        %add3A_844 = arith.addi %mul3A_332, %add3A_843 : i32
        %add3A_845 = arith.constant 9 : i32
        %add3A_846 = arith.addi %add3A_844, %add3A_845 : i32
        %get3A_847 = arith.constant 1 : i32
        %get3A_848 = arith.index_cast %get3A_847 : i32 to index
        %get3A_849 = arith.index_cast %add3A_846 : i32 to index
        %get3A_850 = arith.constant 0 : index
        %get3A_851 = tpu.vector_load %arg8[%get3A_848, %get3A_849, %get3A_850] {strides = array<i32>} : memref<2x1280x32xf32, #tpu.memory_space<vmem>>, vector<1x1x16xf32>,
        %get3A_852 = vector.shape_cast %get3A_851 : vector<1x1x16xf32> to vector<16xf32>
        %mul3A_853 = vector.broadcast %squeeze3A_820 : f32 to vector<16xf32>
        %mul3A_854 = arith.mulf %mul3A_853, %get3A_852 : vector<16xf32>
        %add3A_855 = arith.addf %add3A_803, %mul3A_854 : vector<16xf32>
        %add3A_856 = arith.constant 16 : i32
        %add3A_857 = arith.addi %mul3A_332, %add3A_856 : i32
        %add3A_858 = arith.constant 9 : i32
        %add3A_859 = arith.addi %add3A_857, %add3A_858 : i32
        %get3A_860 = arith.constant 1 : i32
        %get3A_861 = arith.index_cast %get3A_860 : i32 to index
        %get3A_862 = arith.index_cast %add3A_859 : i32 to index
        %get3A_863 = arith.constant 16 : index
        %get3A_864 = tpu.vector_load %arg8[%get3A_861, %get3A_862, %get3A_863] {strides = array<i32>} : memref<2x1280x32xf32, #tpu.memory_space<vmem>>, vector<1x1x16xf32>,
        %get3A_865 = vector.shape_cast %get3A_864 : vector<1x1x16xf32> to vector<16xf32>
        %mul3A_866 = vector.broadcast %squeeze3A_820 : f32 to vector<16xf32>
        %mul3A_867 = arith.mulf %mul3A_866, %get3A_865 : vector<16xf32>
        %add3A_868 = arith.addf %add3A_816, %mul3A_867 : vector<16xf32>
        %slice3A_869 = vector.extract_strided_slice %get3A_336 {offsets = [10], sizes = [1], strides = [1]} : vector<16xf32> to vector<1xf32>
        %squeeze3A_870 = vector.extract %slice3A_869[0] : f32 from vector<1xf32>
        %slice3A_871 = vector.extract_strided_slice %get3A_343 {offsets = [10], sizes = [1], strides = [1]} : vector<16xf32> to vector<1xf32>
        %squeeze3A_872 = vector.extract %slice3A_871[0] : f32 from vector<1xf32>
        %add3A_873 = arith.constant 10 : i32
        %add3A_874 = arith.addi %mul3A_332, %add3A_873 : i32
        %get3A_875 = arith.constant 1 : i32
        %get3A_876 = arith.index_cast %get3A_875 : i32 to index
        %get3A_877 = arith.index_cast %add3A_874 : i32 to index
        %get3A_878 = arith.constant 0 : index
        %get3A_879 = tpu.vector_load %arg8[%get3A_876, %get3A_877, %get3A_878] {strides = array<i32>} : memref<2x1280x32xf32, #tpu.memory_space<vmem>>, vector<1x1x16xf32>,
        %get3A_880 = vector.shape_cast %get3A_879 : vector<1x1x16xf32> to vector<16xf32>
        %mul3A_881 = vector.broadcast %squeeze3A_870 : f32 to vector<16xf32>
        %mul3A_882 = arith.mulf %mul3A_881, %get3A_880 : vector<16xf32>
        %add3A_883 = arith.addf %add3A_831, %mul3A_882 : vector<16xf32>
        %add3A_884 = arith.constant 10 : i32
        %add3A_885 = arith.addi %mul3A_332, %add3A_884 : i32
        %get3A_886 = arith.constant 1 : i32
        %get3A_887 = arith.index_cast %get3A_886 : i32 to index
        %get3A_888 = arith.index_cast %add3A_885 : i32 to index
        %get3A_889 = arith.constant 16 : index
        %get3A_890 = tpu.vector_load %arg8[%get3A_887, %get3A_888, %get3A_889] {strides = array<i32>} : memref<2x1280x32xf32, #tpu.memory_space<vmem>>, vector<1x1x16xf32>,
        %get3A_891 = vector.shape_cast %get3A_890 : vector<1x1x16xf32> to vector<16xf32>
        %mul3A_892 = vector.broadcast %squeeze3A_870 : f32 to vector<16xf32>
        %mul3A_893 = arith.mulf %mul3A_892, %get3A_891 : vector<16xf32>
        %add3A_894 = arith.addf %add3A_842, %mul3A_893 : vector<16xf32>
        %add3A_895 = arith.constant 16 : i32
        %add3A_896 = arith.addi %mul3A_332, %add3A_895 : i32
        %add3A_897 = arith.constant 10 : i32
        %add3A_898 = arith.addi %add3A_896, %add3A_897 : i32
        %get3A_899 = arith.constant 1 : i32
        %get3A_900 = arith.index_cast %get3A_899 : i32 to index
        %get3A_901 = arith.index_cast %add3A_898 : i32 to index
        %get3A_902 = arith.constant 0 : index
        %get3A_903 = tpu.vector_load %arg8[%get3A_900, %get3A_901, %get3A_902] {strides = array<i32>} : memref<2x1280x32xf32, #tpu.memory_space<vmem>>, vector<1x1x16xf32>,
        %get3A_904 = vector.shape_cast %get3A_903 : vector<1x1x16xf32> to vector<16xf32>
        %mul3A_905 = vector.broadcast %squeeze3A_872 : f32 to vector<16xf32>
        %mul3A_906 = arith.mulf %mul3A_905, %get3A_904 : vector<16xf32>
        %add3A_907 = arith.addf %add3A_855, %mul3A_906 : vector<16xf32>
        %add3A_908 = arith.constant 16 : i32
        %add3A_909 = arith.addi %mul3A_332, %add3A_908 : i32
        %add3A_910 = arith.constant 10 : i32
        %add3A_911 = arith.addi %add3A_909, %add3A_910 : i32
        %get3A_912 = arith.constant 1 : i32
        %get3A_913 = arith.index_cast %get3A_912 : i32 to index
        %get3A_914 = arith.index_cast %add3A_911 : i32 to index
        %get3A_915 = arith.constant 16 : index
        %get3A_916 = tpu.vector_load %arg8[%get3A_913, %get3A_914, %get3A_915] {strides = array<i32>} : memref<2x1280x32xf32, #tpu.memory_space<vmem>>, vector<1x1x16xf32>,
        %get3A_917 = vector.shape_cast %get3A_916 : vector<1x1x16xf32> to vector<16xf32>
        %mul3A_918 = vector.broadcast %squeeze3A_872 : f32 to vector<16xf32>
        %mul3A_919 = arith.mulf %mul3A_918, %get3A_917 : vector<16xf32>
        %add3A_920 = arith.addf %add3A_868, %mul3A_919 : vector<16xf32>
        %slice3A_921 = vector.extract_strided_slice %get3A_336 {offsets = [11], sizes = [1], strides = [1]} : vector<16xf32> to vector<1xf32>
        %squeeze3A_922 = vector.extract %slice3A_921[0] : f32 from vector<1xf32>
        %slice3A_923 = vector.extract_strided_slice %get3A_343 {offsets = [11], sizes = [1], strides = [1]} : vector<16xf32> to vector<1xf32>
        %squeeze3A_924 = vector.extract %slice3A_923[0] : f32 from vector<1xf32>
        %add3A_925 = arith.constant 11 : i32
        %add3A_926 = arith.addi %mul3A_332, %add3A_925 : i32
        %get3A_927 = arith.constant 1 : i32
        %get3A_928 = arith.index_cast %get3A_927 : i32 to index
        %get3A_929 = arith.index_cast %add3A_926 : i32 to index
        %get3A_930 = arith.constant 0 : index
        %get3A_931 = tpu.vector_load %arg8[%get3A_928, %get3A_929, %get3A_930] {strides = array<i32>} : memref<2x1280x32xf32, #tpu.memory_space<vmem>>, vector<1x1x16xf32>,
        %get3A_932 = vector.shape_cast %get3A_931 : vector<1x1x16xf32> to vector<16xf32>
        %mul3A_933 = vector.broadcast %squeeze3A_922 : f32 to vector<16xf32>
        %mul3A_934 = arith.mulf %mul3A_933, %get3A_932 : vector<16xf32>
        %add3A_935 = arith.addf %add3A_883, %mul3A_934 : vector<16xf32>
        %add3A_936 = arith.constant 11 : i32
        %add3A_937 = arith.addi %mul3A_332, %add3A_936 : i32
        %get3A_938 = arith.constant 1 : i32
        %get3A_939 = arith.index_cast %get3A_938 : i32 to index
        %get3A_940 = arith.index_cast %add3A_937 : i32 to index
        %get3A_941 = arith.constant 16 : index
        %get3A_942 = tpu.vector_load %arg8[%get3A_939, %get3A_940, %get3A_941] {strides = array<i32>} : memref<2x1280x32xf32, #tpu.memory_space<vmem>>, vector<1x1x16xf32>,
        %get3A_943 = vector.shape_cast %get3A_942 : vector<1x1x16xf32> to vector<16xf32>
        %mul3A_944 = vector.broadcast %squeeze3A_922 : f32 to vector<16xf32>
        %mul3A_945 = arith.mulf %mul3A_944, %get3A_943 : vector<16xf32>
        %add3A_946 = arith.addf %add3A_894, %mul3A_945 : vector<16xf32>
        %add3A_947 = arith.constant 16 : i32
        %add3A_948 = arith.addi %mul3A_332, %add3A_947 : i32
        %add3A_949 = arith.constant 11 : i32
        %add3A_950 = arith.addi %add3A_948, %add3A_949 : i32
        %get3A_951 = arith.constant 1 : i32
        %get3A_952 = arith.index_cast %get3A_951 : i32 to index
        %get3A_953 = arith.index_cast %add3A_950 : i32 to index
        %get3A_954 = arith.constant 0 : index
        %get3A_955 = tpu.vector_load %arg8[%get3A_952, %get3A_953, %get3A_954] {strides = array<i32>} : memref<2x1280x32xf32, #tpu.memory_space<vmem>>, vector<1x1x16xf32>,
        %get3A_956 = vector.shape_cast %get3A_955 : vector<1x1x16xf32> to vector<16xf32>
        %mul3A_957 = vector.broadcast %squeeze3A_924 : f32 to vector<16xf32>
        %mul3A_958 = arith.mulf %mul3A_957, %get3A_956 : vector<16xf32>
        %add3A_959 = arith.addf %add3A_907, %mul3A_958 : vector<16xf32>
        %add3A_960 = arith.constant 16 : i32
        %add3A_961 = arith.addi %mul3A_332, %add3A_960 : i32
        %add3A_962 = arith.constant 11 : i32
        %add3A_963 = arith.addi %add3A_961, %add3A_962 : i32
        %get3A_964 = arith.constant 1 : i32
        %get3A_965 = arith.index_cast %get3A_964 : i32 to index
        %get3A_966 = arith.index_cast %add3A_963 : i32 to index
        %get3A_967 = arith.constant 16 : index
        %get3A_968 = tpu.vector_load %arg8[%get3A_965, %get3A_966, %get3A_967] {strides = array<i32>} : memref<2x1280x32xf32, #tpu.memory_space<vmem>>, vector<1x1x16xf32>,
        %get3A_969 = vector.shape_cast %get3A_968 : vector<1x1x16xf32> to vector<16xf32>
        %mul3A_970 = vector.broadcast %squeeze3A_924 : f32 to vector<16xf32>
        %mul3A_971 = arith.mulf %mul3A_970, %get3A_969 : vector<16xf32>
        %add3A_972 = arith.addf %add3A_920, %mul3A_971 : vector<16xf32>
        %slice3A_973 = vector.extract_strided_slice %get3A_336 {offsets = [12], sizes = [1], strides = [1]} : vector<16xf32> to vector<1xf32>
        %squeeze3A_974 = vector.extract %slice3A_973[0] : f32 from vector<1xf32>
        %slice3A_975 = vector.extract_strided_slice %get3A_343 {offsets = [12], sizes = [1], strides = [1]} : vector<16xf32> to vector<1xf32>
        %squeeze3A_976 = vector.extract %slice3A_975[0] : f32 from vector<1xf32>
        %add3A_977 = arith.constant 12 : i32
        %add3A_978 = arith.addi %mul3A_332, %add3A_977 : i32
        %get3A_979 = arith.constant 1 : i32
        %get3A_980 = arith.index_cast %get3A_979 : i32 to index
        %get3A_981 = arith.index_cast %add3A_978 : i32 to index
        %get3A_982 = arith.constant 0 : index
        %get3A_983 = tpu.vector_load %arg8[%get3A_980, %get3A_981, %get3A_982] {strides = array<i32>} : memref<2x1280x32xf32, #tpu.memory_space<vmem>>, vector<1x1x16xf32>,
        %get3A_984 = vector.shape_cast %get3A_983 : vector<1x1x16xf32> to vector<16xf32>
        %mul3A_985 = vector.broadcast %squeeze3A_974 : f32 to vector<16xf32>
        %mul3A_986 = arith.mulf %mul3A_985, %get3A_984 : vector<16xf32>
        %add3A_987 = arith.addf %add3A_935, %mul3A_986 : vector<16xf32>
        %add3A_988 = arith.constant 12 : i32
        %add3A_989 = arith.addi %mul3A_332, %add3A_988 : i32
        %get3A_990 = arith.constant 1 : i32
        %get3A_991 = arith.index_cast %get3A_990 : i32 to index
        %get3A_992 = arith.index_cast %add3A_989 : i32 to index
        %get3A_993 = arith.constant 16 : index
        %get3A_994 = tpu.vector_load %arg8[%get3A_991, %get3A_992, %get3A_993] {strides = array<i32>} : memref<2x1280x32xf32, #tpu.memory_space<vmem>>, vector<1x1x16xf32>,
        %get3A_995 = vector.shape_cast %get3A_994 : vector<1x1x16xf32> to vector<16xf32>
        %mul3A_996 = vector.broadcast %squeeze3A_974 : f32 to vector<16xf32>
        %mul3A_997 = arith.mulf %mul3A_996, %get3A_995 : vector<16xf32>
        %add3A_998 = arith.addf %add3A_946, %mul3A_997 : vector<16xf32>
        %add3A_999 = arith.constant 16 : i32
        %add3A_1000 = arith.addi %mul3A_332, %add3A_999 : i32
        %add3A_1001 = arith.constant 12 : i32
        %add3A_1002 = arith.addi %add3A_1000, %add3A_1001 : i32
        %get3A_1003 = arith.constant 1 : i32
        %get3A_1004 = arith.index_cast %get3A_1003 : i32 to index
        %get3A_1005 = arith.index_cast %add3A_1002 : i32 to index
        %get3A_1006 = arith.constant 0 : index
        %get3A_1007 = tpu.vector_load %arg8[%get3A_1004, %get3A_1005, %get3A_1006] {strides = array<i32>} : memref<2x1280x32xf32, #tpu.memory_space<vmem>>, vector<1x1x16xf32>,
        %get3A_1008 = vector.shape_cast %get3A_1007 : vector<1x1x16xf32> to vector<16xf32>
        %mul3A_1009 = vector.broadcast %squeeze3A_976 : f32 to vector<16xf32>
        %mul3A_1010 = arith.mulf %mul3A_1009, %get3A_1008 : vector<16xf32>
        %add3A_1011 = arith.addf %add3A_959, %mul3A_1010 : vector<16xf32>
        %add3A_1012 = arith.constant 16 : i32
        %add3A_1013 = arith.addi %mul3A_332, %add3A_1012 : i32
        %add3A_1014 = arith.constant 12 : i32
        %add3A_1015 = arith.addi %add3A_1013, %add3A_1014 : i32
        %get3A_1016 = arith.constant 1 : i32
        %get3A_1017 = arith.index_cast %get3A_1016 : i32 to index
        %get3A_1018 = arith.index_cast %add3A_1015 : i32 to index
        %get3A_1019 = arith.constant 16 : index
        %get3A_1020 = tpu.vector_load %arg8[%get3A_1017, %get3A_1018, %get3A_1019] {strides = array<i32>} : memref<2x1280x32xf32, #tpu.memory_space<vmem>>, vector<1x1x16xf32>,
        %get3A_1021 = vector.shape_cast %get3A_1020 : vector<1x1x16xf32> to vector<16xf32>
        %mul3A_1022 = vector.broadcast %squeeze3A_976 : f32 to vector<16xf32>
        %mul3A_1023 = arith.mulf %mul3A_1022, %get3A_1021 : vector<16xf32>
        %add3A_1024 = arith.addf %add3A_972, %mul3A_1023 : vector<16xf32>
        %slice3A_1025 = vector.extract_strided_slice %get3A_336 {offsets = [13], sizes = [1], strides = [1]} : vector<16xf32> to vector<1xf32>
        %squeeze3A_1026 = vector.extract %slice3A_1025[0] : f32 from vector<1xf32>
        %slice3A_1027 = vector.extract_strided_slice %get3A_343 {offsets = [13], sizes = [1], strides = [1]} : vector<16xf32> to vector<1xf32>
        %squeeze3A_1028 = vector.extract %slice3A_1027[0] : f32 from vector<1xf32>
        %add3A_1029 = arith.constant 13 : i32
        %add3A_1030 = arith.addi %mul3A_332, %add3A_1029 : i32
        %get3A_1031 = arith.constant 1 : i32
        %get3A_1032 = arith.index_cast %get3A_1031 : i32 to index
        %get3A_1033 = arith.index_cast %add3A_1030 : i32 to index
        %get3A_1034 = arith.constant 0 : index
        %get3A_1035 = tpu.vector_load %arg8[%get3A_1032, %get3A_1033, %get3A_1034] {strides = array<i32>} : memref<2x1280x32xf32, #tpu.memory_space<vmem>>, vector<1x1x16xf32>,
        %get3A_1036 = vector.shape_cast %get3A_1035 : vector<1x1x16xf32> to vector<16xf32>
        %mul3A_1037 = vector.broadcast %squeeze3A_1026 : f32 to vector<16xf32>
        %mul3A_1038 = arith.mulf %mul3A_1037, %get3A_1036 : vector<16xf32>
        %add3A_1039 = arith.addf %add3A_987, %mul3A_1038 : vector<16xf32>
        %add3A_1040 = arith.constant 13 : i32
        %add3A_1041 = arith.addi %mul3A_332, %add3A_1040 : i32
        %get3A_1042 = arith.constant 1 : i32
        %get3A_1043 = arith.index_cast %get3A_1042 : i32 to index
        %get3A_1044 = arith.index_cast %add3A_1041 : i32 to index
        %get3A_1045 = arith.constant 16 : index
        %get3A_1046 = tpu.vector_load %arg8[%get3A_1043, %get3A_1044, %get3A_1045] {strides = array<i32>} : memref<2x1280x32xf32, #tpu.memory_space<vmem>>, vector<1x1x16xf32>,
        %get3A_1047 = vector.shape_cast %get3A_1046 : vector<1x1x16xf32> to vector<16xf32>
        %mul3A_1048 = vector.broadcast %squeeze3A_1026 : f32 to vector<16xf32>
        %mul3A_1049 = arith.mulf %mul3A_1048, %get3A_1047 : vector<16xf32>
        %add3A_1050 = arith.addf %add3A_998, %mul3A_1049 : vector<16xf32>
        %add3A_1051 = arith.constant 16 : i32
        %add3A_1052 = arith.addi %mul3A_332, %add3A_1051 : i32
        %add3A_1053 = arith.constant 13 : i32
        %add3A_1054 = arith.addi %add3A_1052, %add3A_1053 : i32
        %get3A_1055 = arith.constant 1 : i32
        %get3A_1056 = arith.index_cast %get3A_1055 : i32 to index
        %get3A_1057 = arith.index_cast %add3A_1054 : i32 to index
        %get3A_1058 = arith.constant 0 : index
        %get3A_1059 = tpu.vector_load %arg8[%get3A_1056, %get3A_1057, %get3A_1058] {strides = array<i32>} : memref<2x1280x32xf32, #tpu.memory_space<vmem>>, vector<1x1x16xf32>,
        %get3A_1060 = vector.shape_cast %get3A_1059 : vector<1x1x16xf32> to vector<16xf32>
        %mul3A_1061 = vector.broadcast %squeeze3A_1028 : f32 to vector<16xf32>
        %mul3A_1062 = arith.mulf %mul3A_1061, %get3A_1060 : vector<16xf32>
        %add3A_1063 = arith.addf %add3A_1011, %mul3A_1062 : vector<16xf32>
        %add3A_1064 = arith.constant 16 : i32
        %add3A_1065 = arith.addi %mul3A_332, %add3A_1064 : i32
        %add3A_1066 = arith.constant 13 : i32
        %add3A_1067 = arith.addi %add3A_1065, %add3A_1066 : i32
        %get3A_1068 = arith.constant 1 : i32
        %get3A_1069 = arith.index_cast %get3A_1068 : i32 to index
        %get3A_1070 = arith.index_cast %add3A_1067 : i32 to index
        %get3A_1071 = arith.constant 16 : index
        %get3A_1072 = tpu.vector_load %arg8[%get3A_1069, %get3A_1070, %get3A_1071] {strides = array<i32>} : memref<2x1280x32xf32, #tpu.memory_space<vmem>>, vector<1x1x16xf32>,
        %get3A_1073 = vector.shape_cast %get3A_1072 : vector<1x1x16xf32> to vector<16xf32>
        %mul3A_1074 = vector.broadcast %squeeze3A_1028 : f32 to vector<16xf32>
        %mul3A_1075 = arith.mulf %mul3A_1074, %get3A_1073 : vector<16xf32>
        %add3A_1076 = arith.addf %add3A_1024, %mul3A_1075 : vector<16xf32>
        %slice3A_1077 = vector.extract_strided_slice %get3A_336 {offsets = [14], sizes = [1], strides = [1]} : vector<16xf32> to vector<1xf32>
        %squeeze3A_1078 = vector.extract %slice3A_1077[0] : f32 from vector<1xf32>
        %slice3A_1079 = vector.extract_strided_slice %get3A_343 {offsets = [14], sizes = [1], strides = [1]} : vector<16xf32> to vector<1xf32>
        %squeeze3A_1080 = vector.extract %slice3A_1079[0] : f32 from vector<1xf32>
        %add3A_1081 = arith.constant 14 : i32
        %add3A_1082 = arith.addi %mul3A_332, %add3A_1081 : i32
        %get3A_1083 = arith.constant 1 : i32
        %get3A_1084 = arith.index_cast %get3A_1083 : i32 to index
        %get3A_1085 = arith.index_cast %add3A_1082 : i32 to index
        %get3A_1086 = arith.constant 0 : index
        %get3A_1087 = tpu.vector_load %arg8[%get3A_1084, %get3A_1085, %get3A_1086] {strides = array<i32>} : memref<2x1280x32xf32, #tpu.memory_space<vmem>>, vector<1x1x16xf32>,
        %get3A_1088 = vector.shape_cast %get3A_1087 : vector<1x1x16xf32> to vector<16xf32>
        %mul3A_1089 = vector.broadcast %squeeze3A_1078 : f32 to vector<16xf32>
        %mul3A_1090 = arith.mulf %mul3A_1089, %get3A_1088 : vector<16xf32>
        %add3A_1091 = arith.addf %add3A_1039, %mul3A_1090 : vector<16xf32>
        %add3A_1092 = arith.constant 14 : i32
        %add3A_1093 = arith.addi %mul3A_332, %add3A_1092 : i32
        %get3A_1094 = arith.constant 1 : i32
        %get3A_1095 = arith.index_cast %get3A_1094 : i32 to index
        %get3A_1096 = arith.index_cast %add3A_1093 : i32 to index
        %get3A_1097 = arith.constant 16 : index
        %get3A_1098 = tpu.vector_load %arg8[%get3A_1095, %get3A_1096, %get3A_1097] {strides = array<i32>} : memref<2x1280x32xf32, #tpu.memory_space<vmem>>, vector<1x1x16xf32>,
        %get3A_1099 = vector.shape_cast %get3A_1098 : vector<1x1x16xf32> to vector<16xf32>
        %mul3A_1100 = vector.broadcast %squeeze3A_1078 : f32 to vector<16xf32>
        %mul3A_1101 = arith.mulf %mul3A_1100, %get3A_1099 : vector<16xf32>
        %add3A_1102 = arith.addf %add3A_1050, %mul3A_1101 : vector<16xf32>
        %add3A_1103 = arith.constant 16 : i32
        %add3A_1104 = arith.addi %mul3A_332, %add3A_1103 : i32
        %add3A_1105 = arith.constant 14 : i32
        %add3A_1106 = arith.addi %add3A_1104, %add3A_1105 : i32
        %get3A_1107 = arith.constant 1 : i32
        %get3A_1108 = arith.index_cast %get3A_1107 : i32 to index
        %get3A_1109 = arith.index_cast %add3A_1106 : i32 to index
        %get3A_1110 = arith.constant 0 : index
        %get3A_1111 = tpu.vector_load %arg8[%get3A_1108, %get3A_1109, %get3A_1110] {strides = array<i32>} : memref<2x1280x32xf32, #tpu.memory_space<vmem>>, vector<1x1x16xf32>,
        %get3A_1112 = vector.shape_cast %get3A_1111 : vector<1x1x16xf32> to vector<16xf32>
        %mul3A_1113 = vector.broadcast %squeeze3A_1080 : f32 to vector<16xf32>
        %mul3A_1114 = arith.mulf %mul3A_1113, %get3A_1112 : vector<16xf32>
        %add3A_1115 = arith.addf %add3A_1063, %mul3A_1114 : vector<16xf32>
        %add3A_1116 = arith.constant 16 : i32
        %add3A_1117 = arith.addi %mul3A_332, %add3A_1116 : i32
        %add3A_1118 = arith.constant 14 : i32
        %add3A_1119 = arith.addi %add3A_1117, %add3A_1118 : i32
        %get3A_1120 = arith.constant 1 : i32
        %get3A_1121 = arith.index_cast %get3A_1120 : i32 to index
        %get3A_1122 = arith.index_cast %add3A_1119 : i32 to index
        %get3A_1123 = arith.constant 16 : index
        %get3A_1124 = tpu.vector_load %arg8[%get3A_1121, %get3A_1122, %get3A_1123] {strides = array<i32>} : memref<2x1280x32xf32, #tpu.memory_space<vmem>>, vector<1x1x16xf32>,
        %get3A_1125 = vector.shape_cast %get3A_1124 : vector<1x1x16xf32> to vector<16xf32>
        %mul3A_1126 = vector.broadcast %squeeze3A_1080 : f32 to vector<16xf32>
        %mul3A_1127 = arith.mulf %mul3A_1126, %get3A_1125 : vector<16xf32>
        %add3A_1128 = arith.addf %add3A_1076, %mul3A_1127 : vector<16xf32>
        %slice3A_1129 = vector.extract_strided_slice %get3A_336 {offsets = [15], sizes = [1], strides = [1]} : vector<16xf32> to vector<1xf32>
        %squeeze3A_1130 = vector.extract %slice3A_1129[0] : f32 from vector<1xf32>
        %slice3A_1131 = vector.extract_strided_slice %get3A_343 {offsets = [15], sizes = [1], strides = [1]} : vector<16xf32> to vector<1xf32>
        %squeeze3A_1132 = vector.extract %slice3A_1131[0] : f32 from vector<1xf32>
        %add3A_1133 = arith.constant 15 : i32
        %add3A_1134 = arith.addi %mul3A_332, %add3A_1133 : i32
        %get3A_1135 = arith.constant 1 : i32
        %get3A_1136 = arith.index_cast %get3A_1135 : i32 to index
        %get3A_1137 = arith.index_cast %add3A_1134 : i32 to index
        %get3A_1138 = arith.constant 0 : index
        %get3A_1139 = tpu.vector_load %arg8[%get3A_1136, %get3A_1137, %get3A_1138] {strides = array<i32>} : memref<2x1280x32xf32, #tpu.memory_space<vmem>>, vector<1x1x16xf32>,
        %get3A_1140 = vector.shape_cast %get3A_1139 : vector<1x1x16xf32> to vector<16xf32>
        %mul3A_1141 = vector.broadcast %squeeze3A_1130 : f32 to vector<16xf32>
        %mul3A_1142 = arith.mulf %mul3A_1141, %get3A_1140 : vector<16xf32>
        %add3A_1143 = arith.addf %add3A_1091, %mul3A_1142 : vector<16xf32>
        %add3A_1144 = arith.constant 15 : i32
        %add3A_1145 = arith.addi %mul3A_332, %add3A_1144 : i32
        %get3A_1146 = arith.constant 1 : i32
        %get3A_1147 = arith.index_cast %get3A_1146 : i32 to index
        %get3A_1148 = arith.index_cast %add3A_1145 : i32 to index
        %get3A_1149 = arith.constant 16 : index
        %get3A_1150 = tpu.vector_load %arg8[%get3A_1147, %get3A_1148, %get3A_1149] {strides = array<i32>} : memref<2x1280x32xf32, #tpu.memory_space<vmem>>, vector<1x1x16xf32>,
        %get3A_1151 = vector.shape_cast %get3A_1150 : vector<1x1x16xf32> to vector<16xf32>
        %mul3A_1152 = vector.broadcast %squeeze3A_1130 : f32 to vector<16xf32>
        %mul3A_1153 = arith.mulf %mul3A_1152, %get3A_1151 : vector<16xf32>
        %add3A_1154 = arith.addf %add3A_1102, %mul3A_1153 : vector<16xf32>
        %add3A_1155 = arith.constant 16 : i32
        %add3A_1156 = arith.addi %mul3A_332, %add3A_1155 : i32
        %add3A_1157 = arith.constant 15 : i32
        %add3A_1158 = arith.addi %add3A_1156, %add3A_1157 : i32
        %get3A_1159 = arith.constant 1 : i32
        %get3A_1160 = arith.index_cast %get3A_1159 : i32 to index
        %get3A_1161 = arith.index_cast %add3A_1158 : i32 to index
        %get3A_1162 = arith.constant 0 : index
        %get3A_1163 = tpu.vector_load %arg8[%get3A_1160, %get3A_1161, %get3A_1162] {strides = array<i32>} : memref<2x1280x32xf32, #tpu.memory_space<vmem>>, vector<1x1x16xf32>,
        %get3A_1164 = vector.shape_cast %get3A_1163 : vector<1x1x16xf32> to vector<16xf32>
        %mul3A_1165 = vector.broadcast %squeeze3A_1132 : f32 to vector<16xf32>
        %mul3A_1166 = arith.mulf %mul3A_1165, %get3A_1164 : vector<16xf32>
        %add3A_1167 = arith.addf %add3A_1115, %mul3A_1166 : vector<16xf32>
        %add3A_1168 = arith.constant 16 : i32
        %add3A_1169 = arith.addi %mul3A_332, %add3A_1168 : i32
        %add3A_1170 = arith.constant 15 : i32
        %add3A_1171 = arith.addi %add3A_1169, %add3A_1170 : i32
        %get3A_1172 = arith.constant 1 : i32
        %get3A_1173 = arith.index_cast %get3A_1172 : i32 to index
        %get3A_1174 = arith.index_cast %add3A_1171 : i32 to index
        %get3A_1175 = arith.constant 16 : index
        %get3A_1176 = tpu.vector_load %arg8[%get3A_1173, %get3A_1174, %get3A_1175] {strides = array<i32>} : memref<2x1280x32xf32, #tpu.memory_space<vmem>>, vector<1x1x16xf32>,
        %get3A_1177 = vector.shape_cast %get3A_1176 : vector<1x1x16xf32> to vector<16xf32>
        %mul3A_1178 = vector.broadcast %squeeze3A_1132 : f32 to vector<16xf32>
        %mul3A_1179 = arith.mulf %mul3A_1178, %get3A_1177 : vector<16xf32>
        %add3A_1180 = arith.addf %add3A_1128, %mul3A_1179 : vector<16xf32>
        %add3A_1181 = arith.addf %add3A_1143, %add3A_1167 : vector<16xf32>
        %swap3A = arith.constant 1 : i32
        %swap3A_1182 = arith.index_cast %swap3A : i32 to index
        %swap3A_1183 = arith.index_cast %mul3A_332 : i32 to index
        %swap3A_1184 = tpu.vector_load %arg9[%swap3A_1182, %swap3A_1183] {strides = array<i32>} : memref<2x1280xf32, #tpu.memory_space<vmem>>, vector<1x16xf32>,
        %swap3A_1185 = vector.shape_cast %swap3A_1184 : vector<1x16xf32> to vector<16xf32>
        %swap3A_1186 = vector.shape_cast %add3A_1181 : vector<16xf32> to vector<1x16xf32>
        tpu.vector_store %arg9[%swap3A_1182, %swap3A_1183], %swap3A_1186 {strides = array<i32>} : memref<2x1280xf32, #tpu.memory_space<vmem>>, vector<1x16xf32>,
        %add3A_1187 = arith.addf %add3A_1154, %add3A_1180 : vector<16xf32>
        %add3A_1188 = arith.constant 16 : i32
        %add3A_1189 = arith.addi %mul3A_332, %add3A_1188 : i32
        %swap3A_1190 = arith.constant 1 : i32
        %swap3A_1191 = arith.index_cast %swap3A_1190 : i32 to index
        %swap3A_1192 = arith.index_cast %add3A_1189 : i32 to index
        %swap3A_1193 = tpu.vector_load %arg9[%swap3A_1191, %swap3A_1192] {strides = array<i32>} : memref<2x1280xf32, #tpu.memory_space<vmem>>, vector<1x16xf32>,
        %swap3A_1194 = vector.shape_cast %swap3A_1193 : vector<1x16xf32> to vector<16xf32>
        %swap3A_1195 = vector.shape_cast %add3A_1187 : vector<16xf32> to vector<1x16xf32>
        tpu.vector_store %arg9[%swap3A_1191, %swap3A_1192], %swap3A_1195 {strides = array<i32>} : memref<2x1280xf32, #tpu.memory_space<vmem>>, vector<1x16xf32>,
      }
      %scan3A_308 = arith.constant 40 : i32
      %mul3A_309 = arith.constant 40 : i32
      %mul3A_310 = arith.muli %add3A_277, %mul3A_309 : i32
      %add3A_311 = arith.addi %mul3A_2, %mul3A_310 : i32
      %mul3A_312 = arith.constant 32 : i32
      %mul3A_313 = arith.muli %add3A_311, %mul3A_312 : i32
      %dma_start3A_314 = arith.constant 1 : i32
      %dma_start3A_315 = arith.constant 0 : i32
      %dma_start3A_316 = tpu.memref_slice %arg9[%dma_start3A_314, %dma_start3A_315] : memref<2x1280xf32, #tpu.memory_space<vmem>> -> memref<1x1280xf32, #tpu.memory_space<vmem>>
      %dma_start3A_317 = tpu.memref_squeeze %dma_start3A_316 : memref<1x1280xf32, #tpu.memory_space<vmem>> -> memref<1280xf32, #tpu.memory_space<vmem>>
      %dma_start3A_318 = tpu.memref_slice %arg5[%mul3A_313] : memref<5120000xf32, #tpu.memory_space<hbm>> -> memref<1280xf32, #tpu.memory_space<hbm>>
      %dma_start3A_319 = tpu.memref_slice %arg5[%mul3A_313] : memref<5120000xf32, #tpu.memory_space<hbm>> -> memref<1280xf32, #tpu.memory_space<hbm>>
      %dma_start3A_320 = arith.constant 0 : i32
      %dma_start3A_321 = tpu.memref_slice %arg9[%dma_start3A_314, %dma_start3A_320] : memref<2x1280xf32, #tpu.memory_space<vmem>> -> memref<1x1280xf32, #tpu.memory_space<vmem>>
      %dma_start3A_322 = tpu.memref_squeeze %dma_start3A_321 : memref<1x1280xf32, #tpu.memory_space<vmem>> -> memref<1280xf32, #tpu.memory_space<vmem>>
      tpu.enqueue_dma source(%dma_start3A_322 : memref<1280xf32, #tpu.memory_space<vmem>>) target(%dma_start3A_319 : memref<1280xf32, #tpu.memory_space<hbm>>) target_semaphore(%arg15 : memref<!tpu.dma_semaphore, #tpu.memory_space<semaphore_mem>>)
      %add3A_323 = arith.constant 2 : i32
      %add3A_324 = arith.addi %add3A_277, %add3A_323 : i32
      %le3A_325 = arith.constant 124 : i32
      %le3A_326 = arith.cmpi sle, %add3A_324, %le3A_325 : i32
      %convert_element_type3A_327 = arith.extui %le3A_326 : i1 to i32
      %cond3A_328 = arith.constant 0 : i32
      %cond3A_329 = arith.cmpi ne, %convert_element_type3A_327, %cond3A_328 : i32
      scf.if %cond3A_329 {
        %add3A_330 = arith.constant 2 : i32
        %add3A_331 = arith.addi %add3A_277, %add3A_330 : i32
        %mul3A_332 = arith.constant 40 : i32
        %mul3A_333 = arith.muli %add3A_331, %mul3A_332 : i32
        %add3A_334 = arith.addi %mul3A_2, %mul3A_333 : i32
        %mul3A_335 = arith.constant 32 : i32
        %mul3A_336 = arith.muli %add3A_334, %mul3A_335 : i32
        %dma_start3A_337 = arith.constant 1 : i32
        %dma_start3A_338 = arith.constant 0 : i32
        %dma_start3A_339 = tpu.memref_slice %arg6[%dma_start3A_337, %dma_start3A_338] : memref<2x1280xi32, #tpu.memory_space<vmem>> -> memref<1x1280xi32, #tpu.memory_space<vmem>>
        %dma_start3A_340 = tpu.memref_squeeze %dma_start3A_339 : memref<1x1280xi32, #tpu.memory_space<vmem>> -> memref<1280xi32, #tpu.memory_space<vmem>>
        %dma_start3A_341 = tpu.memref_slice %arg2[%mul3A_336] : memref<5120000xi32, #tpu.memory_space<hbm>> -> memref<1280xi32, #tpu.memory_space<hbm>>
        %dma_start3A_342 = arith.constant 0 : i32
        %dma_start3A_343 = tpu.memref_slice %arg6[%dma_start3A_337, %dma_start3A_342] : memref<2x1280xi32, #tpu.memory_space<vmem>> -> memref<1x1280xi32, #tpu.memory_space<vmem>>
        %dma_start3A_344 = tpu.memref_squeeze %dma_start3A_343 : memref<1x1280xi32, #tpu.memory_space<vmem>> -> memref<1280xi32, #tpu.memory_space<vmem>>
        %dma_start3A_345 = tpu.memref_slice %arg2[%mul3A_336] : memref<5120000xi32, #tpu.memory_space<hbm>> -> memref<1280xi32, #tpu.memory_space<hbm>>
        tpu.enqueue_dma source(%dma_start3A_345 : memref<1280xi32, #tpu.memory_space<hbm>>) target(%dma_start3A_344 : memref<1280xi32, #tpu.memory_space<vmem>>) target_semaphore(%arg11 : memref<!tpu.dma_semaphore, #tpu.memory_space<semaphore_mem>>)
        %dma_start3A_346 = arith.constant 1 : i32
        %dma_start3A_347 = arith.constant 0 : i32
        %dma_start3A_348 = tpu.memref_slice %arg7[%dma_start3A_346, %dma_start3A_347] : memref<2x1280xf32, #tpu.memory_space<vmem>> -> memref<1x1280xf32, #tpu.memory_space<vmem>>
        %dma_start3A_349 = tpu.memref_squeeze %dma_start3A_348 : memref<1x1280xf32, #tpu.memory_space<vmem>> -> memref<1280xf32, #tpu.memory_space<vmem>>
        %dma_start3A_350 = tpu.memref_slice %arg3[%mul3A_336] : memref<5120000xf32, #tpu.memory_space<hbm>> -> memref<1280xf32, #tpu.memory_space<hbm>>
        %dma_start3A_351 = arith.constant 0 : i32
        %dma_start3A_352 = tpu.memref_slice %arg7[%dma_start3A_346, %dma_start3A_351] : memref<2x1280xf32, #tpu.memory_space<vmem>> -> memref<1x1280xf32, #tpu.memory_space<vmem>>
        %dma_start3A_353 = tpu.memref_squeeze %dma_start3A_352 : memref<1x1280xf32, #tpu.memory_space<vmem>> -> memref<1280xf32, #tpu.memory_space<vmem>>
        %dma_start3A_354 = tpu.memref_slice %arg3[%mul3A_336] : memref<5120000xf32, #tpu.memory_space<hbm>> -> memref<1280xf32, #tpu.memory_space<hbm>>
        tpu.enqueue_dma source(%dma_start3A_354 : memref<1280xf32, #tpu.memory_space<hbm>>) target(%dma_start3A_353 : memref<1280xf32, #tpu.memory_space<vmem>>) target_semaphore(%arg11 : memref<!tpu.dma_semaphore, #tpu.memory_space<semaphore_mem>>)
      } else {
      }
    }
    %scan3A_157 = arith.constant 62 : i32
    %dma_wait3A = arith.constant 0 : i32
    %dma_wait3A_158 = arith.constant 0 : i32
    %dma_wait3A_159 = arith.constant 0 : i32
    %dma_wait3A_160 = tpu.memref_slice %arg8[%dma_wait3A, %dma_wait3A_158, %dma_wait3A_159] : memref<2x1280x32xf32, #tpu.memory_space<vmem>> -> memref<1x1280x32xf32, #tpu.memory_space<vmem>>
    %dma_wait3A_161 = tpu.memref_squeeze %dma_wait3A_160 : memref<1x1280x32xf32, #tpu.memory_space<vmem>> -> memref<1280x32xf32, #tpu.memory_space<vmem>>
    %dma_wait3A_162 = arith.constant 0 : i32
    %dma_wait3A_163 = arith.constant 0 : i32
    %dma_wait3A_164 = tpu.memref_slice %arg4[%dma_wait3A_162, %dma_wait3A_163] : memref<160000x32xf32, #tpu.memory_space<hbm>> -> memref<1280x32xf32, #tpu.memory_space<hbm>>
    %dma_wait3A_165 = arith.constant 0 : i32
    %dma_wait3A_166 = arith.constant 0 : i32
    %dma_wait3A_167 = tpu.memref_slice %arg8[%dma_wait3A, %dma_wait3A_165, %dma_wait3A_166] : memref<2x1280x32xf32, #tpu.memory_space<vmem>> -> memref<1x1280x32xf32, #tpu.memory_space<vmem>>
    %dma_wait3A_168 = tpu.memref_squeeze %dma_wait3A_167 : memref<1x1280x32xf32, #tpu.memory_space<vmem>> -> memref<1280x32xf32, #tpu.memory_space<vmem>>
    %dma_wait3A_169 = arith.constant 0 : i32
    %dma_wait3A_170 = arith.constant 0 : i32
    %dma_wait3A_171 = tpu.memref_slice %arg4[%dma_wait3A_169, %dma_wait3A_170] : memref<160000x32xf32, #tpu.memory_space<hbm>> -> memref<1280x32xf32, #tpu.memory_space<hbm>>
    tpu.wait_dma2 semaphore(%arg12 : memref<!tpu.dma_semaphore, #tpu.memory_space<semaphore_mem>>) src(%dma_wait3A_171 : memref<1280x32xf32, #tpu.memory_space<hbm>>) dst(%dma_wait3A_168 : memref<1280x32xf32, #tpu.memory_space<vmem>>)
    %dma_wait3A_172 = arith.constant 0 : i32
    %dma_wait3A_173 = arith.constant 0 : i32
    %dma_wait3A_174 = tpu.memref_slice %arg9[%dma_wait3A_172, %dma_wait3A_173] : memref<2x1280xf32, #tpu.memory_space<vmem>> -> memref<1x1280xf32, #tpu.memory_space<vmem>>
    %dma_wait3A_175 = tpu.memref_squeeze %dma_wait3A_174 : memref<1x1280xf32, #tpu.memory_space<vmem>> -> memref<1280xf32, #tpu.memory_space<vmem>>
    %dma_wait3A_176 = arith.constant 0 : i32
    %dma_wait3A_177 = tpu.memref_slice %arg5[%dma_wait3A_176] : memref<5120000xf32, #tpu.memory_space<hbm>> -> memref<1280xf32, #tpu.memory_space<hbm>>
    %dma_wait3A_178 = arith.constant 0 : i32
    %dma_wait3A_179 = tpu.memref_slice %arg5[%dma_wait3A_178] : memref<5120000xf32, #tpu.memory_space<hbm>> -> memref<1280xf32, #tpu.memory_space<hbm>>
    %dma_wait3A_180 = arith.constant 0 : i32
    %dma_wait3A_181 = tpu.memref_slice %arg9[%dma_wait3A_172, %dma_wait3A_180] : memref<2x1280xf32, #tpu.memory_space<vmem>> -> memref<1x1280xf32, #tpu.memory_space<vmem>>
    %dma_wait3A_182 = tpu.memref_squeeze %dma_wait3A_181 : memref<1x1280xf32, #tpu.memory_space<vmem>> -> memref<1280xf32, #tpu.memory_space<vmem>>
    tpu.wait_dma2 semaphore(%arg14 : memref<!tpu.dma_semaphore, #tpu.memory_space<semaphore_mem>>) src(%dma_wait3A_182 : memref<1280xf32, #tpu.memory_space<vmem>>) dst(%dma_wait3A_179 : memref<1280xf32, #tpu.memory_space<hbm>>)
    %scan3A_183 = arith.constant 0 : i32
    %scan3A_184 = arith.constant 0 : i32
    %scan3A_185 = arith.constant 40 : i32
    %scan3A_186 = arith.addi %scan3A_184, %scan3A_185 : i32
    %scan3A_187 = arith.constant 1 : i32
    scf.for %scan3A_224 = %scan3A_184 to %scan3A_186 step %scan3A_187  : i32 {
      %mul3A_225 = arith.constant 32 : i32
      %mul3A_226 = arith.muli %scan3A_224, %mul3A_225 : i32
      %get3A = arith.constant 0 : i32
      %get3A_227 = arith.index_cast %get3A : i32 to index
      %get3A_228 = arith.index_cast %mul3A_226 : i32 to index
      %get3A_229 = tpu.vector_load %arg7[%get3A_227, %get3A_228] {strides = array<i32>} : memref<2x1280xf32, #tpu.memory_space<vmem>>, vector<1x16xf32>,
      %get3A_230 = vector.shape_cast %get3A_229 : vector<1x16xf32> to vector<16xf32>
      %add3A_231 = arith.constant 16 : i32
      %add3A_232 = arith.addi %mul3A_226, %add3A_231 : i32
      %get3A_233 = arith.constant 0 : i32
      %get3A_234 = arith.index_cast %get3A_233 : i32 to index
      %get3A_235 = arith.index_cast %add3A_232 : i32 to index
      %get3A_236 = tpu.vector_load %arg7[%get3A_234, %get3A_235] {strides = array<i32>} : memref<2x1280xf32, #tpu.memory_space<vmem>>, vector<1x16xf32>,
      %get3A_237 = vector.shape_cast %get3A_236 : vector<1x16xf32> to vector<16xf32>
      %broadcast_in_dim3A = arith.constant 0.000000e+00 : f32
      %broadcast_in_dim3A_238 = vector.broadcast %broadcast_in_dim3A : f32 to vector<16xf32>
      %broadcast_in_dim3A_239 = arith.constant 0.000000e+00 : f32
      %broadcast_in_dim3A_240 = vector.broadcast %broadcast_in_dim3A_239 : f32 to vector<16xf32>
      %broadcast_in_dim3A_241 = arith.constant 0.000000e+00 : f32
      %broadcast_in_dim3A_242 = vector.broadcast %broadcast_in_dim3A_241 : f32 to vector<16xf32>
      %broadcast_in_dim3A_243 = arith.constant 0.000000e+00 : f32
      %broadcast_in_dim3A_244 = vector.broadcast %broadcast_in_dim3A_243 : f32 to vector<16xf32>
      %slice3A = vector.extract_strided_slice %get3A_230 {offsets = [0], sizes = [1], strides = [1]} : vector<16xf32> to vector<1xf32>
      %squeeze3A = vector.extract %slice3A[0] : f32 from vector<1xf32>
      %slice3A_245 = vector.extract_strided_slice %get3A_237 {offsets = [0], sizes = [1], strides = [1]} : vector<16xf32> to vector<1xf32>
      %squeeze3A_246 = vector.extract %slice3A_245[0] : f32 from vector<1xf32>
      %add3A_247 = arith.constant 0 : i32
      %add3A_248 = arith.addi %mul3A_226, %add3A_247 : i32
      %get3A_249 = arith.constant 0 : i32
      %get3A_250 = arith.index_cast %get3A_249 : i32 to index
      %get3A_251 = arith.index_cast %add3A_248 : i32 to index
      %get3A_252 = arith.constant 0 : index
      %get3A_253 = tpu.vector_load %arg8[%get3A_250, %get3A_251, %get3A_252] {strides = array<i32>} : memref<2x1280x32xf32, #tpu.memory_space<vmem>>, vector<1x1x16xf32>,
      %get3A_254 = vector.shape_cast %get3A_253 : vector<1x1x16xf32> to vector<16xf32>
      %mul3A_255 = vector.broadcast %squeeze3A : f32 to vector<16xf32>
      %mul3A_256 = arith.mulf %mul3A_255, %get3A_254 : vector<16xf32>
      %add3A_257 = arith.addf %broadcast_in_dim3A_238, %mul3A_256 : vector<16xf32>
      %add3A_258 = arith.constant 0 : i32
      %add3A_259 = arith.addi %mul3A_226, %add3A_258 : i32
      %get3A_260 = arith.constant 0 : i32
      %get3A_261 = arith.index_cast %get3A_260 : i32 to index
      %get3A_262 = arith.index_cast %add3A_259 : i32 to index
      %get3A_263 = arith.constant 16 : index
      %get3A_264 = tpu.vector_load %arg8[%get3A_261, %get3A_262, %get3A_263] {strides = array<i32>} : memref<2x1280x32xf32, #tpu.memory_space<vmem>>, vector<1x1x16xf32>,
      %get3A_265 = vector.shape_cast %get3A_264 : vector<1x1x16xf32> to vector<16xf32>
      %mul3A_266 = vector.broadcast %squeeze3A : f32 to vector<16xf32>
      %mul3A_267 = arith.mulf %mul3A_266, %get3A_265 : vector<16xf32>
      %add3A_268 = arith.addf %broadcast_in_dim3A_240, %mul3A_267 : vector<16xf32>
      %add3A_269 = arith.constant 16 : i32
      %add3A_270 = arith.addi %mul3A_226, %add3A_269 : i32
      %add3A_271 = arith.constant 0 : i32
      %add3A_272 = arith.addi %add3A_270, %add3A_271 : i32
      %get3A_273 = arith.constant 0 : i32
      %get3A_274 = arith.index_cast %get3A_273 : i32 to index
      %get3A_275 = arith.index_cast %add3A_272 : i32 to index
      %get3A_276 = arith.constant 0 : index
      %get3A_277 = tpu.vector_load %arg8[%get3A_274, %get3A_275, %get3A_276] {strides = array<i32>} : memref<2x1280x32xf32, #tpu.memory_space<vmem>>, vector<1x1x16xf32>,
      %get3A_278 = vector.shape_cast %get3A_277 : vector<1x1x16xf32> to vector<16xf32>
      %mul3A_279 = vector.broadcast %squeeze3A_246 : f32 to vector<16xf32>
      %mul3A_280 = arith.mulf %mul3A_279, %get3A_278 : vector<16xf32>
      %add3A_281 = arith.addf %broadcast_in_dim3A_242, %mul3A_280 : vector<16xf32>
      %add3A_282 = arith.constant 16 : i32
      %add3A_283 = arith.addi %mul3A_226, %add3A_282 : i32
      %add3A_284 = arith.constant 0 : i32
      %add3A_285 = arith.addi %add3A_283, %add3A_284 : i32
      %get3A_286 = arith.constant 0 : i32
      %get3A_287 = arith.index_cast %get3A_286 : i32 to index
      %get3A_288 = arith.index_cast %add3A_285 : i32 to index
      %get3A_289 = arith.constant 16 : index
      %get3A_290 = tpu.vector_load %arg8[%get3A_287, %get3A_288, %get3A_289] {strides = array<i32>} : memref<2x1280x32xf32, #tpu.memory_space<vmem>>, vector<1x1x16xf32>,
      %get3A_291 = vector.shape_cast %get3A_290 : vector<1x1x16xf32> to vector<16xf32>
      %mul3A_292 = vector.broadcast %squeeze3A_246 : f32 to vector<16xf32>
      %mul3A_293 = arith.mulf %mul3A_292, %get3A_291 : vector<16xf32>
      %add3A_294 = arith.addf %broadcast_in_dim3A_244, %mul3A_293 : vector<16xf32>
      %slice3A_295 = vector.extract_strided_slice %get3A_230 {offsets = [1], sizes = [1], strides = [1]} : vector<16xf32> to vector<1xf32>
      %squeeze3A_296 = vector.extract %slice3A_295[0] : f32 from vector<1xf32>
      %slice3A_297 = vector.extract_strided_slice %get3A_237 {offsets = [1], sizes = [1], strides = [1]} : vector<16xf32> to vector<1xf32>
      %squeeze3A_298 = vector.extract %slice3A_297[0] : f32 from vector<1xf32>
      %add3A_299 = arith.constant 1 : i32
      %add3A_300 = arith.addi %mul3A_226, %add3A_299 : i32
      %get3A_301 = arith.constant 0 : i32
      %get3A_302 = arith.index_cast %get3A_301 : i32 to index
      %get3A_303 = arith.index_cast %add3A_300 : i32 to index
      %get3A_304 = arith.constant 0 : index
      %get3A_305 = tpu.vector_load %arg8[%get3A_302, %get3A_303, %get3A_304] {strides = array<i32>} : memref<2x1280x32xf32, #tpu.memory_space<vmem>>, vector<1x1x16xf32>,
      %get3A_306 = vector.shape_cast %get3A_305 : vector<1x1x16xf32> to vector<16xf32>
      %mul3A_307 = vector.broadcast %squeeze3A_296 : f32 to vector<16xf32>
      %mul3A_308 = arith.mulf %mul3A_307, %get3A_306 : vector<16xf32>
      %add3A_309 = arith.addf %add3A_257, %mul3A_308 : vector<16xf32>
      %add3A_310 = arith.constant 1 : i32
      %add3A_311 = arith.addi %mul3A_226, %add3A_310 : i32
      %get3A_312 = arith.constant 0 : i32
      %get3A_313 = arith.index_cast %get3A_312 : i32 to index
      %get3A_314 = arith.index_cast %add3A_311 : i32 to index
      %get3A_315 = arith.constant 16 : index
      %get3A_316 = tpu.vector_load %arg8[%get3A_313, %get3A_314, %get3A_315] {strides = array<i32>} : memref<2x1280x32xf32, #tpu.memory_space<vmem>>, vector<1x1x16xf32>,
      %get3A_317 = vector.shape_cast %get3A_316 : vector<1x1x16xf32> to vector<16xf32>
      %mul3A_318 = vector.broadcast %squeeze3A_296 : f32 to vector<16xf32>
      %mul3A_319 = arith.mulf %mul3A_318, %get3A_317 : vector<16xf32>
      %add3A_320 = arith.addf %add3A_268, %mul3A_319 : vector<16xf32>
      %add3A_321 = arith.constant 16 : i32
      %add3A_322 = arith.addi %mul3A_226, %add3A_321 : i32
      %add3A_323 = arith.constant 1 : i32
      %add3A_324 = arith.addi %add3A_322, %add3A_323 : i32
      %get3A_325 = arith.constant 0 : i32
      %get3A_326 = arith.index_cast %get3A_325 : i32 to index
      %get3A_327 = arith.index_cast %add3A_324 : i32 to index
      %get3A_328 = arith.constant 0 : index
      %get3A_329 = tpu.vector_load %arg8[%get3A_326, %get3A_327, %get3A_328] {strides = array<i32>} : memref<2x1280x32xf32, #tpu.memory_space<vmem>>, vector<1x1x16xf32>,
      %get3A_330 = vector.shape_cast %get3A_329 : vector<1x1x16xf32> to vector<16xf32>
      %mul3A_331 = vector.broadcast %squeeze3A_298 : f32 to vector<16xf32>
      %mul3A_332 = arith.mulf %mul3A_331, %get3A_330 : vector<16xf32>
      %add3A_333 = arith.addf %add3A_281, %mul3A_332 : vector<16xf32>
      %add3A_334 = arith.constant 16 : i32
      %add3A_335 = arith.addi %mul3A_226, %add3A_334 : i32
      %add3A_336 = arith.constant 1 : i32
      %add3A_337 = arith.addi %add3A_335, %add3A_336 : i32
      %get3A_338 = arith.constant 0 : i32
      %get3A_339 = arith.index_cast %get3A_338 : i32 to index
      %get3A_340 = arith.index_cast %add3A_337 : i32 to index
      %get3A_341 = arith.constant 16 : index
      %get3A_342 = tpu.vector_load %arg8[%get3A_339, %get3A_340, %get3A_341] {strides = array<i32>} : memref<2x1280x32xf32, #tpu.memory_space<vmem>>, vector<1x1x16xf32>,
      %get3A_343 = vector.shape_cast %get3A_342 : vector<1x1x16xf32> to vector<16xf32>
      %mul3A_344 = vector.broadcast %squeeze3A_298 : f32 to vector<16xf32>
      %mul3A_345 = arith.mulf %mul3A_344, %get3A_343 : vector<16xf32>
      %add3A_346 = arith.addf %add3A_294, %mul3A_345 : vector<16xf32>
      %slice3A_347 = vector.extract_strided_slice %get3A_230 {offsets = [2], sizes = [1], strides = [1]} : vector<16xf32> to vector<1xf32>
      %squeeze3A_348 = vector.extract %slice3A_347[0] : f32 from vector<1xf32>
      %slice3A_349 = vector.extract_strided_slice %get3A_237 {offsets = [2], sizes = [1], strides = [1]} : vector<16xf32> to vector<1xf32>
      %squeeze3A_350 = vector.extract %slice3A_349[0] : f32 from vector<1xf32>
      %add3A_351 = arith.constant 2 : i32
      %add3A_352 = arith.addi %mul3A_226, %add3A_351 : i32
      %get3A_353 = arith.constant 0 : i32
      %get3A_354 = arith.index_cast %get3A_353 : i32 to index
      %get3A_355 = arith.index_cast %add3A_352 : i32 to index
      %get3A_356 = arith.constant 0 : index
      %get3A_357 = tpu.vector_load %arg8[%get3A_354, %get3A_355, %get3A_356] {strides = array<i32>} : memref<2x1280x32xf32, #tpu.memory_space<vmem>>, vector<1x1x16xf32>,
      %get3A_358 = vector.shape_cast %get3A_357 : vector<1x1x16xf32> to vector<16xf32>
      %mul3A_359 = vector.broadcast %squeeze3A_348 : f32 to vector<16xf32>
      %mul3A_360 = arith.mulf %mul3A_359, %get3A_358 : vector<16xf32>
      %add3A_361 = arith.addf %add3A_309, %mul3A_360 : vector<16xf32>
      %add3A_362 = arith.constant 2 : i32
      %add3A_363 = arith.addi %mul3A_226, %add3A_362 : i32
      %get3A_364 = arith.constant 0 : i32
      %get3A_365 = arith.index_cast %get3A_364 : i32 to index
      %get3A_366 = arith.index_cast %add3A_363 : i32 to index
      %get3A_367 = arith.constant 16 : index
      %get3A_368 = tpu.vector_load %arg8[%get3A_365, %get3A_366, %get3A_367] {strides = array<i32>} : memref<2x1280x32xf32, #tpu.memory_space<vmem>>, vector<1x1x16xf32>,
      %get3A_369 = vector.shape_cast %get3A_368 : vector<1x1x16xf32> to vector<16xf32>
      %mul3A_370 = vector.broadcast %squeeze3A_348 : f32 to vector<16xf32>
      %mul3A_371 = arith.mulf %mul3A_370, %get3A_369 : vector<16xf32>
      %add3A_372 = arith.addf %add3A_320, %mul3A_371 : vector<16xf32>
      %add3A_373 = arith.constant 16 : i32
      %add3A_374 = arith.addi %mul3A_226, %add3A_373 : i32
      %add3A_375 = arith.constant 2 : i32
      %add3A_376 = arith.addi %add3A_374, %add3A_375 : i32
      %get3A_377 = arith.constant 0 : i32
      %get3A_378 = arith.index_cast %get3A_377 : i32 to index
      %get3A_379 = arith.index_cast %add3A_376 : i32 to index
      %get3A_380 = arith.constant 0 : index
      %get3A_381 = tpu.vector_load %arg8[%get3A_378, %get3A_379, %get3A_380] {strides = array<i32>} : memref<2x1280x32xf32, #tpu.memory_space<vmem>>, vector<1x1x16xf32>,
      %get3A_382 = vector.shape_cast %get3A_381 : vector<1x1x16xf32> to vector<16xf32>
      %mul3A_383 = vector.broadcast %squeeze3A_350 : f32 to vector<16xf32>
      %mul3A_384 = arith.mulf %mul3A_383, %get3A_382 : vector<16xf32>
      %add3A_385 = arith.addf %add3A_333, %mul3A_384 : vector<16xf32>
      %add3A_386 = arith.constant 16 : i32
      %add3A_387 = arith.addi %mul3A_226, %add3A_386 : i32
      %add3A_388 = arith.constant 2 : i32
      %add3A_389 = arith.addi %add3A_387, %add3A_388 : i32
      %get3A_390 = arith.constant 0 : i32
      %get3A_391 = arith.index_cast %get3A_390 : i32 to index
      %get3A_392 = arith.index_cast %add3A_389 : i32 to index
      %get3A_393 = arith.constant 16 : index
      %get3A_394 = tpu.vector_load %arg8[%get3A_391, %get3A_392, %get3A_393] {strides = array<i32>} : memref<2x1280x32xf32, #tpu.memory_space<vmem>>, vector<1x1x16xf32>,
      %get3A_395 = vector.shape_cast %get3A_394 : vector<1x1x16xf32> to vector<16xf32>
      %mul3A_396 = vector.broadcast %squeeze3A_350 : f32 to vector<16xf32>
      %mul3A_397 = arith.mulf %mul3A_396, %get3A_395 : vector<16xf32>
      %add3A_398 = arith.addf %add3A_346, %mul3A_397 : vector<16xf32>
      %slice3A_399 = vector.extract_strided_slice %get3A_230 {offsets = [3], sizes = [1], strides = [1]} : vector<16xf32> to vector<1xf32>
      %squeeze3A_400 = vector.extract %slice3A_399[0] : f32 from vector<1xf32>
      %slice3A_401 = vector.extract_strided_slice %get3A_237 {offsets = [3], sizes = [1], strides = [1]} : vector<16xf32> to vector<1xf32>
      %squeeze3A_402 = vector.extract %slice3A_401[0] : f32 from vector<1xf32>
      %add3A_403 = arith.constant 3 : i32
      %add3A_404 = arith.addi %mul3A_226, %add3A_403 : i32
      %get3A_405 = arith.constant 0 : i32
      %get3A_406 = arith.index_cast %get3A_405 : i32 to index
      %get3A_407 = arith.index_cast %add3A_404 : i32 to index
      %get3A_408 = arith.constant 0 : index
      %get3A_409 = tpu.vector_load %arg8[%get3A_406, %get3A_407, %get3A_408] {strides = array<i32>} : memref<2x1280x32xf32, #tpu.memory_space<vmem>>, vector<1x1x16xf32>,
      %get3A_410 = vector.shape_cast %get3A_409 : vector<1x1x16xf32> to vector<16xf32>
      %mul3A_411 = vector.broadcast %squeeze3A_400 : f32 to vector<16xf32>
      %mul3A_412 = arith.mulf %mul3A_411, %get3A_410 : vector<16xf32>
      %add3A_413 = arith.addf %add3A_361, %mul3A_412 : vector<16xf32>
      %add3A_414 = arith.constant 3 : i32
      %add3A_415 = arith.addi %mul3A_226, %add3A_414 : i32
      %get3A_416 = arith.constant 0 : i32
      %get3A_417 = arith.index_cast %get3A_416 : i32 to index
      %get3A_418 = arith.index_cast %add3A_415 : i32 to index
      %get3A_419 = arith.constant 16 : index
      %get3A_420 = tpu.vector_load %arg8[%get3A_417, %get3A_418, %get3A_419] {strides = array<i32>} : memref<2x1280x32xf32, #tpu.memory_space<vmem>>, vector<1x1x16xf32>,
      %get3A_421 = vector.shape_cast %get3A_420 : vector<1x1x16xf32> to vector<16xf32>
      %mul3A_422 = vector.broadcast %squeeze3A_400 : f32 to vector<16xf32>
      %mul3A_423 = arith.mulf %mul3A_422, %get3A_421 : vector<16xf32>
      %add3A_424 = arith.addf %add3A_372, %mul3A_423 : vector<16xf32>
      %add3A_425 = arith.constant 16 : i32
      %add3A_426 = arith.addi %mul3A_226, %add3A_425 : i32
      %add3A_427 = arith.constant 3 : i32
      %add3A_428 = arith.addi %add3A_426, %add3A_427 : i32
      %get3A_429 = arith.constant 0 : i32
      %get3A_430 = arith.index_cast %get3A_429 : i32 to index
      %get3A_431 = arith.index_cast %add3A_428 : i32 to index
      %get3A_432 = arith.constant 0 : index
      %get3A_433 = tpu.vector_load %arg8[%get3A_430, %get3A_431, %get3A_432] {strides = array<i32>} : memref<2x1280x32xf32, #tpu.memory_space<vmem>>, vector<1x1x16xf32>,
      %get3A_434 = vector.shape_cast %get3A_433 : vector<1x1x16xf32> to vector<16xf32>
      %mul3A_435 = vector.broadcast %squeeze3A_402 : f32 to vector<16xf32>
      %mul3A_436 = arith.mulf %mul3A_435, %get3A_434 : vector<16xf32>
      %add3A_437 = arith.addf %add3A_385, %mul3A_436 : vector<16xf32>
      %add3A_438 = arith.constant 16 : i32
      %add3A_439 = arith.addi %mul3A_226, %add3A_438 : i32
      %add3A_440 = arith.constant 3 : i32
      %add3A_441 = arith.addi %add3A_439, %add3A_440 : i32
      %get3A_442 = arith.constant 0 : i32
      %get3A_443 = arith.index_cast %get3A_442 : i32 to index
      %get3A_444 = arith.index_cast %add3A_441 : i32 to index
      %get3A_445 = arith.constant 16 : index
      %get3A_446 = tpu.vector_load %arg8[%get3A_443, %get3A_444, %get3A_445] {strides = array<i32>} : memref<2x1280x32xf32, #tpu.memory_space<vmem>>, vector<1x1x16xf32>,
      %get3A_447 = vector.shape_cast %get3A_446 : vector<1x1x16xf32> to vector<16xf32>
      %mul3A_448 = vector.broadcast %squeeze3A_402 : f32 to vector<16xf32>
      %mul3A_449 = arith.mulf %mul3A_448, %get3A_447 : vector<16xf32>
      %add3A_450 = arith.addf %add3A_398, %mul3A_449 : vector<16xf32>
      %slice3A_451 = vector.extract_strided_slice %get3A_230 {offsets = [4], sizes = [1], strides = [1]} : vector<16xf32> to vector<1xf32>
      %squeeze3A_452 = vector.extract %slice3A_451[0] : f32 from vector<1xf32>
      %slice3A_453 = vector.extract_strided_slice %get3A_237 {offsets = [4], sizes = [1], strides = [1]} : vector<16xf32> to vector<1xf32>
      %squeeze3A_454 = vector.extract %slice3A_453[0] : f32 from vector<1xf32>
      %add3A_455 = arith.constant 4 : i32
      %add3A_456 = arith.addi %mul3A_226, %add3A_455 : i32
      %get3A_457 = arith.constant 0 : i32
      %get3A_458 = arith.index_cast %get3A_457 : i32 to index
      %get3A_459 = arith.index_cast %add3A_456 : i32 to index
      %get3A_460 = arith.constant 0 : index
      %get3A_461 = tpu.vector_load %arg8[%get3A_458, %get3A_459, %get3A_460] {strides = array<i32>} : memref<2x1280x32xf32, #tpu.memory_space<vmem>>, vector<1x1x16xf32>,
      %get3A_462 = vector.shape_cast %get3A_461 : vector<1x1x16xf32> to vector<16xf32>
      %mul3A_463 = vector.broadcast %squeeze3A_452 : f32 to vector<16xf32>
      %mul3A_464 = arith.mulf %mul3A_463, %get3A_462 : vector<16xf32>
      %add3A_465 = arith.addf %add3A_413, %mul3A_464 : vector<16xf32>
      %add3A_466 = arith.constant 4 : i32
      %add3A_467 = arith.addi %mul3A_226, %add3A_466 : i32
      %get3A_468 = arith.constant 0 : i32
      %get3A_469 = arith.index_cast %get3A_468 : i32 to index
      %get3A_470 = arith.index_cast %add3A_467 : i32 to index
      %get3A_471 = arith.constant 16 : index
      %get3A_472 = tpu.vector_load %arg8[%get3A_469, %get3A_470, %get3A_471] {strides = array<i32>} : memref<2x1280x32xf32, #tpu.memory_space<vmem>>, vector<1x1x16xf32>,
      %get3A_473 = vector.shape_cast %get3A_472 : vector<1x1x16xf32> to vector<16xf32>
      %mul3A_474 = vector.broadcast %squeeze3A_452 : f32 to vector<16xf32>
      %mul3A_475 = arith.mulf %mul3A_474, %get3A_473 : vector<16xf32>
      %add3A_476 = arith.addf %add3A_424, %mul3A_475 : vector<16xf32>
      %add3A_477 = arith.constant 16 : i32
      %add3A_478 = arith.addi %mul3A_226, %add3A_477 : i32
      %add3A_479 = arith.constant 4 : i32
      %add3A_480 = arith.addi %add3A_478, %add3A_479 : i32
      %get3A_481 = arith.constant 0 : i32
      %get3A_482 = arith.index_cast %get3A_481 : i32 to index
      %get3A_483 = arith.index_cast %add3A_480 : i32 to index
      %get3A_484 = arith.constant 0 : index
      %get3A_485 = tpu.vector_load %arg8[%get3A_482, %get3A_483, %get3A_484] {strides = array<i32>} : memref<2x1280x32xf32, #tpu.memory_space<vmem>>, vector<1x1x16xf32>,
      %get3A_486 = vector.shape_cast %get3A_485 : vector<1x1x16xf32> to vector<16xf32>
      %mul3A_487 = vector.broadcast %squeeze3A_454 : f32 to vector<16xf32>
      %mul3A_488 = arith.mulf %mul3A_487, %get3A_486 : vector<16xf32>
      %add3A_489 = arith.addf %add3A_437, %mul3A_488 : vector<16xf32>
      %add3A_490 = arith.constant 16 : i32
      %add3A_491 = arith.addi %mul3A_226, %add3A_490 : i32
      %add3A_492 = arith.constant 4 : i32
      %add3A_493 = arith.addi %add3A_491, %add3A_492 : i32
      %get3A_494 = arith.constant 0 : i32
      %get3A_495 = arith.index_cast %get3A_494 : i32 to index
      %get3A_496 = arith.index_cast %add3A_493 : i32 to index
      %get3A_497 = arith.constant 16 : index
      %get3A_498 = tpu.vector_load %arg8[%get3A_495, %get3A_496, %get3A_497] {strides = array<i32>} : memref<2x1280x32xf32, #tpu.memory_space<vmem>>, vector<1x1x16xf32>,
      %get3A_499 = vector.shape_cast %get3A_498 : vector<1x1x16xf32> to vector<16xf32>
      %mul3A_500 = vector.broadcast %squeeze3A_454 : f32 to vector<16xf32>
      %mul3A_501 = arith.mulf %mul3A_500, %get3A_499 : vector<16xf32>
      %add3A_502 = arith.addf %add3A_450, %mul3A_501 : vector<16xf32>
      %slice3A_503 = vector.extract_strided_slice %get3A_230 {offsets = [5], sizes = [1], strides = [1]} : vector<16xf32> to vector<1xf32>
      %squeeze3A_504 = vector.extract %slice3A_503[0] : f32 from vector<1xf32>
      %slice3A_505 = vector.extract_strided_slice %get3A_237 {offsets = [5], sizes = [1], strides = [1]} : vector<16xf32> to vector<1xf32>
      %squeeze3A_506 = vector.extract %slice3A_505[0] : f32 from vector<1xf32>
      %add3A_507 = arith.constant 5 : i32
      %add3A_508 = arith.addi %mul3A_226, %add3A_507 : i32
      %get3A_509 = arith.constant 0 : i32
      %get3A_510 = arith.index_cast %get3A_509 : i32 to index
      %get3A_511 = arith.index_cast %add3A_508 : i32 to index
      %get3A_512 = arith.constant 0 : index
      %get3A_513 = tpu.vector_load %arg8[%get3A_510, %get3A_511, %get3A_512] {strides = array<i32>} : memref<2x1280x32xf32, #tpu.memory_space<vmem>>, vector<1x1x16xf32>,
      %get3A_514 = vector.shape_cast %get3A_513 : vector<1x1x16xf32> to vector<16xf32>
      %mul3A_515 = vector.broadcast %squeeze3A_504 : f32 to vector<16xf32>
      %mul3A_516 = arith.mulf %mul3A_515, %get3A_514 : vector<16xf32>
      %add3A_517 = arith.addf %add3A_465, %mul3A_516 : vector<16xf32>
      %add3A_518 = arith.constant 5 : i32
      %add3A_519 = arith.addi %mul3A_226, %add3A_518 : i32
      %get3A_520 = arith.constant 0 : i32
      %get3A_521 = arith.index_cast %get3A_520 : i32 to index
      %get3A_522 = arith.index_cast %add3A_519 : i32 to index
      %get3A_523 = arith.constant 16 : index
      %get3A_524 = tpu.vector_load %arg8[%get3A_521, %get3A_522, %get3A_523] {strides = array<i32>} : memref<2x1280x32xf32, #tpu.memory_space<vmem>>, vector<1x1x16xf32>,
      %get3A_525 = vector.shape_cast %get3A_524 : vector<1x1x16xf32> to vector<16xf32>
      %mul3A_526 = vector.broadcast %squeeze3A_504 : f32 to vector<16xf32>
      %mul3A_527 = arith.mulf %mul3A_526, %get3A_525 : vector<16xf32>
      %add3A_528 = arith.addf %add3A_476, %mul3A_527 : vector<16xf32>
      %add3A_529 = arith.constant 16 : i32
      %add3A_530 = arith.addi %mul3A_226, %add3A_529 : i32
      %add3A_531 = arith.constant 5 : i32
      %add3A_532 = arith.addi %add3A_530, %add3A_531 : i32
      %get3A_533 = arith.constant 0 : i32
      %get3A_534 = arith.index_cast %get3A_533 : i32 to index
      %get3A_535 = arith.index_cast %add3A_532 : i32 to index
      %get3A_536 = arith.constant 0 : index
      %get3A_537 = tpu.vector_load %arg8[%get3A_534, %get3A_535, %get3A_536] {strides = array<i32>} : memref<2x1280x32xf32, #tpu.memory_space<vmem>>, vector<1x1x16xf32>,
      %get3A_538 = vector.shape_cast %get3A_537 : vector<1x1x16xf32> to vector<16xf32>
      %mul3A_539 = vector.broadcast %squeeze3A_506 : f32 to vector<16xf32>
      %mul3A_540 = arith.mulf %mul3A_539, %get3A_538 : vector<16xf32>
      %add3A_541 = arith.addf %add3A_489, %mul3A_540 : vector<16xf32>
      %add3A_542 = arith.constant 16 : i32
      %add3A_543 = arith.addi %mul3A_226, %add3A_542 : i32
      %add3A_544 = arith.constant 5 : i32
      %add3A_545 = arith.addi %add3A_543, %add3A_544 : i32
      %get3A_546 = arith.constant 0 : i32
      %get3A_547 = arith.index_cast %get3A_546 : i32 to index
      %get3A_548 = arith.index_cast %add3A_545 : i32 to index
      %get3A_549 = arith.constant 16 : index
      %get3A_550 = tpu.vector_load %arg8[%get3A_547, %get3A_548, %get3A_549] {strides = array<i32>} : memref<2x1280x32xf32, #tpu.memory_space<vmem>>, vector<1x1x16xf32>,
      %get3A_551 = vector.shape_cast %get3A_550 : vector<1x1x16xf32> to vector<16xf32>
      %mul3A_552 = vector.broadcast %squeeze3A_506 : f32 to vector<16xf32>
      %mul3A_553 = arith.mulf %mul3A_552, %get3A_551 : vector<16xf32>
      %add3A_554 = arith.addf %add3A_502, %mul3A_553 : vector<16xf32>
      %slice3A_555 = vector.extract_strided_slice %get3A_230 {offsets = [6], sizes = [1], strides = [1]} : vector<16xf32> to vector<1xf32>
      %squeeze3A_556 = vector.extract %slice3A_555[0] : f32 from vector<1xf32>
      %slice3A_557 = vector.extract_strided_slice %get3A_237 {offsets = [6], sizes = [1], strides = [1]} : vector<16xf32> to vector<1xf32>
      %squeeze3A_558 = vector.extract %slice3A_557[0] : f32 from vector<1xf32>
      %add3A_559 = arith.constant 6 : i32
      %add3A_560 = arith.addi %mul3A_226, %add3A_559 : i32
      %get3A_561 = arith.constant 0 : i32
      %get3A_562 = arith.index_cast %get3A_561 : i32 to index
      %get3A_563 = arith.index_cast %add3A_560 : i32 to index
      %get3A_564 = arith.constant 0 : index
      %get3A_565 = tpu.vector_load %arg8[%get3A_562, %get3A_563, %get3A_564] {strides = array<i32>} : memref<2x1280x32xf32, #tpu.memory_space<vmem>>, vector<1x1x16xf32>,
      %get3A_566 = vector.shape_cast %get3A_565 : vector<1x1x16xf32> to vector<16xf32>
      %mul3A_567 = vector.broadcast %squeeze3A_556 : f32 to vector<16xf32>
      %mul3A_568 = arith.mulf %mul3A_567, %get3A_566 : vector<16xf32>
      %add3A_569 = arith.addf %add3A_517, %mul3A_568 : vector<16xf32>
      %add3A_570 = arith.constant 6 : i32
      %add3A_571 = arith.addi %mul3A_226, %add3A_570 : i32
      %get3A_572 = arith.constant 0 : i32
      %get3A_573 = arith.index_cast %get3A_572 : i32 to index
      %get3A_574 = arith.index_cast %add3A_571 : i32 to index
      %get3A_575 = arith.constant 16 : index
      %get3A_576 = tpu.vector_load %arg8[%get3A_573, %get3A_574, %get3A_575] {strides = array<i32>} : memref<2x1280x32xf32, #tpu.memory_space<vmem>>, vector<1x1x16xf32>,
      %get3A_577 = vector.shape_cast %get3A_576 : vector<1x1x16xf32> to vector<16xf32>
      %mul3A_578 = vector.broadcast %squeeze3A_556 : f32 to vector<16xf32>
      %mul3A_579 = arith.mulf %mul3A_578, %get3A_577 : vector<16xf32>
      %add3A_580 = arith.addf %add3A_528, %mul3A_579 : vector<16xf32>
      %add3A_581 = arith.constant 16 : i32
      %add3A_582 = arith.addi %mul3A_226, %add3A_581 : i32
      %add3A_583 = arith.constant 6 : i32
      %add3A_584 = arith.addi %add3A_582, %add3A_583 : i32
      %get3A_585 = arith.constant 0 : i32
      %get3A_586 = arith.index_cast %get3A_585 : i32 to index
      %get3A_587 = arith.index_cast %add3A_584 : i32 to index
      %get3A_588 = arith.constant 0 : index
      %get3A_589 = tpu.vector_load %arg8[%get3A_586, %get3A_587, %get3A_588] {strides = array<i32>} : memref<2x1280x32xf32, #tpu.memory_space<vmem>>, vector<1x1x16xf32>,
      %get3A_590 = vector.shape_cast %get3A_589 : vector<1x1x16xf32> to vector<16xf32>
      %mul3A_591 = vector.broadcast %squeeze3A_558 : f32 to vector<16xf32>
      %mul3A_592 = arith.mulf %mul3A_591, %get3A_590 : vector<16xf32>
      %add3A_593 = arith.addf %add3A_541, %mul3A_592 : vector<16xf32>
      %add3A_594 = arith.constant 16 : i32
      %add3A_595 = arith.addi %mul3A_226, %add3A_594 : i32
      %add3A_596 = arith.constant 6 : i32
      %add3A_597 = arith.addi %add3A_595, %add3A_596 : i32
      %get3A_598 = arith.constant 0 : i32
      %get3A_599 = arith.index_cast %get3A_598 : i32 to index
      %get3A_600 = arith.index_cast %add3A_597 : i32 to index
      %get3A_601 = arith.constant 16 : index
      %get3A_602 = tpu.vector_load %arg8[%get3A_599, %get3A_600, %get3A_601] {strides = array<i32>} : memref<2x1280x32xf32, #tpu.memory_space<vmem>>, vector<1x1x16xf32>,
      %get3A_603 = vector.shape_cast %get3A_602 : vector<1x1x16xf32> to vector<16xf32>
      %mul3A_604 = vector.broadcast %squeeze3A_558 : f32 to vector<16xf32>
      %mul3A_605 = arith.mulf %mul3A_604, %get3A_603 : vector<16xf32>
      %add3A_606 = arith.addf %add3A_554, %mul3A_605 : vector<16xf32>
      %slice3A_607 = vector.extract_strided_slice %get3A_230 {offsets = [7], sizes = [1], strides = [1]} : vector<16xf32> to vector<1xf32>
      %squeeze3A_608 = vector.extract %slice3A_607[0] : f32 from vector<1xf32>
      %slice3A_609 = vector.extract_strided_slice %get3A_237 {offsets = [7], sizes = [1], strides = [1]} : vector<16xf32> to vector<1xf32>
      %squeeze3A_610 = vector.extract %slice3A_609[0] : f32 from vector<1xf32>
      %add3A_611 = arith.constant 7 : i32
      %add3A_612 = arith.addi %mul3A_226, %add3A_611 : i32
      %get3A_613 = arith.constant 0 : i32
      %get3A_614 = arith.index_cast %get3A_613 : i32 to index
      %get3A_615 = arith.index_cast %add3A_612 : i32 to index
      %get3A_616 = arith.constant 0 : index
      %get3A_617 = tpu.vector_load %arg8[%get3A_614, %get3A_615, %get3A_616] {strides = array<i32>} : memref<2x1280x32xf32, #tpu.memory_space<vmem>>, vector<1x1x16xf32>,
      %get3A_618 = vector.shape_cast %get3A_617 : vector<1x1x16xf32> to vector<16xf32>
      %mul3A_619 = vector.broadcast %squeeze3A_608 : f32 to vector<16xf32>
      %mul3A_620 = arith.mulf %mul3A_619, %get3A_618 : vector<16xf32>
      %add3A_621 = arith.addf %add3A_569, %mul3A_620 : vector<16xf32>
      %add3A_622 = arith.constant 7 : i32
      %add3A_623 = arith.addi %mul3A_226, %add3A_622 : i32
      %get3A_624 = arith.constant 0 : i32
      %get3A_625 = arith.index_cast %get3A_624 : i32 to index
      %get3A_626 = arith.index_cast %add3A_623 : i32 to index
      %get3A_627 = arith.constant 16 : index
      %get3A_628 = tpu.vector_load %arg8[%get3A_625, %get3A_626, %get3A_627] {strides = array<i32>} : memref<2x1280x32xf32, #tpu.memory_space<vmem>>, vector<1x1x16xf32>,
      %get3A_629 = vector.shape_cast %get3A_628 : vector<1x1x16xf32> to vector<16xf32>
      %mul3A_630 = vector.broadcast %squeeze3A_608 : f32 to vector<16xf32>
      %mul3A_631 = arith.mulf %mul3A_630, %get3A_629 : vector<16xf32>
      %add3A_632 = arith.addf %add3A_580, %mul3A_631 : vector<16xf32>
      %add3A_633 = arith.constant 16 : i32
      %add3A_634 = arith.addi %mul3A_226, %add3A_633 : i32
      %add3A_635 = arith.constant 7 : i32
      %add3A_636 = arith.addi %add3A_634, %add3A_635 : i32
      %get3A_637 = arith.constant 0 : i32
      %get3A_638 = arith.index_cast %get3A_637 : i32 to index
      %get3A_639 = arith.index_cast %add3A_636 : i32 to index
      %get3A_640 = arith.constant 0 : index
      %get3A_641 = tpu.vector_load %arg8[%get3A_638, %get3A_639, %get3A_640] {strides = array<i32>} : memref<2x1280x32xf32, #tpu.memory_space<vmem>>, vector<1x1x16xf32>,
      %get3A_642 = vector.shape_cast %get3A_641 : vector<1x1x16xf32> to vector<16xf32>
      %mul3A_643 = vector.broadcast %squeeze3A_610 : f32 to vector<16xf32>
      %mul3A_644 = arith.mulf %mul3A_643, %get3A_642 : vector<16xf32>
      %add3A_645 = arith.addf %add3A_593, %mul3A_644 : vector<16xf32>
      %add3A_646 = arith.constant 16 : i32
      %add3A_647 = arith.addi %mul3A_226, %add3A_646 : i32
      %add3A_648 = arith.constant 7 : i32
      %add3A_649 = arith.addi %add3A_647, %add3A_648 : i32
      %get3A_650 = arith.constant 0 : i32
      %get3A_651 = arith.index_cast %get3A_650 : i32 to index
      %get3A_652 = arith.index_cast %add3A_649 : i32 to index
      %get3A_653 = arith.constant 16 : index
      %get3A_654 = tpu.vector_load %arg8[%get3A_651, %get3A_652, %get3A_653] {strides = array<i32>} : memref<2x1280x32xf32, #tpu.memory_space<vmem>>, vector<1x1x16xf32>,
      %get3A_655 = vector.shape_cast %get3A_654 : vector<1x1x16xf32> to vector<16xf32>
      %mul3A_656 = vector.broadcast %squeeze3A_610 : f32 to vector<16xf32>
      %mul3A_657 = arith.mulf %mul3A_656, %get3A_655 : vector<16xf32>
      %add3A_658 = arith.addf %add3A_606, %mul3A_657 : vector<16xf32>
      %slice3A_659 = vector.extract_strided_slice %get3A_230 {offsets = [8], sizes = [1], strides = [1]} : vector<16xf32> to vector<1xf32>
      %squeeze3A_660 = vector.extract %slice3A_659[0] : f32 from vector<1xf32>
      %slice3A_661 = vector.extract_strided_slice %get3A_237 {offsets = [8], sizes = [1], strides = [1]} : vector<16xf32> to vector<1xf32>
      %squeeze3A_662 = vector.extract %slice3A_661[0] : f32 from vector<1xf32>
      %add3A_663 = arith.constant 8 : i32
      %add3A_664 = arith.addi %mul3A_226, %add3A_663 : i32
      %get3A_665 = arith.constant 0 : i32
      %get3A_666 = arith.index_cast %get3A_665 : i32 to index
      %get3A_667 = arith.index_cast %add3A_664 : i32 to index
      %get3A_668 = arith.constant 0 : index
      %get3A_669 = tpu.vector_load %arg8[%get3A_666, %get3A_667, %get3A_668] {strides = array<i32>} : memref<2x1280x32xf32, #tpu.memory_space<vmem>>, vector<1x1x16xf32>,
      %get3A_670 = vector.shape_cast %get3A_669 : vector<1x1x16xf32> to vector<16xf32>
      %mul3A_671 = vector.broadcast %squeeze3A_660 : f32 to vector<16xf32>
      %mul3A_672 = arith.mulf %mul3A_671, %get3A_670 : vector<16xf32>
      %add3A_673 = arith.addf %add3A_621, %mul3A_672 : vector<16xf32>
      %add3A_674 = arith.constant 8 : i32
      %add3A_675 = arith.addi %mul3A_226, %add3A_674 : i32
      %get3A_676 = arith.constant 0 : i32
      %get3A_677 = arith.index_cast %get3A_676 : i32 to index
      %get3A_678 = arith.index_cast %add3A_675 : i32 to index
      %get3A_679 = arith.constant 16 : index
      %get3A_680 = tpu.vector_load %arg8[%get3A_677, %get3A_678, %get3A_679] {strides = array<i32>} : memref<2x1280x32xf32, #tpu.memory_space<vmem>>, vector<1x1x16xf32>,
      %get3A_681 = vector.shape_cast %get3A_680 : vector<1x1x16xf32> to vector<16xf32>
      %mul3A_682 = vector.broadcast %squeeze3A_660 : f32 to vector<16xf32>
      %mul3A_683 = arith.mulf %mul3A_682, %get3A_681 : vector<16xf32>
      %add3A_684 = arith.addf %add3A_632, %mul3A_683 : vector<16xf32>
      %add3A_685 = arith.constant 16 : i32
      %add3A_686 = arith.addi %mul3A_226, %add3A_685 : i32
      %add3A_687 = arith.constant 8 : i32
      %add3A_688 = arith.addi %add3A_686, %add3A_687 : i32
      %get3A_689 = arith.constant 0 : i32
      %get3A_690 = arith.index_cast %get3A_689 : i32 to index
      %get3A_691 = arith.index_cast %add3A_688 : i32 to index
      %get3A_692 = arith.constant 0 : index
      %get3A_693 = tpu.vector_load %arg8[%get3A_690, %get3A_691, %get3A_692] {strides = array<i32>} : memref<2x1280x32xf32, #tpu.memory_space<vmem>>, vector<1x1x16xf32>,
      %get3A_694 = vector.shape_cast %get3A_693 : vector<1x1x16xf32> to vector<16xf32>
      %mul3A_695 = vector.broadcast %squeeze3A_662 : f32 to vector<16xf32>
      %mul3A_696 = arith.mulf %mul3A_695, %get3A_694 : vector<16xf32>
      %add3A_697 = arith.addf %add3A_645, %mul3A_696 : vector<16xf32>
      %add3A_698 = arith.constant 16 : i32
      %add3A_699 = arith.addi %mul3A_226, %add3A_698 : i32
      %add3A_700 = arith.constant 8 : i32
      %add3A_701 = arith.addi %add3A_699, %add3A_700 : i32
      %get3A_702 = arith.constant 0 : i32
      %get3A_703 = arith.index_cast %get3A_702 : i32 to index
      %get3A_704 = arith.index_cast %add3A_701 : i32 to index
      %get3A_705 = arith.constant 16 : index
      %get3A_706 = tpu.vector_load %arg8[%get3A_703, %get3A_704, %get3A_705] {strides = array<i32>} : memref<2x1280x32xf32, #tpu.memory_space<vmem>>, vector<1x1x16xf32>,
      %get3A_707 = vector.shape_cast %get3A_706 : vector<1x1x16xf32> to vector<16xf32>
      %mul3A_708 = vector.broadcast %squeeze3A_662 : f32 to vector<16xf32>
      %mul3A_709 = arith.mulf %mul3A_708, %get3A_707 : vector<16xf32>
      %add3A_710 = arith.addf %add3A_658, %mul3A_709 : vector<16xf32>
      %slice3A_711 = vector.extract_strided_slice %get3A_230 {offsets = [9], sizes = [1], strides = [1]} : vector<16xf32> to vector<1xf32>
      %squeeze3A_712 = vector.extract %slice3A_711[0] : f32 from vector<1xf32>
      %slice3A_713 = vector.extract_strided_slice %get3A_237 {offsets = [9], sizes = [1], strides = [1]} : vector<16xf32> to vector<1xf32>
      %squeeze3A_714 = vector.extract %slice3A_713[0] : f32 from vector<1xf32>
      %add3A_715 = arith.constant 9 : i32
      %add3A_716 = arith.addi %mul3A_226, %add3A_715 : i32
      %get3A_717 = arith.constant 0 : i32
      %get3A_718 = arith.index_cast %get3A_717 : i32 to index
      %get3A_719 = arith.index_cast %add3A_716 : i32 to index
      %get3A_720 = arith.constant 0 : index
      %get3A_721 = tpu.vector_load %arg8[%get3A_718, %get3A_719, %get3A_720] {strides = array<i32>} : memref<2x1280x32xf32, #tpu.memory_space<vmem>>, vector<1x1x16xf32>,
      %get3A_722 = vector.shape_cast %get3A_721 : vector<1x1x16xf32> to vector<16xf32>
      %mul3A_723 = vector.broadcast %squeeze3A_712 : f32 to vector<16xf32>
      %mul3A_724 = arith.mulf %mul3A_723, %get3A_722 : vector<16xf32>
      %add3A_725 = arith.addf %add3A_673, %mul3A_724 : vector<16xf32>
      %add3A_726 = arith.constant 9 : i32
      %add3A_727 = arith.addi %mul3A_226, %add3A_726 : i32
      %get3A_728 = arith.constant 0 : i32
      %get3A_729 = arith.index_cast %get3A_728 : i32 to index
      %get3A_730 = arith.index_cast %add3A_727 : i32 to index
      %get3A_731 = arith.constant 16 : index
      %get3A_732 = tpu.vector_load %arg8[%get3A_729, %get3A_730, %get3A_731] {strides = array<i32>} : memref<2x1280x32xf32, #tpu.memory_space<vmem>>, vector<1x1x16xf32>,
      %get3A_733 = vector.shape_cast %get3A_732 : vector<1x1x16xf32> to vector<16xf32>
      %mul3A_734 = vector.broadcast %squeeze3A_712 : f32 to vector<16xf32>
      %mul3A_735 = arith.mulf %mul3A_734, %get3A_733 : vector<16xf32>
      %add3A_736 = arith.addf %add3A_684, %mul3A_735 : vector<16xf32>
      %add3A_737 = arith.constant 16 : i32
      %add3A_738 = arith.addi %mul3A_226, %add3A_737 : i32
      %add3A_739 = arith.constant 9 : i32
      %add3A_740 = arith.addi %add3A_738, %add3A_739 : i32
      %get3A_741 = arith.constant 0 : i32
      %get3A_742 = arith.index_cast %get3A_741 : i32 to index
      %get3A_743 = arith.index_cast %add3A_740 : i32 to index
      %get3A_744 = arith.constant 0 : index
      %get3A_745 = tpu.vector_load %arg8[%get3A_742, %get3A_743, %get3A_744] {strides = array<i32>} : memref<2x1280x32xf32, #tpu.memory_space<vmem>>, vector<1x1x16xf32>,
      %get3A_746 = vector.shape_cast %get3A_745 : vector<1x1x16xf32> to vector<16xf32>
      %mul3A_747 = vector.broadcast %squeeze3A_714 : f32 to vector<16xf32>
      %mul3A_748 = arith.mulf %mul3A_747, %get3A_746 : vector<16xf32>
      %add3A_749 = arith.addf %add3A_697, %mul3A_748 : vector<16xf32>
      %add3A_750 = arith.constant 16 : i32
      %add3A_751 = arith.addi %mul3A_226, %add3A_750 : i32
      %add3A_752 = arith.constant 9 : i32
      %add3A_753 = arith.addi %add3A_751, %add3A_752 : i32
      %get3A_754 = arith.constant 0 : i32
      %get3A_755 = arith.index_cast %get3A_754 : i32 to index
      %get3A_756 = arith.index_cast %add3A_753 : i32 to index
      %get3A_757 = arith.constant 16 : index
      %get3A_758 = tpu.vector_load %arg8[%get3A_755, %get3A_756, %get3A_757] {strides = array<i32>} : memref<2x1280x32xf32, #tpu.memory_space<vmem>>, vector<1x1x16xf32>,
      %get3A_759 = vector.shape_cast %get3A_758 : vector<1x1x16xf32> to vector<16xf32>
      %mul3A_760 = vector.broadcast %squeeze3A_714 : f32 to vector<16xf32>
      %mul3A_761 = arith.mulf %mul3A_760, %get3A_759 : vector<16xf32>
      %add3A_762 = arith.addf %add3A_710, %mul3A_761 : vector<16xf32>
      %slice3A_763 = vector.extract_strided_slice %get3A_230 {offsets = [10], sizes = [1], strides = [1]} : vector<16xf32> to vector<1xf32>
      %squeeze3A_764 = vector.extract %slice3A_763[0] : f32 from vector<1xf32>
      %slice3A_765 = vector.extract_strided_slice %get3A_237 {offsets = [10], sizes = [1], strides = [1]} : vector<16xf32> to vector<1xf32>
      %squeeze3A_766 = vector.extract %slice3A_765[0] : f32 from vector<1xf32>
      %add3A_767 = arith.constant 10 : i32
      %add3A_768 = arith.addi %mul3A_226, %add3A_767 : i32
      %get3A_769 = arith.constant 0 : i32
      %get3A_770 = arith.index_cast %get3A_769 : i32 to index
      %get3A_771 = arith.index_cast %add3A_768 : i32 to index
      %get3A_772 = arith.constant 0 : index
      %get3A_773 = tpu.vector_load %arg8[%get3A_770, %get3A_771, %get3A_772] {strides = array<i32>} : memref<2x1280x32xf32, #tpu.memory_space<vmem>>, vector<1x1x16xf32>,
      %get3A_774 = vector.shape_cast %get3A_773 : vector<1x1x16xf32> to vector<16xf32>
      %mul3A_775 = vector.broadcast %squeeze3A_764 : f32 to vector<16xf32>
      %mul3A_776 = arith.mulf %mul3A_775, %get3A_774 : vector<16xf32>
      %add3A_777 = arith.addf %add3A_725, %mul3A_776 : vector<16xf32>
      %add3A_778 = arith.constant 10 : i32
      %add3A_779 = arith.addi %mul3A_226, %add3A_778 : i32
      %get3A_780 = arith.constant 0 : i32
      %get3A_781 = arith.index_cast %get3A_780 : i32 to index
      %get3A_782 = arith.index_cast %add3A_779 : i32 to index
      %get3A_783 = arith.constant 16 : index
      %get3A_784 = tpu.vector_load %arg8[%get3A_781, %get3A_782, %get3A_783] {strides = array<i32>} : memref<2x1280x32xf32, #tpu.memory_space<vmem>>, vector<1x1x16xf32>,
      %get3A_785 = vector.shape_cast %get3A_784 : vector<1x1x16xf32> to vector<16xf32>
      %mul3A_786 = vector.broadcast %squeeze3A_764 : f32 to vector<16xf32>
      %mul3A_787 = arith.mulf %mul3A_786, %get3A_785 : vector<16xf32>
      %add3A_788 = arith.addf %add3A_736, %mul3A_787 : vector<16xf32>
      %add3A_789 = arith.constant 16 : i32
      %add3A_790 = arith.addi %mul3A_226, %add3A_789 : i32
      %add3A_791 = arith.constant 10 : i32
      %add3A_792 = arith.addi %add3A_790, %add3A_791 : i32
      %get3A_793 = arith.constant 0 : i32
      %get3A_794 = arith.index_cast %get3A_793 : i32 to index
      %get3A_795 = arith.index_cast %add3A_792 : i32 to index
      %get3A_796 = arith.constant 0 : index
      %get3A_797 = tpu.vector_load %arg8[%get3A_794, %get3A_795, %get3A_796] {strides = array<i32>} : memref<2x1280x32xf32, #tpu.memory_space<vmem>>, vector<1x1x16xf32>,
      %get3A_798 = vector.shape_cast %get3A_797 : vector<1x1x16xf32> to vector<16xf32>
      %mul3A_799 = vector.broadcast %squeeze3A_766 : f32 to vector<16xf32>
      %mul3A_800 = arith.mulf %mul3A_799, %get3A_798 : vector<16xf32>
      %add3A_801 = arith.addf %add3A_749, %mul3A_800 : vector<16xf32>
      %add3A_802 = arith.constant 16 : i32
      %add3A_803 = arith.addi %mul3A_226, %add3A_802 : i32
      %add3A_804 = arith.constant 10 : i32
      %add3A_805 = arith.addi %add3A_803, %add3A_804 : i32
      %get3A_806 = arith.constant 0 : i32
      %get3A_807 = arith.index_cast %get3A_806 : i32 to index
      %get3A_808 = arith.index_cast %add3A_805 : i32 to index
      %get3A_809 = arith.constant 16 : index
      %get3A_810 = tpu.vector_load %arg8[%get3A_807, %get3A_808, %get3A_809] {strides = array<i32>} : memref<2x1280x32xf32, #tpu.memory_space<vmem>>, vector<1x1x16xf32>,
      %get3A_811 = vector.shape_cast %get3A_810 : vector<1x1x16xf32> to vector<16xf32>
      %mul3A_812 = vector.broadcast %squeeze3A_766 : f32 to vector<16xf32>
      %mul3A_813 = arith.mulf %mul3A_812, %get3A_811 : vector<16xf32>
      %add3A_814 = arith.addf %add3A_762, %mul3A_813 : vector<16xf32>
      %slice3A_815 = vector.extract_strided_slice %get3A_230 {offsets = [11], sizes = [1], strides = [1]} : vector<16xf32> to vector<1xf32>
      %squeeze3A_816 = vector.extract %slice3A_815[0] : f32 from vector<1xf32>
      %slice3A_817 = vector.extract_strided_slice %get3A_237 {offsets = [11], sizes = [1], strides = [1]} : vector<16xf32> to vector<1xf32>
      %squeeze3A_818 = vector.extract %slice3A_817[0] : f32 from vector<1xf32>
      %add3A_819 = arith.constant 11 : i32
      %add3A_820 = arith.addi %mul3A_226, %add3A_819 : i32
      %get3A_821 = arith.constant 0 : i32
      %get3A_822 = arith.index_cast %get3A_821 : i32 to index
      %get3A_823 = arith.index_cast %add3A_820 : i32 to index
      %get3A_824 = arith.constant 0 : index
      %get3A_825 = tpu.vector_load %arg8[%get3A_822, %get3A_823, %get3A_824] {strides = array<i32>} : memref<2x1280x32xf32, #tpu.memory_space<vmem>>, vector<1x1x16xf32>,
      %get3A_826 = vector.shape_cast %get3A_825 : vector<1x1x16xf32> to vector<16xf32>
      %mul3A_827 = vector.broadcast %squeeze3A_816 : f32 to vector<16xf32>
      %mul3A_828 = arith.mulf %mul3A_827, %get3A_826 : vector<16xf32>
      %add3A_829 = arith.addf %add3A_777, %mul3A_828 : vector<16xf32>
      %add3A_830 = arith.constant 11 : i32
      %add3A_831 = arith.addi %mul3A_226, %add3A_830 : i32
      %get3A_832 = arith.constant 0 : i32
      %get3A_833 = arith.index_cast %get3A_832 : i32 to index
      %get3A_834 = arith.index_cast %add3A_831 : i32 to index
      %get3A_835 = arith.constant 16 : index
      %get3A_836 = tpu.vector_load %arg8[%get3A_833, %get3A_834, %get3A_835] {strides = array<i32>} : memref<2x1280x32xf32, #tpu.memory_space<vmem>>, vector<1x1x16xf32>,
      %get3A_837 = vector.shape_cast %get3A_836 : vector<1x1x16xf32> to vector<16xf32>
      %mul3A_838 = vector.broadcast %squeeze3A_816 : f32 to vector<16xf32>
      %mul3A_839 = arith.mulf %mul3A_838, %get3A_837 : vector<16xf32>
      %add3A_840 = arith.addf %add3A_788, %mul3A_839 : vector<16xf32>
      %add3A_841 = arith.constant 16 : i32
      %add3A_842 = arith.addi %mul3A_226, %add3A_841 : i32
      %add3A_843 = arith.constant 11 : i32
      %add3A_844 = arith.addi %add3A_842, %add3A_843 : i32
      %get3A_845 = arith.constant 0 : i32
      %get3A_846 = arith.index_cast %get3A_845 : i32 to index
      %get3A_847 = arith.index_cast %add3A_844 : i32 to index
      %get3A_848 = arith.constant 0 : index
      %get3A_849 = tpu.vector_load %arg8[%get3A_846, %get3A_847, %get3A_848] {strides = array<i32>} : memref<2x1280x32xf32, #tpu.memory_space<vmem>>, vector<1x1x16xf32>,
      %get3A_850 = vector.shape_cast %get3A_849 : vector<1x1x16xf32> to vector<16xf32>
      %mul3A_851 = vector.broadcast %squeeze3A_818 : f32 to vector<16xf32>
      %mul3A_852 = arith.mulf %mul3A_851, %get3A_850 : vector<16xf32>
      %add3A_853 = arith.addf %add3A_801, %mul3A_852 : vector<16xf32>
      %add3A_854 = arith.constant 16 : i32
      %add3A_855 = arith.addi %mul3A_226, %add3A_854 : i32
      %add3A_856 = arith.constant 11 : i32
      %add3A_857 = arith.addi %add3A_855, %add3A_856 : i32
      %get3A_858 = arith.constant 0 : i32
      %get3A_859 = arith.index_cast %get3A_858 : i32 to index
      %get3A_860 = arith.index_cast %add3A_857 : i32 to index
      %get3A_861 = arith.constant 16 : index
      %get3A_862 = tpu.vector_load %arg8[%get3A_859, %get3A_860, %get3A_861] {strides = array<i32>} : memref<2x1280x32xf32, #tpu.memory_space<vmem>>, vector<1x1x16xf32>,
      %get3A_863 = vector.shape_cast %get3A_862 : vector<1x1x16xf32> to vector<16xf32>
      %mul3A_864 = vector.broadcast %squeeze3A_818 : f32 to vector<16xf32>
      %mul3A_865 = arith.mulf %mul3A_864, %get3A_863 : vector<16xf32>
      %add3A_866 = arith.addf %add3A_814, %mul3A_865 : vector<16xf32>
      %slice3A_867 = vector.extract_strided_slice %get3A_230 {offsets = [12], sizes = [1], strides = [1]} : vector<16xf32> to vector<1xf32>
      %squeeze3A_868 = vector.extract %slice3A_867[0] : f32 from vector<1xf32>
      %slice3A_869 = vector.extract_strided_slice %get3A_237 {offsets = [12], sizes = [1], strides = [1]} : vector<16xf32> to vector<1xf32>
      %squeeze3A_870 = vector.extract %slice3A_869[0] : f32 from vector<1xf32>
      %add3A_871 = arith.constant 12 : i32
      %add3A_872 = arith.addi %mul3A_226, %add3A_871 : i32
      %get3A_873 = arith.constant 0 : i32
      %get3A_874 = arith.index_cast %get3A_873 : i32 to index
      %get3A_875 = arith.index_cast %add3A_872 : i32 to index
      %get3A_876 = arith.constant 0 : index
      %get3A_877 = tpu.vector_load %arg8[%get3A_874, %get3A_875, %get3A_876] {strides = array<i32>} : memref<2x1280x32xf32, #tpu.memory_space<vmem>>, vector<1x1x16xf32>,
      %get3A_878 = vector.shape_cast %get3A_877 : vector<1x1x16xf32> to vector<16xf32>
      %mul3A_879 = vector.broadcast %squeeze3A_868 : f32 to vector<16xf32>
      %mul3A_880 = arith.mulf %mul3A_879, %get3A_878 : vector<16xf32>
      %add3A_881 = arith.addf %add3A_829, %mul3A_880 : vector<16xf32>
      %add3A_882 = arith.constant 12 : i32
      %add3A_883 = arith.addi %mul3A_226, %add3A_882 : i32
      %get3A_884 = arith.constant 0 : i32
      %get3A_885 = arith.index_cast %get3A_884 : i32 to index
      %get3A_886 = arith.index_cast %add3A_883 : i32 to index
      %get3A_887 = arith.constant 16 : index
      %get3A_888 = tpu.vector_load %arg8[%get3A_885, %get3A_886, %get3A_887] {strides = array<i32>} : memref<2x1280x32xf32, #tpu.memory_space<vmem>>, vector<1x1x16xf32>,
      %get3A_889 = vector.shape_cast %get3A_888 : vector<1x1x16xf32> to vector<16xf32>
      %mul3A_890 = vector.broadcast %squeeze3A_868 : f32 to vector<16xf32>
      %mul3A_891 = arith.mulf %mul3A_890, %get3A_889 : vector<16xf32>
      %add3A_892 = arith.addf %add3A_840, %mul3A_891 : vector<16xf32>
      %add3A_893 = arith.constant 16 : i32
      %add3A_894 = arith.addi %mul3A_226, %add3A_893 : i32
      %add3A_895 = arith.constant 12 : i32
      %add3A_896 = arith.addi %add3A_894, %add3A_895 : i32
      %get3A_897 = arith.constant 0 : i32
      %get3A_898 = arith.index_cast %get3A_897 : i32 to index
      %get3A_899 = arith.index_cast %add3A_896 : i32 to index
      %get3A_900 = arith.constant 0 : index
      %get3A_901 = tpu.vector_load %arg8[%get3A_898, %get3A_899, %get3A_900] {strides = array<i32>} : memref<2x1280x32xf32, #tpu.memory_space<vmem>>, vector<1x1x16xf32>,
      %get3A_902 = vector.shape_cast %get3A_901 : vector<1x1x16xf32> to vector<16xf32>
      %mul3A_903 = vector.broadcast %squeeze3A_870 : f32 to vector<16xf32>
      %mul3A_904 = arith.mulf %mul3A_903, %get3A_902 : vector<16xf32>
      %add3A_905 = arith.addf %add3A_853, %mul3A_904 : vector<16xf32>
      %add3A_906 = arith.constant 16 : i32
      %add3A_907 = arith.addi %mul3A_226, %add3A_906 : i32
      %add3A_908 = arith.constant 12 : i32
      %add3A_909 = arith.addi %add3A_907, %add3A_908 : i32
      %get3A_910 = arith.constant 0 : i32
      %get3A_911 = arith.index_cast %get3A_910 : i32 to index
      %get3A_912 = arith.index_cast %add3A_909 : i32 to index
      %get3A_913 = arith.constant 16 : index
      %get3A_914 = tpu.vector_load %arg8[%get3A_911, %get3A_912, %get3A_913] {strides = array<i32>} : memref<2x1280x32xf32, #tpu.memory_space<vmem>>, vector<1x1x16xf32>,
      %get3A_915 = vector.shape_cast %get3A_914 : vector<1x1x16xf32> to vector<16xf32>
      %mul3A_916 = vector.broadcast %squeeze3A_870 : f32 to vector<16xf32>
      %mul3A_917 = arith.mulf %mul3A_916, %get3A_915 : vector<16xf32>
      %add3A_918 = arith.addf %add3A_866, %mul3A_917 : vector<16xf32>
      %slice3A_919 = vector.extract_strided_slice %get3A_230 {offsets = [13], sizes = [1], strides = [1]} : vector<16xf32> to vector<1xf32>
      %squeeze3A_920 = vector.extract %slice3A_919[0] : f32 from vector<1xf32>
      %slice3A_921 = vector.extract_strided_slice %get3A_237 {offsets = [13], sizes = [1], strides = [1]} : vector<16xf32> to vector<1xf32>
      %squeeze3A_922 = vector.extract %slice3A_921[0] : f32 from vector<1xf32>
      %add3A_923 = arith.constant 13 : i32
      %add3A_924 = arith.addi %mul3A_226, %add3A_923 : i32
      %get3A_925 = arith.constant 0 : i32
      %get3A_926 = arith.index_cast %get3A_925 : i32 to index
      %get3A_927 = arith.index_cast %add3A_924 : i32 to index
      %get3A_928 = arith.constant 0 : index
      %get3A_929 = tpu.vector_load %arg8[%get3A_926, %get3A_927, %get3A_928] {strides = array<i32>} : memref<2x1280x32xf32, #tpu.memory_space<vmem>>, vector<1x1x16xf32>,
      %get3A_930 = vector.shape_cast %get3A_929 : vector<1x1x16xf32> to vector<16xf32>
      %mul3A_931 = vector.broadcast %squeeze3A_920 : f32 to vector<16xf32>
      %mul3A_932 = arith.mulf %mul3A_931, %get3A_930 : vector<16xf32>
      %add3A_933 = arith.addf %add3A_881, %mul3A_932 : vector<16xf32>
      %add3A_934 = arith.constant 13 : i32
      %add3A_935 = arith.addi %mul3A_226, %add3A_934 : i32
      %get3A_936 = arith.constant 0 : i32
      %get3A_937 = arith.index_cast %get3A_936 : i32 to index
      %get3A_938 = arith.index_cast %add3A_935 : i32 to index
      %get3A_939 = arith.constant 16 : index
      %get3A_940 = tpu.vector_load %arg8[%get3A_937, %get3A_938, %get3A_939] {strides = array<i32>} : memref<2x1280x32xf32, #tpu.memory_space<vmem>>, vector<1x1x16xf32>,
      %get3A_941 = vector.shape_cast %get3A_940 : vector<1x1x16xf32> to vector<16xf32>
      %mul3A_942 = vector.broadcast %squeeze3A_920 : f32 to vector<16xf32>
      %mul3A_943 = arith.mulf %mul3A_942, %get3A_941 : vector<16xf32>
      %add3A_944 = arith.addf %add3A_892, %mul3A_943 : vector<16xf32>
      %add3A_945 = arith.constant 16 : i32
      %add3A_946 = arith.addi %mul3A_226, %add3A_945 : i32
      %add3A_947 = arith.constant 13 : i32
      %add3A_948 = arith.addi %add3A_946, %add3A_947 : i32
      %get3A_949 = arith.constant 0 : i32
      %get3A_950 = arith.index_cast %get3A_949 : i32 to index
      %get3A_951 = arith.index_cast %add3A_948 : i32 to index
      %get3A_952 = arith.constant 0 : index
      %get3A_953 = tpu.vector_load %arg8[%get3A_950, %get3A_951, %get3A_952] {strides = array<i32>} : memref<2x1280x32xf32, #tpu.memory_space<vmem>>, vector<1x1x16xf32>,
      %get3A_954 = vector.shape_cast %get3A_953 : vector<1x1x16xf32> to vector<16xf32>
      %mul3A_955 = vector.broadcast %squeeze3A_922 : f32 to vector<16xf32>
      %mul3A_956 = arith.mulf %mul3A_955, %get3A_954 : vector<16xf32>
      %add3A_957 = arith.addf %add3A_905, %mul3A_956 : vector<16xf32>
      %add3A_958 = arith.constant 16 : i32
      %add3A_959 = arith.addi %mul3A_226, %add3A_958 : i32
      %add3A_960 = arith.constant 13 : i32
      %add3A_961 = arith.addi %add3A_959, %add3A_960 : i32
      %get3A_962 = arith.constant 0 : i32
      %get3A_963 = arith.index_cast %get3A_962 : i32 to index
      %get3A_964 = arith.index_cast %add3A_961 : i32 to index
      %get3A_965 = arith.constant 16 : index
      %get3A_966 = tpu.vector_load %arg8[%get3A_963, %get3A_964, %get3A_965] {strides = array<i32>} : memref<2x1280x32xf32, #tpu.memory_space<vmem>>, vector<1x1x16xf32>,
      %get3A_967 = vector.shape_cast %get3A_966 : vector<1x1x16xf32> to vector<16xf32>
      %mul3A_968 = vector.broadcast %squeeze3A_922 : f32 to vector<16xf32>
      %mul3A_969 = arith.mulf %mul3A_968, %get3A_967 : vector<16xf32>
      %add3A_970 = arith.addf %add3A_918, %mul3A_969 : vector<16xf32>
      %slice3A_971 = vector.extract_strided_slice %get3A_230 {offsets = [14], sizes = [1], strides = [1]} : vector<16xf32> to vector<1xf32>
      %squeeze3A_972 = vector.extract %slice3A_971[0] : f32 from vector<1xf32>
      %slice3A_973 = vector.extract_strided_slice %get3A_237 {offsets = [14], sizes = [1], strides = [1]} : vector<16xf32> to vector<1xf32>
      %squeeze3A_974 = vector.extract %slice3A_973[0] : f32 from vector<1xf32>
      %add3A_975 = arith.constant 14 : i32
      %add3A_976 = arith.addi %mul3A_226, %add3A_975 : i32
      %get3A_977 = arith.constant 0 : i32
      %get3A_978 = arith.index_cast %get3A_977 : i32 to index
      %get3A_979 = arith.index_cast %add3A_976 : i32 to index
      %get3A_980 = arith.constant 0 : index
      %get3A_981 = tpu.vector_load %arg8[%get3A_978, %get3A_979, %get3A_980] {strides = array<i32>} : memref<2x1280x32xf32, #tpu.memory_space<vmem>>, vector<1x1x16xf32>,
      %get3A_982 = vector.shape_cast %get3A_981 : vector<1x1x16xf32> to vector<16xf32>
      %mul3A_983 = vector.broadcast %squeeze3A_972 : f32 to vector<16xf32>
      %mul3A_984 = arith.mulf %mul3A_983, %get3A_982 : vector<16xf32>
      %add3A_985 = arith.addf %add3A_933, %mul3A_984 : vector<16xf32>
      %add3A_986 = arith.constant 14 : i32
      %add3A_987 = arith.addi %mul3A_226, %add3A_986 : i32
      %get3A_988 = arith.constant 0 : i32
      %get3A_989 = arith.index_cast %get3A_988 : i32 to index
      %get3A_990 = arith.index_cast %add3A_987 : i32 to index
      %get3A_991 = arith.constant 16 : index
      %get3A_992 = tpu.vector_load %arg8[%get3A_989, %get3A_990, %get3A_991] {strides = array<i32>} : memref<2x1280x32xf32, #tpu.memory_space<vmem>>, vector<1x1x16xf32>,
      %get3A_993 = vector.shape_cast %get3A_992 : vector<1x1x16xf32> to vector<16xf32>
      %mul3A_994 = vector.broadcast %squeeze3A_972 : f32 to vector<16xf32>
      %mul3A_995 = arith.mulf %mul3A_994, %get3A_993 : vector<16xf32>
      %add3A_996 = arith.addf %add3A_944, %mul3A_995 : vector<16xf32>
      %add3A_997 = arith.constant 16 : i32
      %add3A_998 = arith.addi %mul3A_226, %add3A_997 : i32
      %add3A_999 = arith.constant 14 : i32
      %add3A_1000 = arith.addi %add3A_998, %add3A_999 : i32
      %get3A_1001 = arith.constant 0 : i32
      %get3A_1002 = arith.index_cast %get3A_1001 : i32 to index
      %get3A_1003 = arith.index_cast %add3A_1000 : i32 to index
      %get3A_1004 = arith.constant 0 : index
      %get3A_1005 = tpu.vector_load %arg8[%get3A_1002, %get3A_1003, %get3A_1004] {strides = array<i32>} : memref<2x1280x32xf32, #tpu.memory_space<vmem>>, vector<1x1x16xf32>,
      %get3A_1006 = vector.shape_cast %get3A_1005 : vector<1x1x16xf32> to vector<16xf32>
      %mul3A_1007 = vector.broadcast %squeeze3A_974 : f32 to vector<16xf32>
      %mul3A_1008 = arith.mulf %mul3A_1007, %get3A_1006 : vector<16xf32>
      %add3A_1009 = arith.addf %add3A_957, %mul3A_1008 : vector<16xf32>
      %add3A_1010 = arith.constant 16 : i32
      %add3A_1011 = arith.addi %mul3A_226, %add3A_1010 : i32
      %add3A_1012 = arith.constant 14 : i32
      %add3A_1013 = arith.addi %add3A_1011, %add3A_1012 : i32
      %get3A_1014 = arith.constant 0 : i32
      %get3A_1015 = arith.index_cast %get3A_1014 : i32 to index
      %get3A_1016 = arith.index_cast %add3A_1013 : i32 to index
      %get3A_1017 = arith.constant 16 : index
      %get3A_1018 = tpu.vector_load %arg8[%get3A_1015, %get3A_1016, %get3A_1017] {strides = array<i32>} : memref<2x1280x32xf32, #tpu.memory_space<vmem>>, vector<1x1x16xf32>,
      %get3A_1019 = vector.shape_cast %get3A_1018 : vector<1x1x16xf32> to vector<16xf32>
      %mul3A_1020 = vector.broadcast %squeeze3A_974 : f32 to vector<16xf32>
      %mul3A_1021 = arith.mulf %mul3A_1020, %get3A_1019 : vector<16xf32>
      %add3A_1022 = arith.addf %add3A_970, %mul3A_1021 : vector<16xf32>
      %slice3A_1023 = vector.extract_strided_slice %get3A_230 {offsets = [15], sizes = [1], strides = [1]} : vector<16xf32> to vector<1xf32>
      %squeeze3A_1024 = vector.extract %slice3A_1023[0] : f32 from vector<1xf32>
      %slice3A_1025 = vector.extract_strided_slice %get3A_237 {offsets = [15], sizes = [1], strides = [1]} : vector<16xf32> to vector<1xf32>
      %squeeze3A_1026 = vector.extract %slice3A_1025[0] : f32 from vector<1xf32>
      %add3A_1027 = arith.constant 15 : i32
      %add3A_1028 = arith.addi %mul3A_226, %add3A_1027 : i32
      %get3A_1029 = arith.constant 0 : i32
      %get3A_1030 = arith.index_cast %get3A_1029 : i32 to index
      %get3A_1031 = arith.index_cast %add3A_1028 : i32 to index
      %get3A_1032 = arith.constant 0 : index
      %get3A_1033 = tpu.vector_load %arg8[%get3A_1030, %get3A_1031, %get3A_1032] {strides = array<i32>} : memref<2x1280x32xf32, #tpu.memory_space<vmem>>, vector<1x1x16xf32>,
      %get3A_1034 = vector.shape_cast %get3A_1033 : vector<1x1x16xf32> to vector<16xf32>
      %mul3A_1035 = vector.broadcast %squeeze3A_1024 : f32 to vector<16xf32>
      %mul3A_1036 = arith.mulf %mul3A_1035, %get3A_1034 : vector<16xf32>
      %add3A_1037 = arith.addf %add3A_985, %mul3A_1036 : vector<16xf32>
      %add3A_1038 = arith.constant 15 : i32
      %add3A_1039 = arith.addi %mul3A_226, %add3A_1038 : i32
      %get3A_1040 = arith.constant 0 : i32
      %get3A_1041 = arith.index_cast %get3A_1040 : i32 to index
      %get3A_1042 = arith.index_cast %add3A_1039 : i32 to index
      %get3A_1043 = arith.constant 16 : index
      %get3A_1044 = tpu.vector_load %arg8[%get3A_1041, %get3A_1042, %get3A_1043] {strides = array<i32>} : memref<2x1280x32xf32, #tpu.memory_space<vmem>>, vector<1x1x16xf32>,
      %get3A_1045 = vector.shape_cast %get3A_1044 : vector<1x1x16xf32> to vector<16xf32>
      %mul3A_1046 = vector.broadcast %squeeze3A_1024 : f32 to vector<16xf32>
      %mul3A_1047 = arith.mulf %mul3A_1046, %get3A_1045 : vector<16xf32>
      %add3A_1048 = arith.addf %add3A_996, %mul3A_1047 : vector<16xf32>
      %add3A_1049 = arith.constant 16 : i32
      %add3A_1050 = arith.addi %mul3A_226, %add3A_1049 : i32
      %add3A_1051 = arith.constant 15 : i32
      %add3A_1052 = arith.addi %add3A_1050, %add3A_1051 : i32
      %get3A_1053 = arith.constant 0 : i32
      %get3A_1054 = arith.index_cast %get3A_1053 : i32 to index
      %get3A_1055 = arith.index_cast %add3A_1052 : i32 to index
      %get3A_1056 = arith.constant 0 : index
      %get3A_1057 = tpu.vector_load %arg8[%get3A_1054, %get3A_1055, %get3A_1056] {strides = array<i32>} : memref<2x1280x32xf32, #tpu.memory_space<vmem>>, vector<1x1x16xf32>,
      %get3A_1058 = vector.shape_cast %get3A_1057 : vector<1x1x16xf32> to vector<16xf32>
      %mul3A_1059 = vector.broadcast %squeeze3A_1026 : f32 to vector<16xf32>
      %mul3A_1060 = arith.mulf %mul3A_1059, %get3A_1058 : vector<16xf32>
      %add3A_1061 = arith.addf %add3A_1009, %mul3A_1060 : vector<16xf32>
      %add3A_1062 = arith.constant 16 : i32
      %add3A_1063 = arith.addi %mul3A_226, %add3A_1062 : i32
      %add3A_1064 = arith.constant 15 : i32
      %add3A_1065 = arith.addi %add3A_1063, %add3A_1064 : i32
      %get3A_1066 = arith.constant 0 : i32
      %get3A_1067 = arith.index_cast %get3A_1066 : i32 to index
      %get3A_1068 = arith.index_cast %add3A_1065 : i32 to index
      %get3A_1069 = arith.constant 16 : index
      %get3A_1070 = tpu.vector_load %arg8[%get3A_1067, %get3A_1068, %get3A_1069] {strides = array<i32>} : memref<2x1280x32xf32, #tpu.memory_space<vmem>>, vector<1x1x16xf32>,
      %get3A_1071 = vector.shape_cast %get3A_1070 : vector<1x1x16xf32> to vector<16xf32>
      %mul3A_1072 = vector.broadcast %squeeze3A_1026 : f32 to vector<16xf32>
      %mul3A_1073 = arith.mulf %mul3A_1072, %get3A_1071 : vector<16xf32>
      %add3A_1074 = arith.addf %add3A_1022, %mul3A_1073 : vector<16xf32>
      %add3A_1075 = arith.addf %add3A_1037, %add3A_1061 : vector<16xf32>
      %swap3A = arith.constant 0 : i32
      %swap3A_1076 = arith.index_cast %swap3A : i32 to index
      %swap3A_1077 = arith.index_cast %mul3A_226 : i32 to index
      %swap3A_1078 = tpu.vector_load %arg9[%swap3A_1076, %swap3A_1077] {strides = array<i32>} : memref<2x1280xf32, #tpu.memory_space<vmem>>, vector<1x16xf32>,
      %swap3A_1079 = vector.shape_cast %swap3A_1078 : vector<1x16xf32> to vector<16xf32>
      %swap3A_1080 = vector.shape_cast %add3A_1075 : vector<16xf32> to vector<1x16xf32>
      tpu.vector_store %arg9[%swap3A_1076, %swap3A_1077], %swap3A_1080 {strides = array<i32>} : memref<2x1280xf32, #tpu.memory_space<vmem>>, vector<1x16xf32>,
      %add3A_1081 = arith.addf %add3A_1048, %add3A_1074 : vector<16xf32>
      %add3A_1082 = arith.constant 16 : i32
      %add3A_1083 = arith.addi %mul3A_226, %add3A_1082 : i32
      %swap3A_1084 = arith.constant 0 : i32
      %swap3A_1085 = arith.index_cast %swap3A_1084 : i32 to index
      %swap3A_1086 = arith.index_cast %add3A_1083 : i32 to index
      %swap3A_1087 = tpu.vector_load %arg9[%swap3A_1085, %swap3A_1086] {strides = array<i32>} : memref<2x1280xf32, #tpu.memory_space<vmem>>, vector<1x16xf32>,
      %swap3A_1088 = vector.shape_cast %swap3A_1087 : vector<1x16xf32> to vector<16xf32>
      %swap3A_1089 = vector.shape_cast %add3A_1081 : vector<16xf32> to vector<1x16xf32>
      tpu.vector_store %arg9[%swap3A_1085, %swap3A_1086], %swap3A_1089 {strides = array<i32>} : memref<2x1280xf32, #tpu.memory_space<vmem>>, vector<1x16xf32>,
    }
    %scan3A_188 = arith.constant 40 : i32
    %add3A_189 = arith.constant 4960 : i32
    %add3A_190 = arith.addi %mul3A_2, %add3A_189 : i32
    %mul3A_191 = arith.constant 32 : i32
    %mul3A_192 = arith.muli %add3A_190, %mul3A_191 : i32
    %dma_start3A_193 = arith.constant 0 : i32
    %dma_start3A_194 = arith.constant 0 : i32
    %dma_start3A_195 = tpu.memref_slice %arg9[%dma_start3A_193, %dma_start3A_194] : memref<2x1280xf32, #tpu.memory_space<vmem>> -> memref<1x1280xf32, #tpu.memory_space<vmem>>
    %dma_start3A_196 = tpu.memref_squeeze %dma_start3A_195 : memref<1x1280xf32, #tpu.memory_space<vmem>> -> memref<1280xf32, #tpu.memory_space<vmem>>
    %dma_start3A_197 = tpu.memref_slice %arg5[%mul3A_192] : memref<5120000xf32, #tpu.memory_space<hbm>> -> memref<1280xf32, #tpu.memory_space<hbm>>
    %dma_start3A_198 = tpu.memref_slice %arg5[%mul3A_192] : memref<5120000xf32, #tpu.memory_space<hbm>> -> memref<1280xf32, #tpu.memory_space<hbm>>
    %dma_start3A_199 = arith.constant 0 : i32
    %dma_start3A_200 = tpu.memref_slice %arg9[%dma_start3A_193, %dma_start3A_199] : memref<2x1280xf32, #tpu.memory_space<vmem>> -> memref<1x1280xf32, #tpu.memory_space<vmem>>
    %dma_start3A_201 = tpu.memref_squeeze %dma_start3A_200 : memref<1x1280xf32, #tpu.memory_space<vmem>> -> memref<1280xf32, #tpu.memory_space<vmem>>
    tpu.enqueue_dma source(%dma_start3A_201 : memref<1280xf32, #tpu.memory_space<vmem>>) target(%dma_start3A_198 : memref<1280xf32, #tpu.memory_space<hbm>>) target_semaphore(%arg14 : memref<!tpu.dma_semaphore, #tpu.memory_space<semaphore_mem>>)
    %dma_wait3A_202 = arith.constant 0 : i32
    %dma_wait3A_203 = arith.constant 0 : i32
    %dma_wait3A_204 = tpu.memref_slice %arg9[%dma_wait3A_202, %dma_wait3A_203] : memref<2x1280xf32, #tpu.memory_space<vmem>> -> memref<1x1280xf32, #tpu.memory_space<vmem>>
    %dma_wait3A_205 = tpu.memref_squeeze %dma_wait3A_204 : memref<1x1280xf32, #tpu.memory_space<vmem>> -> memref<1280xf32, #tpu.memory_space<vmem>>
    %dma_wait3A_206 = arith.constant 0 : i32
    %dma_wait3A_207 = tpu.memref_slice %arg5[%dma_wait3A_206] : memref<5120000xf32, #tpu.memory_space<hbm>> -> memref<1280xf32, #tpu.memory_space<hbm>>
    %dma_wait3A_208 = arith.constant 0 : i32
    %dma_wait3A_209 = tpu.memref_slice %arg5[%dma_wait3A_208] : memref<5120000xf32, #tpu.memory_space<hbm>> -> memref<1280xf32, #tpu.memory_space<hbm>>
    %dma_wait3A_210 = arith.constant 0 : i32
    %dma_wait3A_211 = tpu.memref_slice %arg9[%dma_wait3A_202, %dma_wait3A_210] : memref<2x1280xf32, #tpu.memory_space<vmem>> -> memref<1x1280xf32, #tpu.memory_space<vmem>>
    %dma_wait3A_212 = tpu.memref_squeeze %dma_wait3A_211 : memref<1x1280xf32, #tpu.memory_space<vmem>> -> memref<1280xf32, #tpu.memory_space<vmem>>
    tpu.wait_dma2 semaphore(%arg14 : memref<!tpu.dma_semaphore, #tpu.memory_space<semaphore_mem>>) src(%dma_wait3A_212 : memref<1280xf32, #tpu.memory_space<vmem>>) dst(%dma_wait3A_209 : memref<1280xf32, #tpu.memory_space<hbm>>)
    %dma_wait3A_213 = arith.constant 1 : i32
    %dma_wait3A_214 = arith.constant 0 : i32
    %dma_wait3A_215 = tpu.memref_slice %arg9[%dma_wait3A_213, %dma_wait3A_214] : memref<2x1280xf32, #tpu.memory_space<vmem>> -> memref<1x1280xf32, #tpu.memory_space<vmem>>
    %dma_wait3A_216 = tpu.memref_squeeze %dma_wait3A_215 : memref<1x1280xf32, #tpu.memory_space<vmem>> -> memref<1280xf32, #tpu.memory_space<vmem>>
    %dma_wait3A_217 = arith.constant 0 : i32
    %dma_wait3A_218 = tpu.memref_slice %arg5[%dma_wait3A_217] : memref<5120000xf32, #tpu.memory_space<hbm>> -> memref<1280xf32, #tpu.memory_space<hbm>>
    %dma_wait3A_219 = arith.constant 0 : i32
    %dma_wait3A_220 = tpu.memref_slice %arg5[%dma_wait3A_219] : memref<5120000xf32, #tpu.memory_space<hbm>> -> memref<1280xf32, #tpu.memory_space<hbm>>
    %dma_wait3A_221 = arith.constant 0 : i32
    %dma_wait3A_222 = tpu.memref_slice %arg9[%dma_wait3A_213, %dma_wait3A_221] : memref<2x1280xf32, #tpu.memory_space<vmem>> -> memref<1x1280xf32, #tpu.memory_space<vmem>>
    %dma_wait3A_223 = tpu.memref_squeeze %dma_wait3A_222 : memref<1x1280xf32, #tpu.memory_space<vmem>> -> memref<1280xf32, #tpu.memory_space<vmem>>
    tpu.wait_dma2 semaphore(%arg15 : memref<!tpu.dma_semaphore, #tpu.memory_space<semaphore_mem>>) src(%dma_wait3A_223 : memref<1280xf32, #tpu.memory_space<vmem>>) dst(%dma_wait3A_220 : memref<1280xf32, #tpu.memory_space<hbm>>)
    return
  }
}

module attributes {stable_mosaic.version = 14 : i64} {
  func.func @_prep_body(%arg0: i32, %arg1: memref<1x10x100x256xf32, #tpu.memory_space<vmem>>, %arg2: memref<1x10x100x256xf32, #tpu.memory_space<vmem>>, %arg3: memref<256x256xf32, #tpu.memory_space<vmem>>, %arg4: memref<1x256xf32, #tpu.memory_space<vmem>>, %arg5: memref<256x192xf32, #tpu.memory_space<vmem>>, %arg6: memref<1x192xf32, #tpu.memory_space<vmem>>, %arg7: memref<256x256xf32, #tpu.memory_space<vmem>>, %arg8: memref<1x256xf32, #tpu.memory_space<vmem>>, %arg9: memref<1000x128xf32, #tpu.memory_space<vmem>>, %arg10: memref<1000x64xf32, #tpu.memory_space<vmem>>, %arg11: memref<125x2x8x128xf32, #tpu.memory_space<vmem>>, %arg12: memref<1000x256xf32, #tpu.memory_space<vmem>>) attributes {dimension_semantics = [#tpu.dimension_semantics<arbitrary>], iteration_bounds = array<i64: 20>, scalar_prefetch = 0 : i64, scratch_operands = 1 : i64, tpu.core_type = #tpu.core_type<tc>, window_params = [{transform_indices = @transform_0, window_bounds = array<i64: 1, 10, 100, 256>}, {transform_indices = @transform_1, window_bounds = array<i64: 1, 10, 100, 256>}, {pipeline_mode = #tpu.pipeline_mode<synchronous>, transform_indices = @transform_2, window_bounds = array<i64: 256, 256>}, {pipeline_mode = #tpu.pipeline_mode<synchronous>, transform_indices = @transform_3, window_bounds = array<i64: 1, 256>}, {pipeline_mode = #tpu.pipeline_mode<synchronous>, transform_indices = @transform_4, window_bounds = array<i64: 256, 192>}, {pipeline_mode = #tpu.pipeline_mode<synchronous>, transform_indices = @transform_5, window_bounds = array<i64: 1, 192>}, {pipeline_mode = #tpu.pipeline_mode<synchronous>, transform_indices = @transform_6, window_bounds = array<i64: 256, 256>}, {pipeline_mode = #tpu.pipeline_mode<synchronous>, transform_indices = @transform_7, window_bounds = array<i64: 1, 256>}, {transform_indices = @transform_8, window_bounds = array<i64: 1000, 128>}, {transform_indices = @transform_9, window_bounds = array<i64: 1000, 64>}, {transform_indices = @transform_10, window_bounds = array<i64: 125, 2, 8, 128>}]} {
    %get3A = arith.constant 0 : index
    %get3A_0 = arith.constant 0 : index
    %get3A_1 = arith.constant 0 : index
    %get3A_2 = arith.constant 0 : index
    %get3A_3 = vector.load %arg1[%get3A, %get3A_0, %get3A_1, %get3A_2] : memref<1x10x100x256xf32, #tpu.memory_space<vmem>>, vector<1x1x100x256xf32>
    %get3A_4 = vector.shape_cast %get3A_3 : vector<1x1x100x256xf32> to vector<100x256xf32>
    %get3A_5 = arith.constant 0 : index
    %get3A_6 = arith.constant 0 : index
    %get3A_7 = vector.load %arg3[%get3A_5, %get3A_6] : memref<256x256xf32, #tpu.memory_space<vmem>>, vector<256x256xf32>
    %dot_general3A = arith.constant dense<0.000000e+00> : vector<100x256xf32>
    %dot_general3A_8 = tpu.matmul %get3A_4, %get3A_7, %dot_general3A {dimension_numbers = #tpu.dot_dimension_numbers<[1], [0], [0], [1], [0, 0, 1, 1], [], []>, transpose_lhs_hint = false} : vector<100x256xf32>, vector<256x256xf32>, vector<100x256xf32> -> vector<100x256xf32>
    %get3A_9 = arith.constant 0 : index
    %get3A_10 = arith.constant 0 : index
    %get3A_11 = vector.load %arg4[%get3A_9, %get3A_10] : memref<1x256xf32, #tpu.memory_space<vmem>>, vector<1x256xf32>
    %add3A = vector.broadcast %get3A_11 : vector<1x256xf32> to vector<100x256xf32>
    %add3A_12 = arith.addf %dot_general3A_8, %add3A : vector<100x256xf32>
    %get3A_13 = arith.constant 0 : index
    %get3A_14 = arith.constant 0 : index
    %get3A_15 = vector.load %arg5[%get3A_13, %get3A_14] : memref<256x192xf32, #tpu.memory_space<vmem>>, vector<256x192xf32>
    %dot_general3A_16 = arith.constant dense<0.000000e+00> : vector<100x192xf32>
    %dot_general3A_17 = tpu.matmul %add3A_12, %get3A_15, %dot_general3A_16 {dimension_numbers = #tpu.dot_dimension_numbers<[1], [0], [0], [1], [0, 0, 1, 1], [], []>, transpose_lhs_hint = false} : vector<100x256xf32>, vector<256x192xf32>, vector<100x192xf32> -> vector<100x192xf32>
    %get3A_18 = arith.constant 0 : index
    %get3A_19 = arith.constant 0 : index
    %get3A_20 = vector.load %arg6[%get3A_18, %get3A_19] : memref<1x192xf32, #tpu.memory_space<vmem>>, vector<1x192xf32>
    %add3A_21 = vector.broadcast %get3A_20 : vector<1x192xf32> to vector<100x192xf32>
    %add3A_22 = arith.addf %dot_general3A_17, %add3A_21 : vector<100x192xf32>
    %slice3A = vector.extract_strided_slice %add3A_22 {offsets = [0, 0], sizes = [100, 128], strides = [1, 1]} : vector<100x192xf32> to vector<100x128xf32>
    %swap3A = arith.constant 0 : index
    %swap3A_23 = arith.constant 0 : index
    %swap3A_24 = vector.load %arg9[%swap3A, %swap3A_23] : memref<1000x128xf32, #tpu.memory_space<vmem>>, vector<100x128xf32>
    tpu.vector_store %arg9[%swap3A, %swap3A_23], %slice3A {strides = array<i32>} : memref<1000x128xf32, #tpu.memory_space<vmem>>, vector<100x128xf32>,
    %slice3A_25 = vector.extract_strided_slice %add3A_22 {offsets = [0, 128], sizes = [100, 64], strides = [1, 1]} : vector<100x192xf32> to vector<100x64xf32>
    %swap3A_26 = arith.constant 0 : index
    %swap3A_27 = arith.constant 0 : index
    %swap3A_28 = vector.load %arg10[%swap3A_26, %swap3A_27] : memref<1000x64xf32, #tpu.memory_space<vmem>>, vector<100x64xf32>
    tpu.vector_store %arg10[%swap3A_26, %swap3A_27], %slice3A_25 {strides = array<i32>} : memref<1000x64xf32, #tpu.memory_space<vmem>>, vector<100x64xf32>,
    %get3A_29 = arith.constant 0 : index
    %get3A_30 = arith.constant 0 : index
    %get3A_31 = arith.constant 0 : index
    %get3A_32 = arith.constant 0 : index
    %get3A_33 = vector.load %arg2[%get3A_29, %get3A_30, %get3A_31, %get3A_32] : memref<1x10x100x256xf32, #tpu.memory_space<vmem>>, vector<1x1x100x256xf32>
    %get3A_34 = vector.shape_cast %get3A_33 : vector<1x1x100x256xf32> to vector<100x256xf32>
    %get3A_35 = arith.constant 0 : index
    %get3A_36 = arith.constant 0 : index
    %get3A_37 = vector.load %arg7[%get3A_35, %get3A_36] : memref<256x256xf32, #tpu.memory_space<vmem>>, vector<256x256xf32>
    %dot_general3A_38 = arith.constant dense<0.000000e+00> : vector<100x256xf32>
    %dot_general3A_39 = tpu.matmul %get3A_34, %get3A_37, %dot_general3A_38 {dimension_numbers = #tpu.dot_dimension_numbers<[1], [0], [0], [1], [0, 0, 1, 1], [], []>, transpose_lhs_hint = false} : vector<100x256xf32>, vector<256x256xf32>, vector<100x256xf32> -> vector<100x256xf32>
    %get3A_40 = arith.constant 0 : index
    %get3A_41 = arith.constant 0 : index
    %get3A_42 = vector.load %arg8[%get3A_40, %get3A_41] : memref<1x256xf32, #tpu.memory_space<vmem>>, vector<1x256xf32>
    %add3A_43 = vector.broadcast %get3A_42 : vector<1x256xf32> to vector<100x256xf32>
    %add3A_44 = arith.addf %dot_general3A_39, %add3A_43 : vector<100x256xf32>
    %swap3A_45 = arith.constant 0 : index
    %swap3A_46 = arith.constant 0 : index
    %swap3A_47 = vector.load %arg12[%swap3A_45, %swap3A_46] : memref<1000x256xf32, #tpu.memory_space<vmem>>, vector<100x256xf32>
    tpu.vector_store %arg12[%swap3A_45, %swap3A_46], %add3A_44 {strides = array<i32>} : memref<1000x256xf32, #tpu.memory_space<vmem>>, vector<100x256xf32>,
    %get3A_48 = arith.constant 0 : index
    %get3A_49 = arith.constant 1 : index
    %get3A_50 = arith.constant 0 : index
    %get3A_51 = arith.constant 0 : index
    %get3A_52 = vector.load %arg1[%get3A_48, %get3A_49, %get3A_50, %get3A_51] : memref<1x10x100x256xf32, #tpu.memory_space<vmem>>, vector<1x1x100x256xf32>
    %get3A_53 = vector.shape_cast %get3A_52 : vector<1x1x100x256xf32> to vector<100x256xf32>
    %get3A_54 = arith.constant 0 : index
    %get3A_55 = arith.constant 0 : index
    %get3A_56 = vector.load %arg3[%get3A_54, %get3A_55] : memref<256x256xf32, #tpu.memory_space<vmem>>, vector<256x256xf32>
    %dot_general3A_57 = arith.constant dense<0.000000e+00> : vector<100x256xf32>
    %dot_general3A_58 = tpu.matmul %get3A_53, %get3A_56, %dot_general3A_57 {dimension_numbers = #tpu.dot_dimension_numbers<[1], [0], [0], [1], [0, 0, 1, 1], [], []>, transpose_lhs_hint = false} : vector<100x256xf32>, vector<256x256xf32>, vector<100x256xf32> -> vector<100x256xf32>
    %get3A_59 = arith.constant 0 : index
    %get3A_60 = arith.constant 0 : index
    %get3A_61 = vector.load %arg4[%get3A_59, %get3A_60] : memref<1x256xf32, #tpu.memory_space<vmem>>, vector<1x256xf32>
    %add3A_62 = vector.broadcast %get3A_61 : vector<1x256xf32> to vector<100x256xf32>
    %add3A_63 = arith.addf %dot_general3A_58, %add3A_62 : vector<100x256xf32>
    %get3A_64 = arith.constant 0 : index
    %get3A_65 = arith.constant 0 : index
    %get3A_66 = vector.load %arg5[%get3A_64, %get3A_65] : memref<256x192xf32, #tpu.memory_space<vmem>>, vector<256x192xf32>
    %dot_general3A_67 = arith.constant dense<0.000000e+00> : vector<100x192xf32>
    %dot_general3A_68 = tpu.matmul %add3A_63, %get3A_66, %dot_general3A_67 {dimension_numbers = #tpu.dot_dimension_numbers<[1], [0], [0], [1], [0, 0, 1, 1], [], []>, transpose_lhs_hint = false} : vector<100x256xf32>, vector<256x192xf32>, vector<100x192xf32> -> vector<100x192xf32>
    %get3A_69 = arith.constant 0 : index
    %get3A_70 = arith.constant 0 : index
    %get3A_71 = vector.load %arg6[%get3A_69, %get3A_70] : memref<1x192xf32, #tpu.memory_space<vmem>>, vector<1x192xf32>
    %add3A_72 = vector.broadcast %get3A_71 : vector<1x192xf32> to vector<100x192xf32>
    %add3A_73 = arith.addf %dot_general3A_68, %add3A_72 : vector<100x192xf32>
    %slice3A_74 = vector.extract_strided_slice %add3A_73 {offsets = [0, 0], sizes = [100, 128], strides = [1, 1]} : vector<100x192xf32> to vector<100x128xf32>
    %swap3A_75 = arith.constant 100 : index
    %swap3A_76 = arith.constant 0 : index
    %swap3A_77 = vector.load %arg9[%swap3A_75, %swap3A_76] : memref<1000x128xf32, #tpu.memory_space<vmem>>, vector<100x128xf32>
    tpu.vector_store %arg9[%swap3A_75, %swap3A_76], %slice3A_74 {strides = array<i32>} : memref<1000x128xf32, #tpu.memory_space<vmem>>, vector<100x128xf32>,
    %slice3A_78 = vector.extract_strided_slice %add3A_73 {offsets = [0, 128], sizes = [100, 64], strides = [1, 1]} : vector<100x192xf32> to vector<100x64xf32>
    %swap3A_79 = arith.constant 100 : index
    %swap3A_80 = arith.constant 0 : index
    %swap3A_81 = vector.load %arg10[%swap3A_79, %swap3A_80] : memref<1000x64xf32, #tpu.memory_space<vmem>>, vector<100x64xf32>
    tpu.vector_store %arg10[%swap3A_79, %swap3A_80], %slice3A_78 {strides = array<i32>} : memref<1000x64xf32, #tpu.memory_space<vmem>>, vector<100x64xf32>,
    %get3A_82 = arith.constant 0 : index
    %get3A_83 = arith.constant 1 : index
    %get3A_84 = arith.constant 0 : index
    %get3A_85 = arith.constant 0 : index
    %get3A_86 = vector.load %arg2[%get3A_82, %get3A_83, %get3A_84, %get3A_85] : memref<1x10x100x256xf32, #tpu.memory_space<vmem>>, vector<1x1x100x256xf32>
    %get3A_87 = vector.shape_cast %get3A_86 : vector<1x1x100x256xf32> to vector<100x256xf32>
    %get3A_88 = arith.constant 0 : index
    %get3A_89 = arith.constant 0 : index
    %get3A_90 = vector.load %arg7[%get3A_88, %get3A_89] : memref<256x256xf32, #tpu.memory_space<vmem>>, vector<256x256xf32>
    %dot_general3A_91 = arith.constant dense<0.000000e+00> : vector<100x256xf32>
    %dot_general3A_92 = tpu.matmul %get3A_87, %get3A_90, %dot_general3A_91 {dimension_numbers = #tpu.dot_dimension_numbers<[1], [0], [0], [1], [0, 0, 1, 1], [], []>, transpose_lhs_hint = false} : vector<100x256xf32>, vector<256x256xf32>, vector<100x256xf32> -> vector<100x256xf32>
    %get3A_93 = arith.constant 0 : index
    %get3A_94 = arith.constant 0 : index
    %get3A_95 = vector.load %arg8[%get3A_93, %get3A_94] : memref<1x256xf32, #tpu.memory_space<vmem>>, vector<1x256xf32>
    %add3A_96 = vector.broadcast %get3A_95 : vector<1x256xf32> to vector<100x256xf32>
    %add3A_97 = arith.addf %dot_general3A_92, %add3A_96 : vector<100x256xf32>
    %swap3A_98 = arith.constant 100 : index
    %swap3A_99 = arith.constant 0 : index
    %swap3A_100 = vector.load %arg12[%swap3A_98, %swap3A_99] : memref<1000x256xf32, #tpu.memory_space<vmem>>, vector<100x256xf32>
    tpu.vector_store %arg12[%swap3A_98, %swap3A_99], %add3A_97 {strides = array<i32>} : memref<1000x256xf32, #tpu.memory_space<vmem>>, vector<100x256xf32>,
    %get3A_101 = arith.constant 0 : index
    %get3A_102 = arith.constant 2 : index
    %get3A_103 = arith.constant 0 : index
    %get3A_104 = arith.constant 0 : index
    %get3A_105 = vector.load %arg1[%get3A_101, %get3A_102, %get3A_103, %get3A_104] : memref<1x10x100x256xf32, #tpu.memory_space<vmem>>, vector<1x1x100x256xf32>
    %get3A_106 = vector.shape_cast %get3A_105 : vector<1x1x100x256xf32> to vector<100x256xf32>
    %get3A_107 = arith.constant 0 : index
    %get3A_108 = arith.constant 0 : index
    %get3A_109 = vector.load %arg3[%get3A_107, %get3A_108] : memref<256x256xf32, #tpu.memory_space<vmem>>, vector<256x256xf32>
    %dot_general3A_110 = arith.constant dense<0.000000e+00> : vector<100x256xf32>
    %dot_general3A_111 = tpu.matmul %get3A_106, %get3A_109, %dot_general3A_110 {dimension_numbers = #tpu.dot_dimension_numbers<[1], [0], [0], [1], [0, 0, 1, 1], [], []>, transpose_lhs_hint = false} : vector<100x256xf32>, vector<256x256xf32>, vector<100x256xf32> -> vector<100x256xf32>
    %get3A_112 = arith.constant 0 : index
    %get3A_113 = arith.constant 0 : index
    %get3A_114 = vector.load %arg4[%get3A_112, %get3A_113] : memref<1x256xf32, #tpu.memory_space<vmem>>, vector<1x256xf32>
    %add3A_115 = vector.broadcast %get3A_114 : vector<1x256xf32> to vector<100x256xf32>
    %add3A_116 = arith.addf %dot_general3A_111, %add3A_115 : vector<100x256xf32>
    %get3A_117 = arith.constant 0 : index
    %get3A_118 = arith.constant 0 : index
    %get3A_119 = vector.load %arg5[%get3A_117, %get3A_118] : memref<256x192xf32, #tpu.memory_space<vmem>>, vector<256x192xf32>
    %dot_general3A_120 = arith.constant dense<0.000000e+00> : vector<100x192xf32>
    %dot_general3A_121 = tpu.matmul %add3A_116, %get3A_119, %dot_general3A_120 {dimension_numbers = #tpu.dot_dimension_numbers<[1], [0], [0], [1], [0, 0, 1, 1], [], []>, transpose_lhs_hint = false} : vector<100x256xf32>, vector<256x192xf32>, vector<100x192xf32> -> vector<100x192xf32>
    %get3A_122 = arith.constant 0 : index
    %get3A_123 = arith.constant 0 : index
    %get3A_124 = vector.load %arg6[%get3A_122, %get3A_123] : memref<1x192xf32, #tpu.memory_space<vmem>>, vector<1x192xf32>
    %add3A_125 = vector.broadcast %get3A_124 : vector<1x192xf32> to vector<100x192xf32>
    %add3A_126 = arith.addf %dot_general3A_121, %add3A_125 : vector<100x192xf32>
    %slice3A_127 = vector.extract_strided_slice %add3A_126 {offsets = [0, 0], sizes = [100, 128], strides = [1, 1]} : vector<100x192xf32> to vector<100x128xf32>
    %swap3A_128 = arith.constant 200 : index
    %swap3A_129 = arith.constant 0 : index
    %swap3A_130 = vector.load %arg9[%swap3A_128, %swap3A_129] : memref<1000x128xf32, #tpu.memory_space<vmem>>, vector<100x128xf32>
    tpu.vector_store %arg9[%swap3A_128, %swap3A_129], %slice3A_127 {strides = array<i32>} : memref<1000x128xf32, #tpu.memory_space<vmem>>, vector<100x128xf32>,
    %slice3A_131 = vector.extract_strided_slice %add3A_126 {offsets = [0, 128], sizes = [100, 64], strides = [1, 1]} : vector<100x192xf32> to vector<100x64xf32>
    %swap3A_132 = arith.constant 200 : index
    %swap3A_133 = arith.constant 0 : index
    %swap3A_134 = vector.load %arg10[%swap3A_132, %swap3A_133] : memref<1000x64xf32, #tpu.memory_space<vmem>>, vector<100x64xf32>
    tpu.vector_store %arg10[%swap3A_132, %swap3A_133], %slice3A_131 {strides = array<i32>} : memref<1000x64xf32, #tpu.memory_space<vmem>>, vector<100x64xf32>,
    %get3A_135 = arith.constant 0 : index
    %get3A_136 = arith.constant 2 : index
    %get3A_137 = arith.constant 0 : index
    %get3A_138 = arith.constant 0 : index
    %get3A_139 = vector.load %arg2[%get3A_135, %get3A_136, %get3A_137, %get3A_138] : memref<1x10x100x256xf32, #tpu.memory_space<vmem>>, vector<1x1x100x256xf32>
    %get3A_140 = vector.shape_cast %get3A_139 : vector<1x1x100x256xf32> to vector<100x256xf32>
    %get3A_141 = arith.constant 0 : index
    %get3A_142 = arith.constant 0 : index
    %get3A_143 = vector.load %arg7[%get3A_141, %get3A_142] : memref<256x256xf32, #tpu.memory_space<vmem>>, vector<256x256xf32>
    %dot_general3A_144 = arith.constant dense<0.000000e+00> : vector<100x256xf32>
    %dot_general3A_145 = tpu.matmul %get3A_140, %get3A_143, %dot_general3A_144 {dimension_numbers = #tpu.dot_dimension_numbers<[1], [0], [0], [1], [0, 0, 1, 1], [], []>, transpose_lhs_hint = false} : vector<100x256xf32>, vector<256x256xf32>, vector<100x256xf32> -> vector<100x256xf32>
    %get3A_146 = arith.constant 0 : index
    %get3A_147 = arith.constant 0 : index
    %get3A_148 = vector.load %arg8[%get3A_146, %get3A_147] : memref<1x256xf32, #tpu.memory_space<vmem>>, vector<1x256xf32>
    %add3A_149 = vector.broadcast %get3A_148 : vector<1x256xf32> to vector<100x256xf32>
    %add3A_150 = arith.addf %dot_general3A_145, %add3A_149 : vector<100x256xf32>
    %swap3A_151 = arith.constant 200 : index
    %swap3A_152 = arith.constant 0 : index
    %swap3A_153 = vector.load %arg12[%swap3A_151, %swap3A_152] : memref<1000x256xf32, #tpu.memory_space<vmem>>, vector<100x256xf32>
    tpu.vector_store %arg12[%swap3A_151, %swap3A_152], %add3A_150 {strides = array<i32>} : memref<1000x256xf32, #tpu.memory_space<vmem>>, vector<100x256xf32>,
    %get3A_154 = arith.constant 0 : index
    %get3A_155 = arith.constant 3 : index
    %get3A_156 = arith.constant 0 : index
    %get3A_157 = arith.constant 0 : index
    %get3A_158 = vector.load %arg1[%get3A_154, %get3A_155, %get3A_156, %get3A_157] : memref<1x10x100x256xf32, #tpu.memory_space<vmem>>, vector<1x1x100x256xf32>
    %get3A_159 = vector.shape_cast %get3A_158 : vector<1x1x100x256xf32> to vector<100x256xf32>
    %get3A_160 = arith.constant 0 : index
    %get3A_161 = arith.constant 0 : index
    %get3A_162 = vector.load %arg3[%get3A_160, %get3A_161] : memref<256x256xf32, #tpu.memory_space<vmem>>, vector<256x256xf32>
    %dot_general3A_163 = arith.constant dense<0.000000e+00> : vector<100x256xf32>
    %dot_general3A_164 = tpu.matmul %get3A_159, %get3A_162, %dot_general3A_163 {dimension_numbers = #tpu.dot_dimension_numbers<[1], [0], [0], [1], [0, 0, 1, 1], [], []>, transpose_lhs_hint = false} : vector<100x256xf32>, vector<256x256xf32>, vector<100x256xf32> -> vector<100x256xf32>
    %get3A_165 = arith.constant 0 : index
    %get3A_166 = arith.constant 0 : index
    %get3A_167 = vector.load %arg4[%get3A_165, %get3A_166] : memref<1x256xf32, #tpu.memory_space<vmem>>, vector<1x256xf32>
    %add3A_168 = vector.broadcast %get3A_167 : vector<1x256xf32> to vector<100x256xf32>
    %add3A_169 = arith.addf %dot_general3A_164, %add3A_168 : vector<100x256xf32>
    %get3A_170 = arith.constant 0 : index
    %get3A_171 = arith.constant 0 : index
    %get3A_172 = vector.load %arg5[%get3A_170, %get3A_171] : memref<256x192xf32, #tpu.memory_space<vmem>>, vector<256x192xf32>
    %dot_general3A_173 = arith.constant dense<0.000000e+00> : vector<100x192xf32>
    %dot_general3A_174 = tpu.matmul %add3A_169, %get3A_172, %dot_general3A_173 {dimension_numbers = #tpu.dot_dimension_numbers<[1], [0], [0], [1], [0, 0, 1, 1], [], []>, transpose_lhs_hint = false} : vector<100x256xf32>, vector<256x192xf32>, vector<100x192xf32> -> vector<100x192xf32>
    %get3A_175 = arith.constant 0 : index
    %get3A_176 = arith.constant 0 : index
    %get3A_177 = vector.load %arg6[%get3A_175, %get3A_176] : memref<1x192xf32, #tpu.memory_space<vmem>>, vector<1x192xf32>
    %add3A_178 = vector.broadcast %get3A_177 : vector<1x192xf32> to vector<100x192xf32>
    %add3A_179 = arith.addf %dot_general3A_174, %add3A_178 : vector<100x192xf32>
    %slice3A_180 = vector.extract_strided_slice %add3A_179 {offsets = [0, 0], sizes = [100, 128], strides = [1, 1]} : vector<100x192xf32> to vector<100x128xf32>
    %swap3A_181 = arith.constant 300 : index
    %swap3A_182 = arith.constant 0 : index
    %swap3A_183 = vector.load %arg9[%swap3A_181, %swap3A_182] : memref<1000x128xf32, #tpu.memory_space<vmem>>, vector<100x128xf32>
    tpu.vector_store %arg9[%swap3A_181, %swap3A_182], %slice3A_180 {strides = array<i32>} : memref<1000x128xf32, #tpu.memory_space<vmem>>, vector<100x128xf32>,
    %slice3A_184 = vector.extract_strided_slice %add3A_179 {offsets = [0, 128], sizes = [100, 64], strides = [1, 1]} : vector<100x192xf32> to vector<100x64xf32>
    %swap3A_185 = arith.constant 300 : index
    %swap3A_186 = arith.constant 0 : index
    %swap3A_187 = vector.load %arg10[%swap3A_185, %swap3A_186] : memref<1000x64xf32, #tpu.memory_space<vmem>>, vector<100x64xf32>
    tpu.vector_store %arg10[%swap3A_185, %swap3A_186], %slice3A_184 {strides = array<i32>} : memref<1000x64xf32, #tpu.memory_space<vmem>>, vector<100x64xf32>,
    %get3A_188 = arith.constant 0 : index
    %get3A_189 = arith.constant 3 : index
    %get3A_190 = arith.constant 0 : index
    %get3A_191 = arith.constant 0 : index
    %get3A_192 = vector.load %arg2[%get3A_188, %get3A_189, %get3A_190, %get3A_191] : memref<1x10x100x256xf32, #tpu.memory_space<vmem>>, vector<1x1x100x256xf32>
    %get3A_193 = vector.shape_cast %get3A_192 : vector<1x1x100x256xf32> to vector<100x256xf32>
    %get3A_194 = arith.constant 0 : index
    %get3A_195 = arith.constant 0 : index
    %get3A_196 = vector.load %arg7[%get3A_194, %get3A_195] : memref<256x256xf32, #tpu.memory_space<vmem>>, vector<256x256xf32>
    %dot_general3A_197 = arith.constant dense<0.000000e+00> : vector<100x256xf32>
    %dot_general3A_198 = tpu.matmul %get3A_193, %get3A_196, %dot_general3A_197 {dimension_numbers = #tpu.dot_dimension_numbers<[1], [0], [0], [1], [0, 0, 1, 1], [], []>, transpose_lhs_hint = false} : vector<100x256xf32>, vector<256x256xf32>, vector<100x256xf32> -> vector<100x256xf32>
    %get3A_199 = arith.constant 0 : index
    %get3A_200 = arith.constant 0 : index
    %get3A_201 = vector.load %arg8[%get3A_199, %get3A_200] : memref<1x256xf32, #tpu.memory_space<vmem>>, vector<1x256xf32>
    %add3A_202 = vector.broadcast %get3A_201 : vector<1x256xf32> to vector<100x256xf32>
    %add3A_203 = arith.addf %dot_general3A_198, %add3A_202 : vector<100x256xf32>
    %swap3A_204 = arith.constant 300 : index
    %swap3A_205 = arith.constant 0 : index
    %swap3A_206 = vector.load %arg12[%swap3A_204, %swap3A_205] : memref<1000x256xf32, #tpu.memory_space<vmem>>, vector<100x256xf32>
    tpu.vector_store %arg12[%swap3A_204, %swap3A_205], %add3A_203 {strides = array<i32>} : memref<1000x256xf32, #tpu.memory_space<vmem>>, vector<100x256xf32>,
    %get3A_207 = arith.constant 0 : index
    %get3A_208 = arith.constant 4 : index
    %get3A_209 = arith.constant 0 : index
    %get3A_210 = arith.constant 0 : index
    %get3A_211 = vector.load %arg1[%get3A_207, %get3A_208, %get3A_209, %get3A_210] : memref<1x10x100x256xf32, #tpu.memory_space<vmem>>, vector<1x1x100x256xf32>
    %get3A_212 = vector.shape_cast %get3A_211 : vector<1x1x100x256xf32> to vector<100x256xf32>
    %get3A_213 = arith.constant 0 : index
    %get3A_214 = arith.constant 0 : index
    %get3A_215 = vector.load %arg3[%get3A_213, %get3A_214] : memref<256x256xf32, #tpu.memory_space<vmem>>, vector<256x256xf32>
    %dot_general3A_216 = arith.constant dense<0.000000e+00> : vector<100x256xf32>
    %dot_general3A_217 = tpu.matmul %get3A_212, %get3A_215, %dot_general3A_216 {dimension_numbers = #tpu.dot_dimension_numbers<[1], [0], [0], [1], [0, 0, 1, 1], [], []>, transpose_lhs_hint = false} : vector<100x256xf32>, vector<256x256xf32>, vector<100x256xf32> -> vector<100x256xf32>
    %get3A_218 = arith.constant 0 : index
    %get3A_219 = arith.constant 0 : index
    %get3A_220 = vector.load %arg4[%get3A_218, %get3A_219] : memref<1x256xf32, #tpu.memory_space<vmem>>, vector<1x256xf32>
    %add3A_221 = vector.broadcast %get3A_220 : vector<1x256xf32> to vector<100x256xf32>
    %add3A_222 = arith.addf %dot_general3A_217, %add3A_221 : vector<100x256xf32>
    %get3A_223 = arith.constant 0 : index
    %get3A_224 = arith.constant 0 : index
    %get3A_225 = vector.load %arg5[%get3A_223, %get3A_224] : memref<256x192xf32, #tpu.memory_space<vmem>>, vector<256x192xf32>
    %dot_general3A_226 = arith.constant dense<0.000000e+00> : vector<100x192xf32>
    %dot_general3A_227 = tpu.matmul %add3A_222, %get3A_225, %dot_general3A_226 {dimension_numbers = #tpu.dot_dimension_numbers<[1], [0], [0], [1], [0, 0, 1, 1], [], []>, transpose_lhs_hint = false} : vector<100x256xf32>, vector<256x192xf32>, vector<100x192xf32> -> vector<100x192xf32>
    %get3A_228 = arith.constant 0 : index
    %get3A_229 = arith.constant 0 : index
    %get3A_230 = vector.load %arg6[%get3A_228, %get3A_229] : memref<1x192xf32, #tpu.memory_space<vmem>>, vector<1x192xf32>
    %add3A_231 = vector.broadcast %get3A_230 : vector<1x192xf32> to vector<100x192xf32>
    %add3A_232 = arith.addf %dot_general3A_227, %add3A_231 : vector<100x192xf32>
    %slice3A_233 = vector.extract_strided_slice %add3A_232 {offsets = [0, 0], sizes = [100, 128], strides = [1, 1]} : vector<100x192xf32> to vector<100x128xf32>
    %swap3A_234 = arith.constant 400 : index
    %swap3A_235 = arith.constant 0 : index
    %swap3A_236 = vector.load %arg9[%swap3A_234, %swap3A_235] : memref<1000x128xf32, #tpu.memory_space<vmem>>, vector<100x128xf32>
    tpu.vector_store %arg9[%swap3A_234, %swap3A_235], %slice3A_233 {strides = array<i32>} : memref<1000x128xf32, #tpu.memory_space<vmem>>, vector<100x128xf32>,
    %slice3A_237 = vector.extract_strided_slice %add3A_232 {offsets = [0, 128], sizes = [100, 64], strides = [1, 1]} : vector<100x192xf32> to vector<100x64xf32>
    %swap3A_238 = arith.constant 400 : index
    %swap3A_239 = arith.constant 0 : index
    %swap3A_240 = vector.load %arg10[%swap3A_238, %swap3A_239] : memref<1000x64xf32, #tpu.memory_space<vmem>>, vector<100x64xf32>
    tpu.vector_store %arg10[%swap3A_238, %swap3A_239], %slice3A_237 {strides = array<i32>} : memref<1000x64xf32, #tpu.memory_space<vmem>>, vector<100x64xf32>,
    %get3A_241 = arith.constant 0 : index
    %get3A_242 = arith.constant 4 : index
    %get3A_243 = arith.constant 0 : index
    %get3A_244 = arith.constant 0 : index
    %get3A_245 = vector.load %arg2[%get3A_241, %get3A_242, %get3A_243, %get3A_244] : memref<1x10x100x256xf32, #tpu.memory_space<vmem>>, vector<1x1x100x256xf32>
    %get3A_246 = vector.shape_cast %get3A_245 : vector<1x1x100x256xf32> to vector<100x256xf32>
    %get3A_247 = arith.constant 0 : index
    %get3A_248 = arith.constant 0 : index
    %get3A_249 = vector.load %arg7[%get3A_247, %get3A_248] : memref<256x256xf32, #tpu.memory_space<vmem>>, vector<256x256xf32>
    %dot_general3A_250 = arith.constant dense<0.000000e+00> : vector<100x256xf32>
    %dot_general3A_251 = tpu.matmul %get3A_246, %get3A_249, %dot_general3A_250 {dimension_numbers = #tpu.dot_dimension_numbers<[1], [0], [0], [1], [0, 0, 1, 1], [], []>, transpose_lhs_hint = false} : vector<100x256xf32>, vector<256x256xf32>, vector<100x256xf32> -> vector<100x256xf32>
    %get3A_252 = arith.constant 0 : index
    %get3A_253 = arith.constant 0 : index
    %get3A_254 = vector.load %arg8[%get3A_252, %get3A_253] : memref<1x256xf32, #tpu.memory_space<vmem>>, vector<1x256xf32>
    %add3A_255 = vector.broadcast %get3A_254 : vector<1x256xf32> to vector<100x256xf32>
    %add3A_256 = arith.addf %dot_general3A_251, %add3A_255 : vector<100x256xf32>
    %swap3A_257 = arith.constant 400 : index
    %swap3A_258 = arith.constant 0 : index
    %swap3A_259 = vector.load %arg12[%swap3A_257, %swap3A_258] : memref<1000x256xf32, #tpu.memory_space<vmem>>, vector<100x256xf32>
    tpu.vector_store %arg12[%swap3A_257, %swap3A_258], %add3A_256 {strides = array<i32>} : memref<1000x256xf32, #tpu.memory_space<vmem>>, vector<100x256xf32>,
    %get3A_260 = arith.constant 0 : index
    %get3A_261 = arith.constant 5 : index
    %get3A_262 = arith.constant 0 : index
    %get3A_263 = arith.constant 0 : index
    %get3A_264 = vector.load %arg1[%get3A_260, %get3A_261, %get3A_262, %get3A_263] : memref<1x10x100x256xf32, #tpu.memory_space<vmem>>, vector<1x1x100x256xf32>
    %get3A_265 = vector.shape_cast %get3A_264 : vector<1x1x100x256xf32> to vector<100x256xf32>
    %get3A_266 = arith.constant 0 : index
    %get3A_267 = arith.constant 0 : index
    %get3A_268 = vector.load %arg3[%get3A_266, %get3A_267] : memref<256x256xf32, #tpu.memory_space<vmem>>, vector<256x256xf32>
    %dot_general3A_269 = arith.constant dense<0.000000e+00> : vector<100x256xf32>
    %dot_general3A_270 = tpu.matmul %get3A_265, %get3A_268, %dot_general3A_269 {dimension_numbers = #tpu.dot_dimension_numbers<[1], [0], [0], [1], [0, 0, 1, 1], [], []>, transpose_lhs_hint = false} : vector<100x256xf32>, vector<256x256xf32>, vector<100x256xf32> -> vector<100x256xf32>
    %get3A_271 = arith.constant 0 : index
    %get3A_272 = arith.constant 0 : index
    %get3A_273 = vector.load %arg4[%get3A_271, %get3A_272] : memref<1x256xf32, #tpu.memory_space<vmem>>, vector<1x256xf32>
    %add3A_274 = vector.broadcast %get3A_273 : vector<1x256xf32> to vector<100x256xf32>
    %add3A_275 = arith.addf %dot_general3A_270, %add3A_274 : vector<100x256xf32>
    %get3A_276 = arith.constant 0 : index
    %get3A_277 = arith.constant 0 : index
    %get3A_278 = vector.load %arg5[%get3A_276, %get3A_277] : memref<256x192xf32, #tpu.memory_space<vmem>>, vector<256x192xf32>
    %dot_general3A_279 = arith.constant dense<0.000000e+00> : vector<100x192xf32>
    %dot_general3A_280 = tpu.matmul %add3A_275, %get3A_278, %dot_general3A_279 {dimension_numbers = #tpu.dot_dimension_numbers<[1], [0], [0], [1], [0, 0, 1, 1], [], []>, transpose_lhs_hint = false} : vector<100x256xf32>, vector<256x192xf32>, vector<100x192xf32> -> vector<100x192xf32>
    %get3A_281 = arith.constant 0 : index
    %get3A_282 = arith.constant 0 : index
    %get3A_283 = vector.load %arg6[%get3A_281, %get3A_282] : memref<1x192xf32, #tpu.memory_space<vmem>>, vector<1x192xf32>
    %add3A_284 = vector.broadcast %get3A_283 : vector<1x192xf32> to vector<100x192xf32>
    %add3A_285 = arith.addf %dot_general3A_280, %add3A_284 : vector<100x192xf32>
    %slice3A_286 = vector.extract_strided_slice %add3A_285 {offsets = [0, 0], sizes = [100, 128], strides = [1, 1]} : vector<100x192xf32> to vector<100x128xf32>
    %swap3A_287 = arith.constant 500 : index
    %swap3A_288 = arith.constant 0 : index
    %swap3A_289 = vector.load %arg9[%swap3A_287, %swap3A_288] : memref<1000x128xf32, #tpu.memory_space<vmem>>, vector<100x128xf32>
    tpu.vector_store %arg9[%swap3A_287, %swap3A_288], %slice3A_286 {strides = array<i32>} : memref<1000x128xf32, #tpu.memory_space<vmem>>, vector<100x128xf32>,
    %slice3A_290 = vector.extract_strided_slice %add3A_285 {offsets = [0, 128], sizes = [100, 64], strides = [1, 1]} : vector<100x192xf32> to vector<100x64xf32>
    %swap3A_291 = arith.constant 500 : index
    %swap3A_292 = arith.constant 0 : index
    %swap3A_293 = vector.load %arg10[%swap3A_291, %swap3A_292] : memref<1000x64xf32, #tpu.memory_space<vmem>>, vector<100x64xf32>
    tpu.vector_store %arg10[%swap3A_291, %swap3A_292], %slice3A_290 {strides = array<i32>} : memref<1000x64xf32, #tpu.memory_space<vmem>>, vector<100x64xf32>,
    %get3A_294 = arith.constant 0 : index
    %get3A_295 = arith.constant 5 : index
    %get3A_296 = arith.constant 0 : index
    %get3A_297 = arith.constant 0 : index
    %get3A_298 = vector.load %arg2[%get3A_294, %get3A_295, %get3A_296, %get3A_297] : memref<1x10x100x256xf32, #tpu.memory_space<vmem>>, vector<1x1x100x256xf32>
    %get3A_299 = vector.shape_cast %get3A_298 : vector<1x1x100x256xf32> to vector<100x256xf32>
    %get3A_300 = arith.constant 0 : index
    %get3A_301 = arith.constant 0 : index
    %get3A_302 = vector.load %arg7[%get3A_300, %get3A_301] : memref<256x256xf32, #tpu.memory_space<vmem>>, vector<256x256xf32>
    %dot_general3A_303 = arith.constant dense<0.000000e+00> : vector<100x256xf32>
    %dot_general3A_304 = tpu.matmul %get3A_299, %get3A_302, %dot_general3A_303 {dimension_numbers = #tpu.dot_dimension_numbers<[1], [0], [0], [1], [0, 0, 1, 1], [], []>, transpose_lhs_hint = false} : vector<100x256xf32>, vector<256x256xf32>, vector<100x256xf32> -> vector<100x256xf32>
    %get3A_305 = arith.constant 0 : index
    %get3A_306 = arith.constant 0 : index
    %get3A_307 = vector.load %arg8[%get3A_305, %get3A_306] : memref<1x256xf32, #tpu.memory_space<vmem>>, vector<1x256xf32>
    %add3A_308 = vector.broadcast %get3A_307 : vector<1x256xf32> to vector<100x256xf32>
    %add3A_309 = arith.addf %dot_general3A_304, %add3A_308 : vector<100x256xf32>
    %swap3A_310 = arith.constant 500 : index
    %swap3A_311 = arith.constant 0 : index
    %swap3A_312 = vector.load %arg12[%swap3A_310, %swap3A_311] : memref<1000x256xf32, #tpu.memory_space<vmem>>, vector<100x256xf32>
    tpu.vector_store %arg12[%swap3A_310, %swap3A_311], %add3A_309 {strides = array<i32>} : memref<1000x256xf32, #tpu.memory_space<vmem>>, vector<100x256xf32>,
    %get3A_313 = arith.constant 0 : index
    %get3A_314 = arith.constant 6 : index
    %get3A_315 = arith.constant 0 : index
    %get3A_316 = arith.constant 0 : index
    %get3A_317 = vector.load %arg1[%get3A_313, %get3A_314, %get3A_315, %get3A_316] : memref<1x10x100x256xf32, #tpu.memory_space<vmem>>, vector<1x1x100x256xf32>
    %get3A_318 = vector.shape_cast %get3A_317 : vector<1x1x100x256xf32> to vector<100x256xf32>
    %get3A_319 = arith.constant 0 : index
    %get3A_320 = arith.constant 0 : index
    %get3A_321 = vector.load %arg3[%get3A_319, %get3A_320] : memref<256x256xf32, #tpu.memory_space<vmem>>, vector<256x256xf32>
    %dot_general3A_322 = arith.constant dense<0.000000e+00> : vector<100x256xf32>
    %dot_general3A_323 = tpu.matmul %get3A_318, %get3A_321, %dot_general3A_322 {dimension_numbers = #tpu.dot_dimension_numbers<[1], [0], [0], [1], [0, 0, 1, 1], [], []>, transpose_lhs_hint = false} : vector<100x256xf32>, vector<256x256xf32>, vector<100x256xf32> -> vector<100x256xf32>
    %get3A_324 = arith.constant 0 : index
    %get3A_325 = arith.constant 0 : index
    %get3A_326 = vector.load %arg4[%get3A_324, %get3A_325] : memref<1x256xf32, #tpu.memory_space<vmem>>, vector<1x256xf32>
    %add3A_327 = vector.broadcast %get3A_326 : vector<1x256xf32> to vector<100x256xf32>
    %add3A_328 = arith.addf %dot_general3A_323, %add3A_327 : vector<100x256xf32>
    %get3A_329 = arith.constant 0 : index
    %get3A_330 = arith.constant 0 : index
    %get3A_331 = vector.load %arg5[%get3A_329, %get3A_330] : memref<256x192xf32, #tpu.memory_space<vmem>>, vector<256x192xf32>
    %dot_general3A_332 = arith.constant dense<0.000000e+00> : vector<100x192xf32>
    %dot_general3A_333 = tpu.matmul %add3A_328, %get3A_331, %dot_general3A_332 {dimension_numbers = #tpu.dot_dimension_numbers<[1], [0], [0], [1], [0, 0, 1, 1], [], []>, transpose_lhs_hint = false} : vector<100x256xf32>, vector<256x192xf32>, vector<100x192xf32> -> vector<100x192xf32>
    %get3A_334 = arith.constant 0 : index
    %get3A_335 = arith.constant 0 : index
    %get3A_336 = vector.load %arg6[%get3A_334, %get3A_335] : memref<1x192xf32, #tpu.memory_space<vmem>>, vector<1x192xf32>
    %add3A_337 = vector.broadcast %get3A_336 : vector<1x192xf32> to vector<100x192xf32>
    %add3A_338 = arith.addf %dot_general3A_333, %add3A_337 : vector<100x192xf32>
    %slice3A_339 = vector.extract_strided_slice %add3A_338 {offsets = [0, 0], sizes = [100, 128], strides = [1, 1]} : vector<100x192xf32> to vector<100x128xf32>
    %swap3A_340 = arith.constant 600 : index
    %swap3A_341 = arith.constant 0 : index
    %swap3A_342 = vector.load %arg9[%swap3A_340, %swap3A_341] : memref<1000x128xf32, #tpu.memory_space<vmem>>, vector<100x128xf32>
    tpu.vector_store %arg9[%swap3A_340, %swap3A_341], %slice3A_339 {strides = array<i32>} : memref<1000x128xf32, #tpu.memory_space<vmem>>, vector<100x128xf32>,
    %slice3A_343 = vector.extract_strided_slice %add3A_338 {offsets = [0, 128], sizes = [100, 64], strides = [1, 1]} : vector<100x192xf32> to vector<100x64xf32>
    %swap3A_344 = arith.constant 600 : index
    %swap3A_345 = arith.constant 0 : index
    %swap3A_346 = vector.load %arg10[%swap3A_344, %swap3A_345] : memref<1000x64xf32, #tpu.memory_space<vmem>>, vector<100x64xf32>
    tpu.vector_store %arg10[%swap3A_344, %swap3A_345], %slice3A_343 {strides = array<i32>} : memref<1000x64xf32, #tpu.memory_space<vmem>>, vector<100x64xf32>,
    %get3A_347 = arith.constant 0 : index
    %get3A_348 = arith.constant 6 : index
    %get3A_349 = arith.constant 0 : index
    %get3A_350 = arith.constant 0 : index
    %get3A_351 = vector.load %arg2[%get3A_347, %get3A_348, %get3A_349, %get3A_350] : memref<1x10x100x256xf32, #tpu.memory_space<vmem>>, vector<1x1x100x256xf32>
    %get3A_352 = vector.shape_cast %get3A_351 : vector<1x1x100x256xf32> to vector<100x256xf32>
    %get3A_353 = arith.constant 0 : index
    %get3A_354 = arith.constant 0 : index
    %get3A_355 = vector.load %arg7[%get3A_353, %get3A_354] : memref<256x256xf32, #tpu.memory_space<vmem>>, vector<256x256xf32>
    %dot_general3A_356 = arith.constant dense<0.000000e+00> : vector<100x256xf32>
    %dot_general3A_357 = tpu.matmul %get3A_352, %get3A_355, %dot_general3A_356 {dimension_numbers = #tpu.dot_dimension_numbers<[1], [0], [0], [1], [0, 0, 1, 1], [], []>, transpose_lhs_hint = false} : vector<100x256xf32>, vector<256x256xf32>, vector<100x256xf32> -> vector<100x256xf32>
    %get3A_358 = arith.constant 0 : index
    %get3A_359 = arith.constant 0 : index
    %get3A_360 = vector.load %arg8[%get3A_358, %get3A_359] : memref<1x256xf32, #tpu.memory_space<vmem>>, vector<1x256xf32>
    %add3A_361 = vector.broadcast %get3A_360 : vector<1x256xf32> to vector<100x256xf32>
    %add3A_362 = arith.addf %dot_general3A_357, %add3A_361 : vector<100x256xf32>
    %swap3A_363 = arith.constant 600 : index
    %swap3A_364 = arith.constant 0 : index
    %swap3A_365 = vector.load %arg12[%swap3A_363, %swap3A_364] : memref<1000x256xf32, #tpu.memory_space<vmem>>, vector<100x256xf32>
    tpu.vector_store %arg12[%swap3A_363, %swap3A_364], %add3A_362 {strides = array<i32>} : memref<1000x256xf32, #tpu.memory_space<vmem>>, vector<100x256xf32>,
    %get3A_366 = arith.constant 0 : index
    %get3A_367 = arith.constant 7 : index
    %get3A_368 = arith.constant 0 : index
    %get3A_369 = arith.constant 0 : index
    %get3A_370 = vector.load %arg1[%get3A_366, %get3A_367, %get3A_368, %get3A_369] : memref<1x10x100x256xf32, #tpu.memory_space<vmem>>, vector<1x1x100x256xf32>
    %get3A_371 = vector.shape_cast %get3A_370 : vector<1x1x100x256xf32> to vector<100x256xf32>
    %get3A_372 = arith.constant 0 : index
    %get3A_373 = arith.constant 0 : index
    %get3A_374 = vector.load %arg3[%get3A_372, %get3A_373] : memref<256x256xf32, #tpu.memory_space<vmem>>, vector<256x256xf32>
    %dot_general3A_375 = arith.constant dense<0.000000e+00> : vector<100x256xf32>
    %dot_general3A_376 = tpu.matmul %get3A_371, %get3A_374, %dot_general3A_375 {dimension_numbers = #tpu.dot_dimension_numbers<[1], [0], [0], [1], [0, 0, 1, 1], [], []>, transpose_lhs_hint = false} : vector<100x256xf32>, vector<256x256xf32>, vector<100x256xf32> -> vector<100x256xf32>
    %get3A_377 = arith.constant 0 : index
    %get3A_378 = arith.constant 0 : index
    %get3A_379 = vector.load %arg4[%get3A_377, %get3A_378] : memref<1x256xf32, #tpu.memory_space<vmem>>, vector<1x256xf32>
    %add3A_380 = vector.broadcast %get3A_379 : vector<1x256xf32> to vector<100x256xf32>
    %add3A_381 = arith.addf %dot_general3A_376, %add3A_380 : vector<100x256xf32>
    %get3A_382 = arith.constant 0 : index
    %get3A_383 = arith.constant 0 : index
    %get3A_384 = vector.load %arg5[%get3A_382, %get3A_383] : memref<256x192xf32, #tpu.memory_space<vmem>>, vector<256x192xf32>
    %dot_general3A_385 = arith.constant dense<0.000000e+00> : vector<100x192xf32>
    %dot_general3A_386 = tpu.matmul %add3A_381, %get3A_384, %dot_general3A_385 {dimension_numbers = #tpu.dot_dimension_numbers<[1], [0], [0], [1], [0, 0, 1, 1], [], []>, transpose_lhs_hint = false} : vector<100x256xf32>, vector<256x192xf32>, vector<100x192xf32> -> vector<100x192xf32>
    %get3A_387 = arith.constant 0 : index
    %get3A_388 = arith.constant 0 : index
    %get3A_389 = vector.load %arg6[%get3A_387, %get3A_388] : memref<1x192xf32, #tpu.memory_space<vmem>>, vector<1x192xf32>
    %add3A_390 = vector.broadcast %get3A_389 : vector<1x192xf32> to vector<100x192xf32>
    %add3A_391 = arith.addf %dot_general3A_386, %add3A_390 : vector<100x192xf32>
    %slice3A_392 = vector.extract_strided_slice %add3A_391 {offsets = [0, 0], sizes = [100, 128], strides = [1, 1]} : vector<100x192xf32> to vector<100x128xf32>
    %swap3A_393 = arith.constant 700 : index
    %swap3A_394 = arith.constant 0 : index
    %swap3A_395 = vector.load %arg9[%swap3A_393, %swap3A_394] : memref<1000x128xf32, #tpu.memory_space<vmem>>, vector<100x128xf32>
    tpu.vector_store %arg9[%swap3A_393, %swap3A_394], %slice3A_392 {strides = array<i32>} : memref<1000x128xf32, #tpu.memory_space<vmem>>, vector<100x128xf32>,
    %slice3A_396 = vector.extract_strided_slice %add3A_391 {offsets = [0, 128], sizes = [100, 64], strides = [1, 1]} : vector<100x192xf32> to vector<100x64xf32>
    %swap3A_397 = arith.constant 700 : index
    %swap3A_398 = arith.constant 0 : index
    %swap3A_399 = vector.load %arg10[%swap3A_397, %swap3A_398] : memref<1000x64xf32, #tpu.memory_space<vmem>>, vector<100x64xf32>
    tpu.vector_store %arg10[%swap3A_397, %swap3A_398], %slice3A_396 {strides = array<i32>} : memref<1000x64xf32, #tpu.memory_space<vmem>>, vector<100x64xf32>,
    %get3A_400 = arith.constant 0 : index
    %get3A_401 = arith.constant 7 : index
    %get3A_402 = arith.constant 0 : index
    %get3A_403 = arith.constant 0 : index
    %get3A_404 = vector.load %arg2[%get3A_400, %get3A_401, %get3A_402, %get3A_403] : memref<1x10x100x256xf32, #tpu.memory_space<vmem>>, vector<1x1x100x256xf32>
    %get3A_405 = vector.shape_cast %get3A_404 : vector<1x1x100x256xf32> to vector<100x256xf32>
    %get3A_406 = arith.constant 0 : index
    %get3A_407 = arith.constant 0 : index
    %get3A_408 = vector.load %arg7[%get3A_406, %get3A_407] : memref<256x256xf32, #tpu.memory_space<vmem>>, vector<256x256xf32>
    %dot_general3A_409 = arith.constant dense<0.000000e+00> : vector<100x256xf32>
    %dot_general3A_410 = tpu.matmul %get3A_405, %get3A_408, %dot_general3A_409 {dimension_numbers = #tpu.dot_dimension_numbers<[1], [0], [0], [1], [0, 0, 1, 1], [], []>, transpose_lhs_hint = false} : vector<100x256xf32>, vector<256x256xf32>, vector<100x256xf32> -> vector<100x256xf32>
    %get3A_411 = arith.constant 0 : index
    %get3A_412 = arith.constant 0 : index
    %get3A_413 = vector.load %arg8[%get3A_411, %get3A_412] : memref<1x256xf32, #tpu.memory_space<vmem>>, vector<1x256xf32>
    %add3A_414 = vector.broadcast %get3A_413 : vector<1x256xf32> to vector<100x256xf32>
    %add3A_415 = arith.addf %dot_general3A_410, %add3A_414 : vector<100x256xf32>
    %swap3A_416 = arith.constant 700 : index
    %swap3A_417 = arith.constant 0 : index
    %swap3A_418 = vector.load %arg12[%swap3A_416, %swap3A_417] : memref<1000x256xf32, #tpu.memory_space<vmem>>, vector<100x256xf32>
    tpu.vector_store %arg12[%swap3A_416, %swap3A_417], %add3A_415 {strides = array<i32>} : memref<1000x256xf32, #tpu.memory_space<vmem>>, vector<100x256xf32>,
    %get3A_419 = arith.constant 0 : index
    %get3A_420 = arith.constant 8 : index
    %get3A_421 = arith.constant 0 : index
    %get3A_422 = arith.constant 0 : index
    %get3A_423 = vector.load %arg1[%get3A_419, %get3A_420, %get3A_421, %get3A_422] : memref<1x10x100x256xf32, #tpu.memory_space<vmem>>, vector<1x1x100x256xf32>
    %get3A_424 = vector.shape_cast %get3A_423 : vector<1x1x100x256xf32> to vector<100x256xf32>
    %get3A_425 = arith.constant 0 : index
    %get3A_426 = arith.constant 0 : index
    %get3A_427 = vector.load %arg3[%get3A_425, %get3A_426] : memref<256x256xf32, #tpu.memory_space<vmem>>, vector<256x256xf32>
    %dot_general3A_428 = arith.constant dense<0.000000e+00> : vector<100x256xf32>
    %dot_general3A_429 = tpu.matmul %get3A_424, %get3A_427, %dot_general3A_428 {dimension_numbers = #tpu.dot_dimension_numbers<[1], [0], [0], [1], [0, 0, 1, 1], [], []>, transpose_lhs_hint = false} : vector<100x256xf32>, vector<256x256xf32>, vector<100x256xf32> -> vector<100x256xf32>
    %get3A_430 = arith.constant 0 : index
    %get3A_431 = arith.constant 0 : index
    %get3A_432 = vector.load %arg4[%get3A_430, %get3A_431] : memref<1x256xf32, #tpu.memory_space<vmem>>, vector<1x256xf32>
    %add3A_433 = vector.broadcast %get3A_432 : vector<1x256xf32> to vector<100x256xf32>
    %add3A_434 = arith.addf %dot_general3A_429, %add3A_433 : vector<100x256xf32>
    %get3A_435 = arith.constant 0 : index
    %get3A_436 = arith.constant 0 : index
    %get3A_437 = vector.load %arg5[%get3A_435, %get3A_436] : memref<256x192xf32, #tpu.memory_space<vmem>>, vector<256x192xf32>
    %dot_general3A_438 = arith.constant dense<0.000000e+00> : vector<100x192xf32>
    %dot_general3A_439 = tpu.matmul %add3A_434, %get3A_437, %dot_general3A_438 {dimension_numbers = #tpu.dot_dimension_numbers<[1], [0], [0], [1], [0, 0, 1, 1], [], []>, transpose_lhs_hint = false} : vector<100x256xf32>, vector<256x192xf32>, vector<100x192xf32> -> vector<100x192xf32>
    %get3A_440 = arith.constant 0 : index
    %get3A_441 = arith.constant 0 : index
    %get3A_442 = vector.load %arg6[%get3A_440, %get3A_441] : memref<1x192xf32, #tpu.memory_space<vmem>>, vector<1x192xf32>
    %add3A_443 = vector.broadcast %get3A_442 : vector<1x192xf32> to vector<100x192xf32>
    %add3A_444 = arith.addf %dot_general3A_439, %add3A_443 : vector<100x192xf32>
    %slice3A_445 = vector.extract_strided_slice %add3A_444 {offsets = [0, 0], sizes = [100, 128], strides = [1, 1]} : vector<100x192xf32> to vector<100x128xf32>
    %swap3A_446 = arith.constant 800 : index
    %swap3A_447 = arith.constant 0 : index
    %swap3A_448 = vector.load %arg9[%swap3A_446, %swap3A_447] : memref<1000x128xf32, #tpu.memory_space<vmem>>, vector<100x128xf32>
    tpu.vector_store %arg9[%swap3A_446, %swap3A_447], %slice3A_445 {strides = array<i32>} : memref<1000x128xf32, #tpu.memory_space<vmem>>, vector<100x128xf32>,
    %slice3A_449 = vector.extract_strided_slice %add3A_444 {offsets = [0, 128], sizes = [100, 64], strides = [1, 1]} : vector<100x192xf32> to vector<100x64xf32>
    %swap3A_450 = arith.constant 800 : index
    %swap3A_451 = arith.constant 0 : index
    %swap3A_452 = vector.load %arg10[%swap3A_450, %swap3A_451] : memref<1000x64xf32, #tpu.memory_space<vmem>>, vector<100x64xf32>
    tpu.vector_store %arg10[%swap3A_450, %swap3A_451], %slice3A_449 {strides = array<i32>} : memref<1000x64xf32, #tpu.memory_space<vmem>>, vector<100x64xf32>,
    %get3A_453 = arith.constant 0 : index
    %get3A_454 = arith.constant 8 : index
    %get3A_455 = arith.constant 0 : index
    %get3A_456 = arith.constant 0 : index
    %get3A_457 = vector.load %arg2[%get3A_453, %get3A_454, %get3A_455, %get3A_456] : memref<1x10x100x256xf32, #tpu.memory_space<vmem>>, vector<1x1x100x256xf32>
    %get3A_458 = vector.shape_cast %get3A_457 : vector<1x1x100x256xf32> to vector<100x256xf32>
    %get3A_459 = arith.constant 0 : index
    %get3A_460 = arith.constant 0 : index
    %get3A_461 = vector.load %arg7[%get3A_459, %get3A_460] : memref<256x256xf32, #tpu.memory_space<vmem>>, vector<256x256xf32>
    %dot_general3A_462 = arith.constant dense<0.000000e+00> : vector<100x256xf32>
    %dot_general3A_463 = tpu.matmul %get3A_458, %get3A_461, %dot_general3A_462 {dimension_numbers = #tpu.dot_dimension_numbers<[1], [0], [0], [1], [0, 0, 1, 1], [], []>, transpose_lhs_hint = false} : vector<100x256xf32>, vector<256x256xf32>, vector<100x256xf32> -> vector<100x256xf32>
    %get3A_464 = arith.constant 0 : index
    %get3A_465 = arith.constant 0 : index
    %get3A_466 = vector.load %arg8[%get3A_464, %get3A_465] : memref<1x256xf32, #tpu.memory_space<vmem>>, vector<1x256xf32>
    %add3A_467 = vector.broadcast %get3A_466 : vector<1x256xf32> to vector<100x256xf32>
    %add3A_468 = arith.addf %dot_general3A_463, %add3A_467 : vector<100x256xf32>
    %swap3A_469 = arith.constant 800 : index
    %swap3A_470 = arith.constant 0 : index
    %swap3A_471 = vector.load %arg12[%swap3A_469, %swap3A_470] : memref<1000x256xf32, #tpu.memory_space<vmem>>, vector<100x256xf32>
    tpu.vector_store %arg12[%swap3A_469, %swap3A_470], %add3A_468 {strides = array<i32>} : memref<1000x256xf32, #tpu.memory_space<vmem>>, vector<100x256xf32>,
    %get3A_472 = arith.constant 0 : index
    %get3A_473 = arith.constant 9 : index
    %get3A_474 = arith.constant 0 : index
    %get3A_475 = arith.constant 0 : index
    %get3A_476 = vector.load %arg1[%get3A_472, %get3A_473, %get3A_474, %get3A_475] : memref<1x10x100x256xf32, #tpu.memory_space<vmem>>, vector<1x1x100x256xf32>
    %get3A_477 = vector.shape_cast %get3A_476 : vector<1x1x100x256xf32> to vector<100x256xf32>
    %get3A_478 = arith.constant 0 : index
    %get3A_479 = arith.constant 0 : index
    %get3A_480 = vector.load %arg3[%get3A_478, %get3A_479] : memref<256x256xf32, #tpu.memory_space<vmem>>, vector<256x256xf32>
    %dot_general3A_481 = arith.constant dense<0.000000e+00> : vector<100x256xf32>
    %dot_general3A_482 = tpu.matmul %get3A_477, %get3A_480, %dot_general3A_481 {dimension_numbers = #tpu.dot_dimension_numbers<[1], [0], [0], [1], [0, 0, 1, 1], [], []>, transpose_lhs_hint = false} : vector<100x256xf32>, vector<256x256xf32>, vector<100x256xf32> -> vector<100x256xf32>
    %get3A_483 = arith.constant 0 : index
    %get3A_484 = arith.constant 0 : index
    %get3A_485 = vector.load %arg4[%get3A_483, %get3A_484] : memref<1x256xf32, #tpu.memory_space<vmem>>, vector<1x256xf32>
    %add3A_486 = vector.broadcast %get3A_485 : vector<1x256xf32> to vector<100x256xf32>
    %add3A_487 = arith.addf %dot_general3A_482, %add3A_486 : vector<100x256xf32>
    %get3A_488 = arith.constant 0 : index
    %get3A_489 = arith.constant 0 : index
    %get3A_490 = vector.load %arg5[%get3A_488, %get3A_489] : memref<256x192xf32, #tpu.memory_space<vmem>>, vector<256x192xf32>
    %dot_general3A_491 = arith.constant dense<0.000000e+00> : vector<100x192xf32>
    %dot_general3A_492 = tpu.matmul %add3A_487, %get3A_490, %dot_general3A_491 {dimension_numbers = #tpu.dot_dimension_numbers<[1], [0], [0], [1], [0, 0, 1, 1], [], []>, transpose_lhs_hint = false} : vector<100x256xf32>, vector<256x192xf32>, vector<100x192xf32> -> vector<100x192xf32>
    %get3A_493 = arith.constant 0 : index
    %get3A_494 = arith.constant 0 : index
    %get3A_495 = vector.load %arg6[%get3A_493, %get3A_494] : memref<1x192xf32, #tpu.memory_space<vmem>>, vector<1x192xf32>
    %add3A_496 = vector.broadcast %get3A_495 : vector<1x192xf32> to vector<100x192xf32>
    %add3A_497 = arith.addf %dot_general3A_492, %add3A_496 : vector<100x192xf32>
    %slice3A_498 = vector.extract_strided_slice %add3A_497 {offsets = [0, 0], sizes = [100, 128], strides = [1, 1]} : vector<100x192xf32> to vector<100x128xf32>
    %swap3A_499 = arith.constant 900 : index
    %swap3A_500 = arith.constant 0 : index
    %swap3A_501 = vector.load %arg9[%swap3A_499, %swap3A_500] : memref<1000x128xf32, #tpu.memory_space<vmem>>, vector<100x128xf32>
    tpu.vector_store %arg9[%swap3A_499, %swap3A_500], %slice3A_498 {strides = array<i32>} : memref<1000x128xf32, #tpu.memory_space<vmem>>, vector<100x128xf32>,
    %slice3A_502 = vector.extract_strided_slice %add3A_497 {offsets = [0, 128], sizes = [100, 64], strides = [1, 1]} : vector<100x192xf32> to vector<100x64xf32>
    %swap3A_503 = arith.constant 900 : index
    %swap3A_504 = arith.constant 0 : index
    %swap3A_505 = vector.load %arg10[%swap3A_503, %swap3A_504] : memref<1000x64xf32, #tpu.memory_space<vmem>>, vector<100x64xf32>
    tpu.vector_store %arg10[%swap3A_503, %swap3A_504], %slice3A_502 {strides = array<i32>} : memref<1000x64xf32, #tpu.memory_space<vmem>>, vector<100x64xf32>,
    %get3A_506 = arith.constant 0 : index
    %get3A_507 = arith.constant 9 : index
    %get3A_508 = arith.constant 0 : index
    %get3A_509 = arith.constant 0 : index
    %get3A_510 = vector.load %arg2[%get3A_506, %get3A_507, %get3A_508, %get3A_509] : memref<1x10x100x256xf32, #tpu.memory_space<vmem>>, vector<1x1x100x256xf32>
    %get3A_511 = vector.shape_cast %get3A_510 : vector<1x1x100x256xf32> to vector<100x256xf32>
    %get3A_512 = arith.constant 0 : index
    %get3A_513 = arith.constant 0 : index
    %get3A_514 = vector.load %arg7[%get3A_512, %get3A_513] : memref<256x256xf32, #tpu.memory_space<vmem>>, vector<256x256xf32>
    %dot_general3A_515 = arith.constant dense<0.000000e+00> : vector<100x256xf32>
    %dot_general3A_516 = tpu.matmul %get3A_511, %get3A_514, %dot_general3A_515 {dimension_numbers = #tpu.dot_dimension_numbers<[1], [0], [0], [1], [0, 0, 1, 1], [], []>, transpose_lhs_hint = false} : vector<100x256xf32>, vector<256x256xf32>, vector<100x256xf32> -> vector<100x256xf32>
    %get3A_517 = arith.constant 0 : index
    %get3A_518 = arith.constant 0 : index
    %get3A_519 = vector.load %arg8[%get3A_517, %get3A_518] : memref<1x256xf32, #tpu.memory_space<vmem>>, vector<1x256xf32>
    %add3A_520 = vector.broadcast %get3A_519 : vector<1x256xf32> to vector<100x256xf32>
    %add3A_521 = arith.addf %dot_general3A_516, %add3A_520 : vector<100x256xf32>
    %swap3A_522 = arith.constant 900 : index
    %swap3A_523 = arith.constant 0 : index
    %swap3A_524 = vector.load %arg12[%swap3A_522, %swap3A_523] : memref<1000x256xf32, #tpu.memory_space<vmem>>, vector<100x256xf32>
    tpu.vector_store %arg12[%swap3A_522, %swap3A_523], %add3A_521 {strides = array<i32>} : memref<1000x256xf32, #tpu.memory_space<vmem>>, vector<100x256xf32>,
    %get3A_525 = arith.constant 0 : index
    %get3A_526 = arith.constant 0 : index
    %get3A_527 = vector.load %arg12[%get3A_525, %get3A_526] : memref<1000x256xf32, #tpu.memory_space<vmem>>, vector<1000x256xf32>
    %reshape3A = vector.shape_cast %get3A_527 : vector<1000x256xf32> to vector<125x8x2x128xf32>
    %transpose3A = tpu.transpose %reshape3A, [0, 2, 1, 3] : vector<125x8x2x128xf32> -> vector<125x2x8x128xf32>
    %swap3A_528 = arith.constant 0 : index
    %swap3A_529 = arith.constant 0 : index
    %swap3A_530 = arith.constant 0 : index
    %swap3A_531 = arith.constant 0 : index
    %swap3A_532 = vector.load %arg11[%swap3A_528, %swap3A_529, %swap3A_530, %swap3A_531] : memref<125x2x8x128xf32, #tpu.memory_space<vmem>>, vector<125x2x8x128xf32>
    tpu.vector_store %arg11[%swap3A_528, %swap3A_529, %swap3A_530, %swap3A_531], %transpose3A {strides = array<i32>} : memref<125x2x8x128xf32, #tpu.memory_space<vmem>>, vector<125x2x8x128xf32>,
    return
  }
  func.func @transform_0(%arg0: i32) -> (i32, i32, i32, i32) {
    %jit3A = arith.constant 10 : i32
    %div3A = arith.divsi %arg0, %jit3A : i32
    %sign3A = arith.constant 0 : i32
    %sign3A_0 = arith.cmpi sgt, %arg0, %sign3A : i32
    %sign3A_1 = arith.extui %sign3A_0 : i1 to i32
    %sign3A_2 = arith.constant 0 : i32
    %sign3A_3 = arith.cmpi slt, %arg0, %sign3A_2 : i32
    %sign3A_4 = arith.extui %sign3A_3 : i1 to i32
    %sign3A_5 = arith.subi %sign3A_1, %sign3A_4 : i32
    %sign3A_6 = arith.constant 0 : i32
    %sign3A_7 = arith.cmpi sgt, %jit3A, %sign3A_6 : i32
    %sign3A_8 = arith.extui %sign3A_7 : i1 to i32
    %sign3A_9 = arith.constant 0 : i32
    %sign3A_10 = arith.cmpi slt, %jit3A, %sign3A_9 : i32
    %sign3A_11 = arith.extui %sign3A_10 : i1 to i32
    %sign3A_12 = arith.subi %sign3A_8, %sign3A_11 : i32
    %ne3A = arith.cmpi ne, %sign3A_5, %sign3A_12 : i32
    %rem3A = arith.remsi %arg0, %jit3A : i32
    %ne3A_13 = arith.constant 0 : i32
    %ne3A_14 = arith.cmpi ne, %rem3A, %ne3A_13 : i32
    %and3A = arith.andi %ne3A, %ne3A_14 : i1
    %sub3A = arith.constant 1 : i32
    %sub3A_15 = arith.subi %div3A, %sub3A : i32
    %select_n3A = arith.select %and3A, %sub3A_15, %div3A : i32
    %jit3A_16 = arith.constant 10 : i32
    %eq3A = arith.constant 0 : i32
    %eq3A_17 = arith.cmpi eq, %jit3A_16, %eq3A : i32
    %jit3A_18 = arith.constant 1 : i32
    %select_n3A_19 = arith.select %eq3A_17, %jit3A_18, %jit3A_16 : i32
    %rem3A_20 = arith.remsi %arg0, %select_n3A_19 : i32
    %ne3A_21 = arith.constant 0 : i32
    %ne3A_22 = arith.cmpi ne, %rem3A_20, %ne3A_21 : i32
    %lt3A = arith.constant 0 : i32
    %lt3A_23 = arith.cmpi slt, %rem3A_20, %lt3A : i32
    %lt3A_24 = arith.constant 0 : i32
    %lt3A_25 = arith.cmpi slt, %select_n3A_19, %lt3A_24 : i32
    %ne3A_26 = arith.xori %lt3A_23, %lt3A_25 : i1
    %and3A_27 = arith.andi %ne3A_26, %ne3A_22 : i1
    %add3A = arith.addi %rem3A_20, %select_n3A_19 : i32
    %select_n3A_28 = arith.select %and3A_27, %add3A, %rem3A_20 : i32
    %c0_i32 = arith.constant 0 : i32
    %c0_i32_29 = arith.constant 0 : i32
    %c0_i32_30 = arith.constant 0 : i32
    return %select_n3A, %select_n3A_28, %c0_i32, %c0_i32_29 : i32, i32, i32, i32
  }
  func.func @transform_1(%arg0: i32) -> (i32, i32, i32, i32) {
    %jit3A = arith.constant 10 : i32
    %div3A = arith.divsi %arg0, %jit3A : i32
    %sign3A = arith.constant 0 : i32
    %sign3A_0 = arith.cmpi sgt, %arg0, %sign3A : i32
    %sign3A_1 = arith.extui %sign3A_0 : i1 to i32
    %sign3A_2 = arith.constant 0 : i32
    %sign3A_3 = arith.cmpi slt, %arg0, %sign3A_2 : i32
    %sign3A_4 = arith.extui %sign3A_3 : i1 to i32
    %sign3A_5 = arith.subi %sign3A_1, %sign3A_4 : i32
    %sign3A_6 = arith.constant 0 : i32
    %sign3A_7 = arith.cmpi sgt, %jit3A, %sign3A_6 : i32
    %sign3A_8 = arith.extui %sign3A_7 : i1 to i32
    %sign3A_9 = arith.constant 0 : i32
    %sign3A_10 = arith.cmpi slt, %jit3A, %sign3A_9 : i32
    %sign3A_11 = arith.extui %sign3A_10 : i1 to i32
    %sign3A_12 = arith.subi %sign3A_8, %sign3A_11 : i32
    %ne3A = arith.cmpi ne, %sign3A_5, %sign3A_12 : i32
    %rem3A = arith.remsi %arg0, %jit3A : i32
    %ne3A_13 = arith.constant 0 : i32
    %ne3A_14 = arith.cmpi ne, %rem3A, %ne3A_13 : i32
    %and3A = arith.andi %ne3A, %ne3A_14 : i1
    %sub3A = arith.constant 1 : i32
    %sub3A_15 = arith.subi %div3A, %sub3A : i32
    %select_n3A = arith.select %and3A, %sub3A_15, %div3A : i32
    %jit3A_16 = arith.constant 10 : i32
    %eq3A = arith.constant 0 : i32
    %eq3A_17 = arith.cmpi eq, %jit3A_16, %eq3A : i32
    %jit3A_18 = arith.constant 1 : i32
    %select_n3A_19 = arith.select %eq3A_17, %jit3A_18, %jit3A_16 : i32
    %rem3A_20 = arith.remsi %arg0, %select_n3A_19 : i32
    %ne3A_21 = arith.constant 0 : i32
    %ne3A_22 = arith.cmpi ne, %rem3A_20, %ne3A_21 : i32
    %lt3A = arith.constant 0 : i32
    %lt3A_23 = arith.cmpi slt, %rem3A_20, %lt3A : i32
    %lt3A_24 = arith.constant 0 : i32
    %lt3A_25 = arith.cmpi slt, %select_n3A_19, %lt3A_24 : i32
    %ne3A_26 = arith.xori %lt3A_23, %lt3A_25 : i1
    %and3A_27 = arith.andi %ne3A_26, %ne3A_22 : i1
    %add3A = arith.addi %rem3A_20, %select_n3A_19 : i32
    %select_n3A_28 = arith.select %and3A_27, %add3A, %rem3A_20 : i32
    %c0_i32 = arith.constant 0 : i32
    %c0_i32_29 = arith.constant 0 : i32
    %c0_i32_30 = arith.constant 0 : i32
    return %select_n3A, %select_n3A_28, %c0_i32, %c0_i32_29 : i32, i32, i32, i32
  }
  func.func @transform_2(%arg0: i32) -> (i32, i32) {
    %c0_i32 = arith.constant 0 : i32
    %c0_i32_0 = arith.constant 0 : i32
    %c0_i32_1 = arith.constant 0 : i32
    return %c0_i32, %c0_i32_0 : i32, i32
  }
  func.func @transform_3(%arg0: i32) -> (i32, i32) {
    %c0_i32 = arith.constant 0 : i32
    %c0_i32_0 = arith.constant 0 : i32
    %c0_i32_1 = arith.constant 0 : i32
    return %c0_i32, %c0_i32_0 : i32, i32
  }
  func.func @transform_4(%arg0: i32) -> (i32, i32) {
    %c0_i32 = arith.constant 0 : i32
    %c0_i32_0 = arith.constant 0 : i32
    %c0_i32_1 = arith.constant 0 : i32
    return %c0_i32, %c0_i32_0 : i32, i32
  }
  func.func @transform_5(%arg0: i32) -> (i32, i32) {
    %c0_i32 = arith.constant 0 : i32
    %c0_i32_0 = arith.constant 0 : i32
    %c0_i32_1 = arith.constant 0 : i32
    return %c0_i32, %c0_i32_0 : i32, i32
  }
  func.func @transform_6(%arg0: i32) -> (i32, i32) {
    %c0_i32 = arith.constant 0 : i32
    %c0_i32_0 = arith.constant 0 : i32
    %c0_i32_1 = arith.constant 0 : i32
    return %c0_i32, %c0_i32_0 : i32, i32
  }
  func.func @transform_7(%arg0: i32) -> (i32, i32) {
    %c0_i32 = arith.constant 0 : i32
    %c0_i32_0 = arith.constant 0 : i32
    %c0_i32_1 = arith.constant 0 : i32
    return %c0_i32, %c0_i32_0 : i32, i32
  }
  func.func @transform_8(%arg0: i32) -> (i32, i32) {
    %c0_i32 = arith.constant 0 : i32
    %c0_i32_0 = arith.constant 0 : i32
    return %arg0, %c0_i32 : i32, i32
  }
  func.func @transform_9(%arg0: i32) -> (i32, i32) {
    %c0_i32 = arith.constant 0 : i32
    %c0_i32_0 = arith.constant 0 : i32
    return %arg0, %c0_i32 : i32, i32
  }
  func.func @transform_10(%arg0: i32) -> (i32, i32, i32, i32) {
    %c0_i32 = arith.constant 0 : i32
    %c0_i32_0 = arith.constant 0 : i32
    %c0_i32_1 = arith.constant 0 : i32
    %c0_i32_2 = arith.constant 0 : i32
    return %arg0, %c0_i32, %c0_i32_0, %c0_i32_1 : i32, i32, i32, i32
  }
}

module attributes {stable_mosaic.version = 14 : i64} {
  func.func @_addr_body(%arg0: i32, %arg1: i32, %arg2: memref<2000x128xf32, #tpu.memory_space<vmem>>, %arg3: memref<2000x64xf32, #tpu.memory_space<vmem>>, %arg4: memref<1x2000x2xf32, #tpu.memory_space<vmem>>, %arg5: memref<1x2000x2xf32, #tpu.memory_space<vmem>>, %arg6: memref<64x256xf32, #tpu.memory_space<vmem>>, %arg7: memref<64x256xf32, #tpu.memory_space<vmem>>, %arg8: memref<128x256xf32, #tpu.memory_space<vmem>>, %arg9: memref<128x256xf32, #tpu.memory_space<vmem>>, %arg10: memref<2x64xf32, #tpu.memory_space<vmem>>, %arg11: memref<250x2x8x128xi32, #tpu.memory_space<vmem>>, %arg12: memref<250x2x8x128xf32, #tpu.memory_space<vmem>>) attributes {dimension_semantics = [#tpu.dimension_semantics<arbitrary>, #tpu.dimension_semantics<arbitrary>], iteration_bounds = array<i64: 2, 5>, scalar_prefetch = 0 : i64, scratch_operands = 0 : i64, tpu.core_type = #tpu.core_type<tc>, window_params = [{transform_indices = @transform_0, window_bounds = array<i64: 2000, 128>}, {transform_indices = @transform_1, window_bounds = array<i64: 2000, 64>}, {transform_indices = @transform_2, window_bounds = array<i64: 1, 2000, 2>}, {transform_indices = @transform_3, window_bounds = array<i64: 1, 2000, 2>}, {pipeline_mode = #tpu.pipeline_mode<synchronous>, transform_indices = @transform_4, window_bounds = array<i64: 64, 256>}, {pipeline_mode = #tpu.pipeline_mode<synchronous>, transform_indices = @transform_5, window_bounds = array<i64: 64, 256>}, {pipeline_mode = #tpu.pipeline_mode<synchronous>, transform_indices = @transform_6, window_bounds = array<i64: 128, 256>}, {pipeline_mode = #tpu.pipeline_mode<synchronous>, transform_indices = @transform_7, window_bounds = array<i64: 128, 256>}, {pipeline_mode = #tpu.pipeline_mode<synchronous>, transform_indices = @transform_8, window_bounds = array<i64: 2, 64>}, {transform_indices = @transform_9, window_bounds = array<i64: 250, 2, 8, 128>}, {transform_indices = @transform_10, window_bounds = array<i64: 250, 2, 8, 128>}]} {
    %get3A = arith.constant 0 : index
    %get3A_0 = arith.constant 0 : index
    %get3A_1 = vector.load %arg2[%get3A, %get3A_0] : memref<2000x128xf32, #tpu.memory_space<vmem>>, vector<2000x128xf32>
    %get3A_2 = arith.constant 0 : index
    %get3A_3 = arith.constant 0 : index
    %get3A_4 = vector.load %arg3[%get3A_2, %get3A_3] : memref<2000x64xf32, #tpu.memory_space<vmem>>, vector<2000x64xf32>
    %get3A_5 = arith.constant 0 : index
    %get3A_6 = arith.constant 0 : index
    %get3A_7 = arith.constant 0 : index
    %get3A_8 = vector.load %arg4[%get3A_5, %get3A_6, %get3A_7] : memref<1x2000x2xf32, #tpu.memory_space<vmem>>, vector<1x2000x2xf32>
    %get3A_9 = vector.shape_cast %get3A_8 : vector<1x2000x2xf32> to vector<2000x2xf32>
    %get3A_10 = arith.constant 0 : index
    %get3A_11 = arith.constant 0 : index
    %get3A_12 = arith.constant 0 : index
    %get3A_13 = vector.load %arg5[%get3A_10, %get3A_11, %get3A_12] : memref<1x2000x2xf32, #tpu.memory_space<vmem>>, vector<1x2000x2xf32>
    %get3A_14 = vector.shape_cast %get3A_13 : vector<1x2000x2xf32> to vector<2000x2xf32>
    %slice3A = vector.extract_strided_slice %get3A_1 {offsets = [0, 0], sizes = [2000, 64], strides = [1, 1]} : vector<2000x128xf32> to vector<2000x64xf32>
    %slice3A_15 = vector.extract_strided_slice %get3A_1 {offsets = [0, 64], sizes = [2000, 64], strides = [1, 1]} : vector<2000x128xf32> to vector<2000x64xf32>
    %slice3A_16 = vector.extract_strided_slice %get3A_9 {offsets = [0, 0], sizes = [2000, 1], strides = [1, 1]} : vector<2000x2xf32> to vector<2000x1xf32>
    %slice3A_17 = vector.extract_strided_slice %get3A_14 {offsets = [0, 0], sizes = [2000, 1], strides = [1, 1]} : vector<2000x2xf32> to vector<2000x1xf32>
    %concatenate3A = tpu.concatenate %slice3A_16, %slice3A_17 in 1 : vector<2000x1xf32>, vector<2000x1xf32> -> vector<2000x2xf32>
    %mul3A = arith.constant 9.900000e+01 : f32
    %mul3A_18 = vector.broadcast %mul3A : f32 to vector<2000x2xf32>
    %mul3A_19 = arith.mulf %concatenate3A, %mul3A_18 : vector<2000x2xf32>
    %slice3A_20 = vector.extract_strided_slice %get3A_9 {offsets = [0, 1], sizes = [2000, 1], strides = [1, 1]} : vector<2000x2xf32> to vector<2000x1xf32>
    %slice3A_21 = vector.extract_strided_slice %get3A_14 {offsets = [0, 1], sizes = [2000, 1], strides = [1, 1]} : vector<2000x2xf32> to vector<2000x1xf32>
    %concatenate3A_22 = tpu.concatenate %slice3A_20, %slice3A_21 in 1 : vector<2000x1xf32>, vector<2000x1xf32> -> vector<2000x2xf32>
    %mul3A_23 = arith.constant 9.900000e+01 : f32
    %mul3A_24 = vector.broadcast %mul3A_23 : f32 to vector<2000x2xf32>
    %mul3A_25 = arith.mulf %concatenate3A_22, %mul3A_24 : vector<2000x2xf32>
    %get3A_26 = arith.constant 0 : index
    %get3A_27 = arith.constant 0 : index
    %get3A_28 = vector.load %arg10[%get3A_26, %get3A_27] : memref<2x64xf32, #tpu.memory_space<vmem>>, vector<2x64xf32>
    %dot_general3A = arith.constant dense<0.000000e+00> : vector<2000x64xf32>
    %dot_general3A_29 = tpu.matmul %mul3A_19, %get3A_28, %dot_general3A {dimension_numbers = #tpu.dot_dimension_numbers<[1], [0], [0], [1], [0, 0, 1, 1], [], []>, precision = #tpu.contract_precision<fp32>, transpose_lhs_hint = false} : vector<2000x2xf32>, vector<2x64xf32>, vector<2000x64xf32> -> vector<2000x64xf32>
    %dot_general3A_30 = arith.constant dense<0.000000e+00> : vector<2000x64xf32>
    %dot_general3A_31 = tpu.matmul %mul3A_25, %get3A_28, %dot_general3A_30 {dimension_numbers = #tpu.dot_dimension_numbers<[1], [0], [0], [1], [0, 0, 1, 1], [], []>, precision = #tpu.contract_precision<fp32>, transpose_lhs_hint = false} : vector<2000x2xf32>, vector<2x64xf32>, vector<2000x64xf32> -> vector<2000x64xf32>
    %add3A = arith.addf %dot_general3A_29, %slice3A : vector<2000x64xf32>
    %add3A_32 = arith.addf %dot_general3A_31, %slice3A_15 : vector<2000x64xf32>
    %mul3A_33 = arith.constant 2.000000e+00 : f32
    %mul3A_34 = vector.broadcast %mul3A_33 : f32 to vector<2000x64xf32>
    %mul3A_35 = arith.mulf %mul3A_34, %add3A : vector<2000x64xf32>
    %div3A = arith.constant 9.900000e+01 : f32
    %div3A_36 = vector.broadcast %div3A : f32 to vector<2000x64xf32>
    %div3A_37 = arith.divf %mul3A_35, %div3A_36 : vector<2000x64xf32>
    %sub3A = arith.constant 1.000000e+00 : f32
    %sub3A_38 = vector.broadcast %sub3A : f32 to vector<2000x64xf32>
    %sub3A_39 = arith.subf %div3A_37, %sub3A_38 : vector<2000x64xf32>
    %mul3A_40 = arith.constant 2.000000e+00 : f32
    %mul3A_41 = vector.broadcast %mul3A_40 : f32 to vector<2000x64xf32>
    %mul3A_42 = arith.mulf %mul3A_41, %add3A_32 : vector<2000x64xf32>
    %div3A_43 = arith.constant 9.900000e+01 : f32
    %div3A_44 = vector.broadcast %div3A_43 : f32 to vector<2000x64xf32>
    %div3A_45 = arith.divf %mul3A_42, %div3A_44 : vector<2000x64xf32>
    %sub3A_46 = arith.constant 1.000000e+00 : f32
    %sub3A_47 = vector.broadcast %sub3A_46 : f32 to vector<2000x64xf32>
    %sub3A_48 = arith.subf %div3A_45, %sub3A_47 : vector<2000x64xf32>
    %add3A_49 = arith.constant 1.000000e+00 : f32
    %add3A_50 = vector.broadcast %add3A_49 : f32 to vector<2000x64xf32>
    %add3A_51 = arith.addf %sub3A_39, %add3A_50 : vector<2000x64xf32>
    %mul3A_52 = arith.constant 1.000000e+02 : f32
    %mul3A_53 = vector.broadcast %mul3A_52 : f32 to vector<2000x64xf32>
    %mul3A_54 = arith.mulf %add3A_51, %mul3A_53 : vector<2000x64xf32>
    %sub3A_55 = arith.constant 1.000000e+00 : f32
    %sub3A_56 = vector.broadcast %sub3A_55 : f32 to vector<2000x64xf32>
    %sub3A_57 = arith.subf %mul3A_54, %sub3A_56 : vector<2000x64xf32>
    %div3A_58 = arith.constant 2.000000e+00 : f32
    %div3A_59 = vector.broadcast %div3A_58 : f32 to vector<2000x64xf32>
    %div3A_60 = arith.divf %sub3A_57, %div3A_59 : vector<2000x64xf32>
    %add3A_61 = arith.constant 1.000000e+00 : f32
    %add3A_62 = vector.broadcast %add3A_61 : f32 to vector<2000x64xf32>
    %add3A_63 = arith.addf %sub3A_48, %add3A_62 : vector<2000x64xf32>
    %mul3A_64 = arith.constant 1.000000e+02 : f32
    %mul3A_65 = vector.broadcast %mul3A_64 : f32 to vector<2000x64xf32>
    %mul3A_66 = arith.mulf %add3A_63, %mul3A_65 : vector<2000x64xf32>
    %sub3A_67 = arith.constant 1.000000e+00 : f32
    %sub3A_68 = vector.broadcast %sub3A_67 : f32 to vector<2000x64xf32>
    %sub3A_69 = arith.subf %mul3A_66, %sub3A_68 : vector<2000x64xf32>
    %div3A_70 = arith.constant 2.000000e+00 : f32
    %div3A_71 = vector.broadcast %div3A_70 : f32 to vector<2000x64xf32>
    %div3A_72 = arith.divf %sub3A_69, %div3A_71 : vector<2000x64xf32>
    %floor3A = math.floor %div3A_60 : vector<2000x64xf32>
    %floor3A_73 = math.floor %div3A_72 : vector<2000x64xf32>
    %add3A_74 = arith.constant 1.000000e+00 : f32
    %add3A_75 = vector.broadcast %add3A_74 : f32 to vector<2000x64xf32>
    %add3A_76 = arith.addf %floor3A, %add3A_75 : vector<2000x64xf32>
    %add3A_77 = arith.constant 1.000000e+00 : f32
    %add3A_78 = vector.broadcast %add3A_77 : f32 to vector<2000x64xf32>
    %add3A_79 = arith.addf %floor3A_73, %add3A_78 : vector<2000x64xf32>
    %sub3A_80 = arith.subf %div3A_60, %floor3A : vector<2000x64xf32>
    %sub3A_81 = arith.constant 1.000000e+00 : f32
    %sub3A_82 = vector.broadcast %sub3A_81 : f32 to vector<2000x64xf32>
    %sub3A_83 = arith.subf %sub3A_82, %sub3A_80 : vector<2000x64xf32>
    %sub3A_84 = arith.subf %div3A_72, %floor3A_73 : vector<2000x64xf32>
    %sub3A_85 = arith.constant 1.000000e+00 : f32
    %sub3A_86 = vector.broadcast %sub3A_85 : f32 to vector<2000x64xf32>
    %sub3A_87 = arith.subf %sub3A_86, %sub3A_84 : vector<2000x64xf32>
    %ge3A = arith.constant 0.000000e+00 : f32
    %ge3A_88 = vector.broadcast %ge3A : f32 to vector<2000x64xf32>
    %ge3A_89 = arith.cmpf oge, %floor3A, %ge3A_88 : vector<2000x64xf32>
    %le3A = arith.constant 9.900000e+01 : f32
    %le3A_90 = vector.broadcast %le3A : f32 to vector<2000x64xf32>
    %le3A_91 = arith.cmpf ole, %floor3A, %le3A_90 : vector<2000x64xf32>
    %and3A = arith.andi %ge3A_89, %le3A_91 : vector<2000x64xi1>
    %convert_element_type3A = arith.extui %and3A : vector<2000x64xi1> to vector<2000x64xi32>
    %convert_element_type3A_92 = arith.sitofp %convert_element_type3A : vector<2000x64xi32> to vector<2000x64xf32>
    %mul3A_93 = arith.mulf %sub3A_83, %convert_element_type3A_92 : vector<2000x64xf32>
    %ge3A_94 = arith.constant 0.000000e+00 : f32
    %ge3A_95 = vector.broadcast %ge3A_94 : f32 to vector<2000x64xf32>
    %ge3A_96 = arith.cmpf oge, %add3A_76, %ge3A_95 : vector<2000x64xf32>
    %le3A_97 = arith.constant 9.900000e+01 : f32
    %le3A_98 = vector.broadcast %le3A_97 : f32 to vector<2000x64xf32>
    %le3A_99 = arith.cmpf ole, %add3A_76, %le3A_98 : vector<2000x64xf32>
    %and3A_100 = arith.andi %ge3A_96, %le3A_99 : vector<2000x64xi1>
    %convert_element_type3A_101 = arith.extui %and3A_100 : vector<2000x64xi1> to vector<2000x64xi32>
    %convert_element_type3A_102 = arith.sitofp %convert_element_type3A_101 : vector<2000x64xi32> to vector<2000x64xf32>
    %mul3A_103 = arith.mulf %sub3A_80, %convert_element_type3A_102 : vector<2000x64xf32>
    %concatenate3A_104 = tpu.concatenate %mul3A_93, %mul3A_103 in 1 : vector<2000x64xf32>, vector<2000x64xf32> -> vector<2000x128xf32>
    %ge3A_105 = arith.constant 0.000000e+00 : f32
    %ge3A_106 = vector.broadcast %ge3A_105 : f32 to vector<2000x64xf32>
    %ge3A_107 = arith.cmpf oge, %floor3A_73, %ge3A_106 : vector<2000x64xf32>
    %le3A_108 = arith.constant 9.900000e+01 : f32
    %le3A_109 = vector.broadcast %le3A_108 : f32 to vector<2000x64xf32>
    %le3A_110 = arith.cmpf ole, %floor3A_73, %le3A_109 : vector<2000x64xf32>
    %and3A_111 = arith.andi %ge3A_107, %le3A_110 : vector<2000x64xi1>
    %convert_element_type3A_112 = arith.extui %and3A_111 : vector<2000x64xi1> to vector<2000x64xi32>
    %convert_element_type3A_113 = arith.sitofp %convert_element_type3A_112 : vector<2000x64xi32> to vector<2000x64xf32>
    %mul3A_114 = arith.mulf %sub3A_87, %convert_element_type3A_113 : vector<2000x64xf32>
    %ge3A_115 = arith.constant 0.000000e+00 : f32
    %ge3A_116 = vector.broadcast %ge3A_115 : f32 to vector<2000x64xf32>
    %ge3A_117 = arith.cmpf oge, %add3A_79, %ge3A_116 : vector<2000x64xf32>
    %le3A_118 = arith.constant 9.900000e+01 : f32
    %le3A_119 = vector.broadcast %le3A_118 : f32 to vector<2000x64xf32>
    %le3A_120 = arith.cmpf ole, %add3A_79, %le3A_119 : vector<2000x64xf32>
    %and3A_121 = arith.andi %ge3A_117, %le3A_120 : vector<2000x64xi1>
    %convert_element_type3A_122 = arith.extui %and3A_121 : vector<2000x64xi1> to vector<2000x64xi32>
    %convert_element_type3A_123 = arith.sitofp %convert_element_type3A_122 : vector<2000x64xi32> to vector<2000x64xf32>
    %mul3A_124 = arith.mulf %sub3A_84, %convert_element_type3A_123 : vector<2000x64xf32>
    %concatenate3A_125 = tpu.concatenate %mul3A_114, %mul3A_124 in 1 : vector<2000x64xf32>, vector<2000x64xf32> -> vector<2000x128xf32>
    %jit3A = arith.constant 0.000000e+00 : f32
    %jit3A_126 = arith.constant 9.900000e+01 : f32
    %max3A = vector.broadcast %jit3A : f32 to vector<2000x64xf32>
    %max3A_127 = arith.maximumf %max3A, %floor3A : vector<2000x64xf32>
    %min3A = vector.broadcast %jit3A_126 : f32 to vector<2000x64xf32>
    %min3A_128 = arith.minimumf %min3A, %max3A_127 : vector<2000x64xf32>
    %jit3A_129 = arith.constant 0.000000e+00 : f32
    %jit3A_130 = arith.constant 9.900000e+01 : f32
    %max3A_131 = vector.broadcast %jit3A_129 : f32 to vector<2000x64xf32>
    %max3A_132 = arith.maximumf %max3A_131, %add3A_76 : vector<2000x64xf32>
    %min3A_133 = vector.broadcast %jit3A_130 : f32 to vector<2000x64xf32>
    %min3A_134 = arith.minimumf %min3A_133, %max3A_132 : vector<2000x64xf32>
    %concatenate3A_135 = tpu.concatenate %min3A_128, %min3A_134 in 1 : vector<2000x64xf32>, vector<2000x64xf32> -> vector<2000x128xf32>
    %jit3A_136 = arith.constant 0.000000e+00 : f32
    %jit3A_137 = arith.constant 9.900000e+01 : f32
    %max3A_138 = vector.broadcast %jit3A_136 : f32 to vector<2000x64xf32>
    %max3A_139 = arith.maximumf %max3A_138, %floor3A_73 : vector<2000x64xf32>
    %min3A_140 = vector.broadcast %jit3A_137 : f32 to vector<2000x64xf32>
    %min3A_141 = arith.minimumf %min3A_140, %max3A_139 : vector<2000x64xf32>
    %jit3A_142 = arith.constant 0.000000e+00 : f32
    %jit3A_143 = arith.constant 9.900000e+01 : f32
    %max3A_144 = vector.broadcast %jit3A_142 : f32 to vector<2000x64xf32>
    %max3A_145 = arith.maximumf %max3A_144, %add3A_79 : vector<2000x64xf32>
    %min3A_146 = vector.broadcast %jit3A_143 : f32 to vector<2000x64xf32>
    %min3A_147 = arith.minimumf %min3A_146, %max3A_145 : vector<2000x64xf32>
    %concatenate3A_148 = tpu.concatenate %min3A_141, %min3A_147 in 1 : vector<2000x64xf32>, vector<2000x64xf32> -> vector<2000x128xf32>
    %get3A_149 = arith.constant 0 : index
    %get3A_150 = arith.constant 0 : index
    %get3A_151 = vector.load %arg8[%get3A_149, %get3A_150] : memref<128x256xf32, #tpu.memory_space<vmem>>, vector<128x256xf32>
    %get3A_152 = arith.constant 0 : index
    %get3A_153 = arith.constant 0 : index
    %get3A_154 = vector.load %arg9[%get3A_152, %get3A_153] : memref<128x256xf32, #tpu.memory_space<vmem>>, vector<128x256xf32>
    %dot_general3A_155 = arith.constant dense<0.000000e+00> : vector<2000x256xf32>
    %dot_general3A_156 = tpu.matmul %concatenate3A_104, %get3A_151, %dot_general3A_155 {dimension_numbers = #tpu.dot_dimension_numbers<[1], [0], [0], [1], [0, 0, 1, 1], [], []>, precision = #tpu.contract_precision<fp32>, transpose_lhs_hint = false} : vector<2000x128xf32>, vector<128x256xf32>, vector<2000x256xf32> -> vector<2000x256xf32>
    %dot_general3A_157 = arith.constant dense<0.000000e+00> : vector<2000x256xf32>
    %dot_general3A_158 = tpu.matmul %concatenate3A_125, %get3A_154, %dot_general3A_157 {dimension_numbers = #tpu.dot_dimension_numbers<[1], [0], [0], [1], [0, 0, 1, 1], [], []>, precision = #tpu.contract_precision<fp32>, transpose_lhs_hint = false} : vector<2000x128xf32>, vector<128x256xf32>, vector<2000x256xf32> -> vector<2000x256xf32>
    %dot_general3A_159 = arith.constant dense<0.000000e+00> : vector<2000x256xf32>
    %dot_general3A_160 = tpu.matmul %concatenate3A_135, %get3A_151, %dot_general3A_159 {dimension_numbers = #tpu.dot_dimension_numbers<[1], [0], [0], [1], [0, 0, 1, 1], [], []>, precision = #tpu.contract_precision<fp32>, transpose_lhs_hint = false} : vector<2000x128xf32>, vector<128x256xf32>, vector<2000x256xf32> -> vector<2000x256xf32>
    %dot_general3A_161 = arith.constant dense<0.000000e+00> : vector<2000x256xf32>
    %dot_general3A_162 = tpu.matmul %concatenate3A_148, %get3A_154, %dot_general3A_161 {dimension_numbers = #tpu.dot_dimension_numbers<[1], [0], [0], [1], [0, 0, 1, 1], [], []>, precision = #tpu.contract_precision<fp32>, transpose_lhs_hint = false} : vector<2000x128xf32>, vector<128x256xf32>, vector<2000x256xf32> -> vector<2000x256xf32>
    %exp3A = math.exp %get3A_4 : vector<2000x64xf32>
    %get3A_163 = arith.constant 0 : index
    %get3A_164 = arith.constant 0 : index
    %get3A_165 = vector.load %arg6[%get3A_163, %get3A_164] : memref<64x256xf32, #tpu.memory_space<vmem>>, vector<64x256xf32>
    %dot_general3A_166 = arith.constant dense<0.000000e+00> : vector<2000x256xf32>
    %dot_general3A_167 = tpu.matmul %exp3A, %get3A_165, %dot_general3A_166 {dimension_numbers = #tpu.dot_dimension_numbers<[1], [0], [0], [1], [0, 0, 1, 1], [], []>, precision = #tpu.contract_precision<fp32>, transpose_lhs_hint = false} : vector<2000x64xf32>, vector<64x256xf32>, vector<2000x256xf32> -> vector<2000x256xf32>
    %get3A_168 = arith.constant 0 : index
    %get3A_169 = arith.constant 0 : index
    %get3A_170 = vector.load %arg7[%get3A_168, %get3A_169] : memref<64x256xf32, #tpu.memory_space<vmem>>, vector<64x256xf32>
    %dot_general3A_171 = arith.constant dense<0.000000e+00> : vector<2000x256xf32>
    %dot_general3A_172 = tpu.matmul %exp3A, %get3A_170, %dot_general3A_171 {dimension_numbers = #tpu.dot_dimension_numbers<[1], [0], [0], [1], [0, 0, 1, 1], [], []>, precision = #tpu.contract_precision<fp32>, transpose_lhs_hint = false} : vector<2000x64xf32>, vector<64x256xf32>, vector<2000x256xf32> -> vector<2000x256xf32>
    %div3A_173 = arith.divf %dot_general3A_167, %dot_general3A_172 : vector<2000x256xf32>
    %mul3A_174 = arith.mulf %div3A_173, %dot_general3A_156 : vector<2000x256xf32>
    %mul3A_175 = arith.mulf %mul3A_174, %dot_general3A_158 : vector<2000x256xf32>
    %mul3A_176 = arith.constant 10000 : i32
    %mul3A_177 = arith.muli %arg0, %mul3A_176 : i32
    %convert_element_type3A_178 = arith.sitofp %mul3A_177 : i32 to f32
    %mul3A_179 = arith.constant 1.000000e+02 : f32
    %mul3A_180 = vector.broadcast %mul3A_179 : f32 to vector<2000x256xf32>
    %mul3A_181 = arith.mulf %dot_general3A_162, %mul3A_180 : vector<2000x256xf32>
    %add3A_182 = vector.broadcast %convert_element_type3A_178 : f32 to vector<2000x256xf32>
    %add3A_183 = arith.addf %add3A_182, %mul3A_181 : vector<2000x256xf32>
    %add3A_184 = arith.addf %add3A_183, %dot_general3A_160 : vector<2000x256xf32>
    %mul3A_185 = arith.constant 1.250000e-01 : f32
    %mul3A_186 = vector.broadcast %mul3A_185 : f32 to vector<2000x256xf32>
    %mul3A_187 = arith.mulf %add3A_184, %mul3A_186 : vector<2000x256xf32>
    %floor3A_188 = math.floor %mul3A_187 : vector<2000x256xf32>
    %iota3A = tpu.iota {dimensions = array<i32: 1>} : vector<1x256xi32>
    %jit3A_189 = arith.constant 32 : i32
    %div3A_190 = vector.broadcast %jit3A_189 : i32 to vector<1x256xi32>
    %div3A_191 = arith.divsi %iota3A, %div3A_190 : vector<1x256xi32>
    %sign3A = arith.constant 0 : i32
    %sign3A_192 = vector.broadcast %sign3A : i32 to vector<1x256xi32>
    %sign3A_193 = arith.cmpi sgt, %iota3A, %sign3A_192 : vector<1x256xi32>
    %sign3A_194 = arith.extui %sign3A_193 : vector<1x256xi1> to vector<1x256xi32>
    %sign3A_195 = arith.constant 0 : i32
    %sign3A_196 = vector.broadcast %sign3A_195 : i32 to vector<1x256xi32>
    %sign3A_197 = arith.cmpi slt, %iota3A, %sign3A_196 : vector<1x256xi32>
    %sign3A_198 = arith.extui %sign3A_197 : vector<1x256xi1> to vector<1x256xi32>
    %sign3A_199 = arith.subi %sign3A_194, %sign3A_198 : vector<1x256xi32>
    %sign3A_200 = arith.constant 0 : i32
    %sign3A_201 = arith.cmpi sgt, %jit3A_189, %sign3A_200 : i32
    %sign3A_202 = arith.extui %sign3A_201 : i1 to i32
    %sign3A_203 = arith.constant 0 : i32
    %sign3A_204 = arith.cmpi slt, %jit3A_189, %sign3A_203 : i32
    %sign3A_205 = arith.extui %sign3A_204 : i1 to i32
    %sign3A_206 = arith.subi %sign3A_202, %sign3A_205 : i32
    %ne3A = vector.broadcast %sign3A_206 : i32 to vector<1x256xi32>
    %ne3A_207 = arith.cmpi ne, %sign3A_199, %ne3A : vector<1x256xi32>
    %rem3A = vector.broadcast %jit3A_189 : i32 to vector<1x256xi32>
    %rem3A_208 = arith.remsi %iota3A, %rem3A : vector<1x256xi32>
    %ne3A_209 = arith.constant 0 : i32
    %ne3A_210 = vector.broadcast %ne3A_209 : i32 to vector<1x256xi32>
    %ne3A_211 = arith.cmpi ne, %rem3A_208, %ne3A_210 : vector<1x256xi32>
    %and3A_212 = arith.andi %ne3A_207, %ne3A_211 : vector<1x256xi1>
    %sub3A_213 = arith.constant 1 : i32
    %sub3A_214 = vector.broadcast %sub3A_213 : i32 to vector<1x256xi32>
    %sub3A_215 = arith.subi %div3A_191, %sub3A_214 : vector<1x256xi32>
    %select_n3A = arith.select %and3A_212, %sub3A_215, %div3A_191 : vector<1x256xi1>, vector<1x256xi32>
    %jit3A_216 = arith.constant 4 : i32
    %div3A_217 = vector.broadcast %jit3A_216 : i32 to vector<1x256xi32>
    %div3A_218 = arith.divsi %select_n3A, %div3A_217 : vector<1x256xi32>
    %sign3A_219 = arith.constant 0 : i32
    %sign3A_220 = vector.broadcast %sign3A_219 : i32 to vector<1x256xi32>
    %sign3A_221 = arith.cmpi sgt, %select_n3A, %sign3A_220 : vector<1x256xi32>
    %sign3A_222 = arith.extui %sign3A_221 : vector<1x256xi1> to vector<1x256xi32>
    %sign3A_223 = arith.constant 0 : i32
    %sign3A_224 = vector.broadcast %sign3A_223 : i32 to vector<1x256xi32>
    %sign3A_225 = arith.cmpi slt, %select_n3A, %sign3A_224 : vector<1x256xi32>
    %sign3A_226 = arith.extui %sign3A_225 : vector<1x256xi1> to vector<1x256xi32>
    %sign3A_227 = arith.subi %sign3A_222, %sign3A_226 : vector<1x256xi32>
    %sign3A_228 = arith.constant 0 : i32
    %sign3A_229 = arith.cmpi sgt, %jit3A_216, %sign3A_228 : i32
    %sign3A_230 = arith.extui %sign3A_229 : i1 to i32
    %sign3A_231 = arith.constant 0 : i32
    %sign3A_232 = arith.cmpi slt, %jit3A_216, %sign3A_231 : i32
    %sign3A_233 = arith.extui %sign3A_232 : i1 to i32
    %sign3A_234 = arith.subi %sign3A_230, %sign3A_233 : i32
    %ne3A_235 = vector.broadcast %sign3A_234 : i32 to vector<1x256xi32>
    %ne3A_236 = arith.cmpi ne, %sign3A_227, %ne3A_235 : vector<1x256xi32>
    %rem3A_237 = vector.broadcast %jit3A_216 : i32 to vector<1x256xi32>
    %rem3A_238 = arith.remsi %select_n3A, %rem3A_237 : vector<1x256xi32>
    %ne3A_239 = arith.constant 0 : i32
    %ne3A_240 = vector.broadcast %ne3A_239 : i32 to vector<1x256xi32>
    %ne3A_241 = arith.cmpi ne, %rem3A_238, %ne3A_240 : vector<1x256xi32>
    %and3A_242 = arith.andi %ne3A_236, %ne3A_241 : vector<1x256xi1>
    %sub3A_243 = arith.constant 1 : i32
    %sub3A_244 = vector.broadcast %sub3A_243 : i32 to vector<1x256xi32>
    %sub3A_245 = arith.subi %div3A_218, %sub3A_244 : vector<1x256xi32>
    %select_n3A_246 = arith.select %and3A_242, %sub3A_245, %div3A_218 : vector<1x256xi1>, vector<1x256xi32>
    %mul3A_247 = arith.constant 32 : i32
    %mul3A_248 = vector.broadcast %mul3A_247 : i32 to vector<1x256xi32>
    %mul3A_249 = arith.muli %select_n3A_246, %mul3A_248 : vector<1x256xi32>
    %jit3A_250 = arith.constant 4 : i32
    %eq3A = arith.constant 0 : i32
    %eq3A_251 = arith.cmpi eq, %jit3A_250, %eq3A : i32
    %jit3A_252 = arith.constant 1 : i32
    %select_n3A_253 = arith.select %eq3A_251, %jit3A_252, %jit3A_250 : i32
    %rem3A_254 = vector.broadcast %select_n3A_253 : i32 to vector<1x256xi32>
    %rem3A_255 = arith.remsi %select_n3A, %rem3A_254 : vector<1x256xi32>
    %ne3A_256 = arith.constant 0 : i32
    %ne3A_257 = vector.broadcast %ne3A_256 : i32 to vector<1x256xi32>
    %ne3A_258 = arith.cmpi ne, %rem3A_255, %ne3A_257 : vector<1x256xi32>
    %lt3A = arith.constant 0 : i32
    %lt3A_259 = vector.broadcast %lt3A : i32 to vector<1x256xi32>
    %lt3A_260 = arith.cmpi slt, %rem3A_255, %lt3A_259 : vector<1x256xi32>
    %lt3A_261 = arith.constant 0 : i32
    %lt3A_262 = arith.cmpi slt, %select_n3A_253, %lt3A_261 : i32
    %ne3A_263 = vector.broadcast %lt3A_262 : i1 to vector<1x256xi1>
    %ne3A_264 = vector.broadcast %ne3A_263 : vector<1x256xi1> to vector<1x256xi1>
    %ne3A_265 = arith.xori %lt3A_260, %ne3A_264 : vector<1x256xi1>
    %and3A_266 = arith.andi %ne3A_265, %ne3A_258 : vector<1x256xi1>
    %add3A_267 = vector.broadcast %select_n3A_253 : i32 to vector<1x256xi32>
    %add3A_268 = arith.addi %rem3A_255, %add3A_267 : vector<1x256xi32>
    %select_n3A_269 = arith.select %and3A_266, %add3A_268, %rem3A_255 : vector<1x256xi1>, vector<1x256xi32>
    %add3A_270 = arith.addi %mul3A_249, %select_n3A_269 : vector<1x256xi32>
    %convert_element_type3A_271 = arith.sitofp %add3A_270 : vector<1x256xi32> to vector<1x256xf32>
    %mul3A_272 = arith.constant 6.400000e+01 : f32
    %mul3A_273 = vector.broadcast %mul3A_272 : f32 to vector<2000x256xf32>
    %mul3A_274 = arith.mulf %floor3A_188, %mul3A_273 : vector<2000x256xf32>
    %mul3A_275 = arith.constant 8.000000e+00 : f32
    %mul3A_276 = vector.broadcast %mul3A_275 : f32 to vector<2000x256xf32>
    %mul3A_277 = arith.mulf %floor3A_188, %mul3A_276 : vector<2000x256xf32>
    %sub3A_278 = arith.subf %add3A_184, %mul3A_277 : vector<2000x256xf32>
    %mul3A_279 = arith.constant 4.000000e+00 : f32
    %mul3A_280 = vector.broadcast %mul3A_279 : f32 to vector<2000x256xf32>
    %mul3A_281 = arith.mulf %sub3A_278, %mul3A_280 : vector<2000x256xf32>
    %add3A_282 = arith.addf %mul3A_274, %mul3A_281 : vector<2000x256xf32>
    %add3A_283 = vector.broadcast %convert_element_type3A_271 : vector<1x256xf32> to vector<2000x256xf32>
    %add3A_284 = arith.addf %add3A_282, %add3A_283 : vector<2000x256xf32>
    %convert_element_type3A_285 = arith.fptosi %add3A_284 : vector<2000x256xf32> to vector<2000x256xi32>
    %reshape3A = vector.shape_cast %convert_element_type3A_285 : vector<2000x256xi32> to vector<250x8x2x128xi32>
    %transpose3A = tpu.transpose %reshape3A, [0, 2, 1, 3] : vector<250x8x2x128xi32> -> vector<250x2x8x128xi32>
    %swap3A = arith.constant 0 : index
    %swap3A_286 = arith.constant 0 : index
    %swap3A_287 = arith.constant 0 : index
    %swap3A_288 = arith.constant 0 : index
    %swap3A_289 = vector.load %arg11[%swap3A, %swap3A_286, %swap3A_287, %swap3A_288] : memref<250x2x8x128xi32, #tpu.memory_space<vmem>>, vector<250x2x8x128xi32>
    tpu.vector_store %arg11[%swap3A, %swap3A_286, %swap3A_287, %swap3A_288], %transpose3A {strides = array<i32>} : memref<250x2x8x128xi32, #tpu.memory_space<vmem>>, vector<250x2x8x128xi32>,
    %reshape3A_290 = vector.shape_cast %mul3A_175 : vector<2000x256xf32> to vector<250x8x2x128xf32>
    %transpose3A_291 = tpu.transpose %reshape3A_290, [0, 2, 1, 3] : vector<250x8x2x128xf32> -> vector<250x2x8x128xf32>
    %swap3A_292 = arith.constant 0 : index
    %swap3A_293 = arith.constant 0 : index
    %swap3A_294 = arith.constant 0 : index
    %swap3A_295 = arith.constant 0 : index
    %swap3A_296 = vector.load %arg12[%swap3A_292, %swap3A_293, %swap3A_294, %swap3A_295] : memref<250x2x8x128xf32, #tpu.memory_space<vmem>>, vector<250x2x8x128xf32>
    tpu.vector_store %arg12[%swap3A_292, %swap3A_293, %swap3A_294, %swap3A_295], %transpose3A_291 {strides = array<i32>} : memref<250x2x8x128xf32, #tpu.memory_space<vmem>>, vector<250x2x8x128xf32>,
    return
  }
  func.func @transform_0(%arg0: i32, %arg1: i32) -> (i32, i32) {
    %mul3A = arith.constant 5 : i32
    %mul3A_0 = arith.muli %arg0, %mul3A : i32
    %add3A = arith.addi %mul3A_0, %arg1 : i32
    %c0_i32 = arith.constant 0 : i32
    %c0_i32_1 = arith.constant 0 : i32
    return %add3A, %c0_i32 : i32, i32
  }
  func.func @transform_1(%arg0: i32, %arg1: i32) -> (i32, i32) {
    %mul3A = arith.constant 5 : i32
    %mul3A_0 = arith.muli %arg0, %mul3A : i32
    %add3A = arith.addi %mul3A_0, %arg1 : i32
    %c0_i32 = arith.constant 0 : i32
    %c0_i32_1 = arith.constant 0 : i32
    return %add3A, %c0_i32 : i32, i32
  }
  func.func @transform_2(%arg0: i32, %arg1: i32) -> (i32, i32, i32) {
    %c0_i32 = arith.constant 0 : i32
    %c0_i32_0 = arith.constant 0 : i32
    %c0_i32_1 = arith.constant 0 : i32
    return %c0_i32, %arg1, %c0_i32_0 : i32, i32, i32
  }
  func.func @transform_3(%arg0: i32, %arg1: i32) -> (i32, i32, i32) {
    %c1_i32 = arith.constant 1 : i32
    %c0_i32 = arith.constant 0 : i32
    %c0_i32_0 = arith.constant 0 : i32
    return %c1_i32, %arg1, %c0_i32 : i32, i32, i32
  }
  func.func @transform_4(%arg0: i32, %arg1: i32) -> (i32, i32) {
    %c0_i32 = arith.constant 0 : i32
    %c0_i32_0 = arith.constant 0 : i32
    %c0_i32_1 = arith.constant 0 : i32
    return %c0_i32, %c0_i32_0 : i32, i32
  }
  func.func @transform_5(%arg0: i32, %arg1: i32) -> (i32, i32) {
    %c0_i32 = arith.constant 0 : i32
    %c0_i32_0 = arith.constant 0 : i32
    %c0_i32_1 = arith.constant 0 : i32
    return %c0_i32, %c0_i32_0 : i32, i32
  }
  func.func @transform_6(%arg0: i32, %arg1: i32) -> (i32, i32) {
    %c0_i32 = arith.constant 0 : i32
    %c0_i32_0 = arith.constant 0 : i32
    %c0_i32_1 = arith.constant 0 : i32
    return %c0_i32, %c0_i32_0 : i32, i32
  }
  func.func @transform_7(%arg0: i32, %arg1: i32) -> (i32, i32) {
    %c0_i32 = arith.constant 0 : i32
    %c0_i32_0 = arith.constant 0 : i32
    %c0_i32_1 = arith.constant 0 : i32
    return %c0_i32, %c0_i32_0 : i32, i32
  }
  func.func @transform_8(%arg0: i32, %arg1: i32) -> (i32, i32) {
    %c0_i32 = arith.constant 0 : i32
    %c0_i32_0 = arith.constant 0 : i32
    %c0_i32_1 = arith.constant 0 : i32
    return %c0_i32, %c0_i32_0 : i32, i32
  }
  func.func @transform_9(%arg0: i32, %arg1: i32) -> (i32, i32, i32, i32) {
    %mul3A = arith.constant 5 : i32
    %mul3A_0 = arith.muli %arg0, %mul3A : i32
    %add3A = arith.addi %mul3A_0, %arg1 : i32
    %c0_i32 = arith.constant 0 : i32
    %c0_i32_1 = arith.constant 0 : i32
    %c0_i32_2 = arith.constant 0 : i32
    %c0_i32_3 = arith.constant 0 : i32
    return %add3A, %c0_i32, %c0_i32_1, %c0_i32_2 : i32, i32, i32, i32
  }
  func.func @transform_10(%arg0: i32, %arg1: i32) -> (i32, i32, i32, i32) {
    %mul3A = arith.constant 5 : i32
    %mul3A_0 = arith.muli %arg0, %mul3A : i32
    %add3A = arith.addi %mul3A_0, %arg1 : i32
    %c0_i32 = arith.constant 0 : i32
    %c0_i32_1 = arith.constant 0 : i32
    %c0_i32_2 = arith.constant 0 : i32
    %c0_i32_3 = arith.constant 0 : i32
    return %add3A, %c0_i32, %c0_i32_1, %c0_i32_2 : i32, i32, i32, i32
  }
}

module attributes {stable_mosaic.version = 14 : i64} {
  func.func @_post_body(%arg0: i32, %arg1: memref<125x2x8x128xf32, #tpu.memory_space<vmem>>, %arg2: memref<256x256xf32, #tpu.memory_space<vmem>>, %arg3: memref<1x256xf32, #tpu.memory_space<vmem>>, %arg4: memref<256x1024xf32, #tpu.memory_space<vmem>>, %arg5: memref<1x1024xf32, #tpu.memory_space<vmem>>, %arg6: memref<1024x256xf32, #tpu.memory_space<vmem>>, %arg7: memref<1x256xf32, #tpu.memory_space<vmem>>, %arg8: memref<1x256xf32, #tpu.memory_space<vmem>>, %arg9: memref<1x256xf32, #tpu.memory_space<vmem>>, %arg10: memref<1x10x100x256xf32, #tpu.memory_space<vmem>>) attributes {dimension_semantics = [#tpu.dimension_semantics<arbitrary>], iteration_bounds = array<i64: 20>, scalar_prefetch = 0 : i64, scratch_operands = 0 : i64, tpu.core_type = #tpu.core_type<tc>, window_params = [{transform_indices = @transform_0, window_bounds = array<i64: 125, 2, 8, 128>}, {pipeline_mode = #tpu.pipeline_mode<synchronous>, transform_indices = @transform_1, window_bounds = array<i64: 256, 256>}, {pipeline_mode = #tpu.pipeline_mode<synchronous>, transform_indices = @transform_2, window_bounds = array<i64: 1, 256>}, {pipeline_mode = #tpu.pipeline_mode<synchronous>, transform_indices = @transform_3, window_bounds = array<i64: 256, 1024>}, {pipeline_mode = #tpu.pipeline_mode<synchronous>, transform_indices = @transform_4, window_bounds = array<i64: 1, 1024>}, {pipeline_mode = #tpu.pipeline_mode<synchronous>, transform_indices = @transform_5, window_bounds = array<i64: 1024, 256>}, {pipeline_mode = #tpu.pipeline_mode<synchronous>, transform_indices = @transform_6, window_bounds = array<i64: 1, 256>}, {pipeline_mode = #tpu.pipeline_mode<synchronous>, transform_indices = @transform_7, window_bounds = array<i64: 1, 256>}, {pipeline_mode = #tpu.pipeline_mode<synchronous>, transform_indices = @transform_8, window_bounds = array<i64: 1, 256>}, {transform_indices = @transform_9, window_bounds = array<i64: 1, 10, 100, 256>}]} {
    %get3A = arith.constant 0 : index
    %get3A_0 = arith.constant 0 : index
    %get3A_1 = arith.constant 0 : index
    %get3A_2 = arith.constant 0 : index
    %get3A_3 = vector.load %arg1[%get3A, %get3A_0, %get3A_1, %get3A_2] : memref<125x2x8x128xf32, #tpu.memory_space<vmem>>, vector<125x2x8x128xf32>
    %transpose3A = tpu.transpose %get3A_3, [0, 2, 1, 3] : vector<125x2x8x128xf32> -> vector<125x8x2x128xf32>
    %reshape3A = vector.shape_cast %transpose3A : vector<125x8x2x128xf32> to vector<1000x256xf32>
    %get3A_4 = arith.constant 0 : index
    %get3A_5 = arith.constant 0 : index
    %get3A_6 = vector.load %arg2[%get3A_4, %get3A_5] : memref<256x256xf32, #tpu.memory_space<vmem>>, vector<256x256xf32>
    %dot_general3A = arith.constant dense<0.000000e+00> : vector<1000x256xf32>
    %dot_general3A_7 = tpu.matmul %reshape3A, %get3A_6, %dot_general3A {dimension_numbers = #tpu.dot_dimension_numbers<[1], [0], [0], [1], [0, 0, 1, 1], [], []>, transpose_lhs_hint = false} : vector<1000x256xf32>, vector<256x256xf32>, vector<1000x256xf32> -> vector<1000x256xf32>
    %get3A_8 = arith.constant 0 : index
    %get3A_9 = arith.constant 0 : index
    %get3A_10 = vector.load %arg3[%get3A_8, %get3A_9] : memref<1x256xf32, #tpu.memory_space<vmem>>, vector<1x256xf32>
    %add3A = vector.broadcast %get3A_10 : vector<1x256xf32> to vector<1000x256xf32>
    %add3A_11 = arith.addf %dot_general3A_7, %add3A : vector<1000x256xf32>
    %get3A_12 = arith.constant 0 : index
    %get3A_13 = arith.constant 0 : index
    %get3A_14 = vector.load %arg4[%get3A_12, %get3A_13] : memref<256x1024xf32, #tpu.memory_space<vmem>>, vector<256x1024xf32>
    %dot_general3A_15 = arith.constant dense<0.000000e+00> : vector<1000x1024xf32>
    %dot_general3A_16 = tpu.matmul %add3A_11, %get3A_14, %dot_general3A_15 {dimension_numbers = #tpu.dot_dimension_numbers<[1], [0], [0], [1], [0, 0, 1, 1], [], []>, transpose_lhs_hint = false} : vector<1000x256xf32>, vector<256x1024xf32>, vector<1000x1024xf32> -> vector<1000x1024xf32>
    %get3A_17 = arith.constant 0 : index
    %get3A_18 = arith.constant 0 : index
    %get3A_19 = vector.load %arg5[%get3A_17, %get3A_18] : memref<1x1024xf32, #tpu.memory_space<vmem>>, vector<1x1024xf32>
    %add3A_20 = vector.broadcast %get3A_19 : vector<1x1024xf32> to vector<1000x1024xf32>
    %add3A_21 = arith.addf %dot_general3A_16, %add3A_20 : vector<1000x1024xf32>
    %max3A = arith.constant 0.000000e+00 : f32
    %max3A_22 = vector.broadcast %max3A : f32 to vector<1000x1024xf32>
    %max3A_23 = arith.maximumf %add3A_21, %max3A_22 : vector<1000x1024xf32>
    %get3A_24 = arith.constant 0 : index
    %get3A_25 = arith.constant 0 : index
    %get3A_26 = vector.load %arg6[%get3A_24, %get3A_25] : memref<1024x256xf32, #tpu.memory_space<vmem>>, vector<1024x256xf32>
    %dot_general3A_27 = arith.constant dense<0.000000e+00> : vector<1000x256xf32>
    %dot_general3A_28 = tpu.matmul %max3A_23, %get3A_26, %dot_general3A_27 {dimension_numbers = #tpu.dot_dimension_numbers<[1], [0], [0], [1], [0, 0, 1, 1], [], []>, transpose_lhs_hint = false} : vector<1000x1024xf32>, vector<1024x256xf32>, vector<1000x256xf32> -> vector<1000x256xf32>
    %get3A_29 = arith.constant 0 : index
    %get3A_30 = arith.constant 0 : index
    %get3A_31 = vector.load %arg7[%get3A_29, %get3A_30] : memref<1x256xf32, #tpu.memory_space<vmem>>, vector<1x256xf32>
    %add3A_32 = vector.broadcast %get3A_31 : vector<1x256xf32> to vector<1000x256xf32>
    %add3A_33 = arith.addf %dot_general3A_28, %add3A_32 : vector<1000x256xf32>
    %add3A_34 = arith.addf %add3A_33, %add3A_11 : vector<1000x256xf32>
    %reduce_sum3A = arith.constant dense<0.000000e+00> : vector<1000xf32>
    %reduce_sum3A_35 = vector.multi_reduction <add>, %add3A_34, %reduce_sum3A [1] : vector<1000x256xf32> to vector<1000xf32>
    %broadcast_in_dim3A = vector.shape_cast %reduce_sum3A_35 : vector<1000xf32> to vector<1000x1xf32>
    %div3A = arith.constant 2.560000e+02 : f32
    %div3A_36 = vector.broadcast %div3A : f32 to vector<1000x1xf32>
    %div3A_37 = arith.divf %broadcast_in_dim3A, %div3A_36 : vector<1000x1xf32>
    %sub3A = vector.broadcast %div3A_37 : vector<1000x1xf32> to vector<1000x256xf32>
    %sub3A_38 = arith.subf %add3A_34, %sub3A : vector<1000x256xf32>
    %integer_pow3A = arith.mulf %sub3A_38, %sub3A_38 : vector<1000x256xf32>
    %reduce_sum3A_39 = arith.constant dense<0.000000e+00> : vector<1000xf32>
    %reduce_sum3A_40 = vector.multi_reduction <add>, %integer_pow3A, %reduce_sum3A_39 [1] : vector<1000x256xf32> to vector<1000xf32>
    %broadcast_in_dim3A_41 = vector.shape_cast %reduce_sum3A_40 : vector<1000xf32> to vector<1000x1xf32>
    %div3A_42 = arith.constant 2.560000e+02 : f32
    %div3A_43 = vector.broadcast %div3A_42 : f32 to vector<1000x1xf32>
    %div3A_44 = arith.divf %broadcast_in_dim3A_41, %div3A_43 : vector<1000x1xf32>
    %sub3A_45 = vector.broadcast %div3A_37 : vector<1000x1xf32> to vector<1000x256xf32>
    %sub3A_46 = arith.subf %add3A_34, %sub3A_45 : vector<1000x256xf32>
    %add3A_47 = arith.constant 9.99999974E-6 : f32
    %add3A_48 = vector.broadcast %add3A_47 : f32 to vector<1000x1xf32>
    %add3A_49 = arith.addf %div3A_44, %add3A_48 : vector<1000x1xf32>
    %sqrt3A = math.sqrt %add3A_49 : vector<1000x1xf32>
    %div3A_50 = vector.broadcast %sqrt3A : vector<1000x1xf32> to vector<1000x256xf32>
    %div3A_51 = arith.divf %sub3A_46, %div3A_50 : vector<1000x256xf32>
    %get3A_52 = arith.constant 0 : index
    %get3A_53 = arith.constant 0 : index
    %get3A_54 = vector.load %arg8[%get3A_52, %get3A_53] : memref<1x256xf32, #tpu.memory_space<vmem>>, vector<1x256xf32>
    %mul3A = vector.broadcast %get3A_54 : vector<1x256xf32> to vector<1000x256xf32>
    %mul3A_55 = arith.mulf %div3A_51, %mul3A : vector<1000x256xf32>
    %get3A_56 = arith.constant 0 : index
    %get3A_57 = arith.constant 0 : index
    %get3A_58 = vector.load %arg9[%get3A_56, %get3A_57] : memref<1x256xf32, #tpu.memory_space<vmem>>, vector<1x256xf32>
    %add3A_59 = vector.broadcast %get3A_58 : vector<1x256xf32> to vector<1000x256xf32>
    %add3A_60 = arith.addf %mul3A_55, %add3A_59 : vector<1000x256xf32>
    %slice3A = vector.extract_strided_slice %add3A_60 {offsets = [0, 0], sizes = [100, 256], strides = [1, 1]} : vector<1000x256xf32> to vector<100x256xf32>
    %swap3A = arith.constant 0 : index
    %swap3A_61 = arith.constant 0 : index
    %swap3A_62 = arith.constant 0 : index
    %swap3A_63 = arith.constant 0 : index
    %swap3A_64 = vector.load %arg10[%swap3A, %swap3A_61, %swap3A_62, %swap3A_63] : memref<1x10x100x256xf32, #tpu.memory_space<vmem>>, vector<1x1x100x256xf32>
    %swap3A_65 = vector.shape_cast %swap3A_64 : vector<1x1x100x256xf32> to vector<100x256xf32>
    %swap3A_66 = vector.shape_cast %slice3A : vector<100x256xf32> to vector<1x1x100x256xf32>
    tpu.vector_store %arg10[%swap3A, %swap3A_61, %swap3A_62, %swap3A_63], %swap3A_66 {strides = array<i32>} : memref<1x10x100x256xf32, #tpu.memory_space<vmem>>, vector<1x1x100x256xf32>,
    %slice3A_67 = vector.extract_strided_slice %add3A_60 {offsets = [100, 0], sizes = [100, 256], strides = [1, 1]} : vector<1000x256xf32> to vector<100x256xf32>
    %swap3A_68 = arith.constant 0 : index
    %swap3A_69 = arith.constant 1 : index
    %swap3A_70 = arith.constant 0 : index
    %swap3A_71 = arith.constant 0 : index
    %swap3A_72 = vector.load %arg10[%swap3A_68, %swap3A_69, %swap3A_70, %swap3A_71] : memref<1x10x100x256xf32, #tpu.memory_space<vmem>>, vector<1x1x100x256xf32>
    %swap3A_73 = vector.shape_cast %swap3A_72 : vector<1x1x100x256xf32> to vector<100x256xf32>
    %swap3A_74 = vector.shape_cast %slice3A_67 : vector<100x256xf32> to vector<1x1x100x256xf32>
    tpu.vector_store %arg10[%swap3A_68, %swap3A_69, %swap3A_70, %swap3A_71], %swap3A_74 {strides = array<i32>} : memref<1x10x100x256xf32, #tpu.memory_space<vmem>>, vector<1x1x100x256xf32>,
    %slice3A_75 = vector.extract_strided_slice %add3A_60 {offsets = [200, 0], sizes = [100, 256], strides = [1, 1]} : vector<1000x256xf32> to vector<100x256xf32>
    %swap3A_76 = arith.constant 0 : index
    %swap3A_77 = arith.constant 2 : index
    %swap3A_78 = arith.constant 0 : index
    %swap3A_79 = arith.constant 0 : index
    %swap3A_80 = vector.load %arg10[%swap3A_76, %swap3A_77, %swap3A_78, %swap3A_79] : memref<1x10x100x256xf32, #tpu.memory_space<vmem>>, vector<1x1x100x256xf32>
    %swap3A_81 = vector.shape_cast %swap3A_80 : vector<1x1x100x256xf32> to vector<100x256xf32>
    %swap3A_82 = vector.shape_cast %slice3A_75 : vector<100x256xf32> to vector<1x1x100x256xf32>
    tpu.vector_store %arg10[%swap3A_76, %swap3A_77, %swap3A_78, %swap3A_79], %swap3A_82 {strides = array<i32>} : memref<1x10x100x256xf32, #tpu.memory_space<vmem>>, vector<1x1x100x256xf32>,
    %slice3A_83 = vector.extract_strided_slice %add3A_60 {offsets = [300, 0], sizes = [100, 256], strides = [1, 1]} : vector<1000x256xf32> to vector<100x256xf32>
    %swap3A_84 = arith.constant 0 : index
    %swap3A_85 = arith.constant 3 : index
    %swap3A_86 = arith.constant 0 : index
    %swap3A_87 = arith.constant 0 : index
    %swap3A_88 = vector.load %arg10[%swap3A_84, %swap3A_85, %swap3A_86, %swap3A_87] : memref<1x10x100x256xf32, #tpu.memory_space<vmem>>, vector<1x1x100x256xf32>
    %swap3A_89 = vector.shape_cast %swap3A_88 : vector<1x1x100x256xf32> to vector<100x256xf32>
    %swap3A_90 = vector.shape_cast %slice3A_83 : vector<100x256xf32> to vector<1x1x100x256xf32>
    tpu.vector_store %arg10[%swap3A_84, %swap3A_85, %swap3A_86, %swap3A_87], %swap3A_90 {strides = array<i32>} : memref<1x10x100x256xf32, #tpu.memory_space<vmem>>, vector<1x1x100x256xf32>,
    %slice3A_91 = vector.extract_strided_slice %add3A_60 {offsets = [400, 0], sizes = [100, 256], strides = [1, 1]} : vector<1000x256xf32> to vector<100x256xf32>
    %swap3A_92 = arith.constant 0 : index
    %swap3A_93 = arith.constant 4 : index
    %swap3A_94 = arith.constant 0 : index
    %swap3A_95 = arith.constant 0 : index
    %swap3A_96 = vector.load %arg10[%swap3A_92, %swap3A_93, %swap3A_94, %swap3A_95] : memref<1x10x100x256xf32, #tpu.memory_space<vmem>>, vector<1x1x100x256xf32>
    %swap3A_97 = vector.shape_cast %swap3A_96 : vector<1x1x100x256xf32> to vector<100x256xf32>
    %swap3A_98 = vector.shape_cast %slice3A_91 : vector<100x256xf32> to vector<1x1x100x256xf32>
    tpu.vector_store %arg10[%swap3A_92, %swap3A_93, %swap3A_94, %swap3A_95], %swap3A_98 {strides = array<i32>} : memref<1x10x100x256xf32, #tpu.memory_space<vmem>>, vector<1x1x100x256xf32>,
    %slice3A_99 = vector.extract_strided_slice %add3A_60 {offsets = [500, 0], sizes = [100, 256], strides = [1, 1]} : vector<1000x256xf32> to vector<100x256xf32>
    %swap3A_100 = arith.constant 0 : index
    %swap3A_101 = arith.constant 5 : index
    %swap3A_102 = arith.constant 0 : index
    %swap3A_103 = arith.constant 0 : index
    %swap3A_104 = vector.load %arg10[%swap3A_100, %swap3A_101, %swap3A_102, %swap3A_103] : memref<1x10x100x256xf32, #tpu.memory_space<vmem>>, vector<1x1x100x256xf32>
    %swap3A_105 = vector.shape_cast %swap3A_104 : vector<1x1x100x256xf32> to vector<100x256xf32>
    %swap3A_106 = vector.shape_cast %slice3A_99 : vector<100x256xf32> to vector<1x1x100x256xf32>
    tpu.vector_store %arg10[%swap3A_100, %swap3A_101, %swap3A_102, %swap3A_103], %swap3A_106 {strides = array<i32>} : memref<1x10x100x256xf32, #tpu.memory_space<vmem>>, vector<1x1x100x256xf32>,
    %slice3A_107 = vector.extract_strided_slice %add3A_60 {offsets = [600, 0], sizes = [100, 256], strides = [1, 1]} : vector<1000x256xf32> to vector<100x256xf32>
    %swap3A_108 = arith.constant 0 : index
    %swap3A_109 = arith.constant 6 : index
    %swap3A_110 = arith.constant 0 : index
    %swap3A_111 = arith.constant 0 : index
    %swap3A_112 = vector.load %arg10[%swap3A_108, %swap3A_109, %swap3A_110, %swap3A_111] : memref<1x10x100x256xf32, #tpu.memory_space<vmem>>, vector<1x1x100x256xf32>
    %swap3A_113 = vector.shape_cast %swap3A_112 : vector<1x1x100x256xf32> to vector<100x256xf32>
    %swap3A_114 = vector.shape_cast %slice3A_107 : vector<100x256xf32> to vector<1x1x100x256xf32>
    tpu.vector_store %arg10[%swap3A_108, %swap3A_109, %swap3A_110, %swap3A_111], %swap3A_114 {strides = array<i32>} : memref<1x10x100x256xf32, #tpu.memory_space<vmem>>, vector<1x1x100x256xf32>,
    %slice3A_115 = vector.extract_strided_slice %add3A_60 {offsets = [700, 0], sizes = [100, 256], strides = [1, 1]} : vector<1000x256xf32> to vector<100x256xf32>
    %swap3A_116 = arith.constant 0 : index
    %swap3A_117 = arith.constant 7 : index
    %swap3A_118 = arith.constant 0 : index
    %swap3A_119 = arith.constant 0 : index
    %swap3A_120 = vector.load %arg10[%swap3A_116, %swap3A_117, %swap3A_118, %swap3A_119] : memref<1x10x100x256xf32, #tpu.memory_space<vmem>>, vector<1x1x100x256xf32>
    %swap3A_121 = vector.shape_cast %swap3A_120 : vector<1x1x100x256xf32> to vector<100x256xf32>
    %swap3A_122 = vector.shape_cast %slice3A_115 : vector<100x256xf32> to vector<1x1x100x256xf32>
    tpu.vector_store %arg10[%swap3A_116, %swap3A_117, %swap3A_118, %swap3A_119], %swap3A_122 {strides = array<i32>} : memref<1x10x100x256xf32, #tpu.memory_space<vmem>>, vector<1x1x100x256xf32>,
    %slice3A_123 = vector.extract_strided_slice %add3A_60 {offsets = [800, 0], sizes = [100, 256], strides = [1, 1]} : vector<1000x256xf32> to vector<100x256xf32>
    %swap3A_124 = arith.constant 0 : index
    %swap3A_125 = arith.constant 8 : index
    %swap3A_126 = arith.constant 0 : index
    %swap3A_127 = arith.constant 0 : index
    %swap3A_128 = vector.load %arg10[%swap3A_124, %swap3A_125, %swap3A_126, %swap3A_127] : memref<1x10x100x256xf32, #tpu.memory_space<vmem>>, vector<1x1x100x256xf32>
    %swap3A_129 = vector.shape_cast %swap3A_128 : vector<1x1x100x256xf32> to vector<100x256xf32>
    %swap3A_130 = vector.shape_cast %slice3A_123 : vector<100x256xf32> to vector<1x1x100x256xf32>
    tpu.vector_store %arg10[%swap3A_124, %swap3A_125, %swap3A_126, %swap3A_127], %swap3A_130 {strides = array<i32>} : memref<1x10x100x256xf32, #tpu.memory_space<vmem>>, vector<1x1x100x256xf32>,
    %slice3A_131 = vector.extract_strided_slice %add3A_60 {offsets = [900, 0], sizes = [100, 256], strides = [1, 1]} : vector<1000x256xf32> to vector<100x256xf32>
    %swap3A_132 = arith.constant 0 : index
    %swap3A_133 = arith.constant 9 : index
    %swap3A_134 = arith.constant 0 : index
    %swap3A_135 = arith.constant 0 : index
    %swap3A_136 = vector.load %arg10[%swap3A_132, %swap3A_133, %swap3A_134, %swap3A_135] : memref<1x10x100x256xf32, #tpu.memory_space<vmem>>, vector<1x1x100x256xf32>
    %swap3A_137 = vector.shape_cast %swap3A_136 : vector<1x1x100x256xf32> to vector<100x256xf32>
    %swap3A_138 = vector.shape_cast %slice3A_131 : vector<100x256xf32> to vector<1x1x100x256xf32>
    tpu.vector_store %arg10[%swap3A_132, %swap3A_133, %swap3A_134, %swap3A_135], %swap3A_138 {strides = array<i32>} : memref<1x10x100x256xf32, #tpu.memory_space<vmem>>, vector<1x1x100x256xf32>,
    return
  }
  func.func @transform_0(%arg0: i32) -> (i32, i32, i32, i32) {
    %c0_i32 = arith.constant 0 : i32
    %c0_i32_0 = arith.constant 0 : i32
    %c0_i32_1 = arith.constant 0 : i32
    %c0_i32_2 = arith.constant 0 : i32
    return %arg0, %c0_i32, %c0_i32_0, %c0_i32_1 : i32, i32, i32, i32
  }
  func.func @transform_1(%arg0: i32) -> (i32, i32) {
    %c0_i32 = arith.constant 0 : i32
    %c0_i32_0 = arith.constant 0 : i32
    %c0_i32_1 = arith.constant 0 : i32
    return %c0_i32, %c0_i32_0 : i32, i32
  }
  func.func @transform_2(%arg0: i32) -> (i32, i32) {
    %c0_i32 = arith.constant 0 : i32
    %c0_i32_0 = arith.constant 0 : i32
    %c0_i32_1 = arith.constant 0 : i32
    return %c0_i32, %c0_i32_0 : i32, i32
  }
  func.func @transform_3(%arg0: i32) -> (i32, i32) {
    %c0_i32 = arith.constant 0 : i32
    %c0_i32_0 = arith.constant 0 : i32
    %c0_i32_1 = arith.constant 0 : i32
    return %c0_i32, %c0_i32_0 : i32, i32
  }
  func.func @transform_4(%arg0: i32) -> (i32, i32) {
    %c0_i32 = arith.constant 0 : i32
    %c0_i32_0 = arith.constant 0 : i32
    %c0_i32_1 = arith.constant 0 : i32
    return %c0_i32, %c0_i32_0 : i32, i32
  }
  func.func @transform_5(%arg0: i32) -> (i32, i32) {
    %c0_i32 = arith.constant 0 : i32
    %c0_i32_0 = arith.constant 0 : i32
    %c0_i32_1 = arith.constant 0 : i32
    return %c0_i32, %c0_i32_0 : i32, i32
  }
  func.func @transform_6(%arg0: i32) -> (i32, i32) {
    %c0_i32 = arith.constant 0 : i32
    %c0_i32_0 = arith.constant 0 : i32
    %c0_i32_1 = arith.constant 0 : i32
    return %c0_i32, %c0_i32_0 : i32, i32
  }
  func.func @transform_7(%arg0: i32) -> (i32, i32) {
    %c0_i32 = arith.constant 0 : i32
    %c0_i32_0 = arith.constant 0 : i32
    %c0_i32_1 = arith.constant 0 : i32
    return %c0_i32, %c0_i32_0 : i32, i32
  }
  func.func @transform_8(%arg0: i32) -> (i32, i32) {
    %c0_i32 = arith.constant 0 : i32
    %c0_i32_0 = arith.constant 0 : i32
    %c0_i32_1 = arith.constant 0 : i32
    return %c0_i32, %c0_i32_0 : i32, i32
  }
  func.func @transform_9(%arg0: i32) -> (i32, i32, i32, i32) {
    %jit3A = arith.constant 10 : i32
    %div3A = arith.divsi %arg0, %jit3A : i32
    %sign3A = arith.constant 0 : i32
    %sign3A_0 = arith.cmpi sgt, %arg0, %sign3A : i32
    %sign3A_1 = arith.extui %sign3A_0 : i1 to i32
    %sign3A_2 = arith.constant 0 : i32
    %sign3A_3 = arith.cmpi slt, %arg0, %sign3A_2 : i32
    %sign3A_4 = arith.extui %sign3A_3 : i1 to i32
    %sign3A_5 = arith.subi %sign3A_1, %sign3A_4 : i32
    %sign3A_6 = arith.constant 0 : i32
    %sign3A_7 = arith.cmpi sgt, %jit3A, %sign3A_6 : i32
    %sign3A_8 = arith.extui %sign3A_7 : i1 to i32
    %sign3A_9 = arith.constant 0 : i32
    %sign3A_10 = arith.cmpi slt, %jit3A, %sign3A_9 : i32
    %sign3A_11 = arith.extui %sign3A_10 : i1 to i32
    %sign3A_12 = arith.subi %sign3A_8, %sign3A_11 : i32
    %ne3A = arith.cmpi ne, %sign3A_5, %sign3A_12 : i32
    %rem3A = arith.remsi %arg0, %jit3A : i32
    %ne3A_13 = arith.constant 0 : i32
    %ne3A_14 = arith.cmpi ne, %rem3A, %ne3A_13 : i32
    %and3A = arith.andi %ne3A, %ne3A_14 : i1
    %sub3A = arith.constant 1 : i32
    %sub3A_15 = arith.subi %div3A, %sub3A : i32
    %select_n3A = arith.select %and3A, %sub3A_15, %div3A : i32
    %jit3A_16 = arith.constant 10 : i32
    %eq3A = arith.constant 0 : i32
    %eq3A_17 = arith.cmpi eq, %jit3A_16, %eq3A : i32
    %jit3A_18 = arith.constant 1 : i32
    %select_n3A_19 = arith.select %eq3A_17, %jit3A_18, %jit3A_16 : i32
    %rem3A_20 = arith.remsi %arg0, %select_n3A_19 : i32
    %ne3A_21 = arith.constant 0 : i32
    %ne3A_22 = arith.cmpi ne, %rem3A_20, %ne3A_21 : i32
    %lt3A = arith.constant 0 : i32
    %lt3A_23 = arith.cmpi slt, %rem3A_20, %lt3A : i32
    %lt3A_24 = arith.constant 0 : i32
    %lt3A_25 = arith.cmpi slt, %select_n3A_19, %lt3A_24 : i32
    %ne3A_26 = arith.xori %lt3A_23, %lt3A_25 : i1
    %and3A_27 = arith.andi %ne3A_26, %ne3A_22 : i1
    %add3A = arith.addi %rem3A_20, %select_n3A_19 : i32
    %select_n3A_28 = arith.select %and3A_27, %add3A, %rem3A_20 : i32
    %c0_i32 = arith.constant 0 : i32
    %c0_i32_29 = arith.constant 0 : i32
    %c0_i32_30 = arith.constant 0 : i32
    return %select_n3A, %select_n3A_28, %c0_i32, %c0_i32_29 : i32, i32, i32, i32
  }
}

</mosaic_0001>

<sc_bundles>
// kernel: kernel.6.cloned.1.call-start
scs
__scs_entry_jumppad:
0x0: {  	(pc) =	sbr.rel $0x88, $3  }
0x1: {  	(tag) =	ssettag $0x0;
	lr =	simm.s32 $0x1  }
0x2: {  	[smem:$0x3F8E] =	sst lr;
	_ =	strace $0xD0000000  }
0x3: {  	_ = 	snop  }
0x4: {  	_ = 	snop  }
0x5: {  	_ = 	snop  }
0x6: {  	_ = 	snop  }
0x7: {  	_ = 	snop  }
__scs_overlays_trampoline_lowered:
0x8: {  	[smem:$0x3F9D] =	sst s0  }
0x9: {  	[smem:$0x3F9E] =	sst s1  }
0xa: {  	[smem:$0x3F9F] =	sst s2  }
0xb: {  	[smem:$0x3FA0] =	sst s3  }
0xc: {  	[smem:$0x3FA1] =	sst s4  }
0xd: {  	[smem:$0x3FA2] =	sst s5  }
0xe: {  	[smem:$0x3FA3] =	sst s6  }
0xf: {  	[smem:$0x3FA4] =	sst s7  }
0x10: {  	[smem:$0x3FA5] =	sst s8  }
0x11: {  	[smem:$0x3FA6] =	sst s9;
	s0 =	simm.s32 @!p0 $0x0  }
0x12: {  	s1 =	sld [smem:$0x3F8C];
	s0 =	simm.s32 @p0 $0x1  }
0x13: {  	[smem:$0x3FA7] =	sst s0;
	s0 =	simm.s32 @!p1 $0x0  }
0x14: {  	s2 =	sld [smem:$0x3F8B];
	s0 =	simm.s32 @p1 $0x1  }
0x15: {  	[smem:$0x3FA8] =	sst s0;
	s0 =	simm.s32 @!p2 $0x0  }
0x16: {  	s3 =	sld [smem:$0x3FDB];
	s0 =	simm.s32 @p2 $0x1  }
0x17: {  	s4 =	simm.s32 $0x1BF5;
	[smem:$0x3FAA] =	sst s0  }
0x18: {  	s0 =	sld [smem:$0x3F8D];
	_ =	swait.ge [sflag:s4], $0x0  }
0x19: {  	s7 =	sld [smem:$0x3F8E]  }
0x1a: {  	s8 =	sadd.s32 $0xFFFFE003, lr  }
0x1b: {  	s9 =	sadd.s32 $0xFFFFFEF7, lr;
	s5 =	simm.s32 $0xFFFFFFFF;
	p2 =	slt.u32 s8, $0xFFFFF086  }
0x1c: {  	p1 =	slt.u32 s9, $0xF7A;
	s5 =	simm.s32 @!p2 $0x0  }
0x1d: {  	s5 =	simm.s32 @p1 $0x1;
	p0 =	seq.s32 s7, s2  }
0x1e: {  	s7 =	smul.u32 @!p0 $0xF7A, s2;
	p2 =	seq.s32 @!p0 s5, $0x0  }
0x1f: {  	s9 =	smul.u32 $0xF7A, s1;
	s8 =	simm.s32 @!p0 $0x1BF5;
	p2 =	por !p2, p0  }
0x20: {  	[sflag:s8] =	ssyncset.s32 @!p0 $0xFFFFF086;
	s6 =	sadd.s32 @!p0 s3, s7;
	s7 =	simm.s32 @!p0 $0x108  }
0x21: {  	s3 =	sadd.s32 s3, s9;
	s6 =	sadd.s32 @!p0 $0x88, s6;
	s7 =	simm.s32 @p2 $0x1082  }
0x22: {  	[simem:s7], [sflag:s8] =	dma.local @!p0 [hbm:s6], $0xF7A  }
0x23: {  	s9 =	sor.u32 $0xD0000000, s2;
	s6 =	simm.s32 $0x108;
	_ =	swait.ge @!p0 [sflag:s8], $0x0  }
0x24: {  	s3 =	sadd.s32 $0x88, s3;
	s6 =	simm.s32 @!p1 $0x1082;
	[sflag:s4] =	ssyncset.s32 $0xFFFFF086  }
0x25: {  	[simem:s6], [sflag:s4] =	dma.local [hbm:s3], $0xF7A  }
0x26: {  	[smem:$0x3F8E] =	sst s1;
	(tag) =	ssettag s2;
	_ =	strace s9  }
0x27: {  	s1 =	sld [smem:$0x3F9E]  }
0x28: {  	s2 =	sld [smem:$0x3F9F]  }
0x29: {  	s4 =	sld [smem:$0x3FA1]  }
0x2a: {  	p0 =	seq.s32 s5, $0x0;
	s5 =	sld [smem:$0x3FA2]  }
0x2b: {  	s6 =	sld [smem:$0x3FA3]  }
0x2c: {  	s7 =	sld [smem:$0x3FA4]  }
0x2d: {  	s3 =	simm.s32 $0x108;
	s8 =	sld [smem:$0x3FA5]  }
0x2e: {  	s3 =	simm.s32 @!p0 $0x1082;
	s9 =	sld [smem:$0x3FA6]  }
0x2f: {  	lr =	sadd.s32 s0, s3;
	s0 =	sld [smem:$0x3F9D]  }
0x30: {  	s3 =	sld [smem:$0x3FA0]  }
0x31: {  	[smem:$0x3FA9] =	sst s10  }
0x32: {  	s10 =	sld [smem:$0x3FA7];
	_ =	sdelay $0x3  }
0x33: {  	p0 =	seq.s32 s10, $0x1;
	s10 =	sld [smem:$0x3FA9];
	_ =	sdelay $0x3  }
0x34: {  	[smem:$0x3FA9] =	sst s10  }
0x35: {  	s10 =	sld [smem:$0x3FA8];
	_ =	sdelay $0x3  }
0x36: {  	p1 =	seq.s32 s10, $0x1;
	s10 =	sld [smem:$0x3FA9];
	_ =	sdelay $0x3  }
0x37: {  	[smem:$0x3FA9] =	sst s10  }
0x38: {  	s10 =	sld [smem:$0x3FAA]  }
0x39: {  	_ = 	snop;
	(pc) =	sbr.ind lr, $3  }
0x3a: {  	_ = 	snop  }
0x3b: {  	_ = 	snop  }
0x3c: {  	p2 =	seq.s32 s10, $0x1;
	s10 =	sld [smem:$0x3FA9]  }
0x3d: {  	_ =	shalt  }
0x3e: {  	_ =	shalt  }
0x3f: {  	_ =	shalt  }
0x40: {  	_ =	shalt  }
0x41: {  	_ =	shalt  }
0x42: {  	_ =	shalt  }
0x43: {  	_ =	shalt  }
0x44: {  	_ =	shalt  }
0x45: {  	_ =	shalt  }
0x46: {  	_ =	shalt  }
0x47: {  	_ =	shalt  }
0x48: {  	_ =	shalt  }
0x49: {  	_ =	shalt  }
0x4a: {  	_ =	shalt  }
0x4b: {  	_ =	shalt  }
0x4c: {  	_ =	shalt  }
0x4d: {  	_ =	shalt  }
0x4e: {  	_ =	shalt  }
0x4f: {  	_ =	shalt  }
0x50: {  	_ =	shalt  }
0x51: {  	_ =	shalt  }
0x52: {  	_ =	shalt  }
0x53: {  	_ =	shalt  }
0x54: {  	_ =	shalt  }
0x55: {  	_ =	shalt  }
0x56: {  	_ =	shalt  }
0x57: {  	_ =	shalt  }
0x58: {  	_ =	shalt  }
0x59: {  	_ =	shalt  }
0x5a: {  	_ =	shalt  }
0x5b: {  	_ =	shalt  }
0x5c: {  	_ =	shalt  }
0x5d: {  	_ =	shalt  }
0x5e: {  	_ =	shalt  }
0x5f: {  	_ =	shalt  }
0x60: {  	_ =	shalt  }
0x61: {  	_ =	shalt  }
0x62: {  	_ =	shalt  }
0x63: {  	_ =	shalt  }
0x64: {  	_ =	shalt  }
0x65: {  	_ =	shalt  }
0x66: {  	_ =	shalt  }
0x67: {  	_ =	shalt  }
0x68: {  	_ =	shalt  }
0x69: {  	_ =	shalt  }
0x6a: {  	_ =	shalt  }
0x6b: {  	_ =	shalt  }
0x6c: {  	_ =	shalt  }
0x6d: {  	_ =	shalt  }
0x6e: {  	_ =	shalt  }
0x6f: {  	_ =	shalt  }
0x70: {  	_ =	shalt  }
0x71: {  	_ =	shalt  }
0x72: {  	_ =	shalt  }
0x73: {  	_ =	shalt  }
0x74: {  	_ =	shalt  }
0x75: {  	_ =	shalt  }
0x76: {  	_ =	shalt  }
0x77: {  	_ =	shalt  }
0x78: {  	_ =	shalt  }
0x79: {  	_ =	shalt  }
0x7a: {  	_ =	shalt  }
0x7b: {  	_ =	shalt  }
0x7c: {  	_ =	shalt  }
0x7d: {  	_ =	shalt  }
0x7e: {  	_ =	shalt  }
0x7f: {  	_ =	shalt  }
0x80: {  	_ =	shalt  }
0x81: {  	_ =	shalt  }
0x82: {  	_ =	shalt  }
0x83: {  	_ =	shalt  }
0x84: {  	_ =	shalt  }
0x85: {  	_ =	shalt  }
0x86: {  	_ =	shalt  }
0x87: {  	_ =	shalt  }
.Lfunc_end0:
.L_simem_size_0:
called_computation_lowered:
.L_overlay_start_0:
0x88: {  	s2 =	sld [smem:$0x3FD9]  }
0x89: {  	s3 =	sld [smem:$0x3FFE];
	_ =	sdelay $0x1  }
0x8a: {  	s1 =	srdreg.scid  }
0x8b: {  	s0 =	sand.u32 $0x1, s1  }
0x8c: {  	s17 =	sshll.u32 s0, $0xA;
	s2 =	sadd.s32 s3, s2  }
0x8d: {  	s2 =	sadd.s32 s2, s17  }
0x8e: {  	[smem:$0x3FB5] =	sst s2  }
0x8f: {  	_ = 	snop  }
0x90: {  	s2 =	sld [smem:$0x3FD0];
	(tm) =	ssettm $0x1  }
0x91: {  	s18 =	sld [smem:$0x3FFB];
	_ =	sdelay $0x3  }
0x92: {  	_ =	strace s18  }
0x93: {  	s3 =	sld [smem:$0x3FFC];
	_ =	sdelay $0x3  }
0x94: {  	_ =	strace s3  }
0x95: {  	s3 =	sld [smem:$0x3FFD];
	_ =	sdelay $0x3  }
0x96: {  	_ =	strace s3  }
0x97: {  	_ =	strace $0x8FFFFFFF  }
0x98: {  	s19 =	sld [smem:$0x3FDB];
	_ =	sdelay $0x1  }
0x99: {  	s4 =	simm.s32 $_scs_section_size  }
0x9a: {  	s5 =	simm.s32 $_size__tile_overlayer_lowered;
	s6 =	simm.s32 $_tile_overlayer_lowered  }
0x9b: {  	s22 =	simm.s32 $0x1BFF;
	s21 =	sshll.u32 s6, $0x1;
	s3 =	sadd.s32 s4, s19  }
0x9c: {  	s7 =	simm.s32 $0x0;
	s20 =	sshll.u32 s5, $0x1;
	s5 =	sadd.s32 s21, s3  }
0x9d: {  	[timem:s7], [sflag:s22] =	dma.local [hbm:s5], s20  }
0x9e: {  	_ =	swait.ge [sflag:s22], s20  }
0x9f: {  	s4 =	ssub.s32 $0x0, s20;
	[sflag:s22] =	ssyncset.done $0x0  }
0xa0: {  	[sflag:s22] =	ssyncadd.s32 s4;
	_ =	sdelay $0x1  }
0xa1: {  	s23 =	simm.s32 $0x1B8B  }
0xa2: {  	_ =	swait.ge [sflag:s23], $0x1  }
0xa3: {  	[sflag:s23] =	ssyncset.done $0x0  }
0xa4: {  	s25 =	simm.s32 $0x1B8E;
	s24 =	sld [smem:$0x3FFE];
	[sflag:s23] =	ssyncadd.s32 $0xFFFFFFFF  }
0xa5: {  	s26 =	simm.s32 $execute0_lowered;
	[smem:$0x3FD2] =	sst s25  }
0xa6: {  	s5 =	sshll.u32 s26, $0x1;
	_ =	strace $0x80000046;
	[dreg:$0x1] =	wrdreg $0xFFFFFFFF  }
0xa7: {  	s28 =	simm.s32 $_size_execute0_lowered;
	s3 =	sadd.s32 s3, s5;
	[dreg:$0x0] =	wrdreg $0x0  }
0xa8: {  	s5 =	sshll.u32 s28, $0x1;
	[dreg:$0x2] =	wrdreg s3  }
0xa9: {  	[dreg:$0x3] =	wrdreg s5  }
0xaa: {  	[dreg:$0x4] =	wrdreg $0xC0  }
0xab: {  	_ =	task [dreg:s7], $0x5FFFF  }
0xac: {  	[dreg:$0x1] =	wrdreg $0xFFFFFFFF  }
0xad: {  	[dreg:$0x0] =	wrdreg $0x60  }
0xae: {  	[dreg:$0x2] =	wrdreg s24  }
0xaf: {  	[dreg:$0x3] =	wrdreg s2  }
0xb0: {  	[dreg:$0x4] =	wrdreg $0x9  }
0xb1: {  	_ =	task.clear_ibuf [dreg:s7], $0x5FFFF;
	_ =	strace $0x90000046  }
0xb2: {  	s29 =	simm.s32 $0x9;
	_ =	strace $0x80000048  }
0xb3: {  	_ =	swait.ge [sflag:s29], $0x1  }
0xb4: {  	[sflag:s29] =	ssyncadd.s32 $0xFFFFFFFF  }
0xb5: {  	_ =	strace $0x90000048  }
0xb6: {  	_ =	sfence  }
0xb7: {  	s30 =	sld [smem:$0x0];
	_ =	sdelay $0x2  }
0xb8: {  	s31 =	sshll.u32 s1, $0xD;
	s1 =	sshrl.u32 s1, $0x2  }
0xb9: {  	s3 =	sand.u32 $0x4000, s31;
	s1 =	sadd.s32 s1, s30  }
0xba: {  	s0 =	sor.u32 s3, s0;
	s1 =	sshll.u32 s1, $0x11  }
0xbb: {  	s0 =	sor.u32 s1, s0  }
0xbc: {  	s0 =	sadd.s32 $0x8F2B, s0  }
0xbd: {  	[sflag:s0] =	ssyncadd.remote.s32 $0x1  }
0xbe: {  	_ =	sfence.sel $0xFFFF  }
0xbf: {  	[dreg:$0x0] =	wrdreg $0xFFFFFFFF;
	(pc) =	sbr.abs _section_cstart, $3  }
0xc0: {  	[dreg:$0x1] =	wrdreg $0xFFFFFFFF  }
0xc1: {  	_ =	task.clear_ibuf [dreg:s7], $0x2FFFF;
	_ =	strace $0x9FFFFFFF  }
0xc2: {  	(tm) =	ssettm $0x7FFFFFFF  }
0xc3: {  	_ =	shalt  }
tec
execute0_lowered:
.L_overlay_start_1:
0x0: {  	(tag) =	ssettag $0x1  }
0x1: {  	s0 =	rddreg [dreg:$0x0]  }
0x2: {  	s2 =	rddreg [dreg:$0x1];
	s3 =	simm.s32 $0x0  }
0x3: {  	s1 =	srdreg.scid;
	s4 =	stileid.u32;
	s19 =	simm.s32 $0x80  }
0x4: {  	s30 =	simm.s32 $0x6400;
	s31 =	simm.s32 $0x300;
	s11 =	simm.s32 $0x480  }
0x5: {  	s15 =	simm.s32 $0xA400;
	s16 =	simm.s32 $0x500;
	s17 =	simm.s32 $0x2  }
0x6: {  	s18 =	simm.s32 $0x3;
	s20 =	simm.s32 $0x15400;
	s21 =	simm.s32 $0x1  }
0x7: {  	s22 =	simm.s32 $0x4;
	s1 =	sand.u32 $0x1, s1;
	s4 =	sshll.u32 s4, $0x1  }
0x8: {  	[smem:$0x7FF] =	sst s3;
	s5 =	sadd.s32 $0x9FC00, s0;
	s7 =	sor.u32 s1, s4  }
0x9: {  	s6 =	sadd.s32 $0x13C000, s0;
	s1 =	ssub.s32 $0x2, s1;
	s8 =	smul.u32 $0x27100, s7  }
0xa: {  	_ =	strace $0x80000047;
	s9 =	sshrl.u32 s1, $0x1;
	s10 =	smul.u32 $0x4E20, s7  }
0xb: {  	s4 =	sadd.s32 $0x3800, s0;
	s7 =	smul.u32 $0x1388, s7;
	s23 =	ssub.s32 s1, s9  }
0xc: {  	s9 =	simm.s32 $0x400;
	s24 =	sshrl.u32 s8, $0x3;
	s25 =	sadd.s32 s4, s10  }
0xd: {  	s28 =	sadd.s32 s5, s10;
	s12 =	sadd.s32 $0x50, s7;
	s13 =	sadd.s32 $0x28, s7  }
0xe: {  	s14 =	sadd.s32 $0x78, s7;
	s0 =	smax.u32 s23, $0x1;
	[dreg:$0x3] =	wrdreg s25  }
0xf: {  	s10 =	simm.s32 $0x9400;
	s26 =	sadd.s32 $0xA0, s24;
	[dreg:$0x4] =	wrdreg s28  }
0x10: {  	s1 =	sadd.s32 s6, s24;
	[dreg:$0x8] =	wrdreg s0;
	s29 =	sadd.s32 s4, s26  }
0x11: {  	s0 =	simm.s32 $0x7400;
	s8 =	sadd.s32 s5, s26;
	[dreg:$0x5] =	wrdreg s29  }
0x12: {  	s25 =	simm.s32 $0x0;
	s1 =	sadd.s32 $0x4D80, s1;
	[dreg:$0x6] =	wrdreg s8  }
0x13: {  	[dreg:$0x7] =	wrdreg s1;
	s1 =	simm.s32 $0x380;
	s8 =	simm.s32 $0x8400  }
.LBB2_1:
0x14: {  	[dreg:$0x9] =	wrdreg s25  }
0x15: {  	s23 =	rddreg [dreg:$0x3];
	s24 =	simm.s32 $0x7  }
0x16: {  	[tilespmem:s3], [sflag:$0x7] =	stream.linear.gather [hbm4b:s23+s3], $0x500, $0x38;
	[tilespmem:$0x15E00] =	vst v63  }
0x17: {  	_ =	swait.ge [sflag:s24], $0x500  }
0x18: {  	[sflag:s24] =	ssyncset.done $0x0  }
0x19: {  	s29 =	simm.s32 $0xA00;
	s28 =	rddreg [dreg:$0x4];
	[sflag:s24] =	ssyncadd.s32 $0xFFFFFB00  }
0x1a: {  	[tilespmem:s29], [sflag:$0x7] =	stream.linear.gather [hbm4b:s28+s3], $0x500, $0x38;
	[tilespmem:$0x15E00] =	vst v63  }
0x1b: {  	_ =	swait.ge [sflag:s24], $0x500  }
0x1c: {  	[sflag:s24] =	ssyncset.done $0x0  }
0x1d: {  	s25 =	simm.s32 $0x1400;
	[sflag:s24] =	ssyncadd.s32 $0xFFFFFB00  }
0x1e: {  	[tilespmem:s25], [sflag:$0x3] =	stream.indirect.gather [hbm4b:s2+s19], $0x20, s3, s19, $0xb8;
	[tilespmem:$0x15E00] =	vst v63  }
0x1f: {  	s26 =	simm.s32 $0x2400  }
0x20: {  	[tilespmem:s26], [sflag:$0x3] =	stream.indirect.gather [hbm4b:s2+s19], $0x20, s19, s19, $0xb8;
	[tilespmem:$0x15E00] =	vst v63  }
0x21: {  	s28 =	simm.s32 $0x100;
	s29 =	simm.s32 $0x3400  }
0x22: {  	[tilespmem:s29], [sflag:$0x3] =	stream.indirect.gather [hbm4b:s2+s19], $0x20, s28, s19, $0xb8;
	[tilespmem:$0x15E00] =	vst v63  }
0x23: {  	s25 =	simm.s32 $0x180;
	s26 =	simm.s32 $0x4400  }
0x24: {  	[tilespmem:s26], [sflag:$0x3] =	stream.indirect.gather [hbm4b:s2+s19], $0x20, s25, s19, $0xb8;
	[tilespmem:$0x15E00] =	vst v63  }
0x25: {  	s28 =	simm.s32 $0x200;
	s29 =	simm.s32 $0x5400  }
0x26: {  	[tilespmem:s29], [sflag:$0x3] =	stream.indirect.gather [hbm4b:s2+s19], $0x20, s28, s19, $0xb8;
	[tilespmem:$0x15E00] =	vst v63  }
0x27: {  	s25 =	simm.s32 $0x280  }
0x28: {  	[tilespmem:s30], [sflag:$0x3] =	stream.indirect.gather [hbm4b:s2+s19], $0x20, s25, s19, $0xb8;
	[tilespmem:$0x15E00] =	vst v63  }
0x29: {  	_ = 	snop  }
0x2a: {  	[tilespmem:s0], [sflag:$0x3] =	stream.indirect.gather [hbm4b:s2+s19], $0x20, s31, s19, $0xb8;
	[tilespmem:$0x15E00] =	vst v63  }
0x2b: {  	_ = 	snop  }
0x2c: {  	[tilespmem:s8], [sflag:$0x3] =	stream.indirect.gather [hbm4b:s2+s19], $0x20, s1, s19, $0xb8;
	[tilespmem:$0x15E00] =	vst v63  }
0x2d: {  	_ = 	snop  }
0x2e: {  	[tilespmem:s10], [sflag:$0x3] =	stream.indirect.gather [hbm4b:s2+s19], $0x20, s9, s19, $0xb8;
	[tilespmem:$0x15E00] =	vst v63  }
0x2f: {  	_ = 	snop  }
0x30: {  	[tilespmem:s15], [sflag:$0x3] =	stream.indirect.gather [hbm4b:s2+s19], $0x20, s11, s19, $0xb8;
	[tilespmem:$0x15E00] =	vst v63  }
0x31: {  	s26 =	rddreg [dreg:$0x5]  }
0x32: {  	[tilespmem:s16], [sflag:$0x2] =	stream.linear.gather [hbm4b:s26+s3], $0x500, $0x38;
	[tilespmem:$0x15E00] =	vst v63  }
0x33: {  	s23 =	simm.s32 $0x0;
	s28 =	rddreg [dreg:$0x6];
	s29 =	simm.s32 $0xF00  }
0x34: {  	[tilespmem:s29], [sflag:$0x2] =	stream.linear.gather [hbm4b:s28+s3], $0x500, $0x38;
	[tilespmem:$0x15E00] =	vst v63  }
.LBB2_2:
0x35: {  	_ =	swait.ge [sflag:s17], $0x500  }
0x36: {  	[sflag:s17] =	ssyncset.done $0x0  }
0x37: {  	[sflag:s17] =	ssyncadd.s32 $0xFFFFFB00  }
0x38: {  	_ =	swait.ge [sflag:s17], $0x500  }
0x39: {  	[sflag:s17] =	ssyncset.done $0x0  }
0x3a: {  	s24 =	simm.s32 $0xB400;
	[sflag:s17] =	ssyncadd.s32 $0xFFFFFB00  }
0x3b: {  	[tilespmem:s24], [sflag:$0x4] =	stream.indirect.gather [hbm4b:s2+s19], $0x20, s16, s19, $0xb8;
	[tilespmem:$0x15E00] =	vst v63  }
0x3c: {  	s29 =	simm.s32 $0x580;
	s25 =	simm.s32 $0xC400  }
0x3d: {  	[tilespmem:s25], [sflag:$0x4] =	stream.indirect.gather [hbm4b:s2+s19], $0x20, s29, s19, $0xb8;
	[tilespmem:$0x15E00] =	vst v63  }
0x3e: {  	s26 =	simm.s32 $0x600;
	s29 =	simm.s32 $0xD400  }
0x3f: {  	[tilespmem:s29], [sflag:$0x4] =	stream.indirect.gather [hbm4b:s2+s19], $0x20, s26, s19, $0xb8;
	[tilespmem:$0x15E00] =	vst v63  }
0x40: {  	s26 =	simm.s32 $0x680;
	s29 =	simm.s32 $0xE400  }
0x41: {  	[tilespmem:s29], [sflag:$0x4] =	stream.indirect.gather [hbm4b:s2+s19], $0x20, s26, s19, $0xb8;
	[tilespmem:$0x15E00] =	vst v63  }
0x42: {  	s26 =	simm.s32 $0x700;
	s29 =	simm.s32 $0xF400  }
0x43: {  	[tilespmem:s29], [sflag:$0x4] =	stream.indirect.gather [hbm4b:s2+s19], $0x20, s26, s19, $0xb8;
	[tilespmem:$0x15E00] =	vst v63  }
0x44: {  	s26 =	simm.s32 $0x780;
	s29 =	simm.s32 $0x10400  }
0x45: {  	[tilespmem:s29], [sflag:$0x4] =	stream.indirect.gather [hbm4b:s2+s19], $0x20, s26, s19, $0xb8;
	[tilespmem:$0x15E00] =	vst v63  }
0x46: {  	s26 =	simm.s32 $0x800;
	s29 =	simm.s32 $0x11400  }
0x47: {  	[tilespmem:s29], [sflag:$0x4] =	stream.indirect.gather [hbm4b:s2+s19], $0x20, s26, s19, $0xb8;
	[tilespmem:$0x15E00] =	vst v63  }
0x48: {  	s26 =	simm.s32 $0x880;
	s29 =	simm.s32 $0x12400  }
0x49: {  	[tilespmem:s29], [sflag:$0x4] =	stream.indirect.gather [hbm4b:s2+s19], $0x20, s26, s19, $0xb8;
	[tilespmem:$0x15E00] =	vst v63  }
0x4a: {  	s26 =	simm.s32 $0x900;
	s29 =	simm.s32 $0x13400  }
0x4b: {  	[tilespmem:s29], [sflag:$0x4] =	stream.indirect.gather [hbm4b:s2+s19], $0x20, s26, s19, $0xb8;
	[tilespmem:$0x15E00] =	vst v63  }
0x4c: {  	s26 =	simm.s32 $0x980;
	s29 =	simm.s32 $0x14400  }
0x4d: {  	[tilespmem:s29], [sflag:$0x4] =	stream.indirect.gather [hbm4b:s2+s19], $0x20, s26, s19, $0xb8;
	[tilespmem:$0x15E00] =	vst v63  }
0x4e: {  	_ =	swait.ge [sflag:s18], $0xA000  }
0x4f: {  	p0 =	seq.s32 s23, $0x0;
	[sflag:s18] =	ssyncset.done $0x0  }
0x50: {  	s24 =	simm.s32 @!p0 $0x5;
	[sflag:s18] =	ssyncadd.s32 $0xFFFF6000  }
0x51: {  	_ =	swait.ge @!p0 [sflag:s24], $0x500  }
0x52: {  	[sflag:s24] =	ssyncset.done @!p0 $0x0  }
0x53: {  	s25 =	simm.s32 $0x1600;
	[sflag:s24] =	ssyncadd.s32 @!p0 $0xFFFFFB00  }
0x54: {  	v4 =	vld [tilespmem:s25+$0xFFFFFF60]  }
0x55: {  	v15 =	vld [tilespmem:s25+$0xC0]  }
0x56: {  	v17 =	vld [tilespmem:s25+$0xB0]  }
0x57: {  	v18 =	vld [tilespmem:s25+$0xD0]  }
0x58: {  	v13 =	vld [tilespmem:s25+$0xFFFFFED0]  }
0x59: {  	v14 =	vld [tilespmem:s25+$0xFFFFFE90]  }
0x5a: {  	s24 =	simm.s32 $0x10;
	v8 =	vld [tilespmem:s25+$0x170]  }
0x5b: {  	v3 =	vld [tilespmem:s24+$0x9F0]  }
0x5c: {  	v7 =	vld [tilespmem:s24+$0xA00]  }
0x5d: {  	v21 =	vld [tilespmem:s25+$0x150]  }
0x5e: {  	v1 =	vld [tilespmem:s25+$0xFFFFFE00]  }
0x5f: {  	v6 =	vld [tilespmem:s25+$0x0]  }
0x60: {  	v9 =	vld [tilespmem:s25+$0x10];
	v16 =	vbroadcast v3, $0x0  }
0x61: {  	v19 =	vld [tilespmem:s25+$0x90];
	v0 =	vbroadcast v3, $0xF;
	v10 =	vbroadcast v7, $0x0  }
0x62: {  	v20 =	vld [tilespmem:s25+$0x30];
	v2 =	vbroadcast v3, $0xC;
	v5 =	vbroadcast v3, $0xB  }
0x63: {  	v11 =	vld [tilespmem:s25+$0x40];
	v27 =	vbroadcast v7, $0x3;
	v33 =	vbroadcast v3, $0x8  }
0x64: {  	v12 =	vld [tilespmem:s25+$0x50];
	v35 =	vbroadcast v7, $0xA;
	v36 =	vbroadcast v7, $0x1  }
0x65: {  	v25 =	vld [tilespmem:s25+$0x60];
	v38 =	vbroadcast v3, $0x6;
	v39 =	vbroadcast v3, $0x5  }
0x66: {  	v26 =	vld [tilespmem:s25+$0xFFFFFEA0];
	v40 =	vbroadcast v7, $0x8;
	v42 =	vbroadcast v7, $0x5  }
0x67: {  	v28 =	vld [tilespmem:s25+$0xFFFFFE80];
	v43 =	vbroadcast v7, $0x9;
	v45 =	vbroadcast v3, $0x7  }
0x68: {  	v30 =	vld [tilespmem:s25+$0xFFFFFE70];
	v47 =	vbroadcast v7, $0x7;
	v48 =	vbroadcast v3, $0x1  }
0x69: {  	v32 =	vld [tilespmem:s25+$0xFFFFFE20];
	v50 =	vbroadcast v3, $0x4;
	v52 =	vbroadcast v7, $0x6  }
0x6a: {  	v41 =	vld [tilespmem:s25+$0xFFFFFE10];
	v62 =	vbroadcast v3, $0x2;
	v22 =	vmul.f32 v1, v16  }
0x6b: {  	v37 =	vld [tilespmem:s25+$0xFFFFFE60];
	v23 =	vmul.f32 v6, v10;
	v1 =	vbroadcast v7, $0xE  }
0x6c: {  	v46 =	vld [tilespmem:s25+$0xA0];
	v24 =	vmul.f32 v9, v10;
	v4 =	vmul.f32 v4, v5  }
0x6d: {  	v44 =	vld [tilespmem:s25+$0x80];
	v9 =	vbroadcast v7, $0x2;
	v10 =	vbroadcast v3, $0x9  }
0x6e: {  	v49 =	vld [tilespmem:s25+$0x20];
	v6 =	vbroadcast v7, $0xD;
	v34 =	vmul.f32 v25, v27  }
0x6f: {  	v51 =	vld [tilespmem:s25+$0xFFFFFE50];
	v20 =	vmul.f32 v20, v36;
	v41 =	vmul.f32 v41, v16  }
0x70: {  	v61 =	vld [tilespmem:s25+$0x130];
	v32 =	vmul.f32 v32, v48;
	v54 =	vmul.f32 v14, v50  }
0x71: {  	v53 =	vld [tilespmem:s25+$0xFFFFFE40];
	v28 =	vmul.f32 v28, v50;
	v16 =	vmul.f32 v46, v42  }
0x72: {  	v59 =	vld [tilespmem:s25+$0xFFFFFEE0];
	v13 =	vmul.f32 v13, v38;
	v60 =	vmul.f32 v18, v52  }
0x73: {  	v17 =	vmul.f32 v17, v42;
	v29 =	vmul.f32 v11, v9;
	v11 =	vld [tilespmem:s25+$0x70]  }
0x74: {  	v55 =	vld [tilespmem:s25+$0x100];
	v18 =	vmul.f32 v15, v52;
	v57 =	vmul.f32 v49, v36;
	v24 =	vadd.f32 $0.0e+00, v24  }
0x75: {  	v25 =	vld [tilespmem:s25+$0xFFFFFE30];
	v42 =	vmul.f32 v61, v43;
	v21 =	vmul.f32 v21, v35  }
0x76: {  	v31 =	vmul.f32 v12, v9;
	v12 =	vmul.f32 v26, v39;
	v26 =	vld [tilespmem:s25+$0xFFFFFEB0];
	v20 =	vadd.f32 v20, v24  }
0x77: {  	v58 =	vld [tilespmem:s25+$0x120];
	v9 =	vbroadcast v7, $0xC;
	v22 =	vadd.f32 $0.0e+00, v22;
	v24 =	vbroadcast v3, $0x3  }
0x78: {  	v15 =	vld [tilespmem:s25+$0xE0];
	v20 =	vadd.f32 v31, v20;
	v31 =	vbroadcast v7, $0x4;
	v27 =	vmul.f32 v11, v27  }
0x79: {  	v23 =	vadd.f32 $0.0e+00, v23;
	v30 =	vmul.f32 v30, v24;
	v37 =	vmul.f32 v37, v24;
	v24 =	vld [tilespmem:s25+$0x110]  }
0x7a: {  	v61 =	vld [tilespmem:s25+$0xFFFFFF00];
	v22 =	vadd.f32 v32, v22;
	v19 =	vmul.f32 v19, v31;
	v20 =	vadd.f32 v27, v20  }
0x7b: {  	v23 =	vadd.f32 v57, v23;
	v25 =	vmul.f32 v25, v48;
	v14 =	vmul.f32 v26, v39;
	v26 =	vld [tilespmem:s25+$0xF0]  }
0x7c: {  	v27 =	vadd.f32 $0.0e+00, v41;
	v41 =	vmul.f32 v44, v31;
	v31 =	vld [tilespmem:s25+$0xFFFFFEF0];
	v63 =	vadd.f32 v19, v20  }
0x7d: {  	v23 =	vadd.f32 v29, v23;
	v11 =	vbroadcast v7, $0xB;
	v39 =	vld [tilespmem:s25+$0xFFFFFEC0];
	v44 =	vmul.f32 v53, v62  }
0x7e: {  	v56 =	vmul.f32 v24, v40;
	v24 =	vmul.f32 v15, v47;
	v15 =	vld [tilespmem:s25+$0x140];
	v17 =	vadd.f32 v17, v63  }
0x7f: {  	v20 =	vmul.f32 v59, v45;
	v25 =	vadd.f32 v25, v27;
	v59 =	vmul.f32 v51, v62;
	v62 =	vld [tilespmem:s25+$0xFFFFFF10]  }
0x80: {  	v32 =	vld [tilespmem:s25+$0xFFFFFF30];
	v23 =	vadd.f32 v34, v23;
	v26 =	vmul.f32 v26, v47;
	v17 =	vadd.f32 v60, v17  }
0x81: {  	v22 =	vadd.f32 v44, v22;
	v27 =	vmul.f32 v31, v45;
	v31 =	vadd.f32 v59, v25;
	v60 =	vld [tilespmem:s25+$0x190]  }
0x82: {  	v19 =	vld [tilespmem:s25+$0xFFFFFF40];
	v36 =	vadd.f32 v41, v23;
	v25 =	vmul.f32 v55, v40;
	v17 =	vadd.f32 v26, v17  }
0x83: {  	v29 =	vadd.f32 v30, v31;
	v30 =	vadd.f32 v37, v22;
	v22 =	vmul.f32 v15, v35;
	v31 =	vld [tilespmem:s25+$0x1B0]  }
0x84: {  	v15 =	vld [tilespmem:s25+$0xFFFFFFF0];
	v35 =	vmul.f32 v39, v38;
	v23 =	vmul.f32 v62, v33;
	v63 =	vadd.f32 v56, v17  }
0x85: {  	v26 =	vmul.f32 v58, v43;
	v34 =	vadd.f32 v54, v29;
	v37 =	vadd.f32 v28, v30;
	v30 =	vld [tilespmem:s25+$0xFFFFFF20]  }
0x86: {  	s28 =	simm.s32 $0x1600;
	s26 =	simm.s32 $0xC0;
	v29 =	vmul.f32 v61, v33;
	v33 =	vld [tilespmem:s25+$0xFFFFFF50];
	v17 =	vmul.f32 v60, v9;
	v28 =	vadd.f32 v42, v63  }
.LBB2_3:
0x87: {  	p1 =	sne.s32 s26, $0x13C0  }
0x88: {  	v12 =	vadd.f32 v12, v37;
	v32 =	vmul.f32 v32, v10;
	v8 =	vmul.f32 v8, v11;
	v37 =	vld [tilespmem:s25+$0xFFFFFFD0];
	s28 =	sadd.s32 $0x400, s28;
	s29 =	smov.u32 s26;
	s26 =	sadd.s32 $0x80, s26  }
0x89: {  	v14 =	vadd.f32 v14, v34;
	v16 =	vadd.f32 v16, v36;
	v31 =	vmul.f32 v31, v6;
	v34 =	vld [tilespmem:s25+$0x1D0]  }
0x8a: {  	v7 =	vbroadcast v7, $0xF;
	v12 =	vadd.f32 v35, v12;
	v35 =	vbroadcast v3, $0xA;
	v36 =	vld [tilespmem:s25+$0x160]  }
0x8b: {  	v13 =	vadd.f32 v13, v14;
	v14 =	vadd.f32 v18, v16;
	v10 =	vmul.f32 v30, v10;
	v16 =	vld [tilespmem:s25+$0xFFFFFF70]  }
0x8c: {  	v30 =	vbroadcast v3, $0xE;
	v12 =	vadd.f32 v20, v12;
	v18 =	vmul.f32 v33, v35;
	v20 =	vld [tilespmem:s25+$0x180]  }
0x8d: {  	v13 =	vadd.f32 v27, v13;
	v19 =	vmul.f32 v19, v35;
	v14 =	vadd.f32 v24, v14;
	v24 =	vld [tilespmem:s25+$0x1A0]  }
0x8e: {  	v27 =	vmul.f32 v37, v30;
	v12 =	vadd.f32 v29, v12;
	v29 =	vmul.f32 v34, v1;
	v33 =	vld [tilespmem:s25+$0x1F0]  }
0x8f: {  	v13 =	vadd.f32 v23, v13;
	v14 =	vadd.f32 v25, v14;
	v11 =	vmul.f32 v36, v11;
	v23 =	vld [tilespmem:s25+$0xFFFFFF90]  }
0x90: {  	v3 =	vbroadcast v3, $0xD;
	v10 =	vadd.f32 v10, v12;
	v5 =	vmul.f32 v16, v5;
	v12 =	vld [tilespmem:s25+$0xFFFFFF80]  }
0x91: {  	v13 =	vadd.f32 v32, v13;
	v14 =	vadd.f32 v26, v14;
	v9 =	vmul.f32 v20, v9;
	v16 =	vld [tilespmem:s25+$0xFFFFFFB0]  }
0x92: {  	v10 =	vadd.f32 v19, v10;
	v19 =	vadd.f32 v21, v28;
	v20 =	vld [tilespmem:s25+$0xFFFFFFA0];
	v6 =	vmul.f32 v24, v6  }
0x93: {  	v13 =	vadd.f32 v18, v13;
	v14 =	vadd.f32 v22, v14;
	v18 =	vld [tilespmem:s25+$0x1C0];
	v21 =	vmul.f32 v33, v7  }
0x94: {  	v4 =	vadd.f32 v4, v10;
	v8 =	vadd.f32 v8, v19;
	v10 =	vmul.f32 v23, v2;
	v19 =	vld [tilespmem:s25+$0xFFFFFFC0]  }
0x95: {  	v5 =	vadd.f32 v5, v13;
	v11 =	vadd.f32 v11, v14;
	v2 =	vmul.f32 v12, v2;
	v12 =	vld [tilespmem:s25+$0x1E0]  }
0x96: {  	v15 =	vmul.f32 v15, v0;
	v8 =	vadd.f32 v17, v8;
	v13 =	vmul.f32 v16, v3;
	v14 =	vld [tilespmem:s25+$0xFFFFFFE0];
	s25 =	smov.u32 s28  }
0x97: {  	v2 =	vadd.f32 v2, v4;
	v4 =	vadd.f32 v9, v11;
	v3 =	vmul.f32 v20, v3  }
0x98: {  	v5 =	vadd.f32 v10, v5;
	v8 =	vadd.f32 v31, v8;
	v1 =	vmul.f32 v18, v1  }
0x99: {  	v2 =	vadd.f32 v3, v2;
	v3 =	vadd.f32 v6, v4;
	v4 =	vmul.f32 v19, v30  }
0x9a: {  	v5 =	vadd.f32 v13, v5;
	v6 =	vadd.f32 v29, v8;
	v7 =	vmul.f32 v12, v7  }
0x9b: {  	v2 =	vadd.f32 v4, v2;
	v1 =	vadd.f32 v1, v3;
	v0 =	vmul.f32 v14, v0  }
0x9c: {  	v3 =	vadd.f32 v27, v5;
	v4 =	vadd.f32 v21, v6  }
0x9d: {  	v0 =	vadd.f32 v0, v2;
	v1 =	vadd.f32 v7, v1  }
0x9e: {  	v2 =	vadd.f32 v15, v3  }
0x9f: {  	v0 =	vadd.f32 v1, v0  }
0xa0: {  	v1 =	vadd.f32 v4, v2  }
0xa1: {  	[tilespmem:s24+$0x153F0] =	vst v0  }
0xa2: {  	[tilespmem:s24+$0x15400] =	vst v1  }
0xa3: {  	v4 =	vld [tilespmem:s28+$0xFFFFFF60]  }
0xa4: {  	v17 =	vld [tilespmem:s28+$0xC0]  }
0xa5: {  	v18 =	vld [tilespmem:s28+$0xB0]  }
0xa6: {  	v19 =	vld [tilespmem:s28+$0xD0]  }
0xa7: {  	v13 =	vld [tilespmem:s28+$0xFFFFFED0]  }
0xa8: {  	v14 =	vld [tilespmem:s28+$0xFFFFFE90]  }
0xa9: {  	v8 =	vld [tilespmem:s28+$0x170]  }
0xaa: {  	s24 =	sshra.s32 s29, $0x2;
	v15 =	vld [tilespmem:s28+$0x150]  }
0xab: {  	v3 =	vld [tilespmem:s24+$0x9F0]  }
0xac: {  	v7 =	vld [tilespmem:s24+$0xA00]  }
0xad: {  	v1 =	vld [tilespmem:s28+$0xFFFFFE00]  }
0xae: {  	v6 =	vld [tilespmem:s28+$0x0]  }
0xaf: {  	v9 =	vld [tilespmem:s28+$0x10]  }
0xb0: {  	v16 =	vbroadcast v3, $0x0;
	v20 =	vld [tilespmem:s28+$0x90];
	v0 =	vbroadcast v3, $0xF  }
0xb1: {  	v2 =	vbroadcast v3, $0xC;
	v10 =	vbroadcast v7, $0x0;
	v21 =	vld [tilespmem:s28+$0x30]  }
0xb2: {  	v5 =	vbroadcast v3, $0xB;
	v11 =	vmul.f32 v1, v16;
	v12 =	vld [tilespmem:s28+$0x40]  }
0xb3: {  	v1 =	vbroadcast v7, $0xE;
	v6 =	vmul.f32 v6, v10;
	v22 =	vld [tilespmem:s28+$0x50]  }
0xb4: {  	v4 =	vmul.f32 v4, v5;
	v24 =	vadd.f32 $0.0e+00, v11;
	v9 =	vmul.f32 v9, v10;
	v11 =	vld [tilespmem:s28+$0x60]  }
0xb5: {  	v26 =	vbroadcast v7, $0x2;
	v10 =	vbroadcast v3, $0x9;
	v25 =	vadd.f32 $0.0e+00, v6;
	v27 =	vld [tilespmem:s28+$0xFFFFFEA0]  }
0xb6: {  	v29 =	vbroadcast v7, $0x3;
	v6 =	vbroadcast v7, $0xD;
	v28 =	vadd.f32 $0.0e+00, v9;
	v30 =	vld [tilespmem:s28+$0xFFFFFE80]  }
0xb7: {  	v23 =	vbroadcast v3, $0x8;
	v31 =	vmul.f32 v12, v26;
	v32 =	vld [tilespmem:s28+$0xFFFFFE70]  }
0xb8: {  	v9 =	vbroadcast v7, $0xC;
	v22 =	vmul.f32 v22, v26;
	v12 =	vld [tilespmem:s28+$0x70]  }
0xb9: {  	v34 =	vbroadcast v7, $0xA;
	v26 =	vld [tilespmem:s28+$0xFFFFFE20];
	v33 =	vmul.f32 v11, v29  }
0xba: {  	v38 =	vbroadcast v3, $0x6;
	v36 =	vbroadcast v7, $0x1;
	v35 =	vld [tilespmem:s28+$0xFFFFFE30]  }
0xbb: {  	v39 =	vbroadcast v3, $0x5;
	v40 =	vbroadcast v7, $0x8;
	v37 =	vld [tilespmem:s28+$0xFFFFFE60]  }
0xbc: {  	v42 =	vbroadcast v7, $0x5;
	v43 =	vbroadcast v7, $0x9;
	v41 =	vld [tilespmem:s28+$0xFFFFFE10]  }
0xbd: {  	v11 =	vbroadcast v7, $0xB;
	v29 =	vmul.f32 v12, v29;
	v44 =	vld [tilespmem:s28+$0x80]  }
0xbe: {  	v45 =	vbroadcast v3, $0x7;
	v12 =	vmul.f32 v27, v39;
	v27 =	vld [tilespmem:s28+$0xFFFFFEB0]  }
0xbf: {  	v47 =	vbroadcast v7, $0x7;
	v21 =	vmul.f32 v21, v36;
	v46 =	vld [tilespmem:s28+$0xA0]  }
0xc0: {  	v48 =	vbroadcast v3, $0x1;
	v50 =	vbroadcast v3, $0x4;
	v49 =	vld [tilespmem:s28+$0x20]  }
0xc1: {  	v41 =	vmul.f32 v41, v16;
	v16 =	vadd.f32 v21, v28;
	v21 =	vld [tilespmem:s28+$0xFFFFFE50];
	v28 =	vbroadcast v7, $0x6  }
0xc2: {  	v52 =	vmul.f32 v14, v50;
	v26 =	vmul.f32 v26, v48;
	v51 =	vld [tilespmem:s28+$0xFFFFFE40]  }
0xc3: {  	v30 =	vmul.f32 v30, v50;
	v22 =	vadd.f32 v22, v16;
	v14 =	vmul.f32 v27, v39;
	v39 =	vld [tilespmem:s28+$0xFFFFFEC0]  }
0xc4: {  	v27 =	vbroadcast v3, $0x3;
	v16 =	vmul.f32 v46, v42;
	v46 =	vld [tilespmem:s28+$0xF0]  }
0xc5: {  	v13 =	vmul.f32 v13, v38;
	v22 =	vadd.f32 v29, v22;
	v29 =	vbroadcast v7, $0x4;
	v50 =	vld [tilespmem:s28+$0xFFFFFEE0]  }
0xc6: {  	v41 =	vadd.f32 $0.0e+00, v41;
	v53 =	vmul.f32 v19, v28;
	v32 =	vmul.f32 v32, v27;
	v19 =	vld [tilespmem:s28+$0x110]  }
0xc7: {  	v37 =	vmul.f32 v37, v27;
	v27 =	vmul.f32 v18, v42;
	v42 =	vld [tilespmem:s28+$0x130]  }
0xc8: {  	v26 =	vadd.f32 v26, v24;
	v18 =	vmul.f32 v17, v28;
	v20 =	vmul.f32 v20, v29;
	v17 =	vld [tilespmem:s28+$0xE0]  }
0xc9: {  	v44 =	vmul.f32 v44, v29;
	v28 =	vld [tilespmem:s28+$0xFFFFFEF0];
	v29 =	vmul.f32 v46, v47  }
0xca: {  	v46 =	vbroadcast v3, $0x2;
	v22 =	vadd.f32 v20, v22;
	v20 =	vmul.f32 v50, v45;
	v50 =	vld [tilespmem:s28+$0x100]  }
0xcb: {  	v24 =	vmul.f32 v35, v48;
	v35 =	vmul.f32 v19, v40;
	v19 =	vld [tilespmem:s28+$0xFFFFFF40]  }
0xcc: {  	v36 =	vmul.f32 v49, v36;
	v22 =	vadd.f32 v27, v22;
	v48 =	vld [tilespmem:s28+$0x120];
	v42 =	vmul.f32 v42, v43  }
0xcd: {  	v41 =	vadd.f32 v24, v41;
	v21 =	vmul.f32 v21, v46;
	v24 =	vmul.f32 v17, v47;
	v17 =	vld [tilespmem:s28+$0x140]  }
0xce: {  	v46 =	vmul.f32 v51, v46;
	v22 =	vadd.f32 v53, v22;
	v27 =	vmul.f32 v28, v45;
	v28 =	vld [tilespmem:s28+$0x190]  }
0xcf: {  	v36 =	vadd.f32 v36, v25;
	v41 =	vadd.f32 v21, v41;
	v45 =	vld [tilespmem:s28+$0xFFFFFF00];
	v25 =	vmul.f32 v50, v40  }
0xd0: {  	v21 =	vmul.f32 v15, v34;
	v40 =	vadd.f32 v46, v26;
	v22 =	vadd.f32 v29, v22;
	v46 =	vld [tilespmem:s28+$0xFFFFFF10]  }
.Ltmp0:
0xd1: {  	v15 =	vadd.f32 v31, v36;
	v29 =	vadd.f32 v32, v41;
	v32 =	vld [tilespmem:s28+$0xFFFFFF30];
	v26 =	vmul.f32 v48, v43;
	(pc) =	sbr.rel @p1 .LBB2_3-.Ltmp0, $4  }
0xd2: {  	v36 =	vadd.f32 v37, v40;
	v35 =	vadd.f32 v35, v22;
	v22 =	vmul.f32 v17, v34;
	v31 =	vld [tilespmem:s28+$0x1B0]  }
0xd3: {  	v33 =	vadd.f32 v33, v15;
	v34 =	vadd.f32 v52, v29;
	v17 =	vmul.f32 v28, v9;
	v15 =	vld [tilespmem:s28+$0xFFFFFFF0]  }
0xd4: {  	v37 =	vadd.f32 v30, v36;
	v28 =	vadd.f32 v42, v35;
	v29 =	vmul.f32 v45, v23;
	v30 =	vld [tilespmem:s28+$0xFFFFFF20]  }
0xd5: {  	v36 =	vadd.f32 v44, v33;
	v35 =	vmul.f32 v39, v38;
	v23 =	vmul.f32 v46, v23;
	v33 =	vld [tilespmem:s28+$0xFFFFFF50]  }
0xd6: {  	v12 =	vadd.f32 v12, v37;
	v53 =	vld [tilespmem:s25+$0xFFFFFFD0]  }
0xd7: {  	v32 =	vmul.f32 v32, v10;
	v8 =	vmul.f32 v8, v11;
	v54 =	vld [tilespmem:s25+$0x1D0];
	v14 =	vadd.f32 v14, v34  }
0xd8: {  	v55 =	vld [tilespmem:s25+$0x160];
	v56 =	vbroadcast v3, $0xA;
	v7 =	vbroadcast v7, $0xF;
	v16 =	vadd.f32 v16, v36  }
0xd9: {  	v57 =	vld [tilespmem:s25+$0xFFFFFF70];
	v61 =	vbroadcast v3, $0xE;
	v44 =	vadd.f32 v21, v28;
	v13 =	vadd.f32 v13, v14  }
0xda: {  	v59 =	vld [tilespmem:s25+$0x180];
	v42 =	vbroadcast v3, $0xD;
	v12 =	vadd.f32 v35, v12;
	v16 =	vadd.f32 v18, v16  }
0xdb: {  	v62 =	vld [tilespmem:s25+$0x1A0];
	v31 =	vmul.f32 v31, v6;
	v8 =	vadd.f32 v8, v44;
	v13 =	vadd.f32 v27, v13  }
0xdc: {  	v63 =	vld [tilespmem:s25+$0x1F0];
	v19 =	vmul.f32 v19, v56;
	v12 =	vadd.f32 v20, v12;
	v16 =	vadd.f32 v24, v16  }
0xdd: {  	v39 =	vld [tilespmem:s25+$0xFFFFFF90];
	v58 =	vmul.f32 v30, v10;
	v8 =	vadd.f32 v17, v8;
	v13 =	vadd.f32 v23, v13  }
0xde: {  	v41 =	vld [tilespmem:s25+$0xFFFFFF80];
	v60 =	vmul.f32 v33, v56;
	v12 =	vadd.f32 v29, v12;
	v16 =	vadd.f32 v25, v16  }
0xdf: {  	v43 =	vld [tilespmem:s25+$0xFFFFFFB0];
	v37 =	vmul.f32 v53, v61;
	v38 =	vmul.f32 v54, v1;
	v13 =	vadd.f32 v32, v13  }
0xe0: {  	v45 =	vld [tilespmem:s25+$0xFFFFFFA0];
	v40 =	vmul.f32 v55, v11;
	v10 =	vadd.f32 v58, v12;
	v16 =	vadd.f32 v26, v16  }
0xe1: {  	v47 =	vld [tilespmem:s25+$0x1C0];
	v5 =	vmul.f32 v57, v5;
	v9 =	vmul.f32 v59, v9;
	v13 =	vadd.f32 v60, v13  }
0xe2: {  	v52 =	vld [tilespmem:s25+$0x1E0];
	v46 =	vmul.f32 v62, v6;
	v10 =	vadd.f32 v19, v10;
	v16 =	vadd.f32 v22, v16  }
0xe3: {  	v49 =	vld [tilespmem:s25+$0xFFFFFFC0];
	v48 =	vmul.f32 v63, v7;
	v53 =	vmul.f32 v39, v2;
	v5 =	vadd.f32 v5, v13  }
0xe4: {  	v51 =	vmul.f32 v41, v2;
	v4 =	vadd.f32 v4, v10;
	v50 =	vadd.f32 v40, v16  }
0xe5: {  	v54 =	vld [tilespmem:s25+$0xFFFFFFE0];
	v55 =	vmul.f32 v45, v42;
	v3 =	vmul.f32 v43, v42;
	v2 =	vadd.f32 v53, v5  }
0xe6: {  	v56 =	vmul.f32 v47, v1;
	v4 =	vadd.f32 v51, v4;
	v9 =	vadd.f32 v9, v50  }
0xe7: {  	v59 =	vmul.f32 v52, v7;
	v8 =	vadd.f32 v31, v8;
	v2 =	vadd.f32 v3, v2  }
0xe8: {  	v58 =	vmul.f32 v49, v61;
	v4 =	vadd.f32 v55, v4;
	v57 =	vadd.f32 v46, v9  }
0xe9: {  	v61 =	vmul.f32 v15, v0;
	v62 =	vadd.f32 v38, v8;
	v2 =	vadd.f32 v37, v2  }
0xea: {  	v60 =	vmul.f32 v54, v0;
	v4 =	vadd.f32 v58, v4;
	v1 =	vadd.f32 v56, v57  }
0xeb: {  	s25 =	smul.u32 $0x50, s23;
	v63 =	vadd.f32 v48, v62;
	v0 =	vadd.f32 v61, v2  }
0xec: {  	v4 =	vadd.f32 v60, v4;
	v1 =	vadd.f32 v59, v1  }
0xed: {  	s26 =	sadd.s32 s7, s25;
	v0 =	vadd.f32 v63, v0  }
0xee: {  	s26 =	sshll.u32 s26, $0x2;
	v1 =	vadd.f32 v1, v4  }
0xef: {  	s29 =	sadd.s32 s6, s26;
	s26 =	sadd.s32 s25, s12;
	[tilespmem:s24+$0x15400] =	vst v0  }
0xf0: {  	[tilespmem:s24+$0x153F0] =	vst v1;
	s24 =	sshll.u32 s26, $0x2  }
0xf1: {  	[hbm4b:s29+s3] =	stream.linear.scatter [tilespmem:s20], [sflag:$0x5], $0x500, $0x38;
	[tilespmem:$0x15E00] =	vst v63  }
0xf2: {  	s24 =	sand.u32 $0x1FFFFFE0, s24  }
0xf3: {  	s29 =	sadd.s32 s4, s24  }
0xf4: {  	[tilespmem:s3], [sflag:$0x1] =	stream.linear.gather [hbm4b:s29+s3], $0x500, $0x38;
	[tilespmem:$0x15E00] =	vst v63  }
0xf5: {  	s24 =	sadd.s32 s5, s24;
	s29 =	simm.s32 $0xA00  }
0xf6: {  	[tilespmem:s29], [sflag:$0x1] =	stream.linear.gather [hbm4b:s24+s3], $0x500, $0x38;
	[tilespmem:$0x15E00] =	vst v63  }
0xf7: {  	_ =	swait.ge [sflag:s21], $0x500  }
0xf8: {  	[sflag:s21] =	ssyncset.done $0x0  }
0xf9: {  	[sflag:s21] =	ssyncadd.s32 $0xFFFFFB00  }
0xfa: {  	_ =	swait.ge [sflag:s21], $0x500  }
0xfb: {  	[sflag:s21] =	ssyncset.done $0x0  }
0xfc: {  	s26 =	simm.s32 $0x1400;
	[sflag:s21] =	ssyncadd.s32 $0xFFFFFB00  }
0xfd: {  	[tilespmem:s26], [sflag:$0x3] =	stream.indirect.gather [hbm4b:s2+s19], $0x20, s3, s19, $0xb8;
	[tilespmem:$0x15E00] =	vst v63  }
0xfe: {  	s29 =	simm.s32 $0x2400  }
0xff: {  	[tilespmem:s29], [sflag:$0x3] =	stream.indirect.gather [hbm4b:s2+s19], $0x20, s19, s19, $0xb8;
	[tilespmem:$0x15E00] =	vst v63  }
0x100: {  	s26 =	simm.s32 $0x100;
	s29 =	simm.s32 $0x3400  }
0x101: {  	[tilespmem:s29], [sflag:$0x3] =	stream.indirect.gather [hbm4b:s2+s19], $0x20, s26, s19, $0xb8;
	[tilespmem:$0x15E00] =	vst v63  }
0x102: {  	s26 =	simm.s32 $0x180;
	s29 =	simm.s32 $0x4400  }
0x103: {  	[tilespmem:s29], [sflag:$0x3] =	stream.indirect.gather [hbm4b:s2+s19], $0x20, s26, s19, $0xb8;
	[tilespmem:$0x15E00] =	vst v63  }
0x104: {  	s26 =	simm.s32 $0x200;
	s29 =	simm.s32 $0x5400  }
0x105: {  	[tilespmem:s29], [sflag:$0x3] =	stream.indirect.gather [hbm4b:s2+s19], $0x20, s26, s19, $0xb8;
	[tilespmem:$0x15E00] =	vst v63  }
0x106: {  	s29 =	simm.s32 $0x280  }
0x107: {  	[tilespmem:s30], [sflag:$0x3] =	stream.indirect.gather [hbm4b:s2+s19], $0x20, s29, s19, $0xb8;
	[tilespmem:$0x15E00] =	vst v63  }
0x108: {  	_ = 	snop  }
0x109: {  	[tilespmem:s0], [sflag:$0x3] =	stream.indirect.gather [hbm4b:s2+s19], $0x20, s31, s19, $0xb8;
	[tilespmem:$0x15E00] =	vst v63  }
0x10a: {  	_ = 	snop  }
0x10b: {  	[tilespmem:s8], [sflag:$0x3] =	stream.indirect.gather [hbm4b:s2+s19], $0x20, s1, s19, $0xb8;
	[tilespmem:$0x15E00] =	vst v63  }
0x10c: {  	_ = 	snop  }
0x10d: {  	[tilespmem:s10], [sflag:$0x3] =	stream.indirect.gather [hbm4b:s2+s19], $0x20, s9, s19, $0xb8;
	[tilespmem:$0x15E00] =	vst v63  }
0x10e: {  	_ = 	snop  }
0x10f: {  	[tilespmem:s15], [sflag:$0x3] =	stream.indirect.gather [hbm4b:s2+s19], $0x20, s11, s19, $0xb8;
	[tilespmem:$0x15E00] =	vst v63  }
0x110: {  	_ =	swait.ge [sflag:s22], $0xA000  }
0x111: {  	[sflag:s22] =	ssyncset.done $0x0  }
0x112: {  	s24 =	simm.s32 @!p0 $0x6;
	[sflag:s22] =	ssyncadd.s32 $0xFFFF6000  }
0x113: {  	_ =	swait.ge @!p0 [sflag:s24], $0x500  }
0x114: {  	s28 =	simm.s32 $0x15910;
	[sflag:s24] =	ssyncset.done @!p0 $0x0  }
0x115: {  	s26 =	simm.s32 $0xF10;
	[sflag:s24] =	ssyncadd.s32 @!p0 $0xFFFFFB00;
	s24 =	simm.s32 $0x0  }
.LBB2_5:
0x116: {  	v0 =	vld [tilespmem:s26+$0xFFFFFFF0]  }
0x117: {  	v1 =	vld [tilespmem:s26+$0x0];
	s29 =	sshra.s32 s24, $0x2  }
0x118: {  	v2 =	vld [tilespmem:s29+$0xB400]  }
0x119: {  	v3 =	vld [tilespmem:s29+$0xB410]  }
0x11a: {  	v4 =	vld [tilespmem:s29+$0xB600]  }
0x11b: {  	v5 =	vld [tilespmem:s29+$0xB610]  }
0x11c: {  	v6 =	vld [tilespmem:s29+$0xB420]  }
0x11d: {  	v7 =	vld [tilespmem:s29+$0xB430]  }
0x11e: {  	v8 =	vld [tilespmem:s29+$0xB620]  }
0x11f: {  	v9 =	vld [tilespmem:s29+$0xB630]  }
0x120: {  	v10 =	vld [tilespmem:s29+$0xB440]  }
0x121: {  	v11 =	vld [tilespmem:s29+$0xB450]  }
0x122: {  	v12 =	vld [tilespmem:s29+$0xB640]  }
0x123: {  	v13 =	vld [tilespmem:s29+$0xB650]  }
0x124: {  	v14 =	vld [tilespmem:s29+$0xB460];
	v17 =	vbroadcast v0, $0x0;
	v19 =	vbroadcast v1, $0x0  }
0x125: {  	v15 =	vld [tilespmem:s29+$0xB470];
	v21 =	vbroadcast v0, $0x1;
	v23 =	vbroadcast v1, $0x1  }
0x126: {  	v16 =	vld [tilespmem:s29+$0xB660];
	v29 =	vbroadcast v0, $0x2;
	v34 =	vbroadcast v1, $0x2  }
0x127: {  	v18 =	vld [tilespmem:s29+$0xB670];
	v39 =	vbroadcast v0, $0x3;
	v42 =	vbroadcast v1, $0x3  }
0x128: {  	v20 =	vld [tilespmem:s29+$0xB480];
	v47 =	vbroadcast v0, $0x4;
	v52 =	vbroadcast v1, $0x4  }
0x129: {  	v63 =	vld [tilespmem:s29+$0xB490];
	v55 =	vbroadcast v0, $0x5;
	v60 =	vbroadcast v1, $0x5  }
0x12a: {  	v22 =	vld [tilespmem:s29+$0xB680];
	v2 =	vmul.f32 v2, v17;
	v3 =	vmul.f32 v3, v17  }
0x12b: {  	v28 =	vld [tilespmem:s29+$0xB690];
	v4 =	vmul.f32 v4, v19;
	v5 =	vmul.f32 v5, v19  }
0x12c: {  	v24 =	vld [tilespmem:s29+$0xB4A0];
	v6 =	vmul.f32 v6, v21;
	v7 =	vmul.f32 v7, v21  }
0x12d: {  	v25 =	vld [tilespmem:s29+$0xB4B0];
	v30 =	vmul.f32 v8, v23;
	v31 =	vmul.f32 v9, v23  }
0x12e: {  	v32 =	vld [tilespmem:s29+$0xB6A0];
	v33 =	vmul.f32 v10, v29;
	v36 =	vmul.f32 v11, v29  }
0x12f: {  	v35 =	vld [tilespmem:s29+$0xB6B0];
	v38 =	vmul.f32 v12, v34;
	v41 =	vmul.f32 v13, v34  }
0x130: {  	v37 =	vld [tilespmem:s29+$0xB4C0];
	v44 =	vmul.f32 v14, v39;
	v11 =	vmul.f32 v15, v39  }
0x131: {  	v40 =	vld [tilespmem:s29+$0xB4D0];
	v46 =	vmul.f32 v16, v42;
	v49 =	vmul.f32 v18, v42  }
0x132: {  	v43 =	vld [tilespmem:s29+$0xB6C0];
	v51 =	vmul.f32 v20, v47;
	v54 =	vmul.f32 v63, v47  }
0x133: {  	v45 =	vld [tilespmem:s29+$0xB6D0];
	v57 =	vmul.f32 v22, v52;
	v59 =	vmul.f32 v24, v55  }
0x134: {  	v48 =	vld [tilespmem:s29+$0xB4E0];
	v62 =	vmul.f32 v25, v55;
	v24 =	vmul.f32 v32, v60  }
0x135: {  	v50 =	vld [tilespmem:s29+$0xB4F0];
	v25 =	vbroadcast v0, $0x6;
	v27 =	vmul.f32 v35, v60  }
0x136: {  	v56 =	vld [tilespmem:s29+$0xB6F0];
	v34 =	vbroadcast v0, $0x7;
	v39 =	vbroadcast v1, $0x7  }
0x137: {  	v53 =	vld [tilespmem:s29+$0xB6E0];
	v42 =	vbroadcast v0, $0x8;
	v47 =	vbroadcast v1, $0x8  }
0x138: {  	v58 =	vld [tilespmem:s29+$0xB500];
	v55 =	vbroadcast v1, $0x9;
	v2 =	vadd.f32 $0.0e+00, v2;
	v3 =	vadd.f32 $0.0e+00, v3  }
0x139: {  	v61 =	vld [tilespmem:s29+$0xB510];
	v60 =	vbroadcast v0, $0xA;
	v4 =	vadd.f32 $0.0e+00, v4;
	v5 =	vadd.f32 $0.0e+00, v5  }
0x13a: {  	v26 =	vld [tilespmem:s29+$0xB710];
	v22 =	vbroadcast v1, $0xA;
	v2 =	vadd.f32 v6, v2;
	v3 =	vadd.f32 v7, v3  }
0x13b: {  	v63 =	vld [tilespmem:s29+$0xB700];
	v14 =	vmul.f32 v56, v39;
	v4 =	vadd.f32 v30, v4;
	v5 =	vadd.f32 v31, v5  }
0x13c: {  	v29 =	vld [tilespmem:s29+$0xB520];
	v30 =	vmul.f32 v37, v25;
	v31 =	vmul.f32 v40, v25;
	v2 =	vadd.f32 v33, v2  }
0x13d: {  	v40 =	vld [tilespmem:s29+$0xB540];
	v25 =	vbroadcast v0, $0xB;
	v3 =	vadd.f32 v36, v3;
	v4 =	vadd.f32 v38, v4  }
0x13e: {  	v32 =	vld [tilespmem:s29+$0xB530];
	v5 =	vadd.f32 v41, v5;
	v38 =	vmul.f32 v48, v34;
	v41 =	vmul.f32 v50, v34  }
0x13f: {  	v35 =	vld [tilespmem:s29+$0xB720];
	v2 =	vadd.f32 v44, v2;
	v3 =	vadd.f32 v11, v3;
	v11 =	vmul.f32 v28, v52  }
0x140: {  	v23 =	vld [tilespmem:s29+$0xB780];
	v4 =	vadd.f32 v46, v4;
	v28 =	vbroadcast v1, $0x6;
	v44 =	vmul.f32 v53, v39  }
0x141: {  	v50 =	vld [tilespmem:s29+$0xB560];
	v5 =	vadd.f32 v49, v5;
	v46 =	vmul.f32 v58, v42;
	v49 =	vmul.f32 v61, v42  }
0x142: {  	v37 =	vld [tilespmem:s29+$0xB730];
	v52 =	vbroadcast v0, $0x9;
	v21 =	vmul.f32 v40, v60  }
0x143: {  	v53 =	vld [tilespmem:s29+$0xB570];
	v2 =	vadd.f32 v51, v2;
	v3 =	vadd.f32 v54, v3;
	v33 =	vmul.f32 v43, v28  }
0x144: {  	v61 =	vld [tilespmem:s29+$0xB580];
	v4 =	vadd.f32 v57, v4;
	v36 =	vmul.f32 v45, v28;
	v51 =	vmul.f32 v63, v47  }
0x145: {  	v5 =	vadd.f32 v11, v5;
	v43 =	vld [tilespmem:s29+$0xB550];
	v54 =	vmul.f32 v26, v47;
	v57 =	vmul.f32 v29, v52  }
0x146: {  	v45 =	vld [tilespmem:s29+$0xB740];
	v9 =	vmul.f32 v32, v52;
	v29 =	vmul.f32 v50, v25;
	v2 =	vadd.f32 v59, v2  }
0x147: {  	v63 =	vld [tilespmem:s29+$0xB590];
	v3 =	vadd.f32 v62, v3;
	v4 =	vadd.f32 v24, v4;
	v59 =	vmul.f32 v35, v55  }
0x148: {  	v56 =	vld [tilespmem:s29+$0xB760];
	v5 =	vadd.f32 v27, v5;
	v62 =	vmul.f32 v37, v55;
	v35 =	vbroadcast v0, $0xC  }
0x149: {  	v58 =	vld [tilespmem:s29+$0xB770];
	v32 =	vmul.f32 v53, v25;
	v2 =	vadd.f32 v30, v2;
	v3 =	vadd.f32 v31, v3  }
0x14a: {  	v28 =	vld [tilespmem:s29+$0xB5A0];
	v4 =	vadd.f32 v33, v4;
	v30 =	vbroadcast v1, $0xB;
	v40 =	vmul.f32 v61, v35  }
0x14b: {  	v26 =	vld [tilespmem:s29+$0xB790];
	v5 =	vadd.f32 v36, v5;
	v24 =	vmul.f32 v43, v60;
	v27 =	vmul.f32 v45, v22  }
0x14c: {  	v8 =	vmul.f32 v63, v35;
	v43 =	vbroadcast v0, $0xD;
	v2 =	vadd.f32 v38, v2  }
0x14d: {  	v31 =	vld [tilespmem:s29+$0xB5B0];
	v3 =	vadd.f32 v41, v3;
	v4 =	vadd.f32 v44, v4;
	v34 =	vmul.f32 v56, v30  }
0x14e: {  	v48 =	vld [tilespmem:s29+$0xB750];
	v5 =	vadd.f32 v14, v5;
	v37 =	vmul.f32 v58, v30;
	v38 =	vbroadcast v1, $0xC  }
0x14f: {  	v39 =	vld [tilespmem:s29+$0xB5C0];
	v47 =	vmul.f32 v28, v43;
	v2 =	vadd.f32 v46, v2;
	v3 =	vadd.f32 v49, v3  }
0x150: {  	v4 =	vadd.f32 v51, v4;
	v42 =	vmul.f32 v23, v38;
	v45 =	vmul.f32 v26, v38  }
0x151: {  	v41 =	vld [tilespmem:s29+$0xB5D0];
	v5 =	vadd.f32 v54, v5;
	v51 =	vbroadcast v0, $0xE;
	v54 =	vbroadcast v1, $0xE  }
0x152: {  	v44 =	vld [tilespmem:s29+$0xB7C0];
	v0 =	vbroadcast v0, $0xF;
	v50 =	vmul.f32 v31, v43;
	v2 =	vadd.f32 v57, v2  }
0x153: {  	v33 =	vld [tilespmem:s29+$0xB7A0];
	v3 =	vadd.f32 v9, v3;
	v4 =	vadd.f32 v59, v4;
	v9 =	vmul.f32 v48, v22  }
0x154: {  	v36 =	vld [tilespmem:s29+$0xB7B0];
	v5 =	vadd.f32 v62, v5;
	v48 =	vbroadcast v1, $0xD;
	v57 =	vmul.f32 v39, v51  }
0x155: {  	v55 =	vld [tilespmem:s29+$0xB7E0];
	v1 =	vbroadcast v1, $0xF;
	v2 =	vadd.f32 v21, v2;
	v4 =	vadd.f32 v27, v4  }
0x156: {  	v58 =	vld [tilespmem:s29+$0xB7F0];
	v59 =	vmul.f32 v41, v51;
	v3 =	vadd.f32 v24, v3;
	v5 =	vadd.f32 v9, v5  }
0x157: {  	v46 =	vld [tilespmem:s29+$0xB7D0];
	v60 =	vmul.f32 v44, v54;
	v2 =	vadd.f32 v29, v2;
	v4 =	vadd.f32 v34, v4  }
0x158: {  	v49 =	vld [tilespmem:s29+$0xB5E0];
	v53 =	vmul.f32 v33, v48;
	v3 =	vadd.f32 v32, v3;
	v5 =	vadd.f32 v37, v5  }
0x159: {  	v52 =	vld [tilespmem:s29+$0xB5F0];
	v56 =	vmul.f32 v36, v48;
	v2 =	vadd.f32 v40, v2;
	v4 =	vadd.f32 v42, v4  }
0x15a: {  	v63 =	vmul.f32 v55, v1;
	v3 =	vadd.f32 v8, v3;
	v5 =	vadd.f32 v45, v5  }
0x15b: {  	v1 =	vmul.f32 v58, v1;
	v2 =	vadd.f32 v47, v2;
	v4 =	vadd.f32 v53, v4  }
0x15c: {  	v61 =	vmul.f32 v46, v54;
	v3 =	vadd.f32 v50, v3;
	v5 =	vadd.f32 v56, v5  }
0x15d: {  	v62 =	vmul.f32 v49, v0;
	v2 =	vadd.f32 v57, v2;
	v4 =	vadd.f32 v60, v4  }
0x15e: {  	v0 =	vmul.f32 v52, v0;
	v3 =	vadd.f32 v59, v3;
	v5 =	vadd.f32 v61, v5  }
0x15f: {  	p0 =	sne.s32 s24, $0x27000;
	v2 =	vadd.f32 v62, v2;
	v4 =	vadd.f32 v63, v4  }
.Ltmp1:
0x160: {  	v0 =	vadd.f32 v0, v3;
	v1 =	vadd.f32 v1, v5;
	(pc) =	sbr.rel @p0 .LBB2_5-.Ltmp1, $4  }
0x161: {  	v2 =	vadd.f32 v4, v2  }
0x162: {  	v0 =	vadd.f32 v1, v0  }
0x163: {  	[tilespmem:s28+$0xFFFFFFF0] =	vst v2  }
0x164: {  	s26 =	sadd.s32 $0x20, s26;
	s24 =	sadd.s32 $0x1000, s24;
	[tilespmem:s28+$0x0] =	vst v0;
	s28 =	sadd.s32 $0x20, s28  }
0x165: {  	p0 =	seq.s32 s23, $0x3D  }
.Ltmp2:
0x166: {  	s24 =	sadd.s32 s25, s13;
	(pc) =	sbr.rel @p0 .LBB2_8-.Ltmp2, $4  }
0x167: {  	s24 =	sshll.u32 s24, $0x2  }
0x168: {  	s24 =	sand.u32 $0x1FFFFFE0, s24  }
0x169: {  	s26 =	simm.s32 $0x15900;
	s24 =	sadd.s32 s6, s24  }
0x16a: {  	[hbm4b:s24+s3] =	stream.linear.scatter [tilespmem:s26], [sflag:$0x6], $0x500, $0x38;
	[tilespmem:$0x15E00] =	vst v63  }
0x16b: {  	s24 =	sadd.s32 s25, s14  }
0x16c: {  	s24 =	sshll.u32 s24, $0x2  }
.Ltmp3:
0x16d: {  	s24 =	sand.u32 $0x1FFFFFE0, s24;
	(pc) =	sbr.rel .LBB2_2-.Ltmp3, $4  }
0x16e: {  	s28 =	sadd.s32 s4, s24  }
0x16f: {  	[tilespmem:s16], [sflag:$0x2] =	stream.linear.gather [hbm4b:s28+s3], $0x500, $0x38;
	[tilespmem:$0x15E00] =	vst v63  }
0x170: {  	s29 =	simm.s32 $0xF00;
	s23 =	sadd.s32 $0x1, s23;
	s24 =	sadd.s32 s5, s24  }
0x171: {  	[tilespmem:s29], [sflag:$0x2] =	stream.linear.gather [hbm4b:s24+s3], $0x500, $0x38;
	[tilespmem:$0x15E00] =	vst v63  }
.LBB2_8:
0x172: {  	_ =	swait.ge [sflag:s18], $0xA000  }
0x173: {  	[sflag:s18] =	ssyncset.done $0x0  }
0x174: {  	s23 =	simm.s32 $0x5;
	[sflag:s18] =	ssyncadd.s32 $0xFFFF6000  }
0x175: {  	_ =	swait.ge [sflag:s23], $0x500  }
0x176: {  	[sflag:s23] =	ssyncset.done $0x0  }
0x177: {  	s24 =	simm.s32 $0x1600;
	[sflag:s23] =	ssyncadd.s32 $0xFFFFFB00  }
0x178: {  	v4 =	vld [tilespmem:s24+$0xFFFFFF60]  }
0x179: {  	v15 =	vld [tilespmem:s24+$0xC0]  }
0x17a: {  	v17 =	vld [tilespmem:s24+$0xB0]  }
0x17b: {  	v18 =	vld [tilespmem:s24+$0xD0]  }
0x17c: {  	v13 =	vld [tilespmem:s24+$0xFFFFFED0]  }
0x17d: {  	v14 =	vld [tilespmem:s24+$0xFFFFFE90]  }
0x17e: {  	s23 =	simm.s32 $0x10;
	v8 =	vld [tilespmem:s24+$0x170]  }
0x17f: {  	v3 =	vld [tilespmem:s23+$0x9F0]  }
0x180: {  	v7 =	vld [tilespmem:s23+$0xA00]  }
0x181: {  	v21 =	vld [tilespmem:s24+$0x150]  }
0x182: {  	v1 =	vld [tilespmem:s24+$0xFFFFFE00]  }
0x183: {  	v6 =	vld [tilespmem:s24+$0x0]  }
0x184: {  	v9 =	vld [tilespmem:s24+$0x10];
	v16 =	vbroadcast v3, $0x0  }
0x185: {  	v19 =	vld [tilespmem:s24+$0x90];
	v0 =	vbroadcast v3, $0xF;
	v10 =	vbroadcast v7, $0x0  }
0x186: {  	v20 =	vld [tilespmem:s24+$0x30];
	v2 =	vbroadcast v3, $0xC;
	v5 =	vbroadcast v3, $0xB  }
0x187: {  	v11 =	vld [tilespmem:s24+$0x40];
	v27 =	vbroadcast v7, $0x3;
	v33 =	vbroadcast v3, $0x8  }
0x188: {  	v12 =	vld [tilespmem:s24+$0x50];
	v35 =	vbroadcast v7, $0xA;
	v36 =	vbroadcast v7, $0x1  }
0x189: {  	v25 =	vld [tilespmem:s24+$0x60];
	v38 =	vbroadcast v3, $0x6;
	v39 =	vbroadcast v3, $0x5  }
0x18a: {  	v26 =	vld [tilespmem:s24+$0xFFFFFEA0];
	v40 =	vbroadcast v7, $0x8;
	v42 =	vbroadcast v7, $0x5  }
0x18b: {  	v28 =	vld [tilespmem:s24+$0xFFFFFE80];
	v43 =	vbroadcast v7, $0x9;
	v45 =	vbroadcast v3, $0x7  }
0x18c: {  	v30 =	vld [tilespmem:s24+$0xFFFFFE70];
	v47 =	vbroadcast v7, $0x7;
	v48 =	vbroadcast v3, $0x1  }
0x18d: {  	v32 =	vld [tilespmem:s24+$0xFFFFFE20];
	v50 =	vbroadcast v3, $0x4;
	v52 =	vbroadcast v7, $0x6  }
0x18e: {  	v41 =	vld [tilespmem:s24+$0xFFFFFE10];
	v62 =	vbroadcast v3, $0x2;
	v22 =	vmul.f32 v1, v16  }
0x18f: {  	v37 =	vld [tilespmem:s24+$0xFFFFFE60];
	v23 =	vmul.f32 v6, v10;
	v1 =	vbroadcast v7, $0xE  }
0x190: {  	v46 =	vld [tilespmem:s24+$0xA0];
	v24 =	vmul.f32 v9, v10;
	v4 =	vmul.f32 v4, v5  }
0x191: {  	v44 =	vld [tilespmem:s24+$0x80];
	v9 =	vbroadcast v7, $0x2;
	v10 =	vbroadcast v3, $0x9  }
0x192: {  	v49 =	vld [tilespmem:s24+$0x20];
	v6 =	vbroadcast v7, $0xD;
	v34 =	vmul.f32 v25, v27  }
0x193: {  	v51 =	vld [tilespmem:s24+$0xFFFFFE50];
	v20 =	vmul.f32 v20, v36;
	v41 =	vmul.f32 v41, v16  }
0x194: {  	v61 =	vld [tilespmem:s24+$0x130];
	v32 =	vmul.f32 v32, v48;
	v54 =	vmul.f32 v14, v50  }
0x195: {  	v53 =	vld [tilespmem:s24+$0xFFFFFE40];
	v28 =	vmul.f32 v28, v50;
	v16 =	vmul.f32 v46, v42  }
0x196: {  	v59 =	vld [tilespmem:s24+$0xFFFFFEE0];
	v13 =	vmul.f32 v13, v38;
	v60 =	vmul.f32 v18, v52  }
0x197: {  	v17 =	vmul.f32 v17, v42;
	v29 =	vmul.f32 v11, v9;
	v11 =	vld [tilespmem:s24+$0x70]  }
0x198: {  	v55 =	vld [tilespmem:s24+$0x100];
	v18 =	vmul.f32 v15, v52;
	v57 =	vmul.f32 v49, v36;
	v24 =	vadd.f32 $0.0e+00, v24  }
0x199: {  	v25 =	vld [tilespmem:s24+$0xFFFFFE30];
	v42 =	vmul.f32 v61, v43;
	v21 =	vmul.f32 v21, v35  }
0x19a: {  	v31 =	vmul.f32 v12, v9;
	v12 =	vmul.f32 v26, v39;
	v26 =	vld [tilespmem:s24+$0xFFFFFEB0];
	v20 =	vadd.f32 v20, v24  }
0x19b: {  	v58 =	vld [tilespmem:s24+$0x120];
	v9 =	vbroadcast v7, $0xC;
	v22 =	vadd.f32 $0.0e+00, v22;
	v24 =	vbroadcast v3, $0x3  }
0x19c: {  	v15 =	vld [tilespmem:s24+$0xE0];
	v20 =	vadd.f32 v31, v20;
	v31 =	vbroadcast v7, $0x4;
	v27 =	vmul.f32 v11, v27  }
0x19d: {  	v23 =	vadd.f32 $0.0e+00, v23;
	v30 =	vmul.f32 v30, v24;
	v37 =	vmul.f32 v37, v24;
	v24 =	vld [tilespmem:s24+$0x110]  }
0x19e: {  	v61 =	vld [tilespmem:s24+$0xFFFFFF00];
	v22 =	vadd.f32 v32, v22;
	v19 =	vmul.f32 v19, v31;
	v20 =	vadd.f32 v27, v20  }
0x19f: {  	v23 =	vadd.f32 v57, v23;
	v25 =	vmul.f32 v25, v48;
	v14 =	vmul.f32 v26, v39;
	v26 =	vld [tilespmem:s24+$0xF0]  }
0x1a0: {  	v27 =	vadd.f32 $0.0e+00, v41;
	v41 =	vmul.f32 v44, v31;
	v31 =	vld [tilespmem:s24+$0xFFFFFEF0];
	v63 =	vadd.f32 v19, v20  }
0x1a1: {  	v23 =	vadd.f32 v29, v23;
	v11 =	vbroadcast v7, $0xB;
	v39 =	vld [tilespmem:s24+$0xFFFFFEC0];
	v44 =	vmul.f32 v53, v62  }
0x1a2: {  	v56 =	vmul.f32 v24, v40;
	v24 =	vmul.f32 v15, v47;
	v15 =	vld [tilespmem:s24+$0x140];
	v17 =	vadd.f32 v17, v63  }
0x1a3: {  	v20 =	vmul.f32 v59, v45;
	v25 =	vadd.f32 v25, v27;
	v59 =	vmul.f32 v51, v62;
	v62 =	vld [tilespmem:s24+$0xFFFFFF10]  }
0x1a4: {  	v32 =	vld [tilespmem:s24+$0xFFFFFF30];
	v23 =	vadd.f32 v34, v23;
	v26 =	vmul.f32 v26, v47;
	v17 =	vadd.f32 v60, v17  }
0x1a5: {  	v22 =	vadd.f32 v44, v22;
	v27 =	vmul.f32 v31, v45;
	v31 =	vadd.f32 v59, v25;
	v60 =	vld [tilespmem:s24+$0x190]  }
0x1a6: {  	v19 =	vld [tilespmem:s24+$0xFFFFFF40];
	v36 =	vadd.f32 v41, v23;
	v25 =	vmul.f32 v55, v40;
	v17 =	vadd.f32 v26, v17  }
0x1a7: {  	v29 =	vadd.f32 v30, v31;
	v30 =	vadd.f32 v37, v22;
	v22 =	vmul.f32 v15, v35;
	v31 =	vld [tilespmem:s24+$0x1B0]  }
0x1a8: {  	v15 =	vld [tilespmem:s24+$0xFFFFFFF0];
	v35 =	vmul.f32 v39, v38;
	v23 =	vmul.f32 v62, v33;
	v63 =	vadd.f32 v56, v17  }
0x1a9: {  	v26 =	vmul.f32 v58, v43;
	v34 =	vadd.f32 v54, v29;
	v37 =	vadd.f32 v28, v30;
	v30 =	vld [tilespmem:s24+$0xFFFFFF20]  }
0x1aa: {  	s25 =	simm.s32 $0xC0;
	s26 =	simm.s32 $0x1600;
	v29 =	vmul.f32 v61, v33;
	v33 =	vld [tilespmem:s24+$0xFFFFFF50];
	v17 =	vmul.f32 v60, v9;
	v28 =	vadd.f32 v42, v63  }
.LBB2_9:
0x1ab: {  	p0 =	sne.s32 s25, $0x13C0  }
0x1ac: {  	v12 =	vadd.f32 v12, v37;
	v32 =	vmul.f32 v32, v10;
	v8 =	vmul.f32 v8, v11;
	v37 =	vld [tilespmem:s24+$0xFFFFFFD0];
	s26 =	sadd.s32 $0x400, s26;
	s28 =	smov.u32 s25;
	s25 =	sadd.s32 $0x80, s25  }
0x1ad: {  	v14 =	vadd.f32 v14, v34;
	v16 =	vadd.f32 v16, v36;
	v31 =	vmul.f32 v31, v6;
	v34 =	vld [tilespmem:s24+$0x1D0]  }
0x1ae: {  	v7 =	vbroadcast v7, $0xF;
	v12 =	vadd.f32 v35, v12;
	v35 =	vbroadcast v3, $0xA;
	v36 =	vld [tilespmem:s24+$0x160]  }
0x1af: {  	v13 =	vadd.f32 v13, v14;
	v14 =	vadd.f32 v18, v16;
	v10 =	vmul.f32 v30, v10;
	v16 =	vld [tilespmem:s24+$0xFFFFFF70]  }
0x1b0: {  	v30 =	vbroadcast v3, $0xE;
	v12 =	vadd.f32 v20, v12;
	v18 =	vmul.f32 v33, v35;
	v20 =	vld [tilespmem:s24+$0x180]  }
0x1b1: {  	v13 =	vadd.f32 v27, v13;
	v19 =	vmul.f32 v19, v35;
	v14 =	vadd.f32 v24, v14;
	v24 =	vld [tilespmem:s24+$0x1A0]  }
0x1b2: {  	v27 =	vmul.f32 v37, v30;
	v12 =	vadd.f32 v29, v12;
	v29 =	vmul.f32 v34, v1;
	v33 =	vld [tilespmem:s24+$0x1F0]  }
0x1b3: {  	v13 =	vadd.f32 v23, v13;
	v14 =	vadd.f32 v25, v14;
	v11 =	vmul.f32 v36, v11;
	v23 =	vld [tilespmem:s24+$0xFFFFFF90]  }
0x1b4: {  	v3 =	vbroadcast v3, $0xD;
	v10 =	vadd.f32 v10, v12;
	v5 =	vmul.f32 v16, v5;
	v12 =	vld [tilespmem:s24+$0xFFFFFF80]  }
0x1b5: {  	v13 =	vadd.f32 v32, v13;
	v14 =	vadd.f32 v26, v14;
	v9 =	vmul.f32 v20, v9;
	v16 =	vld [tilespmem:s24+$0xFFFFFFB0]  }
0x1b6: {  	v10 =	vadd.f32 v19, v10;
	v19 =	vadd.f32 v21, v28;
	v20 =	vld [tilespmem:s24+$0xFFFFFFA0];
	v6 =	vmul.f32 v24, v6  }
0x1b7: {  	v13 =	vadd.f32 v18, v13;
	v14 =	vadd.f32 v22, v14;
	v18 =	vld [tilespmem:s24+$0x1C0];
	v21 =	vmul.f32 v33, v7  }
0x1b8: {  	v4 =	vadd.f32 v4, v10;
	v8 =	vadd.f32 v8, v19;
	v10 =	vmul.f32 v23, v2;
	v19 =	vld [tilespmem:s24+$0xFFFFFFC0]  }
0x1b9: {  	v5 =	vadd.f32 v5, v13;
	v11 =	vadd.f32 v11, v14;
	v2 =	vmul.f32 v12, v2;
	v12 =	vld [tilespmem:s24+$0x1E0]  }
0x1ba: {  	v15 =	vmul.f32 v15, v0;
	v8 =	vadd.f32 v17, v8;
	v13 =	vmul.f32 v16, v3;
	v14 =	vld [tilespmem:s24+$0xFFFFFFE0];
	s24 =	smov.u32 s26  }
0x1bb: {  	v2 =	vadd.f32 v2, v4;
	v4 =	vadd.f32 v9, v11;
	v3 =	vmul.f32 v20, v3  }
0x1bc: {  	v5 =	vadd.f32 v10, v5;
	v8 =	vadd.f32 v31, v8;
	v1 =	vmul.f32 v18, v1  }
0x1bd: {  	v2 =	vadd.f32 v3, v2;
	v3 =	vadd.f32 v6, v4;
	v4 =	vmul.f32 v19, v30  }
0x1be: {  	v5 =	vadd.f32 v13, v5;
	v6 =	vadd.f32 v29, v8;
	v7 =	vmul.f32 v12, v7  }
0x1bf: {  	v2 =	vadd.f32 v4, v2;
	v1 =	vadd.f32 v1, v3;
	v0 =	vmul.f32 v14, v0  }
0x1c0: {  	v3 =	vadd.f32 v27, v5;
	v4 =	vadd.f32 v21, v6  }
0x1c1: {  	v0 =	vadd.f32 v0, v2;
	v1 =	vadd.f32 v7, v1  }
0x1c2: {  	v2 =	vadd.f32 v15, v3  }
0x1c3: {  	v0 =	vadd.f32 v1, v0  }
0x1c4: {  	v1 =	vadd.f32 v4, v2  }
0x1c5: {  	[tilespmem:s23+$0x153F0] =	vst v0  }
0x1c6: {  	[tilespmem:s23+$0x15400] =	vst v1  }
0x1c7: {  	v4 =	vld [tilespmem:s26+$0xFFFFFF60]  }
0x1c8: {  	v17 =	vld [tilespmem:s26+$0xC0]  }
0x1c9: {  	v18 =	vld [tilespmem:s26+$0xB0]  }
0x1ca: {  	v19 =	vld [tilespmem:s26+$0xD0]  }
0x1cb: {  	v13 =	vld [tilespmem:s26+$0xFFFFFED0]  }
0x1cc: {  	v14 =	vld [tilespmem:s26+$0xFFFFFE90]  }
0x1cd: {  	v8 =	vld [tilespmem:s26+$0x170]  }
0x1ce: {  	s23 =	sshra.s32 s28, $0x2;
	v15 =	vld [tilespmem:s26+$0x150]  }
0x1cf: {  	v3 =	vld [tilespmem:s23+$0x9F0]  }
0x1d0: {  	v7 =	vld [tilespmem:s23+$0xA00]  }
0x1d1: {  	v1 =	vld [tilespmem:s26+$0xFFFFFE00]  }
0x1d2: {  	v6 =	vld [tilespmem:s26+$0x0]  }
0x1d3: {  	v9 =	vld [tilespmem:s26+$0x10]  }
0x1d4: {  	v16 =	vbroadcast v3, $0x0;
	v20 =	vld [tilespmem:s26+$0x90];
	v0 =	vbroadcast v3, $0xF  }
0x1d5: {  	v2 =	vbroadcast v3, $0xC;
	v10 =	vbroadcast v7, $0x0;
	v21 =	vld [tilespmem:s26+$0x30]  }
0x1d6: {  	v5 =	vbroadcast v3, $0xB;
	v11 =	vmul.f32 v1, v16;
	v12 =	vld [tilespmem:s26+$0x40]  }
0x1d7: {  	v1 =	vbroadcast v7, $0xE;
	v6 =	vmul.f32 v6, v10;
	v22 =	vld [tilespmem:s26+$0x50]  }
0x1d8: {  	v4 =	vmul.f32 v4, v5;
	v24 =	vadd.f32 $0.0e+00, v11;
	v9 =	vmul.f32 v9, v10;
	v11 =	vld [tilespmem:s26+$0x60]  }
0x1d9: {  	v26 =	vbroadcast v7, $0x2;
	v10 =	vbroadcast v3, $0x9;
	v25 =	vadd.f32 $0.0e+00, v6;
	v27 =	vld [tilespmem:s26+$0xFFFFFEA0]  }
0x1da: {  	v29 =	vbroadcast v7, $0x3;
	v6 =	vbroadcast v7, $0xD;
	v28 =	vadd.f32 $0.0e+00, v9;
	v30 =	vld [tilespmem:s26+$0xFFFFFE80]  }
0x1db: {  	v23 =	vbroadcast v3, $0x8;
	v31 =	vmul.f32 v12, v26;
	v32 =	vld [tilespmem:s26+$0xFFFFFE70]  }
0x1dc: {  	v9 =	vbroadcast v7, $0xC;
	v22 =	vmul.f32 v22, v26;
	v12 =	vld [tilespmem:s26+$0x70]  }
0x1dd: {  	v34 =	vbroadcast v7, $0xA;
	v26 =	vld [tilespmem:s26+$0xFFFFFE20];
	v33 =	vmul.f32 v11, v29  }
0x1de: {  	v38 =	vbroadcast v3, $0x6;
	v36 =	vbroadcast v7, $0x1;
	v35 =	vld [tilespmem:s26+$0xFFFFFE30]  }
0x1df: {  	v39 =	vbroadcast v3, $0x5;
	v40 =	vbroadcast v7, $0x8;
	v37 =	vld [tilespmem:s26+$0xFFFFFE60]  }
0x1e0: {  	v42 =	vbroadcast v7, $0x5;
	v43 =	vbroadcast v7, $0x9;
	v41 =	vld [tilespmem:s26+$0xFFFFFE10]  }
0x1e1: {  	v11 =	vbroadcast v7, $0xB;
	v29 =	vmul.f32 v12, v29;
	v44 =	vld [tilespmem:s26+$0x80]  }
0x1e2: {  	v45 =	vbroadcast v3, $0x7;
	v12 =	vmul.f32 v27, v39;
	v27 =	vld [tilespmem:s26+$0xFFFFFEB0]  }
0x1e3: {  	v47 =	vbroadcast v7, $0x7;
	v21 =	vmul.f32 v21, v36;
	v46 =	vld [tilespmem:s26+$0xA0]  }
0x1e4: {  	v48 =	vbroadcast v3, $0x1;
	v50 =	vbroadcast v3, $0x4;
	v49 =	vld [tilespmem:s26+$0x20]  }
0x1e5: {  	v41 =	vmul.f32 v41, v16;
	v16 =	vadd.f32 v21, v28;
	v21 =	vld [tilespmem:s26+$0xFFFFFE50];
	v28 =	vbroadcast v7, $0x6  }
0x1e6: {  	v52 =	vmul.f32 v14, v50;
	v26 =	vmul.f32 v26, v48;
	v51 =	vld [tilespmem:s26+$0xFFFFFE40]  }
0x1e7: {  	v30 =	vmul.f32 v30, v50;
	v22 =	vadd.f32 v22, v16;
	v14 =	vmul.f32 v27, v39;
	v39 =	vld [tilespmem:s26+$0xFFFFFEC0]  }
0x1e8: {  	v27 =	vbroadcast v3, $0x3;
	v16 =	vmul.f32 v46, v42;
	v46 =	vld [tilespmem:s26+$0xF0]  }
0x1e9: {  	v13 =	vmul.f32 v13, v38;
	v22 =	vadd.f32 v29, v22;
	v29 =	vbroadcast v7, $0x4;
	v50 =	vld [tilespmem:s26+$0xFFFFFEE0]  }
0x1ea: {  	v41 =	vadd.f32 $0.0e+00, v41;
	v53 =	vmul.f32 v19, v28;
	v32 =	vmul.f32 v32, v27;
	v19 =	vld [tilespmem:s26+$0x110]  }
0x1eb: {  	v37 =	vmul.f32 v37, v27;
	v27 =	vmul.f32 v18, v42;
	v42 =	vld [tilespmem:s26+$0x130]  }
0x1ec: {  	v26 =	vadd.f32 v26, v24;
	v18 =	vmul.f32 v17, v28;
	v20 =	vmul.f32 v20, v29;
	v17 =	vld [tilespmem:s26+$0xE0]  }
0x1ed: {  	v44 =	vmul.f32 v44, v29;
	v28 =	vld [tilespmem:s26+$0xFFFFFEF0];
	v29 =	vmul.f32 v46, v47  }
0x1ee: {  	v46 =	vbroadcast v3, $0x2;
	v22 =	vadd.f32 v20, v22;
	v20 =	vmul.f32 v50, v45;
	v50 =	vld [tilespmem:s26+$0x100]  }
0x1ef: {  	v24 =	vmul.f32 v35, v48;
	v35 =	vmul.f32 v19, v40;
	v19 =	vld [tilespmem:s26+$0xFFFFFF40]  }
0x1f0: {  	v36 =	vmul.f32 v49, v36;
	v22 =	vadd.f32 v27, v22;
	v48 =	vld [tilespmem:s26+$0x120];
	v42 =	vmul.f32 v42, v43  }
0x1f1: {  	v41 =	vadd.f32 v24, v41;
	v21 =	vmul.f32 v21, v46;
	v24 =	vmul.f32 v17, v47;
	v17 =	vld [tilespmem:s26+$0x140]  }
0x1f2: {  	v46 =	vmul.f32 v51, v46;
	v22 =	vadd.f32 v53, v22;
	v27 =	vmul.f32 v28, v45;
	v28 =	vld [tilespmem:s26+$0x190]  }
0x1f3: {  	v36 =	vadd.f32 v36, v25;
	v41 =	vadd.f32 v21, v41;
	v45 =	vld [tilespmem:s26+$0xFFFFFF00];
	v25 =	vmul.f32 v50, v40  }
0x1f4: {  	v21 =	vmul.f32 v15, v34;
	v40 =	vadd.f32 v46, v26;
	v22 =	vadd.f32 v29, v22;
	v46 =	vld [tilespmem:s26+$0xFFFFFF10]  }
.Ltmp4:
0x1f5: {  	v15 =	vadd.f32 v31, v36;
	v29 =	vadd.f32 v32, v41;
	v32 =	vld [tilespmem:s26+$0xFFFFFF30];
	v26 =	vmul.f32 v48, v43;
	(pc) =	sbr.rel @p0 .LBB2_9-.Ltmp4, $4  }
0x1f6: {  	v36 =	vadd.f32 v37, v40;
	v35 =	vadd.f32 v35, v22;
	v22 =	vmul.f32 v17, v34;
	v31 =	vld [tilespmem:s26+$0x1B0]  }
0x1f7: {  	v33 =	vadd.f32 v33, v15;
	v34 =	vadd.f32 v52, v29;
	v17 =	vmul.f32 v28, v9;
	v15 =	vld [tilespmem:s26+$0xFFFFFFF0]  }
0x1f8: {  	v37 =	vadd.f32 v30, v36;
	v28 =	vadd.f32 v42, v35;
	v29 =	vmul.f32 v45, v23;
	v30 =	vld [tilespmem:s26+$0xFFFFFF20]  }
0x1f9: {  	v36 =	vadd.f32 v44, v33;
	v35 =	vmul.f32 v39, v38;
	v23 =	vmul.f32 v46, v23;
	v33 =	vld [tilespmem:s26+$0xFFFFFF50]  }
0x1fa: {  	v12 =	vadd.f32 v12, v37;
	v53 =	vld [tilespmem:s24+$0xFFFFFFD0]  }
0x1fb: {  	v32 =	vmul.f32 v32, v10;
	v8 =	vmul.f32 v8, v11;
	v54 =	vld [tilespmem:s24+$0x1D0];
	v14 =	vadd.f32 v14, v34  }
0x1fc: {  	v55 =	vld [tilespmem:s24+$0x160];
	v56 =	vbroadcast v3, $0xA;
	v7 =	vbroadcast v7, $0xF;
	v16 =	vadd.f32 v16, v36  }
0x1fd: {  	v57 =	vld [tilespmem:s24+$0xFFFFFF70];
	v61 =	vbroadcast v3, $0xE;
	v44 =	vadd.f32 v21, v28;
	v13 =	vadd.f32 v13, v14  }
0x1fe: {  	v59 =	vld [tilespmem:s24+$0x180];
	v42 =	vbroadcast v3, $0xD;
	v12 =	vadd.f32 v35, v12;
	v16 =	vadd.f32 v18, v16  }
0x1ff: {  	v62 =	vld [tilespmem:s24+$0x1A0];
	v31 =	vmul.f32 v31, v6;
	v8 =	vadd.f32 v8, v44;
	v13 =	vadd.f32 v27, v13  }
0x200: {  	v63 =	vld [tilespmem:s24+$0x1F0];
	v19 =	vmul.f32 v19, v56;
	v12 =	vadd.f32 v20, v12;
	v16 =	vadd.f32 v24, v16  }
0x201: {  	v39 =	vld [tilespmem:s24+$0xFFFFFF90];
	v58 =	vmul.f32 v30, v10;
	v8 =	vadd.f32 v17, v8;
	v13 =	vadd.f32 v23, v13  }
0x202: {  	v41 =	vld [tilespmem:s24+$0xFFFFFF80];
	v60 =	vmul.f32 v33, v56;
	v12 =	vadd.f32 v29, v12;
	v16 =	vadd.f32 v25, v16  }
0x203: {  	v43 =	vld [tilespmem:s24+$0xFFFFFFB0];
	v37 =	vmul.f32 v53, v61;
	v38 =	vmul.f32 v54, v1;
	v13 =	vadd.f32 v32, v13  }
0x204: {  	v45 =	vld [tilespmem:s24+$0xFFFFFFA0];
	v40 =	vmul.f32 v55, v11;
	v10 =	vadd.f32 v58, v12;
	v16 =	vadd.f32 v26, v16  }
0x205: {  	v47 =	vld [tilespmem:s24+$0x1C0];
	v5 =	vmul.f32 v57, v5;
	v9 =	vmul.f32 v59, v9;
	v13 =	vadd.f32 v60, v13  }
0x206: {  	v52 =	vld [tilespmem:s24+$0x1E0];
	v46 =	vmul.f32 v62, v6;
	v10 =	vadd.f32 v19, v10;
	v16 =	vadd.f32 v22, v16  }
0x207: {  	v49 =	vld [tilespmem:s24+$0xFFFFFFC0];
	v48 =	vmul.f32 v63, v7;
	v53 =	vmul.f32 v39, v2;
	v5 =	vadd.f32 v5, v13  }
0x208: {  	v51 =	vmul.f32 v41, v2;
	v4 =	vadd.f32 v4, v10;
	v50 =	vadd.f32 v40, v16  }
0x209: {  	v54 =	vld [tilespmem:s24+$0xFFFFFFE0];
	v55 =	vmul.f32 v45, v42;
	v3 =	vmul.f32 v43, v42;
	v2 =	vadd.f32 v53, v5  }
0x20a: {  	v56 =	vmul.f32 v47, v1;
	v4 =	vadd.f32 v51, v4;
	v9 =	vadd.f32 v9, v50  }
0x20b: {  	v59 =	vmul.f32 v52, v7;
	v8 =	vadd.f32 v31, v8;
	v2 =	vadd.f32 v3, v2  }
0x20c: {  	v58 =	vmul.f32 v49, v61;
	v4 =	vadd.f32 v55, v4;
	v57 =	vadd.f32 v46, v9  }
0x20d: {  	v61 =	vmul.f32 v15, v0;
	v62 =	vadd.f32 v38, v8;
	v2 =	vadd.f32 v37, v2  }
0x20e: {  	v60 =	vmul.f32 v54, v0;
	v4 =	vadd.f32 v58, v4;
	v1 =	vadd.f32 v56, v57  }
0x20f: {  	v63 =	vadd.f32 v48, v62;
	v0 =	vadd.f32 v61, v2  }
0x210: {  	v4 =	vadd.f32 v60, v4;
	v1 =	vadd.f32 v59, v1  }
0x211: {  	v0 =	vadd.f32 v63, v0  }
0x212: {  	v1 =	vadd.f32 v1, v4  }
0x213: {  	[tilespmem:s23+$0x15400] =	vst v0  }
0x214: {  	s25 =	rddreg [dreg:$0x7];
	s26 =	simm.s32 $0x5;
	[tilespmem:s23+$0x153F0] =	vst v1  }
0x215: {  	[hbm4b:s25+s3] =	stream.linear.scatter [tilespmem:s20], [sflag:$0x5], $0x500, $0x38;
	[tilespmem:$0x15E00] =	vst v63  }
0x216: {  	_ =	swait.ge [sflag:s26], $0x500  }
0x217: {  	[sflag:s26] =	ssyncset.done $0x0  }
0x218: {  	s28 =	simm.s32 $0x6;
	[sflag:s26] =	ssyncadd.s32 $0xFFFFFB00  }
0x219: {  	_ =	swait.ge [sflag:s28], $0x500  }
0x21a: {  	s25 =	rddreg [dreg:$0x9]  }
0x21b: {  	s29 =	rddreg [dreg:$0x8];
	s25 =	sadd.s32 $0x1, s25  }
0x21c: {  	p0 =	sne.s32 s25, s29  }
.Ltmp5:
0x21d: {  	_ = 	snop;
	(pc) =	sbr.rel @p0 .LBB2_1-.Ltmp5, $3  }
0x21e: {  	_ =	sdelay $0x1  }
0x21f: {  	[sflag:s28] =	ssyncset.done $0x0  }
0x220: {  	[sflag:s28] =	ssyncadd.s32 $0xFFFFFB00  }
0x221: {  	_ =	sfence.sel $0x180000  }
0x222: {  	[bflag:$0x0] =	sbarrier.arrive $0xFFFF  }
0x223: {  	_ =	strace $0x90000047  }
0x224: {  	s0 =	stileid.u32;
	[bflag:$0x2] =	sbarrier.arrive $0xFFFF  }
0x225: {  	p0 =	sne.s32 s0, $0x0;
	s0 =	rddreg [dreg:$0x2]  }
0x226: {  	s0 =	sadd.s32 @!p0 $0x100000, s0  }
0x227: {  	[sflag:s0] =	ssyncadd.tile.s32 @!p0 $0x1;
	_ =	shalt  }
.Lfunc_end2:
_tile_overlayer_lowered:
.L_overlay_start_2:
0x228: {  	(tag) =	ssettag $0x2  }
0x229: {  	s0 =	rddreg [dreg:$0x0];
	s2 =	stileid.u32  }
0x22a: {  	s1 =	rddreg [dreg:$0x1];
	p0 =	sne.s32 s2, $0x0  }
0x22b: {  	s3 =	rddreg [dreg:$0x2];
	[bflag:$0x3] =	sbarrier.arrive $0xFFFF;
	s2 =	simm.s32 @!p0 $0x1C07  }
0x22c: {  	[timem:s3], [sflag:s2] =	dma.local @!p0 [hbm:s0], s1  }
0x22d: {  	s0 =	simm.s32 @!p0 $0x7  }
0x22e: {  	_ =	swait.ge @!p0 [sflag:s0], s1  }
0x22f: {  	s1 =	ssub.s32 @!p0 $0x0, s1;
	[sflag:s0] =	ssyncset.done @!p0 $0x0  }
0x230: {  	[sflag:s0] =	ssyncadd.s32 @!p0 s1  }
0x231: {  	[bflag:$0x3] =	sbarrier.arrive $0xFFFF  }
0x232: {  	_ =	shalt  }

</sc_bundles>
